<compile_context>
chip_gen: v7x
topology: tpu7x:2x2x1
jax: 0.10.2.dev20260603
libtpu: 0.0.44.dev20260713+nightly
codegen_flags: <defaults>
</compile_context>

<pallas_src>
import functools

import jax
import jax.numpy as jnp
from jax import lax
from jax.experimental import pallas as pl
from jax.experimental.pallas import tpu as pltpu
from jax.experimental.pallas import tpu_sc as plsc

_N = 10000
_E = 320000
_D = 128
_NC = 2
_NS = 16
_NW = _NC * _NS
_EPT = _E // _NW
_CH = 112
_NCHUNK = 90
_EPAD = _NCHUNK * _CH
_ZB = 80
_STRIPE = 640
_LAST_COPIES = (_N - (_NS - 1) * _STRIPE) // _ZB
_L = 16


def _gate_body(x_ref, w_ref, b_ref, g_ref):
    g_ref[...] = lax.dot_general(
        x_ref[...], w_ref[...], (((1,), (1,)), ((), ())),
        preferred_element_type=jnp.float32) + b_ref[...]


def _sum_body(p_ref, o_ref):
    o_ref[...] = p_ref[0] + p_ref[1]


def _sc_body(x_hbm, g1_hbm, g2_hbm, pk_hbm, out_hbm,
             pk_a, pk_b, g1_v, g2_v, val_v, srow_a, srow_b,
             buf_a, buf_b, acc,
             sem_a, sem_b, ssem_a, ssem_b, psem_a, psem_b):
    c = lax.axis_index("c")
    s = lax.axis_index("s")
    wid = c * _NS + s

    pltpu.sync_copy(g1_hbm, g1_v)
    pltpu.sync_copy(g2_hbm, g2_v)

    zf = jnp.zeros((_L,), jnp.float32)

    @pl.loop(0, _ZB)
    def _zero_buf(r):
        for k in range(_D // _L):
            buf_a[r, pl.ds(k * _L, _L)] = zf

    rbase = s * _STRIPE
    ncopies = jnp.where(s == _NS - 1, _LAST_COPIES, _STRIPE // _ZB)

    @pl.loop(0, ncopies)
    def _zero_acc(t):
        off = pl.multiple_of(rbase + t * _ZB, 8)
        pltpu.sync_copy(buf_a.at[pl.ds(0, _ZB)], acc.at[pl.ds(off, _ZB)])

    plsc.subcore_barrier()

    def _gate(pk_v, srow):
        for i in range(_CH // _L):
            sl = pl.ds(i * _L, _L)
            r16 = pk_v[0, sl]
            c16 = pk_v[1, sl]
            adj16 = plsc.bitcast(pk_v[2, sl], jnp.float32)
            srow[sl] = r16
            z = plsc.load_gather(g1_v, [r16]) + plsc.load_gather(g2_v, [c16])
            e2z = jnp.exp(z + z)
            a = 1.0 - 2.0 / (e2z + 1.0)
            val_v[sl] = adj16 * a

    def _scale(buf):
        @pl.loop(0, _CH // _L)
        def _scale_grp(i2):
            v16 = val_v[pl.ds(i2 * _L, _L)]
            for l in range(_L):
                vs = v16[l]
                e = i2 * _L + l
                for k in range(_D // _L):
                    ksl = pl.ds(k * _L, _L)
                    buf[e, ksl] = buf[e, ksl] * vs

    pltpu.sync_copy(pk_hbm.at[wid, 0], pk_a)
    pltpu.async_copy(x_hbm.at[pk_a.at[1]], buf_a, sem_a)
    pltpu.async_copy(pk_hbm.at[wid, 1], pk_b, psem_b)

    @pl.loop(0, _NCHUNK // 2)
    def _pair(p):
        j = p * 2
        for b in range(2):
            pk_c, buf_c, sem_c, ssem_c, psem_c, srow_c = (
                pk_a, buf_a, sem_a, ssem_a, psem_a, srow_a) if b == 0 else (
                pk_b, buf_b, sem_b, ssem_b, psem_b, srow_b)
            pk_n, buf_n, sem_n, ssem_n, psem_n, srow_n = (
                pk_b, buf_b, sem_b, ssem_b, psem_b, srow_b) if b == 0 else (
                pk_a, buf_a, sem_a, ssem_a, psem_a, srow_a)
            jb = j + b
            nxt = jb + 1

            _gate(pk_c, srow_c)

            @pl.when(nxt < _NCHUNK)
            def _launch_next_gather():
                @pl.when(nxt >= 2)
                def _retire_prev_scatter():
                    pltpu.make_async_copy(
                        buf_n, acc.at[srow_n], ssem_n).wait()

                pltpu.make_async_copy(
                    pk_hbm.at[wid, 0], pk_n, psem_n).wait()
                pltpu.async_copy(x_hbm.at[pk_n.at[1]], buf_n, sem_n)

            pltpu.make_async_copy(x_hbm.at[pk_c.at[1]], buf_c, sem_c).wait()

            @pl.when(jb + 2 < _NCHUNK)
            def _prefetch_pk():
                pltpu.async_copy(pk_hbm.at[wid, jb + 2], pk_c, psem_c)

            _scale(buf_c)
            pltpu.async_copy(buf_c, acc.at[srow_c], ssem_c, add=True)

    pltpu.make_async_copy(buf_a, acc.at[srow_a], ssem_a).wait()
    pltpu.make_async_copy(buf_b, acc.at[srow_b], ssem_b).wait()

    plsc.subcore_barrier()

    @pl.loop(0, ncopies)
    def _drain(t):
        off = pl.multiple_of(rbase + t * _ZB, 8)
        pltpu.sync_copy(acc.at[pl.ds(off, _ZB)],
                        out_hbm.at[c, pl.ds(off, _ZB)])


_sc_fala = functools.partial(
    pl.kernel,
    out_type=jax.ShapeDtypeStruct((_NC, _N, _D), jnp.float32),
    mesh=plsc.VectorSubcoreMesh(core_axis_name="c", subcore_axis_name="s",
                                num_cores=_NC, num_subcores=_NS),
    compiler_params=pltpu.CompilerParams(needs_layout_passes=False),
    scratch_types=[
        pltpu.VMEM((3, _CH), jnp.int32),
        pltpu.VMEM((3, _CH), jnp.int32),
        pltpu.VMEM((_N,), jnp.float32),
        pltpu.VMEM((_N,), jnp.float32),
        pltpu.VMEM((_CH,), jnp.float32),
        pltpu.VMEM((_CH,), jnp.int32),
        pltpu.VMEM((_CH,), jnp.int32),
        pltpu.VMEM((_CH, _D), jnp.float32),
        pltpu.VMEM((_CH, _D), jnp.float32),
        pltpu.VMEM_SHARED((_N, _D), jnp.float32),
        pltpu.SemaphoreType.DMA,
        pltpu.SemaphoreType.DMA,
        pltpu.SemaphoreType.DMA,
        pltpu.SemaphoreType.DMA,
        pltpu.SemaphoreType.DMA,
        pltpu.SemaphoreType.DMA,
    ],
)(_sc_body)


def kernel(x, edge_index, adj_values, gate_w, gate_b):
    w2 = gate_w[:, 0].reshape(2, _D)
    b2 = jnp.concatenate([gate_b, jnp.zeros((1,), jnp.float32)]).reshape(1, 2)
    g = pl.pallas_call(
        _gate_body,
        out_shape=jax.ShapeDtypeStruct((_N, 2), jnp.float32),
    )(x, w2, b2)
    g1 = g[:, 0]
    g2 = g[:, 1]
    packed = jnp.stack(
        [edge_index[0], edge_index[1],
         lax.bitcast_convert_type(adj_values, jnp.int32)], axis=0)
    pk = jnp.pad(packed.reshape(3, _NW, _EPT),
                 ((0, 0), (0, 0), (0, _EPAD - _EPT)))
    pk = pk.reshape(3, _NW, _NCHUNK, _CH).transpose(1, 2, 0, 3)
    partials = _sc_fala(x, g1, g2, pk)
    return pl.pallas_call(
        _sum_body,
        out_shape=jax.ShapeDtypeStruct((_N, _D), jnp.float32),
    )(partials)

# --- scband reference (transcript-rebuilt; emitter-appended) ---
"""Pipeline reference for scband-falayer-88132728914193 (READ-ONLY COPY).

The authoritative reference and input builder live on the scoring server;
editing this copy changes nothing except your own understanding.
"""

import jax, jax.numpy as jnp
import numpy as np

N = 10000
E = 320000
D = 128

def setup_inputs(seed: int = 0) -> dict:
    key = jax.random.key(seed)
    k1, k2, k3, k4 = jax.random.split(key, 4)
    x = jax.random.normal(k1, (N, D), dtype=jnp.float32)
    edge_index = jax.random.randint(k2, (2, E), 0, N, dtype=jnp.int32)
    adj_values = jax.random.normal(k3, (E,), dtype=jnp.float32)
    gate_w = jax.random.normal(k4, (2 * D, 1), dtype=jnp.float32) * (1.0 / np.sqrt(2 * D))
    gate_b = jnp.zeros((1,), dtype=jnp.float32)
    return {"x": x, "edge_index": edge_index, "adj_values": adj_values, "gate_w": gate_w, "gate_b": gate_b}

def reference(x, edge_index, adj_values, gate_w, gate_b):
    # edge_index[0] = row (dst of aggregation), edge_index[1] = col (src of message)
    row = edge_index[0]
    col = edge_index[1]
    # a_input = cat([input[row], input[col]], dim=1)
    a_input = jnp.concatenate([jnp.take(x, row, axis=0), jnp.take(x, col, axis=0)], axis=1)
    # a = tanh(gate(a_input)).squeeze()
    a = jnp.tanh(a_input @ gate_w + gate_b)[:, 0]
    # adj values rescaled by edge gate
    vals = adj_values * a
    # sparse.mm(adj, input): out[row] += vals * input[col]
    messages = vals[:, None] * jnp.take(x, col, axis=0)
    out = jax.ops.segment_sum(messages, row, num_segments=x.shape[0])
    return out

if __name__ == "__main__":
    import jax
    _d = setup_inputs()
    print(jax.jit(kernel)(*tuple(_d.values())))

</pallas_src>

<mosaic_0001>
#map = affine_map<(d0, d1) -> (0, 0)>
#map1 = affine_map<(d0, d1) -> (0)>
#map2 = affine_map<(d0, d1) -> (0, 0, 0, 0)>
#map3 = affine_map<(d0, d1) -> (0, 0, 0)>
module attributes {stable_mosaic.version = 14 : i64} {
  func.func @_sc_body(%arg0: i32, %arg1: i32, %arg2: memref<10000x128xf32, #tpu.memory_space<hbm>>, %arg3: memref<10000xf32, #tpu.memory_space<hbm>>, %arg4: memref<10000xf32, #tpu.memory_space<hbm>>, %arg5: memref<32x90x3x112xi32, #tpu.memory_space<hbm>>, %arg6: memref<2x10000x128xf32, #tpu.memory_space<hbm>>, %arg7: memref<3x112xi32, #tpu.memory_space<vmem>>, %arg8: memref<3x112xi32, #tpu.memory_space<vmem>>, %arg9: memref<10000xf32, #tpu.memory_space<vmem>>, %arg10: memref<10000xf32, #tpu.memory_space<vmem>>, %arg11: memref<112xf32, #tpu.memory_space<vmem>>, %arg12: memref<112xi32, #tpu.memory_space<vmem>>, %arg13: memref<112xi32, #tpu.memory_space<vmem>>, %arg14: memref<112x128xf32, #tpu.memory_space<vmem>>, %arg15: memref<112x128xf32, #tpu.memory_space<vmem>>, %arg16: memref<10000x128xf32, #tpu.memory_space<vmem_shared>>, %arg17: memref<!tpu.dma_semaphore, #tpu.memory_space<semaphore_mem>>, %arg18: memref<!tpu.dma_semaphore, #tpu.memory_space<semaphore_mem>>, %arg19: memref<!tpu.dma_semaphore, #tpu.memory_space<semaphore_mem>>, %arg20: memref<!tpu.dma_semaphore, #tpu.memory_space<semaphore_mem>>, %arg21: memref<!tpu.dma_semaphore, #tpu.memory_space<semaphore_mem>>, %arg22: memref<!tpu.dma_semaphore, #tpu.memory_space<semaphore_mem>>) attributes {dimension_semantics = [#tpu.dimension_semantics<core_parallel>, #tpu.dimension_semantics<subcore_parallel>], iteration_bounds = array<i64: 2, 16>, scalar_prefetch = 0 : i64, scratch_operands = 16 : i64, tpu.core_type = #tpu.core_type<sc_vector_subcore>, window_params = [{transform_indices = #map}, {transform_indices = #map1}, {transform_indices = #map1}, {transform_indices = #map2}, {transform_indices = #map3}]} {
    %mul3A = arith.constant 16 : i32
    %mul3A_0 = arith.muli %arg0, %mul3A : i32
    %add3A = arith.addi %mul3A_0, %arg1 : i32
    "tpu.region"() ({
      %run_scoped3A_71 = tpu.sem_alloc : memref<!tpu.dma_semaphore, #tpu.memory_space<semaphore_mem>>
      tpu.enqueue_dma source(%arg3 : memref<10000xf32, #tpu.memory_space<hbm>>) target(%arg9 : memref<10000xf32, #tpu.memory_space<vmem>>) target_semaphore(%run_scoped3A_71 : memref<!tpu.dma_semaphore, #tpu.memory_space<semaphore_mem>>)
      tpu.wait_dma2 semaphore(%run_scoped3A_71 : memref<!tpu.dma_semaphore, #tpu.memory_space<semaphore_mem>>) src(%arg3 : memref<10000xf32, #tpu.memory_space<hbm>>) dst(%arg9 : memref<10000xf32, #tpu.memory_space<vmem>>)
      tpu.yield
    }) : () -> ()
    "tpu.region"() ({
      %run_scoped3A_71 = tpu.sem_alloc : memref<!tpu.dma_semaphore, #tpu.memory_space<semaphore_mem>>
      tpu.enqueue_dma source(%arg4 : memref<10000xf32, #tpu.memory_space<hbm>>) target(%arg10 : memref<10000xf32, #tpu.memory_space<vmem>>) target_semaphore(%run_scoped3A_71 : memref<!tpu.dma_semaphore, #tpu.memory_space<semaphore_mem>>)
      tpu.wait_dma2 semaphore(%run_scoped3A_71 : memref<!tpu.dma_semaphore, #tpu.memory_space<semaphore_mem>>) src(%arg4 : memref<10000xf32, #tpu.memory_space<hbm>>) dst(%arg10 : memref<10000xf32, #tpu.memory_space<vmem>>)
      tpu.yield
    }) : () -> ()
    %broadcast_in_dim3A = arith.constant 0.000000e+00 : f32
    %broadcast_in_dim3A_1 = vector.broadcast %broadcast_in_dim3A : f32 to vector<16xf32>
    %scan3A = arith.constant 0 : i32
    %scan3A_2 = arith.constant 80 : i32
    %scan3A_3 = arith.addi %scan3A, %scan3A_2 : i32
    %scan3A_4 = arith.constant 1 : i32
    scf.for %scan3A_71 = %scan3A to %scan3A_3 step %scan3A_4  : i32 {
      %mul3A_72 = arith.constant 1 : i32
      %mul3A_73 = arith.muli %scan3A_71, %mul3A_72 : i32
      %add3A_74 = arith.constant 0 : i32
      %add3A_75 = arith.addi %add3A_74, %mul3A_73 : i32
      %swap3A = arith.index_cast %add3A_75 : i32 to index
      %swap3A_76 = arith.constant 0 : index
      %swap3A_77 = tpu.vector_load %arg14[%swap3A, %swap3A_76] {strides = array<i32>} : memref<112x128xf32, #tpu.memory_space<vmem>>, vector<16xf32>,
      tpu.vector_store %arg14[%swap3A, %swap3A_76], %broadcast_in_dim3A_1 {strides = array<i32>} : memref<112x128xf32, #tpu.memory_space<vmem>>, vector<16xf32>,
      %swap3A_78 = arith.index_cast %add3A_75 : i32 to index
      %swap3A_79 = arith.constant 16 : index
      %swap3A_80 = tpu.vector_load %arg14[%swap3A_78, %swap3A_79] {strides = array<i32>} : memref<112x128xf32, #tpu.memory_space<vmem>>, vector<16xf32>,
      tpu.vector_store %arg14[%swap3A_78, %swap3A_79], %broadcast_in_dim3A_1 {strides = array<i32>} : memref<112x128xf32, #tpu.memory_space<vmem>>, vector<16xf32>,
      %swap3A_81 = arith.index_cast %add3A_75 : i32 to index
      %swap3A_82 = arith.constant 32 : index
      %swap3A_83 = tpu.vector_load %arg14[%swap3A_81, %swap3A_82] {strides = array<i32>} : memref<112x128xf32, #tpu.memory_space<vmem>>, vector<16xf32>,
      tpu.vector_store %arg14[%swap3A_81, %swap3A_82], %broadcast_in_dim3A_1 {strides = array<i32>} : memref<112x128xf32, #tpu.memory_space<vmem>>, vector<16xf32>,
      %swap3A_84 = arith.index_cast %add3A_75 : i32 to index
      %swap3A_85 = arith.constant 48 : index
      %swap3A_86 = tpu.vector_load %arg14[%swap3A_84, %swap3A_85] {strides = array<i32>} : memref<112x128xf32, #tpu.memory_space<vmem>>, vector<16xf32>,
      tpu.vector_store %arg14[%swap3A_84, %swap3A_85], %broadcast_in_dim3A_1 {strides = array<i32>} : memref<112x128xf32, #tpu.memory_space<vmem>>, vector<16xf32>,
      %swap3A_87 = arith.index_cast %add3A_75 : i32 to index
      %swap3A_88 = arith.constant 64 : index
      %swap3A_89 = tpu.vector_load %arg14[%swap3A_87, %swap3A_88] {strides = array<i32>} : memref<112x128xf32, #tpu.memory_space<vmem>>, vector<16xf32>,
      tpu.vector_store %arg14[%swap3A_87, %swap3A_88], %broadcast_in_dim3A_1 {strides = array<i32>} : memref<112x128xf32, #tpu.memory_space<vmem>>, vector<16xf32>,
      %swap3A_90 = arith.index_cast %add3A_75 : i32 to index
      %swap3A_91 = arith.constant 80 : index
      %swap3A_92 = tpu.vector_load %arg14[%swap3A_90, %swap3A_91] {strides = array<i32>} : memref<112x128xf32, #tpu.memory_space<vmem>>, vector<16xf32>,
      tpu.vector_store %arg14[%swap3A_90, %swap3A_91], %broadcast_in_dim3A_1 {strides = array<i32>} : memref<112x128xf32, #tpu.memory_space<vmem>>, vector<16xf32>,
      %swap3A_93 = arith.index_cast %add3A_75 : i32 to index
      %swap3A_94 = arith.constant 96 : index
      %swap3A_95 = tpu.vector_load %arg14[%swap3A_93, %swap3A_94] {strides = array<i32>} : memref<112x128xf32, #tpu.memory_space<vmem>>, vector<16xf32>,
      tpu.vector_store %arg14[%swap3A_93, %swap3A_94], %broadcast_in_dim3A_1 {strides = array<i32>} : memref<112x128xf32, #tpu.memory_space<vmem>>, vector<16xf32>,
      %swap3A_96 = arith.index_cast %add3A_75 : i32 to index
      %swap3A_97 = arith.constant 112 : index
      %swap3A_98 = tpu.vector_load %arg14[%swap3A_96, %swap3A_97] {strides = array<i32>} : memref<112x128xf32, #tpu.memory_space<vmem>>, vector<16xf32>,
      tpu.vector_store %arg14[%swap3A_96, %swap3A_97], %broadcast_in_dim3A_1 {strides = array<i32>} : memref<112x128xf32, #tpu.memory_space<vmem>>, vector<16xf32>,
    }
    %scan3A_5 = arith.constant 80 : i32
    %mul3A_6 = arith.constant 640 : i32
    %mul3A_7 = arith.muli %arg1, %mul3A_6 : i32
    %eq3A = arith.constant 15 : i32
    %eq3A_8 = arith.cmpi eq, %arg1, %eq3A : i32
    %jit3A = arith.constant 5 : i32
    %jit3A_9 = arith.constant 8 : i32
    %select_n3A = arith.select %eq3A_8, %jit3A, %jit3A_9 : i32
    %sub3A = arith.constant 0 : i32
    %sub3A_10 = arith.subi %select_n3A, %sub3A : i32
    %sub3A_11 = arith.constant 1 : i32
    %sub3A_12 = arith.constant 1 : i32
    %sub3A_13 = arith.subi %sub3A_11, %sub3A_12 : i32
    %add3A_14 = arith.addi %sub3A_10, %sub3A_13 : i32
    %div3A = arith.constant 1 : i32
    %div3A_15 = arith.divsi %add3A_14, %div3A : i32
    %while3A = arith.constant 1 : i32
    %while3A_16 = arith.constant 0 : i32
    %while3A_17 = arith.constant 0 : i32
    %while3A_18 = arith.subi %div3A_15, %while3A_17 : i32
    %while3A_19 = arith.addi %while3A_17, %while3A_18 : i32
    %while3A_20 = arith.constant 1 : i32
    %while3A_21 = arith.divsi %while3A_18, %while3A_20 : i32
    %while3A_22 = arith.muli %while3A_21, %while3A_20 : i32
    %while3A_23 = arith.addi %while3A_17, %while3A_22 : i32
    %while3A_24 = arith.constant 1 : i32
    scf.for %while3A_71 = %while3A_17 to %while3A_23 step %while3A_24  : i32 {
      %mul3A_72 = arith.muli %while3A_71, %while3A : i32
      %add3A_73 = arith.addi %while3A_16, %mul3A_72 : i32
      %mul3A_74 = arith.constant 80 : i32
      %mul3A_75 = arith.muli %add3A_73, %mul3A_74 : i32
      %add3A_76 = arith.addi %mul3A_7, %mul3A_75 : i32
      %multiple_of3A = tpu.assume_multiple %add3A_76, 8 : i32
      "tpu.region"() ({
        %run_scoped3A_77 = tpu.sem_alloc : memref<!tpu.dma_semaphore, #tpu.memory_space<semaphore_mem>>
        %dma_start3A_78 = arith.constant 0 : i32
        %dma_start3A_79 = arith.constant 0 : i32
        %dma_start3A_80 = tpu.memref_slice %arg14[%dma_start3A_78, %dma_start3A_79] : memref<112x128xf32, #tpu.memory_space<vmem>> -> memref<80x128xf32, #tpu.memory_space<vmem>>
        %dma_start3A_81 = arith.constant 0 : i32
        %dma_start3A_82 = tpu.memref_slice %arg16[%multiple_of3A, %dma_start3A_81] : memref<10000x128xf32, #tpu.memory_space<vmem_shared>> -> memref<80x128xf32, #tpu.memory_space<vmem_shared>>
        %dma_start3A_83 = arith.constant 0 : i32
        %dma_start3A_84 = tpu.memref_slice %arg16[%multiple_of3A, %dma_start3A_83] : memref<10000x128xf32, #tpu.memory_space<vmem_shared>> -> memref<80x128xf32, #tpu.memory_space<vmem_shared>>
        %dma_start3A_85 = arith.constant 0 : i32
        %dma_start3A_86 = arith.constant 0 : i32
        %dma_start3A_87 = tpu.memref_slice %arg14[%dma_start3A_85, %dma_start3A_86] : memref<112x128xf32, #tpu.memory_space<vmem>> -> memref<80x128xf32, #tpu.memory_space<vmem>>
        tpu.enqueue_dma source(%dma_start3A_87 : memref<80x128xf32, #tpu.memory_space<vmem>>) target(%dma_start3A_84 : memref<80x128xf32, #tpu.memory_space<vmem_shared>>) target_semaphore(%run_scoped3A_77 : memref<!tpu.dma_semaphore, #tpu.memory_space<semaphore_mem>>)
        %dma_wait3A_88 = arith.constant 0 : i32
        %dma_wait3A_89 = arith.constant 0 : i32
        %dma_wait3A_90 = tpu.memref_slice %arg14[%dma_wait3A_88, %dma_wait3A_89] : memref<112x128xf32, #tpu.memory_space<vmem>> -> memref<80x128xf32, #tpu.memory_space<vmem>>
        %dma_wait3A_91 = arith.constant 0 : i32
        %dma_wait3A_92 = tpu.memref_slice %arg16[%multiple_of3A, %dma_wait3A_91] : memref<10000x128xf32, #tpu.memory_space<vmem_shared>> -> memref<80x128xf32, #tpu.memory_space<vmem_shared>>
        %dma_wait3A_93 = arith.constant 0 : i32
        %dma_wait3A_94 = tpu.memref_slice %arg16[%multiple_of3A, %dma_wait3A_93] : memref<10000x128xf32, #tpu.memory_space<vmem_shared>> -> memref<80x128xf32, #tpu.memory_space<vmem_shared>>
        %dma_wait3A_95 = arith.constant 0 : i32
        %dma_wait3A_96 = arith.constant 0 : i32
        %dma_wait3A_97 = tpu.memref_slice %arg14[%dma_wait3A_95, %dma_wait3A_96] : memref<112x128xf32, #tpu.memory_space<vmem>> -> memref<80x128xf32, #tpu.memory_space<vmem>>
        tpu.wait_dma2 semaphore(%run_scoped3A_77 : memref<!tpu.dma_semaphore, #tpu.memory_space<semaphore_mem>>) src(%dma_wait3A_97 : memref<80x128xf32, #tpu.memory_space<vmem>>) dst(%dma_wait3A_94 : memref<80x128xf32, #tpu.memory_space<vmem_shared>>)
        tpu.yield
      }) : () -> ()
    }
    %while3A_25 = arith.constant 1 : i32
    scf.for %while3A_71 = %while3A_23 to %while3A_19 step %while3A_25  : i32 {
      %mul3A_72 = arith.muli %while3A_71, %while3A : i32
      %add3A_73 = arith.addi %while3A_16, %mul3A_72 : i32
      %mul3A_74 = arith.constant 80 : i32
      %mul3A_75 = arith.muli %add3A_73, %mul3A_74 : i32
      %add3A_76 = arith.addi %mul3A_7, %mul3A_75 : i32
      %multiple_of3A = tpu.assume_multiple %add3A_76, 8 : i32
      "tpu.region"() ({
        %run_scoped3A_77 = tpu.sem_alloc : memref<!tpu.dma_semaphore, #tpu.memory_space<semaphore_mem>>
        %dma_start3A_78 = arith.constant 0 : i32
        %dma_start3A_79 = arith.constant 0 : i32
        %dma_start3A_80 = tpu.memref_slice %arg14[%dma_start3A_78, %dma_start3A_79] : memref<112x128xf32, #tpu.memory_space<vmem>> -> memref<80x128xf32, #tpu.memory_space<vmem>>
        %dma_start3A_81 = arith.constant 0 : i32
        %dma_start3A_82 = tpu.memref_slice %arg16[%multiple_of3A, %dma_start3A_81] : memref<10000x128xf32, #tpu.memory_space<vmem_shared>> -> memref<80x128xf32, #tpu.memory_space<vmem_shared>>
        %dma_start3A_83 = arith.constant 0 : i32
        %dma_start3A_84 = tpu.memref_slice %arg16[%multiple_of3A, %dma_start3A_83] : memref<10000x128xf32, #tpu.memory_space<vmem_shared>> -> memref<80x128xf32, #tpu.memory_space<vmem_shared>>
        %dma_start3A_85 = arith.constant 0 : i32
        %dma_start3A_86 = arith.constant 0 : i32
        %dma_start3A_87 = tpu.memref_slice %arg14[%dma_start3A_85, %dma_start3A_86] : memref<112x128xf32, #tpu.memory_space<vmem>> -> memref<80x128xf32, #tpu.memory_space<vmem>>
        tpu.enqueue_dma source(%dma_start3A_87 : memref<80x128xf32, #tpu.memory_space<vmem>>) target(%dma_start3A_84 : memref<80x128xf32, #tpu.memory_space<vmem_shared>>) target_semaphore(%run_scoped3A_77 : memref<!tpu.dma_semaphore, #tpu.memory_space<semaphore_mem>>)
        %dma_wait3A_88 = arith.constant 0 : i32
        %dma_wait3A_89 = arith.constant 0 : i32
        %dma_wait3A_90 = tpu.memref_slice %arg14[%dma_wait3A_88, %dma_wait3A_89] : memref<112x128xf32, #tpu.memory_space<vmem>> -> memref<80x128xf32, #tpu.memory_space<vmem>>
        %dma_wait3A_91 = arith.constant 0 : i32
        %dma_wait3A_92 = tpu.memref_slice %arg16[%multiple_of3A, %dma_wait3A_91] : memref<10000x128xf32, #tpu.memory_space<vmem_shared>> -> memref<80x128xf32, #tpu.memory_space<vmem_shared>>
        %dma_wait3A_93 = arith.constant 0 : i32
        %dma_wait3A_94 = tpu.memref_slice %arg16[%multiple_of3A, %dma_wait3A_93] : memref<10000x128xf32, #tpu.memory_space<vmem_shared>> -> memref<80x128xf32, #tpu.memory_space<vmem_shared>>
        %dma_wait3A_95 = arith.constant 0 : i32
        %dma_wait3A_96 = arith.constant 0 : i32
        %dma_wait3A_97 = tpu.memref_slice %arg14[%dma_wait3A_95, %dma_wait3A_96] : memref<112x128xf32, #tpu.memory_space<vmem>> -> memref<80x128xf32, #tpu.memory_space<vmem>>
        tpu.wait_dma2 semaphore(%run_scoped3A_77 : memref<!tpu.dma_semaphore, #tpu.memory_space<semaphore_mem>>) src(%dma_wait3A_97 : memref<80x128xf32, #tpu.memory_space<vmem>>) dst(%dma_wait3A_94 : memref<80x128xf32, #tpu.memory_space<vmem_shared>>)
        tpu.yield
      }) : () -> ()
    }
    %barrier3A = arith.constant 0 : index
    tpu.barrier barrier_id(%barrier3A)
    %run_scoped3A = arith.constant 0 : i32
    "tpu.region"() ({
      %run_scoped3A_71 = tpu.sem_alloc : memref<!tpu.dma_semaphore, #tpu.memory_space<semaphore_mem>>
      %dma_start3A_72 = arith.constant 0 : i32
      %dma_start3A_73 = arith.constant 0 : i32
      %dma_start3A_74 = tpu.memref_slice %arg5[%add3A, %run_scoped3A, %dma_start3A_72, %dma_start3A_73] : memref<32x90x3x112xi32, #tpu.memory_space<hbm>> -> memref<1x1x3x112xi32, #tpu.memory_space<hbm>>
      %dma_start3A_75 = tpu.memref_squeeze %dma_start3A_74 : memref<1x1x3x112xi32, #tpu.memory_space<hbm>> -> memref<3x112xi32, #tpu.memory_space<hbm>>
      %dma_start3A_76 = arith.constant 0 : i32
      %dma_start3A_77 = arith.constant 0 : i32
      %dma_start3A_78 = tpu.memref_slice %arg5[%add3A, %run_scoped3A, %dma_start3A_76, %dma_start3A_77] : memref<32x90x3x112xi32, #tpu.memory_space<hbm>> -> memref<1x1x3x112xi32, #tpu.memory_space<hbm>>
      %dma_start3A_79 = tpu.memref_squeeze %dma_start3A_78 : memref<1x1x3x112xi32, #tpu.memory_space<hbm>> -> memref<3x112xi32, #tpu.memory_space<hbm>>
      tpu.enqueue_dma source(%dma_start3A_79 : memref<3x112xi32, #tpu.memory_space<hbm>>) target(%arg7 : memref<3x112xi32, #tpu.memory_space<vmem>>) target_semaphore(%run_scoped3A_71 : memref<!tpu.dma_semaphore, #tpu.memory_space<semaphore_mem>>)
      %dma_wait3A_80 = arith.constant 0 : i32
      %dma_wait3A_81 = arith.constant 0 : i32
      %dma_wait3A_82 = tpu.memref_slice %arg5[%add3A, %run_scoped3A, %dma_wait3A_80, %dma_wait3A_81] : memref<32x90x3x112xi32, #tpu.memory_space<hbm>> -> memref<1x1x3x112xi32, #tpu.memory_space<hbm>>
      %dma_wait3A_83 = tpu.memref_squeeze %dma_wait3A_82 : memref<1x1x3x112xi32, #tpu.memory_space<hbm>> -> memref<3x112xi32, #tpu.memory_space<hbm>>
      %dma_wait3A_84 = arith.constant 0 : i32
      %dma_wait3A_85 = arith.constant 0 : i32
      %dma_wait3A_86 = tpu.memref_slice %arg5[%add3A, %run_scoped3A, %dma_wait3A_84, %dma_wait3A_85] : memref<32x90x3x112xi32, #tpu.memory_space<hbm>> -> memref<1x1x3x112xi32, #tpu.memory_space<hbm>>
      %dma_wait3A_87 = tpu.memref_squeeze %dma_wait3A_86 : memref<1x1x3x112xi32, #tpu.memory_space<hbm>> -> memref<3x112xi32, #tpu.memory_space<hbm>>
      tpu.wait_dma2 semaphore(%run_scoped3A_71 : memref<!tpu.dma_semaphore, #tpu.memory_space<semaphore_mem>>) src(%dma_wait3A_87 : memref<3x112xi32, #tpu.memory_space<hbm>>) dst(%arg7 : memref<3x112xi32, #tpu.memory_space<vmem>>)
      tpu.yield
    }) : () -> ()
    %dma_start3A = arith.constant 1 : i32
    %dma_start3A_26 = arith.constant 0 : i32
    %dma_start3A_27 = tpu.memref_slice %arg7[%dma_start3A, %dma_start3A_26] : memref<3x112xi32, #tpu.memory_space<vmem>> -> memref<1x112xi32, #tpu.memory_space<vmem>>
    %dma_start3A_28 = tpu.memref_squeeze %dma_start3A_27 : memref<1x112xi32, #tpu.memory_space<vmem>> -> memref<112xi32, #tpu.memory_space<vmem>>
    %dma_start3A_29 = arith.constant 0 : i32
    %dma_start3A_30 = arith.constant 0 : i32
    %dma_start3A_31 = tpu.memref_slice %arg2[%dma_start3A_29, %dma_start3A_30] : memref<10000x128xf32, #tpu.memory_space<hbm>> -> memref<10000x128xf32, #tpu.memory_space<hbm>>
    tpu.enqueue_indirect_dma source(%dma_start3A_31 : memref<10000x128xf32, #tpu.memory_space<hbm>>) target(%arg14 : memref<112x128xf32, #tpu.memory_space<vmem>>) offsets(%dma_start3A_28 : memref<112xi32, #tpu.memory_space<vmem>>) semaphore(%arg17 : memref<!tpu.dma_semaphore, #tpu.memory_space<semaphore_mem>>)
    %dma_start3A_32 = arith.constant 1 : i32
    %dma_start3A_33 = arith.constant 0 : i32
    %dma_start3A_34 = arith.constant 0 : i32
    %dma_start3A_35 = tpu.memref_slice %arg5[%add3A, %dma_start3A_32, %dma_start3A_33, %dma_start3A_34] : memref<32x90x3x112xi32, #tpu.memory_space<hbm>> -> memref<1x1x3x112xi32, #tpu.memory_space<hbm>>
    %dma_start3A_36 = tpu.memref_squeeze %dma_start3A_35 : memref<1x1x3x112xi32, #tpu.memory_space<hbm>> -> memref<3x112xi32, #tpu.memory_space<hbm>>
    %dma_start3A_37 = arith.constant 0 : i32
    %dma_start3A_38 = arith.constant 0 : i32
    %dma_start3A_39 = tpu.memref_slice %arg5[%add3A, %dma_start3A_32, %dma_start3A_37, %dma_start3A_38] : memref<32x90x3x112xi32, #tpu.memory_space<hbm>> -> memref<1x1x3x112xi32, #tpu.memory_space<hbm>>
    %dma_start3A_40 = tpu.memref_squeeze %dma_start3A_39 : memref<1x1x3x112xi32, #tpu.memory_space<hbm>> -> memref<3x112xi32, #tpu.memory_space<hbm>>
    tpu.enqueue_dma source(%dma_start3A_40 : memref<3x112xi32, #tpu.memory_space<hbm>>) target(%arg8 : memref<3x112xi32, #tpu.memory_space<vmem>>) target_semaphore(%arg22 : memref<!tpu.dma_semaphore, #tpu.memory_space<semaphore_mem>>)
    %scan3A_41 = arith.constant 0 : i32
    %scan3A_42 = arith.constant 45 : i32
    %scan3A_43 = arith.addi %scan3A_41, %scan3A_42 : i32
    %scan3A_44 = arith.constant 1 : i32
    scf.for %scan3A_71 = %scan3A_41 to %scan3A_43 step %scan3A_44  : i32 {
      %mul3A_72 = arith.constant 1 : i32
      %mul3A_73 = arith.muli %scan3A_71, %mul3A_72 : i32
      %add3A_74 = arith.constant 0 : i32
      %add3A_75 = arith.addi %add3A_74, %mul3A_73 : i32
      %mul3A_76 = arith.constant 2 : i32
      %mul3A_77 = arith.muli %add3A_75, %mul3A_76 : i32
      %add3A_78 = arith.constant 0 : i32
      %add3A_79 = arith.addi %mul3A_77, %add3A_78 : i32
      %add3A_80 = arith.constant 1 : i32
      %add3A_81 = arith.addi %add3A_79, %add3A_80 : i32
      %get3A = arith.constant 0 : i32
      %get3A_82 = arith.index_cast %get3A : i32 to index
      %get3A_83 = arith.constant 0 : index
      %get3A_84 = tpu.vector_load %arg7[%get3A_82, %get3A_83] {strides = array<i32>} : memref<3x112xi32, #tpu.memory_space<vmem>>, vector<16xi32>,
      %get3A_85 = arith.constant 1 : i32
      %get3A_86 = arith.index_cast %get3A_85 : i32 to index
      %get3A_87 = arith.constant 0 : index
      %get3A_88 = tpu.vector_load %arg7[%get3A_86, %get3A_87] {strides = array<i32>} : memref<3x112xi32, #tpu.memory_space<vmem>>, vector<16xi32>,
      %get3A_89 = arith.constant 2 : i32
      %get3A_90 = arith.index_cast %get3A_89 : i32 to index
      %get3A_91 = arith.constant 0 : index
      %get3A_92 = tpu.vector_load %arg7[%get3A_90, %get3A_91] {strides = array<i32>} : memref<3x112xi32, #tpu.memory_space<vmem>>, vector<16xi32>,
      %bitcast3A = vector.bitcast %get3A_92 : vector<16xi32> to vector<16xf32>
      %swap3A = arith.constant 0 : index
      %swap3A_93 = tpu.vector_load %arg12[%swap3A] {strides = array<i32>} : memref<112xi32, #tpu.memory_space<vmem>>, vector<16xi32>,
      tpu.vector_store %arg12[%swap3A], %get3A_84 {strides = array<i32>} : memref<112xi32, #tpu.memory_space<vmem>>, vector<16xi32>,
      %gather3A = tpu.vector_load_idx %arg9[%get3A_84] : memref<10000xf32, #tpu.memory_space<vmem>>[vector<16xi32>], vector<16xf32>,
      %gather3A_94 = tpu.vector_load_idx %arg10[%get3A_88] : memref<10000xf32, #tpu.memory_space<vmem>>[vector<16xi32>], vector<16xf32>,
      %add3A_95 = arith.addf %gather3A, %gather3A_94 : vector<16xf32>
      %add3A_96 = arith.addf %add3A_95, %add3A_95 : vector<16xf32>
      %exp3A = math.exp %add3A_96 : vector<16xf32>
      %add3A_97 = arith.constant 1.000000e+00 : f32
      %add3A_98 = vector.broadcast %add3A_97 : f32 to vector<16xf32>
      %add3A_99 = arith.addf %exp3A, %add3A_98 : vector<16xf32>
      %div3A_100 = arith.constant 2.000000e+00 : f32
      %div3A_101 = vector.broadcast %div3A_100 : f32 to vector<16xf32>
      %div3A_102 = arith.divf %div3A_101, %add3A_99 : vector<16xf32>
      %sub3A_103 = arith.constant 1.000000e+00 : f32
      %sub3A_104 = vector.broadcast %sub3A_103 : f32 to vector<16xf32>
      %sub3A_105 = arith.subf %sub3A_104, %div3A_102 : vector<16xf32>
      %mul3A_106 = arith.mulf %bitcast3A, %sub3A_105 : vector<16xf32>
      %swap3A_107 = arith.constant 0 : index
      %swap3A_108 = tpu.vector_load %arg11[%swap3A_107] {strides = array<i32>} : memref<112xf32, #tpu.memory_space<vmem>>, vector<16xf32>,
      tpu.vector_store %arg11[%swap3A_107], %mul3A_106 {strides = array<i32>} : memref<112xf32, #tpu.memory_space<vmem>>, vector<16xf32>,
      %get3A_109 = arith.constant 0 : i32
      %get3A_110 = arith.index_cast %get3A_109 : i32 to index
      %get3A_111 = arith.constant 16 : index
      %get3A_112 = tpu.vector_load %arg7[%get3A_110, %get3A_111] {strides = array<i32>} : memref<3x112xi32, #tpu.memory_space<vmem>>, vector<16xi32>,
      %get3A_113 = arith.constant 1 : i32
      %get3A_114 = arith.index_cast %get3A_113 : i32 to index
      %get3A_115 = arith.constant 16 : index
      %get3A_116 = tpu.vector_load %arg7[%get3A_114, %get3A_115] {strides = array<i32>} : memref<3x112xi32, #tpu.memory_space<vmem>>, vector<16xi32>,
      %get3A_117 = arith.constant 2 : i32
      %get3A_118 = arith.index_cast %get3A_117 : i32 to index
      %get3A_119 = arith.constant 16 : index
      %get3A_120 = tpu.vector_load %arg7[%get3A_118, %get3A_119] {strides = array<i32>} : memref<3x112xi32, #tpu.memory_space<vmem>>, vector<16xi32>,
      %bitcast3A_121 = vector.bitcast %get3A_120 : vector<16xi32> to vector<16xf32>
      %swap3A_122 = arith.constant 16 : index
      %swap3A_123 = tpu.vector_load %arg12[%swap3A_122] {strides = array<i32>} : memref<112xi32, #tpu.memory_space<vmem>>, vector<16xi32>,
      tpu.vector_store %arg12[%swap3A_122], %get3A_112 {strides = array<i32>} : memref<112xi32, #tpu.memory_space<vmem>>, vector<16xi32>,
      %gather3A_124 = tpu.vector_load_idx %arg9[%get3A_112] : memref<10000xf32, #tpu.memory_space<vmem>>[vector<16xi32>], vector<16xf32>,
      %gather3A_125 = tpu.vector_load_idx %arg10[%get3A_116] : memref<10000xf32, #tpu.memory_space<vmem>>[vector<16xi32>], vector<16xf32>,
      %add3A_126 = arith.addf %gather3A_124, %gather3A_125 : vector<16xf32>
      %add3A_127 = arith.addf %add3A_126, %add3A_126 : vector<16xf32>
      %exp3A_128 = math.exp %add3A_127 : vector<16xf32>
      %add3A_129 = arith.constant 1.000000e+00 : f32
      %add3A_130 = vector.broadcast %add3A_129 : f32 to vector<16xf32>
      %add3A_131 = arith.addf %exp3A_128, %add3A_130 : vector<16xf32>
      %div3A_132 = arith.constant 2.000000e+00 : f32
      %div3A_133 = vector.broadcast %div3A_132 : f32 to vector<16xf32>
      %div3A_134 = arith.divf %div3A_133, %add3A_131 : vector<16xf32>
      %sub3A_135 = arith.constant 1.000000e+00 : f32
      %sub3A_136 = vector.broadcast %sub3A_135 : f32 to vector<16xf32>
      %sub3A_137 = arith.subf %sub3A_136, %div3A_134 : vector<16xf32>
      %mul3A_138 = arith.mulf %bitcast3A_121, %sub3A_137 : vector<16xf32>
      %swap3A_139 = arith.constant 16 : index
      %swap3A_140 = tpu.vector_load %arg11[%swap3A_139] {strides = array<i32>} : memref<112xf32, #tpu.memory_space<vmem>>, vector<16xf32>,
      tpu.vector_store %arg11[%swap3A_139], %mul3A_138 {strides = array<i32>} : memref<112xf32, #tpu.memory_space<vmem>>, vector<16xf32>,
      %get3A_141 = arith.constant 0 : i32
      %get3A_142 = arith.index_cast %get3A_141 : i32 to index
      %get3A_143 = arith.constant 32 : index
      %get3A_144 = tpu.vector_load %arg7[%get3A_142, %get3A_143] {strides = array<i32>} : memref<3x112xi32, #tpu.memory_space<vmem>>, vector<16xi32>,
      %get3A_145 = arith.constant 1 : i32
      %get3A_146 = arith.index_cast %get3A_145 : i32 to index
      %get3A_147 = arith.constant 32 : index
      %get3A_148 = tpu.vector_load %arg7[%get3A_146, %get3A_147] {strides = array<i32>} : memref<3x112xi32, #tpu.memory_space<vmem>>, vector<16xi32>,
      %get3A_149 = arith.constant 2 : i32
      %get3A_150 = arith.index_cast %get3A_149 : i32 to index
      %get3A_151 = arith.constant 32 : index
      %get3A_152 = tpu.vector_load %arg7[%get3A_150, %get3A_151] {strides = array<i32>} : memref<3x112xi32, #tpu.memory_space<vmem>>, vector<16xi32>,
      %bitcast3A_153 = vector.bitcast %get3A_152 : vector<16xi32> to vector<16xf32>
      %swap3A_154 = arith.constant 32 : index
      %swap3A_155 = tpu.vector_load %arg12[%swap3A_154] {strides = array<i32>} : memref<112xi32, #tpu.memory_space<vmem>>, vector<16xi32>,
      tpu.vector_store %arg12[%swap3A_154], %get3A_144 {strides = array<i32>} : memref<112xi32, #tpu.memory_space<vmem>>, vector<16xi32>,
      %gather3A_156 = tpu.vector_load_idx %arg9[%get3A_144] : memref<10000xf32, #tpu.memory_space<vmem>>[vector<16xi32>], vector<16xf32>,
      %gather3A_157 = tpu.vector_load_idx %arg10[%get3A_148] : memref<10000xf32, #tpu.memory_space<vmem>>[vector<16xi32>], vector<16xf32>,
      %add3A_158 = arith.addf %gather3A_156, %gather3A_157 : vector<16xf32>
      %add3A_159 = arith.addf %add3A_158, %add3A_158 : vector<16xf32>
      %exp3A_160 = math.exp %add3A_159 : vector<16xf32>
      %add3A_161 = arith.constant 1.000000e+00 : f32
      %add3A_162 = vector.broadcast %add3A_161 : f32 to vector<16xf32>
      %add3A_163 = arith.addf %exp3A_160, %add3A_162 : vector<16xf32>
      %div3A_164 = arith.constant 2.000000e+00 : f32
      %div3A_165 = vector.broadcast %div3A_164 : f32 to vector<16xf32>
      %div3A_166 = arith.divf %div3A_165, %add3A_163 : vector<16xf32>
      %sub3A_167 = arith.constant 1.000000e+00 : f32
      %sub3A_168 = vector.broadcast %sub3A_167 : f32 to vector<16xf32>
      %sub3A_169 = arith.subf %sub3A_168, %div3A_166 : vector<16xf32>
      %mul3A_170 = arith.mulf %bitcast3A_153, %sub3A_169 : vector<16xf32>
      %swap3A_171 = arith.constant 32 : index
      %swap3A_172 = tpu.vector_load %arg11[%swap3A_171] {strides = array<i32>} : memref<112xf32, #tpu.memory_space<vmem>>, vector<16xf32>,
      tpu.vector_store %arg11[%swap3A_171], %mul3A_170 {strides = array<i32>} : memref<112xf32, #tpu.memory_space<vmem>>, vector<16xf32>,
      %get3A_173 = arith.constant 0 : i32
      %get3A_174 = arith.index_cast %get3A_173 : i32 to index
      %get3A_175 = arith.constant 48 : index
      %get3A_176 = tpu.vector_load %arg7[%get3A_174, %get3A_175] {strides = array<i32>} : memref<3x112xi32, #tpu.memory_space<vmem>>, vector<16xi32>,
      %get3A_177 = arith.constant 1 : i32
      %get3A_178 = arith.index_cast %get3A_177 : i32 to index
      %get3A_179 = arith.constant 48 : index
      %get3A_180 = tpu.vector_load %arg7[%get3A_178, %get3A_179] {strides = array<i32>} : memref<3x112xi32, #tpu.memory_space<vmem>>, vector<16xi32>,
      %get3A_181 = arith.constant 2 : i32
      %get3A_182 = arith.index_cast %get3A_181 : i32 to index
      %get3A_183 = arith.constant 48 : index
      %get3A_184 = tpu.vector_load %arg7[%get3A_182, %get3A_183] {strides = array<i32>} : memref<3x112xi32, #tpu.memory_space<vmem>>, vector<16xi32>,
      %bitcast3A_185 = vector.bitcast %get3A_184 : vector<16xi32> to vector<16xf32>
      %swap3A_186 = arith.constant 48 : index
      %swap3A_187 = tpu.vector_load %arg12[%swap3A_186] {strides = array<i32>} : memref<112xi32, #tpu.memory_space<vmem>>, vector<16xi32>,
      tpu.vector_store %arg12[%swap3A_186], %get3A_176 {strides = array<i32>} : memref<112xi32, #tpu.memory_space<vmem>>, vector<16xi32>,
      %gather3A_188 = tpu.vector_load_idx %arg9[%get3A_176] : memref<10000xf32, #tpu.memory_space<vmem>>[vector<16xi32>], vector<16xf32>,
      %gather3A_189 = tpu.vector_load_idx %arg10[%get3A_180] : memref<10000xf32, #tpu.memory_space<vmem>>[vector<16xi32>], vector<16xf32>,
      %add3A_190 = arith.addf %gather3A_188, %gather3A_189 : vector<16xf32>
      %add3A_191 = arith.addf %add3A_190, %add3A_190 : vector<16xf32>
      %exp3A_192 = math.exp %add3A_191 : vector<16xf32>
      %add3A_193 = arith.constant 1.000000e+00 : f32
      %add3A_194 = vector.broadcast %add3A_193 : f32 to vector<16xf32>
      %add3A_195 = arith.addf %exp3A_192, %add3A_194 : vector<16xf32>
      %div3A_196 = arith.constant 2.000000e+00 : f32
      %div3A_197 = vector.broadcast %div3A_196 : f32 to vector<16xf32>
      %div3A_198 = arith.divf %div3A_197, %add3A_195 : vector<16xf32>
      %sub3A_199 = arith.constant 1.000000e+00 : f32
      %sub3A_200 = vector.broadcast %sub3A_199 : f32 to vector<16xf32>
      %sub3A_201 = arith.subf %sub3A_200, %div3A_198 : vector<16xf32>
      %mul3A_202 = arith.mulf %bitcast3A_185, %sub3A_201 : vector<16xf32>
      %swap3A_203 = arith.constant 48 : index
      %swap3A_204 = tpu.vector_load %arg11[%swap3A_203] {strides = array<i32>} : memref<112xf32, #tpu.memory_space<vmem>>, vector<16xf32>,
      tpu.vector_store %arg11[%swap3A_203], %mul3A_202 {strides = array<i32>} : memref<112xf32, #tpu.memory_space<vmem>>, vector<16xf32>,
      %get3A_205 = arith.constant 0 : i32
      %get3A_206 = arith.index_cast %get3A_205 : i32 to index
      %get3A_207 = arith.constant 64 : index
      %get3A_208 = tpu.vector_load %arg7[%get3A_206, %get3A_207] {strides = array<i32>} : memref<3x112xi32, #tpu.memory_space<vmem>>, vector<16xi32>,
      %get3A_209 = arith.constant 1 : i32
      %get3A_210 = arith.index_cast %get3A_209 : i32 to index
      %get3A_211 = arith.constant 64 : index
      %get3A_212 = tpu.vector_load %arg7[%get3A_210, %get3A_211] {strides = array<i32>} : memref<3x112xi32, #tpu.memory_space<vmem>>, vector<16xi32>,
      %get3A_213 = arith.constant 2 : i32
      %get3A_214 = arith.index_cast %get3A_213 : i32 to index
      %get3A_215 = arith.constant 64 : index
      %get3A_216 = tpu.vector_load %arg7[%get3A_214, %get3A_215] {strides = array<i32>} : memref<3x112xi32, #tpu.memory_space<vmem>>, vector<16xi32>,
      %bitcast3A_217 = vector.bitcast %get3A_216 : vector<16xi32> to vector<16xf32>
      %swap3A_218 = arith.constant 64 : index
      %swap3A_219 = tpu.vector_load %arg12[%swap3A_218] {strides = array<i32>} : memref<112xi32, #tpu.memory_space<vmem>>, vector<16xi32>,
      tpu.vector_store %arg12[%swap3A_218], %get3A_208 {strides = array<i32>} : memref<112xi32, #tpu.memory_space<vmem>>, vector<16xi32>,
      %gather3A_220 = tpu.vector_load_idx %arg9[%get3A_208] : memref<10000xf32, #tpu.memory_space<vmem>>[vector<16xi32>], vector<16xf32>,
      %gather3A_221 = tpu.vector_load_idx %arg10[%get3A_212] : memref<10000xf32, #tpu.memory_space<vmem>>[vector<16xi32>], vector<16xf32>,
      %add3A_222 = arith.addf %gather3A_220, %gather3A_221 : vector<16xf32>
      %add3A_223 = arith.addf %add3A_222, %add3A_222 : vector<16xf32>
      %exp3A_224 = math.exp %add3A_223 : vector<16xf32>
      %add3A_225 = arith.constant 1.000000e+00 : f32
      %add3A_226 = vector.broadcast %add3A_225 : f32 to vector<16xf32>
      %add3A_227 = arith.addf %exp3A_224, %add3A_226 : vector<16xf32>
      %div3A_228 = arith.constant 2.000000e+00 : f32
      %div3A_229 = vector.broadcast %div3A_228 : f32 to vector<16xf32>
      %div3A_230 = arith.divf %div3A_229, %add3A_227 : vector<16xf32>
      %sub3A_231 = arith.constant 1.000000e+00 : f32
      %sub3A_232 = vector.broadcast %sub3A_231 : f32 to vector<16xf32>
      %sub3A_233 = arith.subf %sub3A_232, %div3A_230 : vector<16xf32>
      %mul3A_234 = arith.mulf %bitcast3A_217, %sub3A_233 : vector<16xf32>
      %swap3A_235 = arith.constant 64 : index
      %swap3A_236 = tpu.vector_load %arg11[%swap3A_235] {strides = array<i32>} : memref<112xf32, #tpu.memory_space<vmem>>, vector<16xf32>,
      tpu.vector_store %arg11[%swap3A_235], %mul3A_234 {strides = array<i32>} : memref<112xf32, #tpu.memory_space<vmem>>, vector<16xf32>,
      %get3A_237 = arith.constant 0 : i32
      %get3A_238 = arith.index_cast %get3A_237 : i32 to index
      %get3A_239 = arith.constant 80 : index
      %get3A_240 = tpu.vector_load %arg7[%get3A_238, %get3A_239] {strides = array<i32>} : memref<3x112xi32, #tpu.memory_space<vmem>>, vector<16xi32>,
      %get3A_241 = arith.constant 1 : i32
      %get3A_242 = arith.index_cast %get3A_241 : i32 to index
      %get3A_243 = arith.constant 80 : index
      %get3A_244 = tpu.vector_load %arg7[%get3A_242, %get3A_243] {strides = array<i32>} : memref<3x112xi32, #tpu.memory_space<vmem>>, vector<16xi32>,
      %get3A_245 = arith.constant 2 : i32
      %get3A_246 = arith.index_cast %get3A_245 : i32 to index
      %get3A_247 = arith.constant 80 : index
      %get3A_248 = tpu.vector_load %arg7[%get3A_246, %get3A_247] {strides = array<i32>} : memref<3x112xi32, #tpu.memory_space<vmem>>, vector<16xi32>,
      %bitcast3A_249 = vector.bitcast %get3A_248 : vector<16xi32> to vector<16xf32>
      %swap3A_250 = arith.constant 80 : index
      %swap3A_251 = tpu.vector_load %arg12[%swap3A_250] {strides = array<i32>} : memref<112xi32, #tpu.memory_space<vmem>>, vector<16xi32>,
      tpu.vector_store %arg12[%swap3A_250], %get3A_240 {strides = array<i32>} : memref<112xi32, #tpu.memory_space<vmem>>, vector<16xi32>,
      %gather3A_252 = tpu.vector_load_idx %arg9[%get3A_240] : memref<10000xf32, #tpu.memory_space<vmem>>[vector<16xi32>], vector<16xf32>,
      %gather3A_253 = tpu.vector_load_idx %arg10[%get3A_244] : memref<10000xf32, #tpu.memory_space<vmem>>[vector<16xi32>], vector<16xf32>,
      %add3A_254 = arith.addf %gather3A_252, %gather3A_253 : vector<16xf32>
      %add3A_255 = arith.addf %add3A_254, %add3A_254 : vector<16xf32>
      %exp3A_256 = math.exp %add3A_255 : vector<16xf32>
      %add3A_257 = arith.constant 1.000000e+00 : f32
      %add3A_258 = vector.broadcast %add3A_257 : f32 to vector<16xf32>
      %add3A_259 = arith.addf %exp3A_256, %add3A_258 : vector<16xf32>
      %div3A_260 = arith.constant 2.000000e+00 : f32
      %div3A_261 = vector.broadcast %div3A_260 : f32 to vector<16xf32>
      %div3A_262 = arith.divf %div3A_261, %add3A_259 : vector<16xf32>
      %sub3A_263 = arith.constant 1.000000e+00 : f32
      %sub3A_264 = vector.broadcast %sub3A_263 : f32 to vector<16xf32>
      %sub3A_265 = arith.subf %sub3A_264, %div3A_262 : vector<16xf32>
      %mul3A_266 = arith.mulf %bitcast3A_249, %sub3A_265 : vector<16xf32>
      %swap3A_267 = arith.constant 80 : index
      %swap3A_268 = tpu.vector_load %arg11[%swap3A_267] {strides = array<i32>} : memref<112xf32, #tpu.memory_space<vmem>>, vector<16xf32>,
      tpu.vector_store %arg11[%swap3A_267], %mul3A_266 {strides = array<i32>} : memref<112xf32, #tpu.memory_space<vmem>>, vector<16xf32>,
      %get3A_269 = arith.constant 0 : i32
      %get3A_270 = arith.index_cast %get3A_269 : i32 to index
      %get3A_271 = arith.constant 96 : index
      %get3A_272 = tpu.vector_load %arg7[%get3A_270, %get3A_271] {strides = array<i32>} : memref<3x112xi32, #tpu.memory_space<vmem>>, vector<16xi32>,
      %get3A_273 = arith.constant 1 : i32
      %get3A_274 = arith.index_cast %get3A_273 : i32 to index
      %get3A_275 = arith.constant 96 : index
      %get3A_276 = tpu.vector_load %arg7[%get3A_274, %get3A_275] {strides = array<i32>} : memref<3x112xi32, #tpu.memory_space<vmem>>, vector<16xi32>,
      %get3A_277 = arith.constant 2 : i32
      %get3A_278 = arith.index_cast %get3A_277 : i32 to index
      %get3A_279 = arith.constant 96 : index
      %get3A_280 = tpu.vector_load %arg7[%get3A_278, %get3A_279] {strides = array<i32>} : memref<3x112xi32, #tpu.memory_space<vmem>>, vector<16xi32>,
      %bitcast3A_281 = vector.bitcast %get3A_280 : vector<16xi32> to vector<16xf32>
      %swap3A_282 = arith.constant 96 : index
      %swap3A_283 = tpu.vector_load %arg12[%swap3A_282] {strides = array<i32>} : memref<112xi32, #tpu.memory_space<vmem>>, vector<16xi32>,
      tpu.vector_store %arg12[%swap3A_282], %get3A_272 {strides = array<i32>} : memref<112xi32, #tpu.memory_space<vmem>>, vector<16xi32>,
      %gather3A_284 = tpu.vector_load_idx %arg9[%get3A_272] : memref<10000xf32, #tpu.memory_space<vmem>>[vector<16xi32>], vector<16xf32>,
      %gather3A_285 = tpu.vector_load_idx %arg10[%get3A_276] : memref<10000xf32, #tpu.memory_space<vmem>>[vector<16xi32>], vector<16xf32>,
      %add3A_286 = arith.addf %gather3A_284, %gather3A_285 : vector<16xf32>
      %add3A_287 = arith.addf %add3A_286, %add3A_286 : vector<16xf32>
      %exp3A_288 = math.exp %add3A_287 : vector<16xf32>
      %add3A_289 = arith.constant 1.000000e+00 : f32
      %add3A_290 = vector.broadcast %add3A_289 : f32 to vector<16xf32>
      %add3A_291 = arith.addf %exp3A_288, %add3A_290 : vector<16xf32>
      %div3A_292 = arith.constant 2.000000e+00 : f32
      %div3A_293 = vector.broadcast %div3A_292 : f32 to vector<16xf32>
      %div3A_294 = arith.divf %div3A_293, %add3A_291 : vector<16xf32>
      %sub3A_295 = arith.constant 1.000000e+00 : f32
      %sub3A_296 = vector.broadcast %sub3A_295 : f32 to vector<16xf32>
      %sub3A_297 = arith.subf %sub3A_296, %div3A_294 : vector<16xf32>
      %mul3A_298 = arith.mulf %bitcast3A_281, %sub3A_297 : vector<16xf32>
      %swap3A_299 = arith.constant 96 : index
      %swap3A_300 = tpu.vector_load %arg11[%swap3A_299] {strides = array<i32>} : memref<112xf32, #tpu.memory_space<vmem>>, vector<16xf32>,
      tpu.vector_store %arg11[%swap3A_299], %mul3A_298 {strides = array<i32>} : memref<112xf32, #tpu.memory_space<vmem>>, vector<16xf32>,
      %lt3A = arith.constant 90 : i32
      %lt3A_301 = arith.cmpi slt, %add3A_81, %lt3A : i32
      %convert_element_type3A = arith.extui %lt3A_301 : i1 to i32
      %cond3A = arith.constant 0 : i32
      %cond3A_302 = arith.cmpi ne, %convert_element_type3A, %cond3A : i32
      scf.if %cond3A_302 {
        %ge3A = arith.constant 2 : i32
        %ge3A_580 = arith.cmpi sge, %add3A_81, %ge3A : i32
        %convert_element_type3A_581 = arith.extui %ge3A_580 : i1 to i32
        %cond3A_582 = arith.constant 0 : i32
        %cond3A_583 = arith.cmpi ne, %convert_element_type3A_581, %cond3A_582 : i32
        scf.if %cond3A_583 {
          %dma_wait3A_600 = arith.constant 0 : i32
          %dma_wait3A_601 = arith.constant 0 : i32
          %dma_wait3A_602 = tpu.memref_slice %arg16[%dma_wait3A_600, %dma_wait3A_601] : memref<10000x128xf32, #tpu.memory_space<vmem_shared>> -> memref<10000x128xf32, #tpu.memory_space<vmem_shared>>
          tpu.wait_indirect_dma semaphore(%arg20 : memref<!tpu.dma_semaphore, #tpu.memory_space<semaphore_mem>>) src(%arg15 : memref<112x128xf32, #tpu.memory_space<vmem>>) dst(%dma_wait3A_602 : memref<10000x128xf32, #tpu.memory_space<vmem_shared>>)
        } else {
        }
        %dma_wait3A_584 = arith.constant 0 : i32
        %dma_wait3A_585 = arith.constant 0 : i32
        %dma_wait3A_586 = arith.constant 0 : i32
        %dma_wait3A_587 = tpu.memref_slice %arg5[%add3A, %dma_wait3A_584, %dma_wait3A_585, %dma_wait3A_586] : memref<32x90x3x112xi32, #tpu.memory_space<hbm>> -> memref<1x1x3x112xi32, #tpu.memory_space<hbm>>
        %dma_wait3A_588 = tpu.memref_squeeze %dma_wait3A_587 : memref<1x1x3x112xi32, #tpu.memory_space<hbm>> -> memref<3x112xi32, #tpu.memory_space<hbm>>
        %dma_wait3A_589 = arith.constant 0 : i32
        %dma_wait3A_590 = arith.constant 0 : i32
        %dma_wait3A_591 = tpu.memref_slice %arg5[%add3A, %dma_wait3A_584, %dma_wait3A_589, %dma_wait3A_590] : memref<32x90x3x112xi32, #tpu.memory_space<hbm>> -> memref<1x1x3x112xi32, #tpu.memory_space<hbm>>
        %dma_wait3A_592 = tpu.memref_squeeze %dma_wait3A_591 : memref<1x1x3x112xi32, #tpu.memory_space<hbm>> -> memref<3x112xi32, #tpu.memory_space<hbm>>
        tpu.wait_dma2 semaphore(%arg22 : memref<!tpu.dma_semaphore, #tpu.memory_space<semaphore_mem>>) src(%dma_wait3A_592 : memref<3x112xi32, #tpu.memory_space<hbm>>) dst(%arg8 : memref<3x112xi32, #tpu.memory_space<vmem>>)
        %dma_start3A_593 = arith.constant 1 : i32
        %dma_start3A_594 = arith.constant 0 : i32
        %dma_start3A_595 = tpu.memref_slice %arg8[%dma_start3A_593, %dma_start3A_594] : memref<3x112xi32, #tpu.memory_space<vmem>> -> memref<1x112xi32, #tpu.memory_space<vmem>>
        %dma_start3A_596 = tpu.memref_squeeze %dma_start3A_595 : memref<1x112xi32, #tpu.memory_space<vmem>> -> memref<112xi32, #tpu.memory_space<vmem>>
        %dma_start3A_597 = arith.constant 0 : i32
        %dma_start3A_598 = arith.constant 0 : i32
        %dma_start3A_599 = tpu.memref_slice %arg2[%dma_start3A_597, %dma_start3A_598] : memref<10000x128xf32, #tpu.memory_space<hbm>> -> memref<10000x128xf32, #tpu.memory_space<hbm>>
        tpu.enqueue_indirect_dma source(%dma_start3A_599 : memref<10000x128xf32, #tpu.memory_space<hbm>>) target(%arg15 : memref<112x128xf32, #tpu.memory_space<vmem>>) offsets(%dma_start3A_596 : memref<112xi32, #tpu.memory_space<vmem>>) semaphore(%arg18 : memref<!tpu.dma_semaphore, #tpu.memory_space<semaphore_mem>>)
      } else {
      }
      %dma_wait3A_303 = arith.constant 1 : i32
      %dma_wait3A_304 = arith.constant 0 : i32
      %dma_wait3A_305 = tpu.memref_slice %arg7[%dma_wait3A_303, %dma_wait3A_304] : memref<3x112xi32, #tpu.memory_space<vmem>> -> memref<1x112xi32, #tpu.memory_space<vmem>>
      %dma_wait3A_306 = tpu.memref_squeeze %dma_wait3A_305 : memref<1x112xi32, #tpu.memory_space<vmem>> -> memref<112xi32, #tpu.memory_space<vmem>>
      %dma_wait3A_307 = arith.constant 0 : i32
      %dma_wait3A_308 = arith.constant 0 : i32
      %dma_wait3A_309 = tpu.memref_slice %arg2[%dma_wait3A_307, %dma_wait3A_308] : memref<10000x128xf32, #tpu.memory_space<hbm>> -> memref<10000x128xf32, #tpu.memory_space<hbm>>
      tpu.wait_indirect_dma semaphore(%arg17 : memref<!tpu.dma_semaphore, #tpu.memory_space<semaphore_mem>>) src(%dma_wait3A_309 : memref<10000x128xf32, #tpu.memory_space<hbm>>) dst(%arg14 : memref<112x128xf32, #tpu.memory_space<vmem>>)
      %add3A_310 = arith.constant 2 : i32
      %add3A_311 = arith.addi %add3A_79, %add3A_310 : i32
      %lt3A_312 = arith.constant 90 : i32
      %lt3A_313 = arith.cmpi slt, %add3A_311, %lt3A_312 : i32
      %convert_element_type3A_314 = arith.extui %lt3A_313 : i1 to i32
      %cond3A_315 = arith.constant 0 : i32
      %cond3A_316 = arith.cmpi ne, %convert_element_type3A_314, %cond3A_315 : i32
      scf.if %cond3A_316 {
        %add3A_580 = arith.constant 2 : i32
        %add3A_581 = arith.addi %add3A_79, %add3A_580 : i32
        %dma_start3A_582 = arith.constant 0 : i32
        %dma_start3A_583 = arith.constant 0 : i32
        %dma_start3A_584 = tpu.memref_slice %arg5[%add3A, %add3A_581, %dma_start3A_582, %dma_start3A_583] : memref<32x90x3x112xi32, #tpu.memory_space<hbm>> -> memref<1x1x3x112xi32, #tpu.memory_space<hbm>>
        %dma_start3A_585 = tpu.memref_squeeze %dma_start3A_584 : memref<1x1x3x112xi32, #tpu.memory_space<hbm>> -> memref<3x112xi32, #tpu.memory_space<hbm>>
        %dma_start3A_586 = arith.constant 0 : i32
        %dma_start3A_587 = arith.constant 0 : i32
        %dma_start3A_588 = tpu.memref_slice %arg5[%add3A, %add3A_581, %dma_start3A_586, %dma_start3A_587] : memref<32x90x3x112xi32, #tpu.memory_space<hbm>> -> memref<1x1x3x112xi32, #tpu.memory_space<hbm>>
        %dma_start3A_589 = tpu.memref_squeeze %dma_start3A_588 : memref<1x1x3x112xi32, #tpu.memory_space<hbm>> -> memref<3x112xi32, #tpu.memory_space<hbm>>
        tpu.enqueue_dma source(%dma_start3A_589 : memref<3x112xi32, #tpu.memory_space<hbm>>) target(%arg7 : memref<3x112xi32, #tpu.memory_space<vmem>>) target_semaphore(%arg21 : memref<!tpu.dma_semaphore, #tpu.memory_space<semaphore_mem>>)
      } else {
      }
      %scan3A_317 = arith.constant 0 : i32
      %scan3A_318 = arith.constant 7 : i32
      %scan3A_319 = arith.addi %scan3A_317, %scan3A_318 : i32
      %scan3A_320 = arith.constant 1 : i32
      scf.for %scan3A_580 = %scan3A_317 to %scan3A_319 step %scan3A_320  : i32 {
        %mul3A_581 = arith.constant 1 : i32
        %mul3A_582 = arith.muli %scan3A_580, %mul3A_581 : i32
        %add3A_583 = arith.constant 0 : i32
        %add3A_584 = arith.addi %add3A_583, %mul3A_582 : i32
        %mul3A_585 = arith.constant 16 : i32
        %mul3A_586 = arith.muli %add3A_584, %mul3A_585 : i32
        %get3A_587 = arith.index_cast %mul3A_586 : i32 to index
        %get3A_588 = tpu.vector_load %arg11[%get3A_587] {strides = array<i32>} : memref<112xf32, #tpu.memory_space<vmem>>, vector<16xf32>,
        %slice3A = vector.extract_strided_slice %get3A_588 {offsets = [0], sizes = [1], strides = [1]} : vector<16xf32> to vector<1xf32>
        %squeeze3A = vector.extract %slice3A[0] : f32 from vector<1xf32>
        %mul3A_589 = arith.constant 16 : i32
        %mul3A_590 = arith.muli %add3A_584, %mul3A_589 : i32
        %add3A_591 = arith.constant 0 : i32
        %add3A_592 = arith.addi %mul3A_590, %add3A_591 : i32
        %get3A_593 = arith.index_cast %add3A_592 : i32 to index
        %get3A_594 = arith.constant 0 : index
        %get3A_595 = tpu.vector_load %arg14[%get3A_593, %get3A_594] {strides = array<i32>} : memref<112x128xf32, #tpu.memory_space<vmem>>, vector<16xf32>,
        %mul3A_596 = vector.broadcast %squeeze3A : f32 to vector<16xf32>
        %mul3A_597 = arith.mulf %get3A_595, %mul3A_596 : vector<16xf32>
        %swap3A_598 = arith.index_cast %add3A_592 : i32 to index
        %swap3A_599 = arith.constant 0 : index
        %swap3A_600 = tpu.vector_load %arg14[%swap3A_598, %swap3A_599] {strides = array<i32>} : memref<112x128xf32, #tpu.memory_space<vmem>>, vector<16xf32>,
        tpu.vector_store %arg14[%swap3A_598, %swap3A_599], %mul3A_597 {strides = array<i32>} : memref<112x128xf32, #tpu.memory_space<vmem>>, vector<16xf32>,
        %get3A_601 = arith.index_cast %add3A_592 : i32 to index
        %get3A_602 = arith.constant 16 : index
        %get3A_603 = tpu.vector_load %arg14[%get3A_601, %get3A_602] {strides = array<i32>} : memref<112x128xf32, #tpu.memory_space<vmem>>, vector<16xf32>,
        %mul3A_604 = vector.broadcast %squeeze3A : f32 to vector<16xf32>
        %mul3A_605 = arith.mulf %get3A_603, %mul3A_604 : vector<16xf32>
        %swap3A_606 = arith.index_cast %add3A_592 : i32 to index
        %swap3A_607 = arith.constant 16 : index
        %swap3A_608 = tpu.vector_load %arg14[%swap3A_606, %swap3A_607] {strides = array<i32>} : memref<112x128xf32, #tpu.memory_space<vmem>>, vector<16xf32>,
        tpu.vector_store %arg14[%swap3A_606, %swap3A_607], %mul3A_605 {strides = array<i32>} : memref<112x128xf32, #tpu.memory_space<vmem>>, vector<16xf32>,
        %get3A_609 = arith.index_cast %add3A_592 : i32 to index
        %get3A_610 = arith.constant 32 : index
        %get3A_611 = tpu.vector_load %arg14[%get3A_609, %get3A_610] {strides = array<i32>} : memref<112x128xf32, #tpu.memory_space<vmem>>, vector<16xf32>,
        %mul3A_612 = vector.broadcast %squeeze3A : f32 to vector<16xf32>
        %mul3A_613 = arith.mulf %get3A_611, %mul3A_612 : vector<16xf32>
        %swap3A_614 = arith.index_cast %add3A_592 : i32 to index
        %swap3A_615 = arith.constant 32 : index
        %swap3A_616 = tpu.vector_load %arg14[%swap3A_614, %swap3A_615] {strides = array<i32>} : memref<112x128xf32, #tpu.memory_space<vmem>>, vector<16xf32>,
        tpu.vector_store %arg14[%swap3A_614, %swap3A_615], %mul3A_613 {strides = array<i32>} : memref<112x128xf32, #tpu.memory_space<vmem>>, vector<16xf32>,
        %get3A_617 = arith.index_cast %add3A_592 : i32 to index
        %get3A_618 = arith.constant 48 : index
        %get3A_619 = tpu.vector_load %arg14[%get3A_617, %get3A_618] {strides = array<i32>} : memref<112x128xf32, #tpu.memory_space<vmem>>, vector<16xf32>,
        %mul3A_620 = vector.broadcast %squeeze3A : f32 to vector<16xf32>
        %mul3A_621 = arith.mulf %get3A_619, %mul3A_620 : vector<16xf32>
        %swap3A_622 = arith.index_cast %add3A_592 : i32 to index
        %swap3A_623 = arith.constant 48 : index
        %swap3A_624 = tpu.vector_load %arg14[%swap3A_622, %swap3A_623] {strides = array<i32>} : memref<112x128xf32, #tpu.memory_space<vmem>>, vector<16xf32>,
        tpu.vector_store %arg14[%swap3A_622, %swap3A_623], %mul3A_621 {strides = array<i32>} : memref<112x128xf32, #tpu.memory_space<vmem>>, vector<16xf32>,
        %get3A_625 = arith.index_cast %add3A_592 : i32 to index
        %get3A_626 = arith.constant 64 : index
        %get3A_627 = tpu.vector_load %arg14[%get3A_625, %get3A_626] {strides = array<i32>} : memref<112x128xf32, #tpu.memory_space<vmem>>, vector<16xf32>,
        %mul3A_628 = vector.broadcast %squeeze3A : f32 to vector<16xf32>
        %mul3A_629 = arith.mulf %get3A_627, %mul3A_628 : vector<16xf32>
        %swap3A_630 = arith.index_cast %add3A_592 : i32 to index
        %swap3A_631 = arith.constant 64 : index
        %swap3A_632 = tpu.vector_load %arg14[%swap3A_630, %swap3A_631] {strides = array<i32>} : memref<112x128xf32, #tpu.memory_space<vmem>>, vector<16xf32>,
        tpu.vector_store %arg14[%swap3A_630, %swap3A_631], %mul3A_629 {strides = array<i32>} : memref<112x128xf32, #tpu.memory_space<vmem>>, vector<16xf32>,
        %get3A_633 = arith.index_cast %add3A_592 : i32 to index
        %get3A_634 = arith.constant 80 : index
        %get3A_635 = tpu.vector_load %arg14[%get3A_633, %get3A_634] {strides = array<i32>} : memref<112x128xf32, #tpu.memory_space<vmem>>, vector<16xf32>,
        %mul3A_636 = vector.broadcast %squeeze3A : f32 to vector<16xf32>
        %mul3A_637 = arith.mulf %get3A_635, %mul3A_636 : vector<16xf32>
        %swap3A_638 = arith.index_cast %add3A_592 : i32 to index
        %swap3A_639 = arith.constant 80 : index
        %swap3A_640 = tpu.vector_load %arg14[%swap3A_638, %swap3A_639] {strides = array<i32>} : memref<112x128xf32, #tpu.memory_space<vmem>>, vector<16xf32>,
        tpu.vector_store %arg14[%swap3A_638, %swap3A_639], %mul3A_637 {strides = array<i32>} : memref<112x128xf32, #tpu.memory_space<vmem>>, vector<16xf32>,
        %get3A_641 = arith.index_cast %add3A_592 : i32 to index
        %get3A_642 = arith.constant 96 : index
        %get3A_643 = tpu.vector_load %arg14[%get3A_641, %get3A_642] {strides = array<i32>} : memref<112x128xf32, #tpu.memory_space<vmem>>, vector<16xf32>,
        %mul3A_644 = vector.broadcast %squeeze3A : f32 to vector<16xf32>
        %mul3A_645 = arith.mulf %get3A_643, %mul3A_644 : vector<16xf32>
        %swap3A_646 = arith.index_cast %add3A_592 : i32 to index
        %swap3A_647 = arith.constant 96 : index
        %swap3A_648 = tpu.vector_load %arg14[%swap3A_646, %swap3A_647] {strides = array<i32>} : memref<112x128xf32, #tpu.memory_space<vmem>>, vector<16xf32>,
        tpu.vector_store %arg14[%swap3A_646, %swap3A_647], %mul3A_645 {strides = array<i32>} : memref<112x128xf32, #tpu.memory_space<vmem>>, vector<16xf32>,
        %get3A_649 = arith.index_cast %add3A_592 : i32 to index
        %get3A_650 = arith.constant 112 : index
        %get3A_651 = tpu.vector_load %arg14[%get3A_649, %get3A_650] {strides = array<i32>} : memref<112x128xf32, #tpu.memory_space<vmem>>, vector<16xf32>,
        %mul3A_652 = vector.broadcast %squeeze3A : f32 to vector<16xf32>
        %mul3A_653 = arith.mulf %get3A_651, %mul3A_652 : vector<16xf32>
        %swap3A_654 = arith.index_cast %add3A_592 : i32 to index
        %swap3A_655 = arith.constant 112 : index
        %swap3A_656 = tpu.vector_load %arg14[%swap3A_654, %swap3A_655] {strides = array<i32>} : memref<112x128xf32, #tpu.memory_space<vmem>>, vector<16xf32>,
        tpu.vector_store %arg14[%swap3A_654, %swap3A_655], %mul3A_653 {strides = array<i32>} : memref<112x128xf32, #tpu.memory_space<vmem>>, vector<16xf32>,
        %slice3A_657 = vector.extract_strided_slice %get3A_588 {offsets = [1], sizes = [1], strides = [1]} : vector<16xf32> to vector<1xf32>
        %squeeze3A_658 = vector.extract %slice3A_657[0] : f32 from vector<1xf32>
        %mul3A_659 = arith.constant 16 : i32
        %mul3A_660 = arith.muli %add3A_584, %mul3A_659 : i32
        %add3A_661 = arith.constant 1 : i32
        %add3A_662 = arith.addi %mul3A_660, %add3A_661 : i32
        %get3A_663 = arith.index_cast %add3A_662 : i32 to index
        %get3A_664 = arith.constant 0 : index
        %get3A_665 = tpu.vector_load %arg14[%get3A_663, %get3A_664] {strides = array<i32>} : memref<112x128xf32, #tpu.memory_space<vmem>>, vector<16xf32>,
        %mul3A_666 = vector.broadcast %squeeze3A_658 : f32 to vector<16xf32>
        %mul3A_667 = arith.mulf %get3A_665, %mul3A_666 : vector<16xf32>
        %swap3A_668 = arith.index_cast %add3A_662 : i32 to index
        %swap3A_669 = arith.constant 0 : index
        %swap3A_670 = tpu.vector_load %arg14[%swap3A_668, %swap3A_669] {strides = array<i32>} : memref<112x128xf32, #tpu.memory_space<vmem>>, vector<16xf32>,
        tpu.vector_store %arg14[%swap3A_668, %swap3A_669], %mul3A_667 {strides = array<i32>} : memref<112x128xf32, #tpu.memory_space<vmem>>, vector<16xf32>,
        %get3A_671 = arith.index_cast %add3A_662 : i32 to index
        %get3A_672 = arith.constant 16 : index
        %get3A_673 = tpu.vector_load %arg14[%get3A_671, %get3A_672] {strides = array<i32>} : memref<112x128xf32, #tpu.memory_space<vmem>>, vector<16xf32>,
        %mul3A_674 = vector.broadcast %squeeze3A_658 : f32 to vector<16xf32>
        %mul3A_675 = arith.mulf %get3A_673, %mul3A_674 : vector<16xf32>
        %swap3A_676 = arith.index_cast %add3A_662 : i32 to index
        %swap3A_677 = arith.constant 16 : index
        %swap3A_678 = tpu.vector_load %arg14[%swap3A_676, %swap3A_677] {strides = array<i32>} : memref<112x128xf32, #tpu.memory_space<vmem>>, vector<16xf32>,
        tpu.vector_store %arg14[%swap3A_676, %swap3A_677], %mul3A_675 {strides = array<i32>} : memref<112x128xf32, #tpu.memory_space<vmem>>, vector<16xf32>,
        %get3A_679 = arith.index_cast %add3A_662 : i32 to index
        %get3A_680 = arith.constant 32 : index
        %get3A_681 = tpu.vector_load %arg14[%get3A_679, %get3A_680] {strides = array<i32>} : memref<112x128xf32, #tpu.memory_space<vmem>>, vector<16xf32>,
        %mul3A_682 = vector.broadcast %squeeze3A_658 : f32 to vector<16xf32>
        %mul3A_683 = arith.mulf %get3A_681, %mul3A_682 : vector<16xf32>
        %swap3A_684 = arith.index_cast %add3A_662 : i32 to index
        %swap3A_685 = arith.constant 32 : index
        %swap3A_686 = tpu.vector_load %arg14[%swap3A_684, %swap3A_685] {strides = array<i32>} : memref<112x128xf32, #tpu.memory_space<vmem>>, vector<16xf32>,
        tpu.vector_store %arg14[%swap3A_684, %swap3A_685], %mul3A_683 {strides = array<i32>} : memref<112x128xf32, #tpu.memory_space<vmem>>, vector<16xf32>,
        %get3A_687 = arith.index_cast %add3A_662 : i32 to index
        %get3A_688 = arith.constant 48 : index
        %get3A_689 = tpu.vector_load %arg14[%get3A_687, %get3A_688] {strides = array<i32>} : memref<112x128xf32, #tpu.memory_space<vmem>>, vector<16xf32>,
        %mul3A_690 = vector.broadcast %squeeze3A_658 : f32 to vector<16xf32>
        %mul3A_691 = arith.mulf %get3A_689, %mul3A_690 : vector<16xf32>
        %swap3A_692 = arith.index_cast %add3A_662 : i32 to index
        %swap3A_693 = arith.constant 48 : index
        %swap3A_694 = tpu.vector_load %arg14[%swap3A_692, %swap3A_693] {strides = array<i32>} : memref<112x128xf32, #tpu.memory_space<vmem>>, vector<16xf32>,
        tpu.vector_store %arg14[%swap3A_692, %swap3A_693], %mul3A_691 {strides = array<i32>} : memref<112x128xf32, #tpu.memory_space<vmem>>, vector<16xf32>,
        %get3A_695 = arith.index_cast %add3A_662 : i32 to index
        %get3A_696 = arith.constant 64 : index
        %get3A_697 = tpu.vector_load %arg14[%get3A_695, %get3A_696] {strides = array<i32>} : memref<112x128xf32, #tpu.memory_space<vmem>>, vector<16xf32>,
        %mul3A_698 = vector.broadcast %squeeze3A_658 : f32 to vector<16xf32>
        %mul3A_699 = arith.mulf %get3A_697, %mul3A_698 : vector<16xf32>
        %swap3A_700 = arith.index_cast %add3A_662 : i32 to index
        %swap3A_701 = arith.constant 64 : index
        %swap3A_702 = tpu.vector_load %arg14[%swap3A_700, %swap3A_701] {strides = array<i32>} : memref<112x128xf32, #tpu.memory_space<vmem>>, vector<16xf32>,
        tpu.vector_store %arg14[%swap3A_700, %swap3A_701], %mul3A_699 {strides = array<i32>} : memref<112x128xf32, #tpu.memory_space<vmem>>, vector<16xf32>,
        %get3A_703 = arith.index_cast %add3A_662 : i32 to index
        %get3A_704 = arith.constant 80 : index
        %get3A_705 = tpu.vector_load %arg14[%get3A_703, %get3A_704] {strides = array<i32>} : memref<112x128xf32, #tpu.memory_space<vmem>>, vector<16xf32>,
        %mul3A_706 = vector.broadcast %squeeze3A_658 : f32 to vector<16xf32>
        %mul3A_707 = arith.mulf %get3A_705, %mul3A_706 : vector<16xf32>
        %swap3A_708 = arith.index_cast %add3A_662 : i32 to index
        %swap3A_709 = arith.constant 80 : index
        %swap3A_710 = tpu.vector_load %arg14[%swap3A_708, %swap3A_709] {strides = array<i32>} : memref<112x128xf32, #tpu.memory_space<vmem>>, vector<16xf32>,
        tpu.vector_store %arg14[%swap3A_708, %swap3A_709], %mul3A_707 {strides = array<i32>} : memref<112x128xf32, #tpu.memory_space<vmem>>, vector<16xf32>,
        %get3A_711 = arith.index_cast %add3A_662 : i32 to index
        %get3A_712 = arith.constant 96 : index
        %get3A_713 = tpu.vector_load %arg14[%get3A_711, %get3A_712] {strides = array<i32>} : memref<112x128xf32, #tpu.memory_space<vmem>>, vector<16xf32>,
        %mul3A_714 = vector.broadcast %squeeze3A_658 : f32 to vector<16xf32>
        %mul3A_715 = arith.mulf %get3A_713, %mul3A_714 : vector<16xf32>
        %swap3A_716 = arith.index_cast %add3A_662 : i32 to index
        %swap3A_717 = arith.constant 96 : index
        %swap3A_718 = tpu.vector_load %arg14[%swap3A_716, %swap3A_717] {strides = array<i32>} : memref<112x128xf32, #tpu.memory_space<vmem>>, vector<16xf32>,
        tpu.vector_store %arg14[%swap3A_716, %swap3A_717], %mul3A_715 {strides = array<i32>} : memref<112x128xf32, #tpu.memory_space<vmem>>, vector<16xf32>,
        %get3A_719 = arith.index_cast %add3A_662 : i32 to index
        %get3A_720 = arith.constant 112 : index
        %get3A_721 = tpu.vector_load %arg14[%get3A_719, %get3A_720] {strides = array<i32>} : memref<112x128xf32, #tpu.memory_space<vmem>>, vector<16xf32>,
        %mul3A_722 = vector.broadcast %squeeze3A_658 : f32 to vector<16xf32>
        %mul3A_723 = arith.mulf %get3A_721, %mul3A_722 : vector<16xf32>
        %swap3A_724 = arith.index_cast %add3A_662 : i32 to index
        %swap3A_725 = arith.constant 112 : index
        %swap3A_726 = tpu.vector_load %arg14[%swap3A_724, %swap3A_725] {strides = array<i32>} : memref<112x128xf32, #tpu.memory_space<vmem>>, vector<16xf32>,
        tpu.vector_store %arg14[%swap3A_724, %swap3A_725], %mul3A_723 {strides = array<i32>} : memref<112x128xf32, #tpu.memory_space<vmem>>, vector<16xf32>,
        %slice3A_727 = vector.extract_strided_slice %get3A_588 {offsets = [2], sizes = [1], strides = [1]} : vector<16xf32> to vector<1xf32>
        %squeeze3A_728 = vector.extract %slice3A_727[0] : f32 from vector<1xf32>
        %mul3A_729 = arith.constant 16 : i32
        %mul3A_730 = arith.muli %add3A_584, %mul3A_729 : i32
        %add3A_731 = arith.constant 2 : i32
        %add3A_732 = arith.addi %mul3A_730, %add3A_731 : i32
        %get3A_733 = arith.index_cast %add3A_732 : i32 to index
        %get3A_734 = arith.constant 0 : index
        %get3A_735 = tpu.vector_load %arg14[%get3A_733, %get3A_734] {strides = array<i32>} : memref<112x128xf32, #tpu.memory_space<vmem>>, vector<16xf32>,
        %mul3A_736 = vector.broadcast %squeeze3A_728 : f32 to vector<16xf32>
        %mul3A_737 = arith.mulf %get3A_735, %mul3A_736 : vector<16xf32>
        %swap3A_738 = arith.index_cast %add3A_732 : i32 to index
        %swap3A_739 = arith.constant 0 : index
        %swap3A_740 = tpu.vector_load %arg14[%swap3A_738, %swap3A_739] {strides = array<i32>} : memref<112x128xf32, #tpu.memory_space<vmem>>, vector<16xf32>,
        tpu.vector_store %arg14[%swap3A_738, %swap3A_739], %mul3A_737 {strides = array<i32>} : memref<112x128xf32, #tpu.memory_space<vmem>>, vector<16xf32>,
        %get3A_741 = arith.index_cast %add3A_732 : i32 to index
        %get3A_742 = arith.constant 16 : index
        %get3A_743 = tpu.vector_load %arg14[%get3A_741, %get3A_742] {strides = array<i32>} : memref<112x128xf32, #tpu.memory_space<vmem>>, vector<16xf32>,
        %mul3A_744 = vector.broadcast %squeeze3A_728 : f32 to vector<16xf32>
        %mul3A_745 = arith.mulf %get3A_743, %mul3A_744 : vector<16xf32>
        %swap3A_746 = arith.index_cast %add3A_732 : i32 to index
        %swap3A_747 = arith.constant 16 : index
        %swap3A_748 = tpu.vector_load %arg14[%swap3A_746, %swap3A_747] {strides = array<i32>} : memref<112x128xf32, #tpu.memory_space<vmem>>, vector<16xf32>,
        tpu.vector_store %arg14[%swap3A_746, %swap3A_747], %mul3A_745 {strides = array<i32>} : memref<112x128xf32, #tpu.memory_space<vmem>>, vector<16xf32>,
        %get3A_749 = arith.index_cast %add3A_732 : i32 to index
        %get3A_750 = arith.constant 32 : index
        %get3A_751 = tpu.vector_load %arg14[%get3A_749, %get3A_750] {strides = array<i32>} : memref<112x128xf32, #tpu.memory_space<vmem>>, vector<16xf32>,
        %mul3A_752 = vector.broadcast %squeeze3A_728 : f32 to vector<16xf32>
        %mul3A_753 = arith.mulf %get3A_751, %mul3A_752 : vector<16xf32>
        %swap3A_754 = arith.index_cast %add3A_732 : i32 to index
        %swap3A_755 = arith.constant 32 : index
        %swap3A_756 = tpu.vector_load %arg14[%swap3A_754, %swap3A_755] {strides = array<i32>} : memref<112x128xf32, #tpu.memory_space<vmem>>, vector<16xf32>,
        tpu.vector_store %arg14[%swap3A_754, %swap3A_755], %mul3A_753 {strides = array<i32>} : memref<112x128xf32, #tpu.memory_space<vmem>>, vector<16xf32>,
        %get3A_757 = arith.index_cast %add3A_732 : i32 to index
        %get3A_758 = arith.constant 48 : index
        %get3A_759 = tpu.vector_load %arg14[%get3A_757, %get3A_758] {strides = array<i32>} : memref<112x128xf32, #tpu.memory_space<vmem>>, vector<16xf32>,
        %mul3A_760 = vector.broadcast %squeeze3A_728 : f32 to vector<16xf32>
        %mul3A_761 = arith.mulf %get3A_759, %mul3A_760 : vector<16xf32>
        %swap3A_762 = arith.index_cast %add3A_732 : i32 to index
        %swap3A_763 = arith.constant 48 : index
        %swap3A_764 = tpu.vector_load %arg14[%swap3A_762, %swap3A_763] {strides = array<i32>} : memref<112x128xf32, #tpu.memory_space<vmem>>, vector<16xf32>,
        tpu.vector_store %arg14[%swap3A_762, %swap3A_763], %mul3A_761 {strides = array<i32>} : memref<112x128xf32, #tpu.memory_space<vmem>>, vector<16xf32>,
        %get3A_765 = arith.index_cast %add3A_732 : i32 to index
        %get3A_766 = arith.constant 64 : index
        %get3A_767 = tpu.vector_load %arg14[%get3A_765, %get3A_766] {strides = array<i32>} : memref<112x128xf32, #tpu.memory_space<vmem>>, vector<16xf32>,
        %mul3A_768 = vector.broadcast %squeeze3A_728 : f32 to vector<16xf32>
        %mul3A_769 = arith.mulf %get3A_767, %mul3A_768 : vector<16xf32>
        %swap3A_770 = arith.index_cast %add3A_732 : i32 to index
        %swap3A_771 = arith.constant 64 : index
        %swap3A_772 = tpu.vector_load %arg14[%swap3A_770, %swap3A_771] {strides = array<i32>} : memref<112x128xf32, #tpu.memory_space<vmem>>, vector<16xf32>,
        tpu.vector_store %arg14[%swap3A_770, %swap3A_771], %mul3A_769 {strides = array<i32>} : memref<112x128xf32, #tpu.memory_space<vmem>>, vector<16xf32>,
        %get3A_773 = arith.index_cast %add3A_732 : i32 to index
        %get3A_774 = arith.constant 80 : index
        %get3A_775 = tpu.vector_load %arg14[%get3A_773, %get3A_774] {strides = array<i32>} : memref<112x128xf32, #tpu.memory_space<vmem>>, vector<16xf32>,
        %mul3A_776 = vector.broadcast %squeeze3A_728 : f32 to vector<16xf32>
        %mul3A_777 = arith.mulf %get3A_775, %mul3A_776 : vector<16xf32>
        %swap3A_778 = arith.index_cast %add3A_732 : i32 to index
        %swap3A_779 = arith.constant 80 : index
        %swap3A_780 = tpu.vector_load %arg14[%swap3A_778, %swap3A_779] {strides = array<i32>} : memref<112x128xf32, #tpu.memory_space<vmem>>, vector<16xf32>,
        tpu.vector_store %arg14[%swap3A_778, %swap3A_779], %mul3A_777 {strides = array<i32>} : memref<112x128xf32, #tpu.memory_space<vmem>>, vector<16xf32>,
        %get3A_781 = arith.index_cast %add3A_732 : i32 to index
        %get3A_782 = arith.constant 96 : index
        %get3A_783 = tpu.vector_load %arg14[%get3A_781, %get3A_782] {strides = array<i32>} : memref<112x128xf32, #tpu.memory_space<vmem>>, vector<16xf32>,
        %mul3A_784 = vector.broadcast %squeeze3A_728 : f32 to vector<16xf32>
        %mul3A_785 = arith.mulf %get3A_783, %mul3A_784 : vector<16xf32>
        %swap3A_786 = arith.index_cast %add3A_732 : i32 to index
        %swap3A_787 = arith.constant 96 : index
        %swap3A_788 = tpu.vector_load %arg14[%swap3A_786, %swap3A_787] {strides = array<i32>} : memref<112x128xf32, #tpu.memory_space<vmem>>, vector<16xf32>,
        tpu.vector_store %arg14[%swap3A_786, %swap3A_787], %mul3A_785 {strides = array<i32>} : memref<112x128xf32, #tpu.memory_space<vmem>>, vector<16xf32>,
        %get3A_789 = arith.index_cast %add3A_732 : i32 to index
        %get3A_790 = arith.constant 112 : index
        %get3A_791 = tpu.vector_load %arg14[%get3A_789, %get3A_790] {strides = array<i32>} : memref<112x128xf32, #tpu.memory_space<vmem>>, vector<16xf32>,
        %mul3A_792 = vector.broadcast %squeeze3A_728 : f32 to vector<16xf32>
        %mul3A_793 = arith.mulf %get3A_791, %mul3A_792 : vector<16xf32>
        %swap3A_794 = arith.index_cast %add3A_732 : i32 to index
        %swap3A_795 = arith.constant 112 : index
        %swap3A_796 = tpu.vector_load %arg14[%swap3A_794, %swap3A_795] {strides = array<i32>} : memref<112x128xf32, #tpu.memory_space<vmem>>, vector<16xf32>,
        tpu.vector_store %arg14[%swap3A_794, %swap3A_795], %mul3A_793 {strides = array<i32>} : memref<112x128xf32, #tpu.memory_space<vmem>>, vector<16xf32>,
        %slice3A_797 = vector.extract_strided_slice %get3A_588 {offsets = [3], sizes = [1], strides = [1]} : vector<16xf32> to vector<1xf32>
        %squeeze3A_798 = vector.extract %slice3A_797[0] : f32 from vector<1xf32>
        %mul3A_799 = arith.constant 16 : i32
        %mul3A_800 = arith.muli %add3A_584, %mul3A_799 : i32
        %add3A_801 = arith.constant 3 : i32
        %add3A_802 = arith.addi %mul3A_800, %add3A_801 : i32
        %get3A_803 = arith.index_cast %add3A_802 : i32 to index
        %get3A_804 = arith.constant 0 : index
        %get3A_805 = tpu.vector_load %arg14[%get3A_803, %get3A_804] {strides = array<i32>} : memref<112x128xf32, #tpu.memory_space<vmem>>, vector<16xf32>,
        %mul3A_806 = vector.broadcast %squeeze3A_798 : f32 to vector<16xf32>
        %mul3A_807 = arith.mulf %get3A_805, %mul3A_806 : vector<16xf32>
        %swap3A_808 = arith.index_cast %add3A_802 : i32 to index
        %swap3A_809 = arith.constant 0 : index
        %swap3A_810 = tpu.vector_load %arg14[%swap3A_808, %swap3A_809] {strides = array<i32>} : memref<112x128xf32, #tpu.memory_space<vmem>>, vector<16xf32>,
        tpu.vector_store %arg14[%swap3A_808, %swap3A_809], %mul3A_807 {strides = array<i32>} : memref<112x128xf32, #tpu.memory_space<vmem>>, vector<16xf32>,
        %get3A_811 = arith.index_cast %add3A_802 : i32 to index
        %get3A_812 = arith.constant 16 : index
        %get3A_813 = tpu.vector_load %arg14[%get3A_811, %get3A_812] {strides = array<i32>} : memref<112x128xf32, #tpu.memory_space<vmem>>, vector<16xf32>,
        %mul3A_814 = vector.broadcast %squeeze3A_798 : f32 to vector<16xf32>
        %mul3A_815 = arith.mulf %get3A_813, %mul3A_814 : vector<16xf32>
        %swap3A_816 = arith.index_cast %add3A_802 : i32 to index
        %swap3A_817 = arith.constant 16 : index
        %swap3A_818 = tpu.vector_load %arg14[%swap3A_816, %swap3A_817] {strides = array<i32>} : memref<112x128xf32, #tpu.memory_space<vmem>>, vector<16xf32>,
        tpu.vector_store %arg14[%swap3A_816, %swap3A_817], %mul3A_815 {strides = array<i32>} : memref<112x128xf32, #tpu.memory_space<vmem>>, vector<16xf32>,
        %get3A_819 = arith.index_cast %add3A_802 : i32 to index
        %get3A_820 = arith.constant 32 : index
        %get3A_821 = tpu.vector_load %arg14[%get3A_819, %get3A_820] {strides = array<i32>} : memref<112x128xf32, #tpu.memory_space<vmem>>, vector<16xf32>,
        %mul3A_822 = vector.broadcast %squeeze3A_798 : f32 to vector<16xf32>
        %mul3A_823 = arith.mulf %get3A_821, %mul3A_822 : vector<16xf32>
        %swap3A_824 = arith.index_cast %add3A_802 : i32 to index
        %swap3A_825 = arith.constant 32 : index
        %swap3A_826 = tpu.vector_load %arg14[%swap3A_824, %swap3A_825] {strides = array<i32>} : memref<112x128xf32, #tpu.memory_space<vmem>>, vector<16xf32>,
        tpu.vector_store %arg14[%swap3A_824, %swap3A_825], %mul3A_823 {strides = array<i32>} : memref<112x128xf32, #tpu.memory_space<vmem>>, vector<16xf32>,
        %get3A_827 = arith.index_cast %add3A_802 : i32 to index
        %get3A_828 = arith.constant 48 : index
        %get3A_829 = tpu.vector_load %arg14[%get3A_827, %get3A_828] {strides = array<i32>} : memref<112x128xf32, #tpu.memory_space<vmem>>, vector<16xf32>,
        %mul3A_830 = vector.broadcast %squeeze3A_798 : f32 to vector<16xf32>
        %mul3A_831 = arith.mulf %get3A_829, %mul3A_830 : vector<16xf32>
        %swap3A_832 = arith.index_cast %add3A_802 : i32 to index
        %swap3A_833 = arith.constant 48 : index
        %swap3A_834 = tpu.vector_load %arg14[%swap3A_832, %swap3A_833] {strides = array<i32>} : memref<112x128xf32, #tpu.memory_space<vmem>>, vector<16xf32>,
        tpu.vector_store %arg14[%swap3A_832, %swap3A_833], %mul3A_831 {strides = array<i32>} : memref<112x128xf32, #tpu.memory_space<vmem>>, vector<16xf32>,
        %get3A_835 = arith.index_cast %add3A_802 : i32 to index
        %get3A_836 = arith.constant 64 : index
        %get3A_837 = tpu.vector_load %arg14[%get3A_835, %get3A_836] {strides = array<i32>} : memref<112x128xf32, #tpu.memory_space<vmem>>, vector<16xf32>,
        %mul3A_838 = vector.broadcast %squeeze3A_798 : f32 to vector<16xf32>
        %mul3A_839 = arith.mulf %get3A_837, %mul3A_838 : vector<16xf32>
        %swap3A_840 = arith.index_cast %add3A_802 : i32 to index
        %swap3A_841 = arith.constant 64 : index
        %swap3A_842 = tpu.vector_load %arg14[%swap3A_840, %swap3A_841] {strides = array<i32>} : memref<112x128xf32, #tpu.memory_space<vmem>>, vector<16xf32>,
        tpu.vector_store %arg14[%swap3A_840, %swap3A_841], %mul3A_839 {strides = array<i32>} : memref<112x128xf32, #tpu.memory_space<vmem>>, vector<16xf32>,
        %get3A_843 = arith.index_cast %add3A_802 : i32 to index
        %get3A_844 = arith.constant 80 : index
        %get3A_845 = tpu.vector_load %arg14[%get3A_843, %get3A_844] {strides = array<i32>} : memref<112x128xf32, #tpu.memory_space<vmem>>, vector<16xf32>,
        %mul3A_846 = vector.broadcast %squeeze3A_798 : f32 to vector<16xf32>
        %mul3A_847 = arith.mulf %get3A_845, %mul3A_846 : vector<16xf32>
        %swap3A_848 = arith.index_cast %add3A_802 : i32 to index
        %swap3A_849 = arith.constant 80 : index
        %swap3A_850 = tpu.vector_load %arg14[%swap3A_848, %swap3A_849] {strides = array<i32>} : memref<112x128xf32, #tpu.memory_space<vmem>>, vector<16xf32>,
        tpu.vector_store %arg14[%swap3A_848, %swap3A_849], %mul3A_847 {strides = array<i32>} : memref<112x128xf32, #tpu.memory_space<vmem>>, vector<16xf32>,
        %get3A_851 = arith.index_cast %add3A_802 : i32 to index
        %get3A_852 = arith.constant 96 : index
        %get3A_853 = tpu.vector_load %arg14[%get3A_851, %get3A_852] {strides = array<i32>} : memref<112x128xf32, #tpu.memory_space<vmem>>, vector<16xf32>,
        %mul3A_854 = vector.broadcast %squeeze3A_798 : f32 to vector<16xf32>
        %mul3A_855 = arith.mulf %get3A_853, %mul3A_854 : vector<16xf32>
        %swap3A_856 = arith.index_cast %add3A_802 : i32 to index
        %swap3A_857 = arith.constant 96 : index
        %swap3A_858 = tpu.vector_load %arg14[%swap3A_856, %swap3A_857] {strides = array<i32>} : memref<112x128xf32, #tpu.memory_space<vmem>>, vector<16xf32>,
        tpu.vector_store %arg14[%swap3A_856, %swap3A_857], %mul3A_855 {strides = array<i32>} : memref<112x128xf32, #tpu.memory_space<vmem>>, vector<16xf32>,
        %get3A_859 = arith.index_cast %add3A_802 : i32 to index
        %get3A_860 = arith.constant 112 : index
        %get3A_861 = tpu.vector_load %arg14[%get3A_859, %get3A_860] {strides = array<i32>} : memref<112x128xf32, #tpu.memory_space<vmem>>, vector<16xf32>,
        %mul3A_862 = vector.broadcast %squeeze3A_798 : f32 to vector<16xf32>
        %mul3A_863 = arith.mulf %get3A_861, %mul3A_862 : vector<16xf32>
        %swap3A_864 = arith.index_cast %add3A_802 : i32 to index
        %swap3A_865 = arith.constant 112 : index
        %swap3A_866 = tpu.vector_load %arg14[%swap3A_864, %swap3A_865] {strides = array<i32>} : memref<112x128xf32, #tpu.memory_space<vmem>>, vector<16xf32>,
        tpu.vector_store %arg14[%swap3A_864, %swap3A_865], %mul3A_863 {strides = array<i32>} : memref<112x128xf32, #tpu.memory_space<vmem>>, vector<16xf32>,
        %slice3A_867 = vector.extract_strided_slice %get3A_588 {offsets = [4], sizes = [1], strides = [1]} : vector<16xf32> to vector<1xf32>
        %squeeze3A_868 = vector.extract %slice3A_867[0] : f32 from vector<1xf32>
        %mul3A_869 = arith.constant 16 : i32
        %mul3A_870 = arith.muli %add3A_584, %mul3A_869 : i32
        %add3A_871 = arith.constant 4 : i32
        %add3A_872 = arith.addi %mul3A_870, %add3A_871 : i32
        %get3A_873 = arith.index_cast %add3A_872 : i32 to index
        %get3A_874 = arith.constant 0 : index
        %get3A_875 = tpu.vector_load %arg14[%get3A_873, %get3A_874] {strides = array<i32>} : memref<112x128xf32, #tpu.memory_space<vmem>>, vector<16xf32>,
        %mul3A_876 = vector.broadcast %squeeze3A_868 : f32 to vector<16xf32>
        %mul3A_877 = arith.mulf %get3A_875, %mul3A_876 : vector<16xf32>
        %swap3A_878 = arith.index_cast %add3A_872 : i32 to index
        %swap3A_879 = arith.constant 0 : index
        %swap3A_880 = tpu.vector_load %arg14[%swap3A_878, %swap3A_879] {strides = array<i32>} : memref<112x128xf32, #tpu.memory_space<vmem>>, vector<16xf32>,
        tpu.vector_store %arg14[%swap3A_878, %swap3A_879], %mul3A_877 {strides = array<i32>} : memref<112x128xf32, #tpu.memory_space<vmem>>, vector<16xf32>,
        %get3A_881 = arith.index_cast %add3A_872 : i32 to index
        %get3A_882 = arith.constant 16 : index
        %get3A_883 = tpu.vector_load %arg14[%get3A_881, %get3A_882] {strides = array<i32>} : memref<112x128xf32, #tpu.memory_space<vmem>>, vector<16xf32>,
        %mul3A_884 = vector.broadcast %squeeze3A_868 : f32 to vector<16xf32>
        %mul3A_885 = arith.mulf %get3A_883, %mul3A_884 : vector<16xf32>
        %swap3A_886 = arith.index_cast %add3A_872 : i32 to index
        %swap3A_887 = arith.constant 16 : index
        %swap3A_888 = tpu.vector_load %arg14[%swap3A_886, %swap3A_887] {strides = array<i32>} : memref<112x128xf32, #tpu.memory_space<vmem>>, vector<16xf32>,
        tpu.vector_store %arg14[%swap3A_886, %swap3A_887], %mul3A_885 {strides = array<i32>} : memref<112x128xf32, #tpu.memory_space<vmem>>, vector<16xf32>,
        %get3A_889 = arith.index_cast %add3A_872 : i32 to index
        %get3A_890 = arith.constant 32 : index
        %get3A_891 = tpu.vector_load %arg14[%get3A_889, %get3A_890] {strides = array<i32>} : memref<112x128xf32, #tpu.memory_space<vmem>>, vector<16xf32>,
        %mul3A_892 = vector.broadcast %squeeze3A_868 : f32 to vector<16xf32>
        %mul3A_893 = arith.mulf %get3A_891, %mul3A_892 : vector<16xf32>
        %swap3A_894 = arith.index_cast %add3A_872 : i32 to index
        %swap3A_895 = arith.constant 32 : index
        %swap3A_896 = tpu.vector_load %arg14[%swap3A_894, %swap3A_895] {strides = array<i32>} : memref<112x128xf32, #tpu.memory_space<vmem>>, vector<16xf32>,
        tpu.vector_store %arg14[%swap3A_894, %swap3A_895], %mul3A_893 {strides = array<i32>} : memref<112x128xf32, #tpu.memory_space<vmem>>, vector<16xf32>,
        %get3A_897 = arith.index_cast %add3A_872 : i32 to index
        %get3A_898 = arith.constant 48 : index
        %get3A_899 = tpu.vector_load %arg14[%get3A_897, %get3A_898] {strides = array<i32>} : memref<112x128xf32, #tpu.memory_space<vmem>>, vector<16xf32>,
        %mul3A_900 = vector.broadcast %squeeze3A_868 : f32 to vector<16xf32>
        %mul3A_901 = arith.mulf %get3A_899, %mul3A_900 : vector<16xf32>
        %swap3A_902 = arith.index_cast %add3A_872 : i32 to index
        %swap3A_903 = arith.constant 48 : index
        %swap3A_904 = tpu.vector_load %arg14[%swap3A_902, %swap3A_903] {strides = array<i32>} : memref<112x128xf32, #tpu.memory_space<vmem>>, vector<16xf32>,
        tpu.vector_store %arg14[%swap3A_902, %swap3A_903], %mul3A_901 {strides = array<i32>} : memref<112x128xf32, #tpu.memory_space<vmem>>, vector<16xf32>,
        %get3A_905 = arith.index_cast %add3A_872 : i32 to index
        %get3A_906 = arith.constant 64 : index
        %get3A_907 = tpu.vector_load %arg14[%get3A_905, %get3A_906] {strides = array<i32>} : memref<112x128xf32, #tpu.memory_space<vmem>>, vector<16xf32>,
        %mul3A_908 = vector.broadcast %squeeze3A_868 : f32 to vector<16xf32>
        %mul3A_909 = arith.mulf %get3A_907, %mul3A_908 : vector<16xf32>
        %swap3A_910 = arith.index_cast %add3A_872 : i32 to index
        %swap3A_911 = arith.constant 64 : index
        %swap3A_912 = tpu.vector_load %arg14[%swap3A_910, %swap3A_911] {strides = array<i32>} : memref<112x128xf32, #tpu.memory_space<vmem>>, vector<16xf32>,
        tpu.vector_store %arg14[%swap3A_910, %swap3A_911], %mul3A_909 {strides = array<i32>} : memref<112x128xf32, #tpu.memory_space<vmem>>, vector<16xf32>,
        %get3A_913 = arith.index_cast %add3A_872 : i32 to index
        %get3A_914 = arith.constant 80 : index
        %get3A_915 = tpu.vector_load %arg14[%get3A_913, %get3A_914] {strides = array<i32>} : memref<112x128xf32, #tpu.memory_space<vmem>>, vector<16xf32>,
        %mul3A_916 = vector.broadcast %squeeze3A_868 : f32 to vector<16xf32>
        %mul3A_917 = arith.mulf %get3A_915, %mul3A_916 : vector<16xf32>
        %swap3A_918 = arith.index_cast %add3A_872 : i32 to index
        %swap3A_919 = arith.constant 80 : index
        %swap3A_920 = tpu.vector_load %arg14[%swap3A_918, %swap3A_919] {strides = array<i32>} : memref<112x128xf32, #tpu.memory_space<vmem>>, vector<16xf32>,
        tpu.vector_store %arg14[%swap3A_918, %swap3A_919], %mul3A_917 {strides = array<i32>} : memref<112x128xf32, #tpu.memory_space<vmem>>, vector<16xf32>,
        %get3A_921 = arith.index_cast %add3A_872 : i32 to index
        %get3A_922 = arith.constant 96 : index
        %get3A_923 = tpu.vector_load %arg14[%get3A_921, %get3A_922] {strides = array<i32>} : memref<112x128xf32, #tpu.memory_space<vmem>>, vector<16xf32>,
        %mul3A_924 = vector.broadcast %squeeze3A_868 : f32 to vector<16xf32>
        %mul3A_925 = arith.mulf %get3A_923, %mul3A_924 : vector<16xf32>
        %swap3A_926 = arith.index_cast %add3A_872 : i32 to index
        %swap3A_927 = arith.constant 96 : index
        %swap3A_928 = tpu.vector_load %arg14[%swap3A_926, %swap3A_927] {strides = array<i32>} : memref<112x128xf32, #tpu.memory_space<vmem>>, vector<16xf32>,
        tpu.vector_store %arg14[%swap3A_926, %swap3A_927], %mul3A_925 {strides = array<i32>} : memref<112x128xf32, #tpu.memory_space<vmem>>, vector<16xf32>,
        %get3A_929 = arith.index_cast %add3A_872 : i32 to index
        %get3A_930 = arith.constant 112 : index
        %get3A_931 = tpu.vector_load %arg14[%get3A_929, %get3A_930] {strides = array<i32>} : memref<112x128xf32, #tpu.memory_space<vmem>>, vector<16xf32>,
        %mul3A_932 = vector.broadcast %squeeze3A_868 : f32 to vector<16xf32>
        %mul3A_933 = arith.mulf %get3A_931, %mul3A_932 : vector<16xf32>
        %swap3A_934 = arith.index_cast %add3A_872 : i32 to index
        %swap3A_935 = arith.constant 112 : index
        %swap3A_936 = tpu.vector_load %arg14[%swap3A_934, %swap3A_935] {strides = array<i32>} : memref<112x128xf32, #tpu.memory_space<vmem>>, vector<16xf32>,
        tpu.vector_store %arg14[%swap3A_934, %swap3A_935], %mul3A_933 {strides = array<i32>} : memref<112x128xf32, #tpu.memory_space<vmem>>, vector<16xf32>,
        %slice3A_937 = vector.extract_strided_slice %get3A_588 {offsets = [5], sizes = [1], strides = [1]} : vector<16xf32> to vector<1xf32>
        %squeeze3A_938 = vector.extract %slice3A_937[0] : f32 from vector<1xf32>
        %mul3A_939 = arith.constant 16 : i32
        %mul3A_940 = arith.muli %add3A_584, %mul3A_939 : i32
        %add3A_941 = arith.constant 5 : i32
        %add3A_942 = arith.addi %mul3A_940, %add3A_941 : i32
        %get3A_943 = arith.index_cast %add3A_942 : i32 to index
        %get3A_944 = arith.constant 0 : index
        %get3A_945 = tpu.vector_load %arg14[%get3A_943, %get3A_944] {strides = array<i32>} : memref<112x128xf32, #tpu.memory_space<vmem>>, vector<16xf32>,
        %mul3A_946 = vector.broadcast %squeeze3A_938 : f32 to vector<16xf32>
        %mul3A_947 = arith.mulf %get3A_945, %mul3A_946 : vector<16xf32>
        %swap3A_948 = arith.index_cast %add3A_942 : i32 to index
        %swap3A_949 = arith.constant 0 : index
        %swap3A_950 = tpu.vector_load %arg14[%swap3A_948, %swap3A_949] {strides = array<i32>} : memref<112x128xf32, #tpu.memory_space<vmem>>, vector<16xf32>,
        tpu.vector_store %arg14[%swap3A_948, %swap3A_949], %mul3A_947 {strides = array<i32>} : memref<112x128xf32, #tpu.memory_space<vmem>>, vector<16xf32>,
        %get3A_951 = arith.index_cast %add3A_942 : i32 to index
        %get3A_952 = arith.constant 16 : index
        %get3A_953 = tpu.vector_load %arg14[%get3A_951, %get3A_952] {strides = array<i32>} : memref<112x128xf32, #tpu.memory_space<vmem>>, vector<16xf32>,
        %mul3A_954 = vector.broadcast %squeeze3A_938 : f32 to vector<16xf32>
        %mul3A_955 = arith.mulf %get3A_953, %mul3A_954 : vector<16xf32>
        %swap3A_956 = arith.index_cast %add3A_942 : i32 to index
        %swap3A_957 = arith.constant 16 : index
        %swap3A_958 = tpu.vector_load %arg14[%swap3A_956, %swap3A_957] {strides = array<i32>} : memref<112x128xf32, #tpu.memory_space<vmem>>, vector<16xf32>,
        tpu.vector_store %arg14[%swap3A_956, %swap3A_957], %mul3A_955 {strides = array<i32>} : memref<112x128xf32, #tpu.memory_space<vmem>>, vector<16xf32>,
        %get3A_959 = arith.index_cast %add3A_942 : i32 to index
        %get3A_960 = arith.constant 32 : index
        %get3A_961 = tpu.vector_load %arg14[%get3A_959, %get3A_960] {strides = array<i32>} : memref<112x128xf32, #tpu.memory_space<vmem>>, vector<16xf32>,
        %mul3A_962 = vector.broadcast %squeeze3A_938 : f32 to vector<16xf32>
        %mul3A_963 = arith.mulf %get3A_961, %mul3A_962 : vector<16xf32>
        %swap3A_964 = arith.index_cast %add3A_942 : i32 to index
        %swap3A_965 = arith.constant 32 : index
        %swap3A_966 = tpu.vector_load %arg14[%swap3A_964, %swap3A_965] {strides = array<i32>} : memref<112x128xf32, #tpu.memory_space<vmem>>, vector<16xf32>,
        tpu.vector_store %arg14[%swap3A_964, %swap3A_965], %mul3A_963 {strides = array<i32>} : memref<112x128xf32, #tpu.memory_space<vmem>>, vector<16xf32>,
        %get3A_967 = arith.index_cast %add3A_942 : i32 to index
        %get3A_968 = arith.constant 48 : index
        %get3A_969 = tpu.vector_load %arg14[%get3A_967, %get3A_968] {strides = array<i32>} : memref<112x128xf32, #tpu.memory_space<vmem>>, vector<16xf32>,
        %mul3A_970 = vector.broadcast %squeeze3A_938 : f32 to vector<16xf32>
        %mul3A_971 = arith.mulf %get3A_969, %mul3A_970 : vector<16xf32>
        %swap3A_972 = arith.index_cast %add3A_942 : i32 to index
        %swap3A_973 = arith.constant 48 : index
        %swap3A_974 = tpu.vector_load %arg14[%swap3A_972, %swap3A_973] {strides = array<i32>} : memref<112x128xf32, #tpu.memory_space<vmem>>, vector<16xf32>,
        tpu.vector_store %arg14[%swap3A_972, %swap3A_973], %mul3A_971 {strides = array<i32>} : memref<112x128xf32, #tpu.memory_space<vmem>>, vector<16xf32>,
        %get3A_975 = arith.index_cast %add3A_942 : i32 to index
        %get3A_976 = arith.constant 64 : index
        %get3A_977 = tpu.vector_load %arg14[%get3A_975, %get3A_976] {strides = array<i32>} : memref<112x128xf32, #tpu.memory_space<vmem>>, vector<16xf32>,
        %mul3A_978 = vector.broadcast %squeeze3A_938 : f32 to vector<16xf32>
        %mul3A_979 = arith.mulf %get3A_977, %mul3A_978 : vector<16xf32>
        %swap3A_980 = arith.index_cast %add3A_942 : i32 to index
        %swap3A_981 = arith.constant 64 : index
        %swap3A_982 = tpu.vector_load %arg14[%swap3A_980, %swap3A_981] {strides = array<i32>} : memref<112x128xf32, #tpu.memory_space<vmem>>, vector<16xf32>,
        tpu.vector_store %arg14[%swap3A_980, %swap3A_981], %mul3A_979 {strides = array<i32>} : memref<112x128xf32, #tpu.memory_space<vmem>>, vector<16xf32>,
        %get3A_983 = arith.index_cast %add3A_942 : i32 to index
        %get3A_984 = arith.constant 80 : index
        %get3A_985 = tpu.vector_load %arg14[%get3A_983, %get3A_984] {strides = array<i32>} : memref<112x128xf32, #tpu.memory_space<vmem>>, vector<16xf32>,
        %mul3A_986 = vector.broadcast %squeeze3A_938 : f32 to vector<16xf32>
        %mul3A_987 = arith.mulf %get3A_985, %mul3A_986 : vector<16xf32>
        %swap3A_988 = arith.index_cast %add3A_942 : i32 to index
        %swap3A_989 = arith.constant 80 : index
        %swap3A_990 = tpu.vector_load %arg14[%swap3A_988, %swap3A_989] {strides = array<i32>} : memref<112x128xf32, #tpu.memory_space<vmem>>, vector<16xf32>,
        tpu.vector_store %arg14[%swap3A_988, %swap3A_989], %mul3A_987 {strides = array<i32>} : memref<112x128xf32, #tpu.memory_space<vmem>>, vector<16xf32>,
        %get3A_991 = arith.index_cast %add3A_942 : i32 to index
        %get3A_992 = arith.constant 96 : index
        %get3A_993 = tpu.vector_load %arg14[%get3A_991, %get3A_992] {strides = array<i32>} : memref<112x128xf32, #tpu.memory_space<vmem>>, vector<16xf32>,
        %mul3A_994 = vector.broadcast %squeeze3A_938 : f32 to vector<16xf32>
        %mul3A_995 = arith.mulf %get3A_993, %mul3A_994 : vector<16xf32>
        %swap3A_996 = arith.index_cast %add3A_942 : i32 to index
        %swap3A_997 = arith.constant 96 : index
        %swap3A_998 = tpu.vector_load %arg14[%swap3A_996, %swap3A_997] {strides = array<i32>} : memref<112x128xf32, #tpu.memory_space<vmem>>, vector<16xf32>,
        tpu.vector_store %arg14[%swap3A_996, %swap3A_997], %mul3A_995 {strides = array<i32>} : memref<112x128xf32, #tpu.memory_space<vmem>>, vector<16xf32>,
        %get3A_999 = arith.index_cast %add3A_942 : i32 to index
        %get3A_1000 = arith.constant 112 : index
        %get3A_1001 = tpu.vector_load %arg14[%get3A_999, %get3A_1000] {strides = array<i32>} : memref<112x128xf32, #tpu.memory_space<vmem>>, vector<16xf32>,
        %mul3A_1002 = vector.broadcast %squeeze3A_938 : f32 to vector<16xf32>
        %mul3A_1003 = arith.mulf %get3A_1001, %mul3A_1002 : vector<16xf32>
        %swap3A_1004 = arith.index_cast %add3A_942 : i32 to index
        %swap3A_1005 = arith.constant 112 : index
        %swap3A_1006 = tpu.vector_load %arg14[%swap3A_1004, %swap3A_1005] {strides = array<i32>} : memref<112x128xf32, #tpu.memory_space<vmem>>, vector<16xf32>,
        tpu.vector_store %arg14[%swap3A_1004, %swap3A_1005], %mul3A_1003 {strides = array<i32>} : memref<112x128xf32, #tpu.memory_space<vmem>>, vector<16xf32>,
        %slice3A_1007 = vector.extract_strided_slice %get3A_588 {offsets = [6], sizes = [1], strides = [1]} : vector<16xf32> to vector<1xf32>
        %squeeze3A_1008 = vector.extract %slice3A_1007[0] : f32 from vector<1xf32>
        %mul3A_1009 = arith.constant 16 : i32
        %mul3A_1010 = arith.muli %add3A_584, %mul3A_1009 : i32
        %add3A_1011 = arith.constant 6 : i32
        %add3A_1012 = arith.addi %mul3A_1010, %add3A_1011 : i32
        %get3A_1013 = arith.index_cast %add3A_1012 : i32 to index
        %get3A_1014 = arith.constant 0 : index
        %get3A_1015 = tpu.vector_load %arg14[%get3A_1013, %get3A_1014] {strides = array<i32>} : memref<112x128xf32, #tpu.memory_space<vmem>>, vector<16xf32>,
        %mul3A_1016 = vector.broadcast %squeeze3A_1008 : f32 to vector<16xf32>
        %mul3A_1017 = arith.mulf %get3A_1015, %mul3A_1016 : vector<16xf32>
        %swap3A_1018 = arith.index_cast %add3A_1012 : i32 to index
        %swap3A_1019 = arith.constant 0 : index
        %swap3A_1020 = tpu.vector_load %arg14[%swap3A_1018, %swap3A_1019] {strides = array<i32>} : memref<112x128xf32, #tpu.memory_space<vmem>>, vector<16xf32>,
        tpu.vector_store %arg14[%swap3A_1018, %swap3A_1019], %mul3A_1017 {strides = array<i32>} : memref<112x128xf32, #tpu.memory_space<vmem>>, vector<16xf32>,
        %get3A_1021 = arith.index_cast %add3A_1012 : i32 to index
        %get3A_1022 = arith.constant 16 : index
        %get3A_1023 = tpu.vector_load %arg14[%get3A_1021, %get3A_1022] {strides = array<i32>} : memref<112x128xf32, #tpu.memory_space<vmem>>, vector<16xf32>,
        %mul3A_1024 = vector.broadcast %squeeze3A_1008 : f32 to vector<16xf32>
        %mul3A_1025 = arith.mulf %get3A_1023, %mul3A_1024 : vector<16xf32>
        %swap3A_1026 = arith.index_cast %add3A_1012 : i32 to index
        %swap3A_1027 = arith.constant 16 : index
        %swap3A_1028 = tpu.vector_load %arg14[%swap3A_1026, %swap3A_1027] {strides = array<i32>} : memref<112x128xf32, #tpu.memory_space<vmem>>, vector<16xf32>,
        tpu.vector_store %arg14[%swap3A_1026, %swap3A_1027], %mul3A_1025 {strides = array<i32>} : memref<112x128xf32, #tpu.memory_space<vmem>>, vector<16xf32>,
        %get3A_1029 = arith.index_cast %add3A_1012 : i32 to index
        %get3A_1030 = arith.constant 32 : index
        %get3A_1031 = tpu.vector_load %arg14[%get3A_1029, %get3A_1030] {strides = array<i32>} : memref<112x128xf32, #tpu.memory_space<vmem>>, vector<16xf32>,
        %mul3A_1032 = vector.broadcast %squeeze3A_1008 : f32 to vector<16xf32>
        %mul3A_1033 = arith.mulf %get3A_1031, %mul3A_1032 : vector<16xf32>
        %swap3A_1034 = arith.index_cast %add3A_1012 : i32 to index
        %swap3A_1035 = arith.constant 32 : index
        %swap3A_1036 = tpu.vector_load %arg14[%swap3A_1034, %swap3A_1035] {strides = array<i32>} : memref<112x128xf32, #tpu.memory_space<vmem>>, vector<16xf32>,
        tpu.vector_store %arg14[%swap3A_1034, %swap3A_1035], %mul3A_1033 {strides = array<i32>} : memref<112x128xf32, #tpu.memory_space<vmem>>, vector<16xf32>,
        %get3A_1037 = arith.index_cast %add3A_1012 : i32 to index
        %get3A_1038 = arith.constant 48 : index
        %get3A_1039 = tpu.vector_load %arg14[%get3A_1037, %get3A_1038] {strides = array<i32>} : memref<112x128xf32, #tpu.memory_space<vmem>>, vector<16xf32>,
        %mul3A_1040 = vector.broadcast %squeeze3A_1008 : f32 to vector<16xf32>
        %mul3A_1041 = arith.mulf %get3A_1039, %mul3A_1040 : vector<16xf32>
        %swap3A_1042 = arith.index_cast %add3A_1012 : i32 to index
        %swap3A_1043 = arith.constant 48 : index
        %swap3A_1044 = tpu.vector_load %arg14[%swap3A_1042, %swap3A_1043] {strides = array<i32>} : memref<112x128xf32, #tpu.memory_space<vmem>>, vector<16xf32>,
        tpu.vector_store %arg14[%swap3A_1042, %swap3A_1043], %mul3A_1041 {strides = array<i32>} : memref<112x128xf32, #tpu.memory_space<vmem>>, vector<16xf32>,
        %get3A_1045 = arith.index_cast %add3A_1012 : i32 to index
        %get3A_1046 = arith.constant 64 : index
        %get3A_1047 = tpu.vector_load %arg14[%get3A_1045, %get3A_1046] {strides = array<i32>} : memref<112x128xf32, #tpu.memory_space<vmem>>, vector<16xf32>,
        %mul3A_1048 = vector.broadcast %squeeze3A_1008 : f32 to vector<16xf32>
        %mul3A_1049 = arith.mulf %get3A_1047, %mul3A_1048 : vector<16xf32>
        %swap3A_1050 = arith.index_cast %add3A_1012 : i32 to index
        %swap3A_1051 = arith.constant 64 : index
        %swap3A_1052 = tpu.vector_load %arg14[%swap3A_1050, %swap3A_1051] {strides = array<i32>} : memref<112x128xf32, #tpu.memory_space<vmem>>, vector<16xf32>,
        tpu.vector_store %arg14[%swap3A_1050, %swap3A_1051], %mul3A_1049 {strides = array<i32>} : memref<112x128xf32, #tpu.memory_space<vmem>>, vector<16xf32>,
        %get3A_1053 = arith.index_cast %add3A_1012 : i32 to index
        %get3A_1054 = arith.constant 80 : index
        %get3A_1055 = tpu.vector_load %arg14[%get3A_1053, %get3A_1054] {strides = array<i32>} : memref<112x128xf32, #tpu.memory_space<vmem>>, vector<16xf32>,
        %mul3A_1056 = vector.broadcast %squeeze3A_1008 : f32 to vector<16xf32>
        %mul3A_1057 = arith.mulf %get3A_1055, %mul3A_1056 : vector<16xf32>
        %swap3A_1058 = arith.index_cast %add3A_1012 : i32 to index
        %swap3A_1059 = arith.constant 80 : index
        %swap3A_1060 = tpu.vector_load %arg14[%swap3A_1058, %swap3A_1059] {strides = array<i32>} : memref<112x128xf32, #tpu.memory_space<vmem>>, vector<16xf32>,
        tpu.vector_store %arg14[%swap3A_1058, %swap3A_1059], %mul3A_1057 {strides = array<i32>} : memref<112x128xf32, #tpu.memory_space<vmem>>, vector<16xf32>,
        %get3A_1061 = arith.index_cast %add3A_1012 : i32 to index
        %get3A_1062 = arith.constant 96 : index
        %get3A_1063 = tpu.vector_load %arg14[%get3A_1061, %get3A_1062] {strides = array<i32>} : memref<112x128xf32, #tpu.memory_space<vmem>>, vector<16xf32>,
        %mul3A_1064 = vector.broadcast %squeeze3A_1008 : f32 to vector<16xf32>
        %mul3A_1065 = arith.mulf %get3A_1063, %mul3A_1064 : vector<16xf32>
        %swap3A_1066 = arith.index_cast %add3A_1012 : i32 to index
        %swap3A_1067 = arith.constant 96 : index
        %swap3A_1068 = tpu.vector_load %arg14[%swap3A_1066, %swap3A_1067] {strides = array<i32>} : memref<112x128xf32, #tpu.memory_space<vmem>>, vector<16xf32>,
        tpu.vector_store %arg14[%swap3A_1066, %swap3A_1067], %mul3A_1065 {strides = array<i32>} : memref<112x128xf32, #tpu.memory_space<vmem>>, vector<16xf32>,
        %get3A_1069 = arith.index_cast %add3A_1012 : i32 to index
        %get3A_1070 = arith.constant 112 : index
        %get3A_1071 = tpu.vector_load %arg14[%get3A_1069, %get3A_1070] {strides = array<i32>} : memref<112x128xf32, #tpu.memory_space<vmem>>, vector<16xf32>,
        %mul3A_1072 = vector.broadcast %squeeze3A_1008 : f32 to vector<16xf32>
        %mul3A_1073 = arith.mulf %get3A_1071, %mul3A_1072 : vector<16xf32>
        %swap3A_1074 = arith.index_cast %add3A_1012 : i32 to index
        %swap3A_1075 = arith.constant 112 : index
        %swap3A_1076 = tpu.vector_load %arg14[%swap3A_1074, %swap3A_1075] {strides = array<i32>} : memref<112x128xf32, #tpu.memory_space<vmem>>, vector<16xf32>,
        tpu.vector_store %arg14[%swap3A_1074, %swap3A_1075], %mul3A_1073 {strides = array<i32>} : memref<112x128xf32, #tpu.memory_space<vmem>>, vector<16xf32>,
        %slice3A_1077 = vector.extract_strided_slice %get3A_588 {offsets = [7], sizes = [1], strides = [1]} : vector<16xf32> to vector<1xf32>
        %squeeze3A_1078 = vector.extract %slice3A_1077[0] : f32 from vector<1xf32>
        %mul3A_1079 = arith.constant 16 : i32
        %mul3A_1080 = arith.muli %add3A_584, %mul3A_1079 : i32
        %add3A_1081 = arith.constant 7 : i32
        %add3A_1082 = arith.addi %mul3A_1080, %add3A_1081 : i32
        %get3A_1083 = arith.index_cast %add3A_1082 : i32 to index
        %get3A_1084 = arith.constant 0 : index
        %get3A_1085 = tpu.vector_load %arg14[%get3A_1083, %get3A_1084] {strides = array<i32>} : memref<112x128xf32, #tpu.memory_space<vmem>>, vector<16xf32>,
        %mul3A_1086 = vector.broadcast %squeeze3A_1078 : f32 to vector<16xf32>
        %mul3A_1087 = arith.mulf %get3A_1085, %mul3A_1086 : vector<16xf32>
        %swap3A_1088 = arith.index_cast %add3A_1082 : i32 to index
        %swap3A_1089 = arith.constant 0 : index
        %swap3A_1090 = tpu.vector_load %arg14[%swap3A_1088, %swap3A_1089] {strides = array<i32>} : memref<112x128xf32, #tpu.memory_space<vmem>>, vector<16xf32>,
        tpu.vector_store %arg14[%swap3A_1088, %swap3A_1089], %mul3A_1087 {strides = array<i32>} : memref<112x128xf32, #tpu.memory_space<vmem>>, vector<16xf32>,
        %get3A_1091 = arith.index_cast %add3A_1082 : i32 to index
        %get3A_1092 = arith.constant 16 : index
        %get3A_1093 = tpu.vector_load %arg14[%get3A_1091, %get3A_1092] {strides = array<i32>} : memref<112x128xf32, #tpu.memory_space<vmem>>, vector<16xf32>,
        %mul3A_1094 = vector.broadcast %squeeze3A_1078 : f32 to vector<16xf32>
        %mul3A_1095 = arith.mulf %get3A_1093, %mul3A_1094 : vector<16xf32>
        %swap3A_1096 = arith.index_cast %add3A_1082 : i32 to index
        %swap3A_1097 = arith.constant 16 : index
        %swap3A_1098 = tpu.vector_load %arg14[%swap3A_1096, %swap3A_1097] {strides = array<i32>} : memref<112x128xf32, #tpu.memory_space<vmem>>, vector<16xf32>,
        tpu.vector_store %arg14[%swap3A_1096, %swap3A_1097], %mul3A_1095 {strides = array<i32>} : memref<112x128xf32, #tpu.memory_space<vmem>>, vector<16xf32>,
        %get3A_1099 = arith.index_cast %add3A_1082 : i32 to index
        %get3A_1100 = arith.constant 32 : index
        %get3A_1101 = tpu.vector_load %arg14[%get3A_1099, %get3A_1100] {strides = array<i32>} : memref<112x128xf32, #tpu.memory_space<vmem>>, vector<16xf32>,
        %mul3A_1102 = vector.broadcast %squeeze3A_1078 : f32 to vector<16xf32>
        %mul3A_1103 = arith.mulf %get3A_1101, %mul3A_1102 : vector<16xf32>
        %swap3A_1104 = arith.index_cast %add3A_1082 : i32 to index
        %swap3A_1105 = arith.constant 32 : index
        %swap3A_1106 = tpu.vector_load %arg14[%swap3A_1104, %swap3A_1105] {strides = array<i32>} : memref<112x128xf32, #tpu.memory_space<vmem>>, vector<16xf32>,
        tpu.vector_store %arg14[%swap3A_1104, %swap3A_1105], %mul3A_1103 {strides = array<i32>} : memref<112x128xf32, #tpu.memory_space<vmem>>, vector<16xf32>,
        %get3A_1107 = arith.index_cast %add3A_1082 : i32 to index
        %get3A_1108 = arith.constant 48 : index
        %get3A_1109 = tpu.vector_load %arg14[%get3A_1107, %get3A_1108] {strides = array<i32>} : memref<112x128xf32, #tpu.memory_space<vmem>>, vector<16xf32>,
        %mul3A_1110 = vector.broadcast %squeeze3A_1078 : f32 to vector<16xf32>
        %mul3A_1111 = arith.mulf %get3A_1109, %mul3A_1110 : vector<16xf32>
        %swap3A_1112 = arith.index_cast %add3A_1082 : i32 to index
        %swap3A_1113 = arith.constant 48 : index
        %swap3A_1114 = tpu.vector_load %arg14[%swap3A_1112, %swap3A_1113] {strides = array<i32>} : memref<112x128xf32, #tpu.memory_space<vmem>>, vector<16xf32>,
        tpu.vector_store %arg14[%swap3A_1112, %swap3A_1113], %mul3A_1111 {strides = array<i32>} : memref<112x128xf32, #tpu.memory_space<vmem>>, vector<16xf32>,
        %get3A_1115 = arith.index_cast %add3A_1082 : i32 to index
        %get3A_1116 = arith.constant 64 : index
        %get3A_1117 = tpu.vector_load %arg14[%get3A_1115, %get3A_1116] {strides = array<i32>} : memref<112x128xf32, #tpu.memory_space<vmem>>, vector<16xf32>,
        %mul3A_1118 = vector.broadcast %squeeze3A_1078 : f32 to vector<16xf32>
        %mul3A_1119 = arith.mulf %get3A_1117, %mul3A_1118 : vector<16xf32>
        %swap3A_1120 = arith.index_cast %add3A_1082 : i32 to index
        %swap3A_1121 = arith.constant 64 : index
        %swap3A_1122 = tpu.vector_load %arg14[%swap3A_1120, %swap3A_1121] {strides = array<i32>} : memref<112x128xf32, #tpu.memory_space<vmem>>, vector<16xf32>,
        tpu.vector_store %arg14[%swap3A_1120, %swap3A_1121], %mul3A_1119 {strides = array<i32>} : memref<112x128xf32, #tpu.memory_space<vmem>>, vector<16xf32>,
        %get3A_1123 = arith.index_cast %add3A_1082 : i32 to index
        %get3A_1124 = arith.constant 80 : index
        %get3A_1125 = tpu.vector_load %arg14[%get3A_1123, %get3A_1124] {strides = array<i32>} : memref<112x128xf32, #tpu.memory_space<vmem>>, vector<16xf32>,
        %mul3A_1126 = vector.broadcast %squeeze3A_1078 : f32 to vector<16xf32>
        %mul3A_1127 = arith.mulf %get3A_1125, %mul3A_1126 : vector<16xf32>
        %swap3A_1128 = arith.index_cast %add3A_1082 : i32 to index
        %swap3A_1129 = arith.constant 80 : index
        %swap3A_1130 = tpu.vector_load %arg14[%swap3A_1128, %swap3A_1129] {strides = array<i32>} : memref<112x128xf32, #tpu.memory_space<vmem>>, vector<16xf32>,
        tpu.vector_store %arg14[%swap3A_1128, %swap3A_1129], %mul3A_1127 {strides = array<i32>} : memref<112x128xf32, #tpu.memory_space<vmem>>, vector<16xf32>,
        %get3A_1131 = arith.index_cast %add3A_1082 : i32 to index
        %get3A_1132 = arith.constant 96 : index
        %get3A_1133 = tpu.vector_load %arg14[%get3A_1131, %get3A_1132] {strides = array<i32>} : memref<112x128xf32, #tpu.memory_space<vmem>>, vector<16xf32>,
        %mul3A_1134 = vector.broadcast %squeeze3A_1078 : f32 to vector<16xf32>
        %mul3A_1135 = arith.mulf %get3A_1133, %mul3A_1134 : vector<16xf32>
        %swap3A_1136 = arith.index_cast %add3A_1082 : i32 to index
        %swap3A_1137 = arith.constant 96 : index
        %swap3A_1138 = tpu.vector_load %arg14[%swap3A_1136, %swap3A_1137] {strides = array<i32>} : memref<112x128xf32, #tpu.memory_space<vmem>>, vector<16xf32>,
        tpu.vector_store %arg14[%swap3A_1136, %swap3A_1137], %mul3A_1135 {strides = array<i32>} : memref<112x128xf32, #tpu.memory_space<vmem>>, vector<16xf32>,
        %get3A_1139 = arith.index_cast %add3A_1082 : i32 to index
        %get3A_1140 = arith.constant 112 : index
        %get3A_1141 = tpu.vector_load %arg14[%get3A_1139, %get3A_1140] {strides = array<i32>} : memref<112x128xf32, #tpu.memory_space<vmem>>, vector<16xf32>,
        %mul3A_1142 = vector.broadcast %squeeze3A_1078 : f32 to vector<16xf32>
        %mul3A_1143 = arith.mulf %get3A_1141, %mul3A_1142 : vector<16xf32>
        %swap3A_1144 = arith.index_cast %add3A_1082 : i32 to index
        %swap3A_1145 = arith.constant 112 : index
        %swap3A_1146 = tpu.vector_load %arg14[%swap3A_1144, %swap3A_1145] {strides = array<i32>} : memref<112x128xf32, #tpu.memory_space<vmem>>, vector<16xf32>,
        tpu.vector_store %arg14[%swap3A_1144, %swap3A_1145], %mul3A_1143 {strides = array<i32>} : memref<112x128xf32, #tpu.memory_space<vmem>>, vector<16xf32>,
        %slice3A_1147 = vector.extract_strided_slice %get3A_588 {offsets = [8], sizes = [1], strides = [1]} : vector<16xf32> to vector<1xf32>
        %squeeze3A_1148 = vector.extract %slice3A_1147[0] : f32 from vector<1xf32>
        %mul3A_1149 = arith.constant 16 : i32
        %mul3A_1150 = arith.muli %add3A_584, %mul3A_1149 : i32
        %add3A_1151 = arith.constant 8 : i32
        %add3A_1152 = arith.addi %mul3A_1150, %add3A_1151 : i32
        %get3A_1153 = arith.index_cast %add3A_1152 : i32 to index
        %get3A_1154 = arith.constant 0 : index
        %get3A_1155 = tpu.vector_load %arg14[%get3A_1153, %get3A_1154] {strides = array<i32>} : memref<112x128xf32, #tpu.memory_space<vmem>>, vector<16xf32>,
        %mul3A_1156 = vector.broadcast %squeeze3A_1148 : f32 to vector<16xf32>
        %mul3A_1157 = arith.mulf %get3A_1155, %mul3A_1156 : vector<16xf32>
        %swap3A_1158 = arith.index_cast %add3A_1152 : i32 to index
        %swap3A_1159 = arith.constant 0 : index
        %swap3A_1160 = tpu.vector_load %arg14[%swap3A_1158, %swap3A_1159] {strides = array<i32>} : memref<112x128xf32, #tpu.memory_space<vmem>>, vector<16xf32>,
        tpu.vector_store %arg14[%swap3A_1158, %swap3A_1159], %mul3A_1157 {strides = array<i32>} : memref<112x128xf32, #tpu.memory_space<vmem>>, vector<16xf32>,
        %get3A_1161 = arith.index_cast %add3A_1152 : i32 to index
        %get3A_1162 = arith.constant 16 : index
        %get3A_1163 = tpu.vector_load %arg14[%get3A_1161, %get3A_1162] {strides = array<i32>} : memref<112x128xf32, #tpu.memory_space<vmem>>, vector<16xf32>,
        %mul3A_1164 = vector.broadcast %squeeze3A_1148 : f32 to vector<16xf32>
        %mul3A_1165 = arith.mulf %get3A_1163, %mul3A_1164 : vector<16xf32>
        %swap3A_1166 = arith.index_cast %add3A_1152 : i32 to index
        %swap3A_1167 = arith.constant 16 : index
        %swap3A_1168 = tpu.vector_load %arg14[%swap3A_1166, %swap3A_1167] {strides = array<i32>} : memref<112x128xf32, #tpu.memory_space<vmem>>, vector<16xf32>,
        tpu.vector_store %arg14[%swap3A_1166, %swap3A_1167], %mul3A_1165 {strides = array<i32>} : memref<112x128xf32, #tpu.memory_space<vmem>>, vector<16xf32>,
        %get3A_1169 = arith.index_cast %add3A_1152 : i32 to index
        %get3A_1170 = arith.constant 32 : index
        %get3A_1171 = tpu.vector_load %arg14[%get3A_1169, %get3A_1170] {strides = array<i32>} : memref<112x128xf32, #tpu.memory_space<vmem>>, vector<16xf32>,
        %mul3A_1172 = vector.broadcast %squeeze3A_1148 : f32 to vector<16xf32>
        %mul3A_1173 = arith.mulf %get3A_1171, %mul3A_1172 : vector<16xf32>
        %swap3A_1174 = arith.index_cast %add3A_1152 : i32 to index
        %swap3A_1175 = arith.constant 32 : index
        %swap3A_1176 = tpu.vector_load %arg14[%swap3A_1174, %swap3A_1175] {strides = array<i32>} : memref<112x128xf32, #tpu.memory_space<vmem>>, vector<16xf32>,
        tpu.vector_store %arg14[%swap3A_1174, %swap3A_1175], %mul3A_1173 {strides = array<i32>} : memref<112x128xf32, #tpu.memory_space<vmem>>, vector<16xf32>,
        %get3A_1177 = arith.index_cast %add3A_1152 : i32 to index
        %get3A_1178 = arith.constant 48 : index
        %get3A_1179 = tpu.vector_load %arg14[%get3A_1177, %get3A_1178] {strides = array<i32>} : memref<112x128xf32, #tpu.memory_space<vmem>>, vector<16xf32>,
        %mul3A_1180 = vector.broadcast %squeeze3A_1148 : f32 to vector<16xf32>
        %mul3A_1181 = arith.mulf %get3A_1179, %mul3A_1180 : vector<16xf32>
        %swap3A_1182 = arith.index_cast %add3A_1152 : i32 to index
        %swap3A_1183 = arith.constant 48 : index
        %swap3A_1184 = tpu.vector_load %arg14[%swap3A_1182, %swap3A_1183] {strides = array<i32>} : memref<112x128xf32, #tpu.memory_space<vmem>>, vector<16xf32>,
        tpu.vector_store %arg14[%swap3A_1182, %swap3A_1183], %mul3A_1181 {strides = array<i32>} : memref<112x128xf32, #tpu.memory_space<vmem>>, vector<16xf32>,
        %get3A_1185 = arith.index_cast %add3A_1152 : i32 to index
        %get3A_1186 = arith.constant 64 : index
        %get3A_1187 = tpu.vector_load %arg14[%get3A_1185, %get3A_1186] {strides = array<i32>} : memref<112x128xf32, #tpu.memory_space<vmem>>, vector<16xf32>,
        %mul3A_1188 = vector.broadcast %squeeze3A_1148 : f32 to vector<16xf32>
        %mul3A_1189 = arith.mulf %get3A_1187, %mul3A_1188 : vector<16xf32>
        %swap3A_1190 = arith.index_cast %add3A_1152 : i32 to index
        %swap3A_1191 = arith.constant 64 : index
        %swap3A_1192 = tpu.vector_load %arg14[%swap3A_1190, %swap3A_1191] {strides = array<i32>} : memref<112x128xf32, #tpu.memory_space<vmem>>, vector<16xf32>,
        tpu.vector_store %arg14[%swap3A_1190, %swap3A_1191], %mul3A_1189 {strides = array<i32>} : memref<112x128xf32, #tpu.memory_space<vmem>>, vector<16xf32>,
        %get3A_1193 = arith.index_cast %add3A_1152 : i32 to index
        %get3A_1194 = arith.constant 80 : index
        %get3A_1195 = tpu.vector_load %arg14[%get3A_1193, %get3A_1194] {strides = array<i32>} : memref<112x128xf32, #tpu.memory_space<vmem>>, vector<16xf32>,
        %mul3A_1196 = vector.broadcast %squeeze3A_1148 : f32 to vector<16xf32>
        %mul3A_1197 = arith.mulf %get3A_1195, %mul3A_1196 : vector<16xf32>
        %swap3A_1198 = arith.index_cast %add3A_1152 : i32 to index
        %swap3A_1199 = arith.constant 80 : index
        %swap3A_1200 = tpu.vector_load %arg14[%swap3A_1198, %swap3A_1199] {strides = array<i32>} : memref<112x128xf32, #tpu.memory_space<vmem>>, vector<16xf32>,
        tpu.vector_store %arg14[%swap3A_1198, %swap3A_1199], %mul3A_1197 {strides = array<i32>} : memref<112x128xf32, #tpu.memory_space<vmem>>, vector<16xf32>,
        %get3A_1201 = arith.index_cast %add3A_1152 : i32 to index
        %get3A_1202 = arith.constant 96 : index
        %get3A_1203 = tpu.vector_load %arg14[%get3A_1201, %get3A_1202] {strides = array<i32>} : memref<112x128xf32, #tpu.memory_space<vmem>>, vector<16xf32>,
        %mul3A_1204 = vector.broadcast %squeeze3A_1148 : f32 to vector<16xf32>
        %mul3A_1205 = arith.mulf %get3A_1203, %mul3A_1204 : vector<16xf32>
        %swap3A_1206 = arith.index_cast %add3A_1152 : i32 to index
        %swap3A_1207 = arith.constant 96 : index
        %swap3A_1208 = tpu.vector_load %arg14[%swap3A_1206, %swap3A_1207] {strides = array<i32>} : memref<112x128xf32, #tpu.memory_space<vmem>>, vector<16xf32>,
        tpu.vector_store %arg14[%swap3A_1206, %swap3A_1207], %mul3A_1205 {strides = array<i32>} : memref<112x128xf32, #tpu.memory_space<vmem>>, vector<16xf32>,
        %get3A_1209 = arith.index_cast %add3A_1152 : i32 to index
        %get3A_1210 = arith.constant 112 : index
        %get3A_1211 = tpu.vector_load %arg14[%get3A_1209, %get3A_1210] {strides = array<i32>} : memref<112x128xf32, #tpu.memory_space<vmem>>, vector<16xf32>,
        %mul3A_1212 = vector.broadcast %squeeze3A_1148 : f32 to vector<16xf32>
        %mul3A_1213 = arith.mulf %get3A_1211, %mul3A_1212 : vector<16xf32>
        %swap3A_1214 = arith.index_cast %add3A_1152 : i32 to index
        %swap3A_1215 = arith.constant 112 : index
        %swap3A_1216 = tpu.vector_load %arg14[%swap3A_1214, %swap3A_1215] {strides = array<i32>} : memref<112x128xf32, #tpu.memory_space<vmem>>, vector<16xf32>,
        tpu.vector_store %arg14[%swap3A_1214, %swap3A_1215], %mul3A_1213 {strides = array<i32>} : memref<112x128xf32, #tpu.memory_space<vmem>>, vector<16xf32>,
        %slice3A_1217 = vector.extract_strided_slice %get3A_588 {offsets = [9], sizes = [1], strides = [1]} : vector<16xf32> to vector<1xf32>
        %squeeze3A_1218 = vector.extract %slice3A_1217[0] : f32 from vector<1xf32>
        %mul3A_1219 = arith.constant 16 : i32
        %mul3A_1220 = arith.muli %add3A_584, %mul3A_1219 : i32
        %add3A_1221 = arith.constant 9 : i32
        %add3A_1222 = arith.addi %mul3A_1220, %add3A_1221 : i32
        %get3A_1223 = arith.index_cast %add3A_1222 : i32 to index
        %get3A_1224 = arith.constant 0 : index
        %get3A_1225 = tpu.vector_load %arg14[%get3A_1223, %get3A_1224] {strides = array<i32>} : memref<112x128xf32, #tpu.memory_space<vmem>>, vector<16xf32>,
        %mul3A_1226 = vector.broadcast %squeeze3A_1218 : f32 to vector<16xf32>
        %mul3A_1227 = arith.mulf %get3A_1225, %mul3A_1226 : vector<16xf32>
        %swap3A_1228 = arith.index_cast %add3A_1222 : i32 to index
        %swap3A_1229 = arith.constant 0 : index
        %swap3A_1230 = tpu.vector_load %arg14[%swap3A_1228, %swap3A_1229] {strides = array<i32>} : memref<112x128xf32, #tpu.memory_space<vmem>>, vector<16xf32>,
        tpu.vector_store %arg14[%swap3A_1228, %swap3A_1229], %mul3A_1227 {strides = array<i32>} : memref<112x128xf32, #tpu.memory_space<vmem>>, vector<16xf32>,
        %get3A_1231 = arith.index_cast %add3A_1222 : i32 to index
        %get3A_1232 = arith.constant 16 : index
        %get3A_1233 = tpu.vector_load %arg14[%get3A_1231, %get3A_1232] {strides = array<i32>} : memref<112x128xf32, #tpu.memory_space<vmem>>, vector<16xf32>,
        %mul3A_1234 = vector.broadcast %squeeze3A_1218 : f32 to vector<16xf32>
        %mul3A_1235 = arith.mulf %get3A_1233, %mul3A_1234 : vector<16xf32>
        %swap3A_1236 = arith.index_cast %add3A_1222 : i32 to index
        %swap3A_1237 = arith.constant 16 : index
        %swap3A_1238 = tpu.vector_load %arg14[%swap3A_1236, %swap3A_1237] {strides = array<i32>} : memref<112x128xf32, #tpu.memory_space<vmem>>, vector<16xf32>,
        tpu.vector_store %arg14[%swap3A_1236, %swap3A_1237], %mul3A_1235 {strides = array<i32>} : memref<112x128xf32, #tpu.memory_space<vmem>>, vector<16xf32>,
        %get3A_1239 = arith.index_cast %add3A_1222 : i32 to index
        %get3A_1240 = arith.constant 32 : index
        %get3A_1241 = tpu.vector_load %arg14[%get3A_1239, %get3A_1240] {strides = array<i32>} : memref<112x128xf32, #tpu.memory_space<vmem>>, vector<16xf32>,
        %mul3A_1242 = vector.broadcast %squeeze3A_1218 : f32 to vector<16xf32>
        %mul3A_1243 = arith.mulf %get3A_1241, %mul3A_1242 : vector<16xf32>
        %swap3A_1244 = arith.index_cast %add3A_1222 : i32 to index
        %swap3A_1245 = arith.constant 32 : index
        %swap3A_1246 = tpu.vector_load %arg14[%swap3A_1244, %swap3A_1245] {strides = array<i32>} : memref<112x128xf32, #tpu.memory_space<vmem>>, vector<16xf32>,
        tpu.vector_store %arg14[%swap3A_1244, %swap3A_1245], %mul3A_1243 {strides = array<i32>} : memref<112x128xf32, #tpu.memory_space<vmem>>, vector<16xf32>,
        %get3A_1247 = arith.index_cast %add3A_1222 : i32 to index
        %get3A_1248 = arith.constant 48 : index
        %get3A_1249 = tpu.vector_load %arg14[%get3A_1247, %get3A_1248] {strides = array<i32>} : memref<112x128xf32, #tpu.memory_space<vmem>>, vector<16xf32>,
        %mul3A_1250 = vector.broadcast %squeeze3A_1218 : f32 to vector<16xf32>
        %mul3A_1251 = arith.mulf %get3A_1249, %mul3A_1250 : vector<16xf32>
        %swap3A_1252 = arith.index_cast %add3A_1222 : i32 to index
        %swap3A_1253 = arith.constant 48 : index
        %swap3A_1254 = tpu.vector_load %arg14[%swap3A_1252, %swap3A_1253] {strides = array<i32>} : memref<112x128xf32, #tpu.memory_space<vmem>>, vector<16xf32>,
        tpu.vector_store %arg14[%swap3A_1252, %swap3A_1253], %mul3A_1251 {strides = array<i32>} : memref<112x128xf32, #tpu.memory_space<vmem>>, vector<16xf32>,
        %get3A_1255 = arith.index_cast %add3A_1222 : i32 to index
        %get3A_1256 = arith.constant 64 : index
        %get3A_1257 = tpu.vector_load %arg14[%get3A_1255, %get3A_1256] {strides = array<i32>} : memref<112x128xf32, #tpu.memory_space<vmem>>, vector<16xf32>,
        %mul3A_1258 = vector.broadcast %squeeze3A_1218 : f32 to vector<16xf32>
        %mul3A_1259 = arith.mulf %get3A_1257, %mul3A_1258 : vector<16xf32>
        %swap3A_1260 = arith.index_cast %add3A_1222 : i32 to index
        %swap3A_1261 = arith.constant 64 : index
        %swap3A_1262 = tpu.vector_load %arg14[%swap3A_1260, %swap3A_1261] {strides = array<i32>} : memref<112x128xf32, #tpu.memory_space<vmem>>, vector<16xf32>,
        tpu.vector_store %arg14[%swap3A_1260, %swap3A_1261], %mul3A_1259 {strides = array<i32>} : memref<112x128xf32, #tpu.memory_space<vmem>>, vector<16xf32>,
        %get3A_1263 = arith.index_cast %add3A_1222 : i32 to index
        %get3A_1264 = arith.constant 80 : index
        %get3A_1265 = tpu.vector_load %arg14[%get3A_1263, %get3A_1264] {strides = array<i32>} : memref<112x128xf32, #tpu.memory_space<vmem>>, vector<16xf32>,
        %mul3A_1266 = vector.broadcast %squeeze3A_1218 : f32 to vector<16xf32>
        %mul3A_1267 = arith.mulf %get3A_1265, %mul3A_1266 : vector<16xf32>
        %swap3A_1268 = arith.index_cast %add3A_1222 : i32 to index
        %swap3A_1269 = arith.constant 80 : index
        %swap3A_1270 = tpu.vector_load %arg14[%swap3A_1268, %swap3A_1269] {strides = array<i32>} : memref<112x128xf32, #tpu.memory_space<vmem>>, vector<16xf32>,
        tpu.vector_store %arg14[%swap3A_1268, %swap3A_1269], %mul3A_1267 {strides = array<i32>} : memref<112x128xf32, #tpu.memory_space<vmem>>, vector<16xf32>,
        %get3A_1271 = arith.index_cast %add3A_1222 : i32 to index
        %get3A_1272 = arith.constant 96 : index
        %get3A_1273 = tpu.vector_load %arg14[%get3A_1271, %get3A_1272] {strides = array<i32>} : memref<112x128xf32, #tpu.memory_space<vmem>>, vector<16xf32>,
        %mul3A_1274 = vector.broadcast %squeeze3A_1218 : f32 to vector<16xf32>
        %mul3A_1275 = arith.mulf %get3A_1273, %mul3A_1274 : vector<16xf32>
        %swap3A_1276 = arith.index_cast %add3A_1222 : i32 to index
        %swap3A_1277 = arith.constant 96 : index
        %swap3A_1278 = tpu.vector_load %arg14[%swap3A_1276, %swap3A_1277] {strides = array<i32>} : memref<112x128xf32, #tpu.memory_space<vmem>>, vector<16xf32>,
        tpu.vector_store %arg14[%swap3A_1276, %swap3A_1277], %mul3A_1275 {strides = array<i32>} : memref<112x128xf32, #tpu.memory_space<vmem>>, vector<16xf32>,
        %get3A_1279 = arith.index_cast %add3A_1222 : i32 to index
        %get3A_1280 = arith.constant 112 : index
        %get3A_1281 = tpu.vector_load %arg14[%get3A_1279, %get3A_1280] {strides = array<i32>} : memref<112x128xf32, #tpu.memory_space<vmem>>, vector<16xf32>,
        %mul3A_1282 = vector.broadcast %squeeze3A_1218 : f32 to vector<16xf32>
        %mul3A_1283 = arith.mulf %get3A_1281, %mul3A_1282 : vector<16xf32>
        %swap3A_1284 = arith.index_cast %add3A_1222 : i32 to index
        %swap3A_1285 = arith.constant 112 : index
        %swap3A_1286 = tpu.vector_load %arg14[%swap3A_1284, %swap3A_1285] {strides = array<i32>} : memref<112x128xf32, #tpu.memory_space<vmem>>, vector<16xf32>,
        tpu.vector_store %arg14[%swap3A_1284, %swap3A_1285], %mul3A_1283 {strides = array<i32>} : memref<112x128xf32, #tpu.memory_space<vmem>>, vector<16xf32>,
        %slice3A_1287 = vector.extract_strided_slice %get3A_588 {offsets = [10], sizes = [1], strides = [1]} : vector<16xf32> to vector<1xf32>
        %squeeze3A_1288 = vector.extract %slice3A_1287[0] : f32 from vector<1xf32>
        %mul3A_1289 = arith.constant 16 : i32
        %mul3A_1290 = arith.muli %add3A_584, %mul3A_1289 : i32
        %add3A_1291 = arith.constant 10 : i32
        %add3A_1292 = arith.addi %mul3A_1290, %add3A_1291 : i32
        %get3A_1293 = arith.index_cast %add3A_1292 : i32 to index
        %get3A_1294 = arith.constant 0 : index
        %get3A_1295 = tpu.vector_load %arg14[%get3A_1293, %get3A_1294] {strides = array<i32>} : memref<112x128xf32, #tpu.memory_space<vmem>>, vector<16xf32>,
        %mul3A_1296 = vector.broadcast %squeeze3A_1288 : f32 to vector<16xf32>
        %mul3A_1297 = arith.mulf %get3A_1295, %mul3A_1296 : vector<16xf32>
        %swap3A_1298 = arith.index_cast %add3A_1292 : i32 to index
        %swap3A_1299 = arith.constant 0 : index
        %swap3A_1300 = tpu.vector_load %arg14[%swap3A_1298, %swap3A_1299] {strides = array<i32>} : memref<112x128xf32, #tpu.memory_space<vmem>>, vector<16xf32>,
        tpu.vector_store %arg14[%swap3A_1298, %swap3A_1299], %mul3A_1297 {strides = array<i32>} : memref<112x128xf32, #tpu.memory_space<vmem>>, vector<16xf32>,
        %get3A_1301 = arith.index_cast %add3A_1292 : i32 to index
        %get3A_1302 = arith.constant 16 : index
        %get3A_1303 = tpu.vector_load %arg14[%get3A_1301, %get3A_1302] {strides = array<i32>} : memref<112x128xf32, #tpu.memory_space<vmem>>, vector<16xf32>,
        %mul3A_1304 = vector.broadcast %squeeze3A_1288 : f32 to vector<16xf32>
        %mul3A_1305 = arith.mulf %get3A_1303, %mul3A_1304 : vector<16xf32>
        %swap3A_1306 = arith.index_cast %add3A_1292 : i32 to index
        %swap3A_1307 = arith.constant 16 : index
        %swap3A_1308 = tpu.vector_load %arg14[%swap3A_1306, %swap3A_1307] {strides = array<i32>} : memref<112x128xf32, #tpu.memory_space<vmem>>, vector<16xf32>,
        tpu.vector_store %arg14[%swap3A_1306, %swap3A_1307], %mul3A_1305 {strides = array<i32>} : memref<112x128xf32, #tpu.memory_space<vmem>>, vector<16xf32>,
        %get3A_1309 = arith.index_cast %add3A_1292 : i32 to index
        %get3A_1310 = arith.constant 32 : index
        %get3A_1311 = tpu.vector_load %arg14[%get3A_1309, %get3A_1310] {strides = array<i32>} : memref<112x128xf32, #tpu.memory_space<vmem>>, vector<16xf32>,
        %mul3A_1312 = vector.broadcast %squeeze3A_1288 : f32 to vector<16xf32>
        %mul3A_1313 = arith.mulf %get3A_1311, %mul3A_1312 : vector<16xf32>
        %swap3A_1314 = arith.index_cast %add3A_1292 : i32 to index
        %swap3A_1315 = arith.constant 32 : index
        %swap3A_1316 = tpu.vector_load %arg14[%swap3A_1314, %swap3A_1315] {strides = array<i32>} : memref<112x128xf32, #tpu.memory_space<vmem>>, vector<16xf32>,
        tpu.vector_store %arg14[%swap3A_1314, %swap3A_1315], %mul3A_1313 {strides = array<i32>} : memref<112x128xf32, #tpu.memory_space<vmem>>, vector<16xf32>,
        %get3A_1317 = arith.index_cast %add3A_1292 : i32 to index
        %get3A_1318 = arith.constant 48 : index
        %get3A_1319 = tpu.vector_load %arg14[%get3A_1317, %get3A_1318] {strides = array<i32>} : memref<112x128xf32, #tpu.memory_space<vmem>>, vector<16xf32>,
        %mul3A_1320 = vector.broadcast %squeeze3A_1288 : f32 to vector<16xf32>
        %mul3A_1321 = arith.mulf %get3A_1319, %mul3A_1320 : vector<16xf32>
        %swap3A_1322 = arith.index_cast %add3A_1292 : i32 to index
        %swap3A_1323 = arith.constant 48 : index
        %swap3A_1324 = tpu.vector_load %arg14[%swap3A_1322, %swap3A_1323] {strides = array<i32>} : memref<112x128xf32, #tpu.memory_space<vmem>>, vector<16xf32>,
        tpu.vector_store %arg14[%swap3A_1322, %swap3A_1323], %mul3A_1321 {strides = array<i32>} : memref<112x128xf32, #tpu.memory_space<vmem>>, vector<16xf32>,
        %get3A_1325 = arith.index_cast %add3A_1292 : i32 to index
        %get3A_1326 = arith.constant 64 : index
        %get3A_1327 = tpu.vector_load %arg14[%get3A_1325, %get3A_1326] {strides = array<i32>} : memref<112x128xf32, #tpu.memory_space<vmem>>, vector<16xf32>,
        %mul3A_1328 = vector.broadcast %squeeze3A_1288 : f32 to vector<16xf32>
        %mul3A_1329 = arith.mulf %get3A_1327, %mul3A_1328 : vector<16xf32>
        %swap3A_1330 = arith.index_cast %add3A_1292 : i32 to index
        %swap3A_1331 = arith.constant 64 : index
        %swap3A_1332 = tpu.vector_load %arg14[%swap3A_1330, %swap3A_1331] {strides = array<i32>} : memref<112x128xf32, #tpu.memory_space<vmem>>, vector<16xf32>,
        tpu.vector_store %arg14[%swap3A_1330, %swap3A_1331], %mul3A_1329 {strides = array<i32>} : memref<112x128xf32, #tpu.memory_space<vmem>>, vector<16xf32>,
        %get3A_1333 = arith.index_cast %add3A_1292 : i32 to index
        %get3A_1334 = arith.constant 80 : index
        %get3A_1335 = tpu.vector_load %arg14[%get3A_1333, %get3A_1334] {strides = array<i32>} : memref<112x128xf32, #tpu.memory_space<vmem>>, vector<16xf32>,
        %mul3A_1336 = vector.broadcast %squeeze3A_1288 : f32 to vector<16xf32>
        %mul3A_1337 = arith.mulf %get3A_1335, %mul3A_1336 : vector<16xf32>
        %swap3A_1338 = arith.index_cast %add3A_1292 : i32 to index
        %swap3A_1339 = arith.constant 80 : index
        %swap3A_1340 = tpu.vector_load %arg14[%swap3A_1338, %swap3A_1339] {strides = array<i32>} : memref<112x128xf32, #tpu.memory_space<vmem>>, vector<16xf32>,
        tpu.vector_store %arg14[%swap3A_1338, %swap3A_1339], %mul3A_1337 {strides = array<i32>} : memref<112x128xf32, #tpu.memory_space<vmem>>, vector<16xf32>,
        %get3A_1341 = arith.index_cast %add3A_1292 : i32 to index
        %get3A_1342 = arith.constant 96 : index
        %get3A_1343 = tpu.vector_load %arg14[%get3A_1341, %get3A_1342] {strides = array<i32>} : memref<112x128xf32, #tpu.memory_space<vmem>>, vector<16xf32>,
        %mul3A_1344 = vector.broadcast %squeeze3A_1288 : f32 to vector<16xf32>
        %mul3A_1345 = arith.mulf %get3A_1343, %mul3A_1344 : vector<16xf32>
        %swap3A_1346 = arith.index_cast %add3A_1292 : i32 to index
        %swap3A_1347 = arith.constant 96 : index
        %swap3A_1348 = tpu.vector_load %arg14[%swap3A_1346, %swap3A_1347] {strides = array<i32>} : memref<112x128xf32, #tpu.memory_space<vmem>>, vector<16xf32>,
        tpu.vector_store %arg14[%swap3A_1346, %swap3A_1347], %mul3A_1345 {strides = array<i32>} : memref<112x128xf32, #tpu.memory_space<vmem>>, vector<16xf32>,
        %get3A_1349 = arith.index_cast %add3A_1292 : i32 to index
        %get3A_1350 = arith.constant 112 : index
        %get3A_1351 = tpu.vector_load %arg14[%get3A_1349, %get3A_1350] {strides = array<i32>} : memref<112x128xf32, #tpu.memory_space<vmem>>, vector<16xf32>,
        %mul3A_1352 = vector.broadcast %squeeze3A_1288 : f32 to vector<16xf32>
        %mul3A_1353 = arith.mulf %get3A_1351, %mul3A_1352 : vector<16xf32>
        %swap3A_1354 = arith.index_cast %add3A_1292 : i32 to index
        %swap3A_1355 = arith.constant 112 : index
        %swap3A_1356 = tpu.vector_load %arg14[%swap3A_1354, %swap3A_1355] {strides = array<i32>} : memref<112x128xf32, #tpu.memory_space<vmem>>, vector<16xf32>,
        tpu.vector_store %arg14[%swap3A_1354, %swap3A_1355], %mul3A_1353 {strides = array<i32>} : memref<112x128xf32, #tpu.memory_space<vmem>>, vector<16xf32>,
        %slice3A_1357 = vector.extract_strided_slice %get3A_588 {offsets = [11], sizes = [1], strides = [1]} : vector<16xf32> to vector<1xf32>
        %squeeze3A_1358 = vector.extract %slice3A_1357[0] : f32 from vector<1xf32>
        %mul3A_1359 = arith.constant 16 : i32
        %mul3A_1360 = arith.muli %add3A_584, %mul3A_1359 : i32
        %add3A_1361 = arith.constant 11 : i32
        %add3A_1362 = arith.addi %mul3A_1360, %add3A_1361 : i32
        %get3A_1363 = arith.index_cast %add3A_1362 : i32 to index
        %get3A_1364 = arith.constant 0 : index
        %get3A_1365 = tpu.vector_load %arg14[%get3A_1363, %get3A_1364] {strides = array<i32>} : memref<112x128xf32, #tpu.memory_space<vmem>>, vector<16xf32>,
        %mul3A_1366 = vector.broadcast %squeeze3A_1358 : f32 to vector<16xf32>
        %mul3A_1367 = arith.mulf %get3A_1365, %mul3A_1366 : vector<16xf32>
        %swap3A_1368 = arith.index_cast %add3A_1362 : i32 to index
        %swap3A_1369 = arith.constant 0 : index
        %swap3A_1370 = tpu.vector_load %arg14[%swap3A_1368, %swap3A_1369] {strides = array<i32>} : memref<112x128xf32, #tpu.memory_space<vmem>>, vector<16xf32>,
        tpu.vector_store %arg14[%swap3A_1368, %swap3A_1369], %mul3A_1367 {strides = array<i32>} : memref<112x128xf32, #tpu.memory_space<vmem>>, vector<16xf32>,
        %get3A_1371 = arith.index_cast %add3A_1362 : i32 to index
        %get3A_1372 = arith.constant 16 : index
        %get3A_1373 = tpu.vector_load %arg14[%get3A_1371, %get3A_1372] {strides = array<i32>} : memref<112x128xf32, #tpu.memory_space<vmem>>, vector<16xf32>,
        %mul3A_1374 = vector.broadcast %squeeze3A_1358 : f32 to vector<16xf32>
        %mul3A_1375 = arith.mulf %get3A_1373, %mul3A_1374 : vector<16xf32>
        %swap3A_1376 = arith.index_cast %add3A_1362 : i32 to index
        %swap3A_1377 = arith.constant 16 : index
        %swap3A_1378 = tpu.vector_load %arg14[%swap3A_1376, %swap3A_1377] {strides = array<i32>} : memref<112x128xf32, #tpu.memory_space<vmem>>, vector<16xf32>,
        tpu.vector_store %arg14[%swap3A_1376, %swap3A_1377], %mul3A_1375 {strides = array<i32>} : memref<112x128xf32, #tpu.memory_space<vmem>>, vector<16xf32>,
        %get3A_1379 = arith.index_cast %add3A_1362 : i32 to index
        %get3A_1380 = arith.constant 32 : index
        %get3A_1381 = tpu.vector_load %arg14[%get3A_1379, %get3A_1380] {strides = array<i32>} : memref<112x128xf32, #tpu.memory_space<vmem>>, vector<16xf32>,
        %mul3A_1382 = vector.broadcast %squeeze3A_1358 : f32 to vector<16xf32>
        %mul3A_1383 = arith.mulf %get3A_1381, %mul3A_1382 : vector<16xf32>
        %swap3A_1384 = arith.index_cast %add3A_1362 : i32 to index
        %swap3A_1385 = arith.constant 32 : index
        %swap3A_1386 = tpu.vector_load %arg14[%swap3A_1384, %swap3A_1385] {strides = array<i32>} : memref<112x128xf32, #tpu.memory_space<vmem>>, vector<16xf32>,
        tpu.vector_store %arg14[%swap3A_1384, %swap3A_1385], %mul3A_1383 {strides = array<i32>} : memref<112x128xf32, #tpu.memory_space<vmem>>, vector<16xf32>,
        %get3A_1387 = arith.index_cast %add3A_1362 : i32 to index
        %get3A_1388 = arith.constant 48 : index
        %get3A_1389 = tpu.vector_load %arg14[%get3A_1387, %get3A_1388] {strides = array<i32>} : memref<112x128xf32, #tpu.memory_space<vmem>>, vector<16xf32>,
        %mul3A_1390 = vector.broadcast %squeeze3A_1358 : f32 to vector<16xf32>
        %mul3A_1391 = arith.mulf %get3A_1389, %mul3A_1390 : vector<16xf32>
        %swap3A_1392 = arith.index_cast %add3A_1362 : i32 to index
        %swap3A_1393 = arith.constant 48 : index
        %swap3A_1394 = tpu.vector_load %arg14[%swap3A_1392, %swap3A_1393] {strides = array<i32>} : memref<112x128xf32, #tpu.memory_space<vmem>>, vector<16xf32>,
        tpu.vector_store %arg14[%swap3A_1392, %swap3A_1393], %mul3A_1391 {strides = array<i32>} : memref<112x128xf32, #tpu.memory_space<vmem>>, vector<16xf32>,
        %get3A_1395 = arith.index_cast %add3A_1362 : i32 to index
        %get3A_1396 = arith.constant 64 : index
        %get3A_1397 = tpu.vector_load %arg14[%get3A_1395, %get3A_1396] {strides = array<i32>} : memref<112x128xf32, #tpu.memory_space<vmem>>, vector<16xf32>,
        %mul3A_1398 = vector.broadcast %squeeze3A_1358 : f32 to vector<16xf32>
        %mul3A_1399 = arith.mulf %get3A_1397, %mul3A_1398 : vector<16xf32>
        %swap3A_1400 = arith.index_cast %add3A_1362 : i32 to index
        %swap3A_1401 = arith.constant 64 : index
        %swap3A_1402 = tpu.vector_load %arg14[%swap3A_1400, %swap3A_1401] {strides = array<i32>} : memref<112x128xf32, #tpu.memory_space<vmem>>, vector<16xf32>,
        tpu.vector_store %arg14[%swap3A_1400, %swap3A_1401], %mul3A_1399 {strides = array<i32>} : memref<112x128xf32, #tpu.memory_space<vmem>>, vector<16xf32>,
        %get3A_1403 = arith.index_cast %add3A_1362 : i32 to index
        %get3A_1404 = arith.constant 80 : index
        %get3A_1405 = tpu.vector_load %arg14[%get3A_1403, %get3A_1404] {strides = array<i32>} : memref<112x128xf32, #tpu.memory_space<vmem>>, vector<16xf32>,
        %mul3A_1406 = vector.broadcast %squeeze3A_1358 : f32 to vector<16xf32>
        %mul3A_1407 = arith.mulf %get3A_1405, %mul3A_1406 : vector<16xf32>
        %swap3A_1408 = arith.index_cast %add3A_1362 : i32 to index
        %swap3A_1409 = arith.constant 80 : index
        %swap3A_1410 = tpu.vector_load %arg14[%swap3A_1408, %swap3A_1409] {strides = array<i32>} : memref<112x128xf32, #tpu.memory_space<vmem>>, vector<16xf32>,
        tpu.vector_store %arg14[%swap3A_1408, %swap3A_1409], %mul3A_1407 {strides = array<i32>} : memref<112x128xf32, #tpu.memory_space<vmem>>, vector<16xf32>,
        %get3A_1411 = arith.index_cast %add3A_1362 : i32 to index
        %get3A_1412 = arith.constant 96 : index
        %get3A_1413 = tpu.vector_load %arg14[%get3A_1411, %get3A_1412] {strides = array<i32>} : memref<112x128xf32, #tpu.memory_space<vmem>>, vector<16xf32>,
        %mul3A_1414 = vector.broadcast %squeeze3A_1358 : f32 to vector<16xf32>
        %mul3A_1415 = arith.mulf %get3A_1413, %mul3A_1414 : vector<16xf32>
        %swap3A_1416 = arith.index_cast %add3A_1362 : i32 to index
        %swap3A_1417 = arith.constant 96 : index
        %swap3A_1418 = tpu.vector_load %arg14[%swap3A_1416, %swap3A_1417] {strides = array<i32>} : memref<112x128xf32, #tpu.memory_space<vmem>>, vector<16xf32>,
        tpu.vector_store %arg14[%swap3A_1416, %swap3A_1417], %mul3A_1415 {strides = array<i32>} : memref<112x128xf32, #tpu.memory_space<vmem>>, vector<16xf32>,
        %get3A_1419 = arith.index_cast %add3A_1362 : i32 to index
        %get3A_1420 = arith.constant 112 : index
        %get3A_1421 = tpu.vector_load %arg14[%get3A_1419, %get3A_1420] {strides = array<i32>} : memref<112x128xf32, #tpu.memory_space<vmem>>, vector<16xf32>,
        %mul3A_1422 = vector.broadcast %squeeze3A_1358 : f32 to vector<16xf32>
        %mul3A_1423 = arith.mulf %get3A_1421, %mul3A_1422 : vector<16xf32>
        %swap3A_1424 = arith.index_cast %add3A_1362 : i32 to index
        %swap3A_1425 = arith.constant 112 : index
        %swap3A_1426 = tpu.vector_load %arg14[%swap3A_1424, %swap3A_1425] {strides = array<i32>} : memref<112x128xf32, #tpu.memory_space<vmem>>, vector<16xf32>,
        tpu.vector_store %arg14[%swap3A_1424, %swap3A_1425], %mul3A_1423 {strides = array<i32>} : memref<112x128xf32, #tpu.memory_space<vmem>>, vector<16xf32>,
        %slice3A_1427 = vector.extract_strided_slice %get3A_588 {offsets = [12], sizes = [1], strides = [1]} : vector<16xf32> to vector<1xf32>
        %squeeze3A_1428 = vector.extract %slice3A_1427[0] : f32 from vector<1xf32>
        %mul3A_1429 = arith.constant 16 : i32
        %mul3A_1430 = arith.muli %add3A_584, %mul3A_1429 : i32
        %add3A_1431 = arith.constant 12 : i32
        %add3A_1432 = arith.addi %mul3A_1430, %add3A_1431 : i32
        %get3A_1433 = arith.index_cast %add3A_1432 : i32 to index
        %get3A_1434 = arith.constant 0 : index
        %get3A_1435 = tpu.vector_load %arg14[%get3A_1433, %get3A_1434] {strides = array<i32>} : memref<112x128xf32, #tpu.memory_space<vmem>>, vector<16xf32>,
        %mul3A_1436 = vector.broadcast %squeeze3A_1428 : f32 to vector<16xf32>
        %mul3A_1437 = arith.mulf %get3A_1435, %mul3A_1436 : vector<16xf32>
        %swap3A_1438 = arith.index_cast %add3A_1432 : i32 to index
        %swap3A_1439 = arith.constant 0 : index
        %swap3A_1440 = tpu.vector_load %arg14[%swap3A_1438, %swap3A_1439] {strides = array<i32>} : memref<112x128xf32, #tpu.memory_space<vmem>>, vector<16xf32>,
        tpu.vector_store %arg14[%swap3A_1438, %swap3A_1439], %mul3A_1437 {strides = array<i32>} : memref<112x128xf32, #tpu.memory_space<vmem>>, vector<16xf32>,
        %get3A_1441 = arith.index_cast %add3A_1432 : i32 to index
        %get3A_1442 = arith.constant 16 : index
        %get3A_1443 = tpu.vector_load %arg14[%get3A_1441, %get3A_1442] {strides = array<i32>} : memref<112x128xf32, #tpu.memory_space<vmem>>, vector<16xf32>,
        %mul3A_1444 = vector.broadcast %squeeze3A_1428 : f32 to vector<16xf32>
        %mul3A_1445 = arith.mulf %get3A_1443, %mul3A_1444 : vector<16xf32>
        %swap3A_1446 = arith.index_cast %add3A_1432 : i32 to index
        %swap3A_1447 = arith.constant 16 : index
        %swap3A_1448 = tpu.vector_load %arg14[%swap3A_1446, %swap3A_1447] {strides = array<i32>} : memref<112x128xf32, #tpu.memory_space<vmem>>, vector<16xf32>,
        tpu.vector_store %arg14[%swap3A_1446, %swap3A_1447], %mul3A_1445 {strides = array<i32>} : memref<112x128xf32, #tpu.memory_space<vmem>>, vector<16xf32>,
        %get3A_1449 = arith.index_cast %add3A_1432 : i32 to index
        %get3A_1450 = arith.constant 32 : index
        %get3A_1451 = tpu.vector_load %arg14[%get3A_1449, %get3A_1450] {strides = array<i32>} : memref<112x128xf32, #tpu.memory_space<vmem>>, vector<16xf32>,
        %mul3A_1452 = vector.broadcast %squeeze3A_1428 : f32 to vector<16xf32>
        %mul3A_1453 = arith.mulf %get3A_1451, %mul3A_1452 : vector<16xf32>
        %swap3A_1454 = arith.index_cast %add3A_1432 : i32 to index
        %swap3A_1455 = arith.constant 32 : index
        %swap3A_1456 = tpu.vector_load %arg14[%swap3A_1454, %swap3A_1455] {strides = array<i32>} : memref<112x128xf32, #tpu.memory_space<vmem>>, vector<16xf32>,
        tpu.vector_store %arg14[%swap3A_1454, %swap3A_1455], %mul3A_1453 {strides = array<i32>} : memref<112x128xf32, #tpu.memory_space<vmem>>, vector<16xf32>,
        %get3A_1457 = arith.index_cast %add3A_1432 : i32 to index
        %get3A_1458 = arith.constant 48 : index
        %get3A_1459 = tpu.vector_load %arg14[%get3A_1457, %get3A_1458] {strides = array<i32>} : memref<112x128xf32, #tpu.memory_space<vmem>>, vector<16xf32>,
        %mul3A_1460 = vector.broadcast %squeeze3A_1428 : f32 to vector<16xf32>
        %mul3A_1461 = arith.mulf %get3A_1459, %mul3A_1460 : vector<16xf32>
        %swap3A_1462 = arith.index_cast %add3A_1432 : i32 to index
        %swap3A_1463 = arith.constant 48 : index
        %swap3A_1464 = tpu.vector_load %arg14[%swap3A_1462, %swap3A_1463] {strides = array<i32>} : memref<112x128xf32, #tpu.memory_space<vmem>>, vector<16xf32>,
        tpu.vector_store %arg14[%swap3A_1462, %swap3A_1463], %mul3A_1461 {strides = array<i32>} : memref<112x128xf32, #tpu.memory_space<vmem>>, vector<16xf32>,
        %get3A_1465 = arith.index_cast %add3A_1432 : i32 to index
        %get3A_1466 = arith.constant 64 : index
        %get3A_1467 = tpu.vector_load %arg14[%get3A_1465, %get3A_1466] {strides = array<i32>} : memref<112x128xf32, #tpu.memory_space<vmem>>, vector<16xf32>,
        %mul3A_1468 = vector.broadcast %squeeze3A_1428 : f32 to vector<16xf32>
        %mul3A_1469 = arith.mulf %get3A_1467, %mul3A_1468 : vector<16xf32>
        %swap3A_1470 = arith.index_cast %add3A_1432 : i32 to index
        %swap3A_1471 = arith.constant 64 : index
        %swap3A_1472 = tpu.vector_load %arg14[%swap3A_1470, %swap3A_1471] {strides = array<i32>} : memref<112x128xf32, #tpu.memory_space<vmem>>, vector<16xf32>,
        tpu.vector_store %arg14[%swap3A_1470, %swap3A_1471], %mul3A_1469 {strides = array<i32>} : memref<112x128xf32, #tpu.memory_space<vmem>>, vector<16xf32>,
        %get3A_1473 = arith.index_cast %add3A_1432 : i32 to index
        %get3A_1474 = arith.constant 80 : index
        %get3A_1475 = tpu.vector_load %arg14[%get3A_1473, %get3A_1474] {strides = array<i32>} : memref<112x128xf32, #tpu.memory_space<vmem>>, vector<16xf32>,
        %mul3A_1476 = vector.broadcast %squeeze3A_1428 : f32 to vector<16xf32>
        %mul3A_1477 = arith.mulf %get3A_1475, %mul3A_1476 : vector<16xf32>
        %swap3A_1478 = arith.index_cast %add3A_1432 : i32 to index
        %swap3A_1479 = arith.constant 80 : index
        %swap3A_1480 = tpu.vector_load %arg14[%swap3A_1478, %swap3A_1479] {strides = array<i32>} : memref<112x128xf32, #tpu.memory_space<vmem>>, vector<16xf32>,
        tpu.vector_store %arg14[%swap3A_1478, %swap3A_1479], %mul3A_1477 {strides = array<i32>} : memref<112x128xf32, #tpu.memory_space<vmem>>, vector<16xf32>,
        %get3A_1481 = arith.index_cast %add3A_1432 : i32 to index
        %get3A_1482 = arith.constant 96 : index
        %get3A_1483 = tpu.vector_load %arg14[%get3A_1481, %get3A_1482] {strides = array<i32>} : memref<112x128xf32, #tpu.memory_space<vmem>>, vector<16xf32>,
        %mul3A_1484 = vector.broadcast %squeeze3A_1428 : f32 to vector<16xf32>
        %mul3A_1485 = arith.mulf %get3A_1483, %mul3A_1484 : vector<16xf32>
        %swap3A_1486 = arith.index_cast %add3A_1432 : i32 to index
        %swap3A_1487 = arith.constant 96 : index
        %swap3A_1488 = tpu.vector_load %arg14[%swap3A_1486, %swap3A_1487] {strides = array<i32>} : memref<112x128xf32, #tpu.memory_space<vmem>>, vector<16xf32>,
        tpu.vector_store %arg14[%swap3A_1486, %swap3A_1487], %mul3A_1485 {strides = array<i32>} : memref<112x128xf32, #tpu.memory_space<vmem>>, vector<16xf32>,
        %get3A_1489 = arith.index_cast %add3A_1432 : i32 to index
        %get3A_1490 = arith.constant 112 : index
        %get3A_1491 = tpu.vector_load %arg14[%get3A_1489, %get3A_1490] {strides = array<i32>} : memref<112x128xf32, #tpu.memory_space<vmem>>, vector<16xf32>,
        %mul3A_1492 = vector.broadcast %squeeze3A_1428 : f32 to vector<16xf32>
        %mul3A_1493 = arith.mulf %get3A_1491, %mul3A_1492 : vector<16xf32>
        %swap3A_1494 = arith.index_cast %add3A_1432 : i32 to index
        %swap3A_1495 = arith.constant 112 : index
        %swap3A_1496 = tpu.vector_load %arg14[%swap3A_1494, %swap3A_1495] {strides = array<i32>} : memref<112x128xf32, #tpu.memory_space<vmem>>, vector<16xf32>,
        tpu.vector_store %arg14[%swap3A_1494, %swap3A_1495], %mul3A_1493 {strides = array<i32>} : memref<112x128xf32, #tpu.memory_space<vmem>>, vector<16xf32>,
        %slice3A_1497 = vector.extract_strided_slice %get3A_588 {offsets = [13], sizes = [1], strides = [1]} : vector<16xf32> to vector<1xf32>
        %squeeze3A_1498 = vector.extract %slice3A_1497[0] : f32 from vector<1xf32>
        %mul3A_1499 = arith.constant 16 : i32
        %mul3A_1500 = arith.muli %add3A_584, %mul3A_1499 : i32
        %add3A_1501 = arith.constant 13 : i32
        %add3A_1502 = arith.addi %mul3A_1500, %add3A_1501 : i32
        %get3A_1503 = arith.index_cast %add3A_1502 : i32 to index
        %get3A_1504 = arith.constant 0 : index
        %get3A_1505 = tpu.vector_load %arg14[%get3A_1503, %get3A_1504] {strides = array<i32>} : memref<112x128xf32, #tpu.memory_space<vmem>>, vector<16xf32>,
        %mul3A_1506 = vector.broadcast %squeeze3A_1498 : f32 to vector<16xf32>
        %mul3A_1507 = arith.mulf %get3A_1505, %mul3A_1506 : vector<16xf32>
        %swap3A_1508 = arith.index_cast %add3A_1502 : i32 to index
        %swap3A_1509 = arith.constant 0 : index
        %swap3A_1510 = tpu.vector_load %arg14[%swap3A_1508, %swap3A_1509] {strides = array<i32>} : memref<112x128xf32, #tpu.memory_space<vmem>>, vector<16xf32>,
        tpu.vector_store %arg14[%swap3A_1508, %swap3A_1509], %mul3A_1507 {strides = array<i32>} : memref<112x128xf32, #tpu.memory_space<vmem>>, vector<16xf32>,
        %get3A_1511 = arith.index_cast %add3A_1502 : i32 to index
        %get3A_1512 = arith.constant 16 : index
        %get3A_1513 = tpu.vector_load %arg14[%get3A_1511, %get3A_1512] {strides = array<i32>} : memref<112x128xf32, #tpu.memory_space<vmem>>, vector<16xf32>,
        %mul3A_1514 = vector.broadcast %squeeze3A_1498 : f32 to vector<16xf32>
        %mul3A_1515 = arith.mulf %get3A_1513, %mul3A_1514 : vector<16xf32>
        %swap3A_1516 = arith.index_cast %add3A_1502 : i32 to index
        %swap3A_1517 = arith.constant 16 : index
        %swap3A_1518 = tpu.vector_load %arg14[%swap3A_1516, %swap3A_1517] {strides = array<i32>} : memref<112x128xf32, #tpu.memory_space<vmem>>, vector<16xf32>,
        tpu.vector_store %arg14[%swap3A_1516, %swap3A_1517], %mul3A_1515 {strides = array<i32>} : memref<112x128xf32, #tpu.memory_space<vmem>>, vector<16xf32>,
        %get3A_1519 = arith.index_cast %add3A_1502 : i32 to index
        %get3A_1520 = arith.constant 32 : index
        %get3A_1521 = tpu.vector_load %arg14[%get3A_1519, %get3A_1520] {strides = array<i32>} : memref<112x128xf32, #tpu.memory_space<vmem>>, vector<16xf32>,
        %mul3A_1522 = vector.broadcast %squeeze3A_1498 : f32 to vector<16xf32>
        %mul3A_1523 = arith.mulf %get3A_1521, %mul3A_1522 : vector<16xf32>
        %swap3A_1524 = arith.index_cast %add3A_1502 : i32 to index
        %swap3A_1525 = arith.constant 32 : index
        %swap3A_1526 = tpu.vector_load %arg14[%swap3A_1524, %swap3A_1525] {strides = array<i32>} : memref<112x128xf32, #tpu.memory_space<vmem>>, vector<16xf32>,
        tpu.vector_store %arg14[%swap3A_1524, %swap3A_1525], %mul3A_1523 {strides = array<i32>} : memref<112x128xf32, #tpu.memory_space<vmem>>, vector<16xf32>,
        %get3A_1527 = arith.index_cast %add3A_1502 : i32 to index
        %get3A_1528 = arith.constant 48 : index
        %get3A_1529 = tpu.vector_load %arg14[%get3A_1527, %get3A_1528] {strides = array<i32>} : memref<112x128xf32, #tpu.memory_space<vmem>>, vector<16xf32>,
        %mul3A_1530 = vector.broadcast %squeeze3A_1498 : f32 to vector<16xf32>
        %mul3A_1531 = arith.mulf %get3A_1529, %mul3A_1530 : vector<16xf32>
        %swap3A_1532 = arith.index_cast %add3A_1502 : i32 to index
        %swap3A_1533 = arith.constant 48 : index
        %swap3A_1534 = tpu.vector_load %arg14[%swap3A_1532, %swap3A_1533] {strides = array<i32>} : memref<112x128xf32, #tpu.memory_space<vmem>>, vector<16xf32>,
        tpu.vector_store %arg14[%swap3A_1532, %swap3A_1533], %mul3A_1531 {strides = array<i32>} : memref<112x128xf32, #tpu.memory_space<vmem>>, vector<16xf32>,
        %get3A_1535 = arith.index_cast %add3A_1502 : i32 to index
        %get3A_1536 = arith.constant 64 : index
        %get3A_1537 = tpu.vector_load %arg14[%get3A_1535, %get3A_1536] {strides = array<i32>} : memref<112x128xf32, #tpu.memory_space<vmem>>, vector<16xf32>,
        %mul3A_1538 = vector.broadcast %squeeze3A_1498 : f32 to vector<16xf32>
        %mul3A_1539 = arith.mulf %get3A_1537, %mul3A_1538 : vector<16xf32>
        %swap3A_1540 = arith.index_cast %add3A_1502 : i32 to index
        %swap3A_1541 = arith.constant 64 : index
        %swap3A_1542 = tpu.vector_load %arg14[%swap3A_1540, %swap3A_1541] {strides = array<i32>} : memref<112x128xf32, #tpu.memory_space<vmem>>, vector<16xf32>,
        tpu.vector_store %arg14[%swap3A_1540, %swap3A_1541], %mul3A_1539 {strides = array<i32>} : memref<112x128xf32, #tpu.memory_space<vmem>>, vector<16xf32>,
        %get3A_1543 = arith.index_cast %add3A_1502 : i32 to index
        %get3A_1544 = arith.constant 80 : index
        %get3A_1545 = tpu.vector_load %arg14[%get3A_1543, %get3A_1544] {strides = array<i32>} : memref<112x128xf32, #tpu.memory_space<vmem>>, vector<16xf32>,
        %mul3A_1546 = vector.broadcast %squeeze3A_1498 : f32 to vector<16xf32>
        %mul3A_1547 = arith.mulf %get3A_1545, %mul3A_1546 : vector<16xf32>
        %swap3A_1548 = arith.index_cast %add3A_1502 : i32 to index
        %swap3A_1549 = arith.constant 80 : index
        %swap3A_1550 = tpu.vector_load %arg14[%swap3A_1548, %swap3A_1549] {strides = array<i32>} : memref<112x128xf32, #tpu.memory_space<vmem>>, vector<16xf32>,
        tpu.vector_store %arg14[%swap3A_1548, %swap3A_1549], %mul3A_1547 {strides = array<i32>} : memref<112x128xf32, #tpu.memory_space<vmem>>, vector<16xf32>,
        %get3A_1551 = arith.index_cast %add3A_1502 : i32 to index
        %get3A_1552 = arith.constant 96 : index
        %get3A_1553 = tpu.vector_load %arg14[%get3A_1551, %get3A_1552] {strides = array<i32>} : memref<112x128xf32, #tpu.memory_space<vmem>>, vector<16xf32>,
        %mul3A_1554 = vector.broadcast %squeeze3A_1498 : f32 to vector<16xf32>
        %mul3A_1555 = arith.mulf %get3A_1553, %mul3A_1554 : vector<16xf32>
        %swap3A_1556 = arith.index_cast %add3A_1502 : i32 to index
        %swap3A_1557 = arith.constant 96 : index
        %swap3A_1558 = tpu.vector_load %arg14[%swap3A_1556, %swap3A_1557] {strides = array<i32>} : memref<112x128xf32, #tpu.memory_space<vmem>>, vector<16xf32>,
        tpu.vector_store %arg14[%swap3A_1556, %swap3A_1557], %mul3A_1555 {strides = array<i32>} : memref<112x128xf32, #tpu.memory_space<vmem>>, vector<16xf32>,
        %get3A_1559 = arith.index_cast %add3A_1502 : i32 to index
        %get3A_1560 = arith.constant 112 : index
        %get3A_1561 = tpu.vector_load %arg14[%get3A_1559, %get3A_1560] {strides = array<i32>} : memref<112x128xf32, #tpu.memory_space<vmem>>, vector<16xf32>,
        %mul3A_1562 = vector.broadcast %squeeze3A_1498 : f32 to vector<16xf32>
        %mul3A_1563 = arith.mulf %get3A_1561, %mul3A_1562 : vector<16xf32>
        %swap3A_1564 = arith.index_cast %add3A_1502 : i32 to index
        %swap3A_1565 = arith.constant 112 : index
        %swap3A_1566 = tpu.vector_load %arg14[%swap3A_1564, %swap3A_1565] {strides = array<i32>} : memref<112x128xf32, #tpu.memory_space<vmem>>, vector<16xf32>,
        tpu.vector_store %arg14[%swap3A_1564, %swap3A_1565], %mul3A_1563 {strides = array<i32>} : memref<112x128xf32, #tpu.memory_space<vmem>>, vector<16xf32>,
        %slice3A_1567 = vector.extract_strided_slice %get3A_588 {offsets = [14], sizes = [1], strides = [1]} : vector<16xf32> to vector<1xf32>
        %squeeze3A_1568 = vector.extract %slice3A_1567[0] : f32 from vector<1xf32>
        %mul3A_1569 = arith.constant 16 : i32
        %mul3A_1570 = arith.muli %add3A_584, %mul3A_1569 : i32
        %add3A_1571 = arith.constant 14 : i32
        %add3A_1572 = arith.addi %mul3A_1570, %add3A_1571 : i32
        %get3A_1573 = arith.index_cast %add3A_1572 : i32 to index
        %get3A_1574 = arith.constant 0 : index
        %get3A_1575 = tpu.vector_load %arg14[%get3A_1573, %get3A_1574] {strides = array<i32>} : memref<112x128xf32, #tpu.memory_space<vmem>>, vector<16xf32>,
        %mul3A_1576 = vector.broadcast %squeeze3A_1568 : f32 to vector<16xf32>
        %mul3A_1577 = arith.mulf %get3A_1575, %mul3A_1576 : vector<16xf32>
        %swap3A_1578 = arith.index_cast %add3A_1572 : i32 to index
        %swap3A_1579 = arith.constant 0 : index
        %swap3A_1580 = tpu.vector_load %arg14[%swap3A_1578, %swap3A_1579] {strides = array<i32>} : memref<112x128xf32, #tpu.memory_space<vmem>>, vector<16xf32>,
        tpu.vector_store %arg14[%swap3A_1578, %swap3A_1579], %mul3A_1577 {strides = array<i32>} : memref<112x128xf32, #tpu.memory_space<vmem>>, vector<16xf32>,
        %get3A_1581 = arith.index_cast %add3A_1572 : i32 to index
        %get3A_1582 = arith.constant 16 : index
        %get3A_1583 = tpu.vector_load %arg14[%get3A_1581, %get3A_1582] {strides = array<i32>} : memref<112x128xf32, #tpu.memory_space<vmem>>, vector<16xf32>,
        %mul3A_1584 = vector.broadcast %squeeze3A_1568 : f32 to vector<16xf32>
        %mul3A_1585 = arith.mulf %get3A_1583, %mul3A_1584 : vector<16xf32>
        %swap3A_1586 = arith.index_cast %add3A_1572 : i32 to index
        %swap3A_1587 = arith.constant 16 : index
        %swap3A_1588 = tpu.vector_load %arg14[%swap3A_1586, %swap3A_1587] {strides = array<i32>} : memref<112x128xf32, #tpu.memory_space<vmem>>, vector<16xf32>,
        tpu.vector_store %arg14[%swap3A_1586, %swap3A_1587], %mul3A_1585 {strides = array<i32>} : memref<112x128xf32, #tpu.memory_space<vmem>>, vector<16xf32>,
        %get3A_1589 = arith.index_cast %add3A_1572 : i32 to index
        %get3A_1590 = arith.constant 32 : index
        %get3A_1591 = tpu.vector_load %arg14[%get3A_1589, %get3A_1590] {strides = array<i32>} : memref<112x128xf32, #tpu.memory_space<vmem>>, vector<16xf32>,
        %mul3A_1592 = vector.broadcast %squeeze3A_1568 : f32 to vector<16xf32>
        %mul3A_1593 = arith.mulf %get3A_1591, %mul3A_1592 : vector<16xf32>
        %swap3A_1594 = arith.index_cast %add3A_1572 : i32 to index
        %swap3A_1595 = arith.constant 32 : index
        %swap3A_1596 = tpu.vector_load %arg14[%swap3A_1594, %swap3A_1595] {strides = array<i32>} : memref<112x128xf32, #tpu.memory_space<vmem>>, vector<16xf32>,
        tpu.vector_store %arg14[%swap3A_1594, %swap3A_1595], %mul3A_1593 {strides = array<i32>} : memref<112x128xf32, #tpu.memory_space<vmem>>, vector<16xf32>,
        %get3A_1597 = arith.index_cast %add3A_1572 : i32 to index
        %get3A_1598 = arith.constant 48 : index
        %get3A_1599 = tpu.vector_load %arg14[%get3A_1597, %get3A_1598] {strides = array<i32>} : memref<112x128xf32, #tpu.memory_space<vmem>>, vector<16xf32>,
        %mul3A_1600 = vector.broadcast %squeeze3A_1568 : f32 to vector<16xf32>
        %mul3A_1601 = arith.mulf %get3A_1599, %mul3A_1600 : vector<16xf32>
        %swap3A_1602 = arith.index_cast %add3A_1572 : i32 to index
        %swap3A_1603 = arith.constant 48 : index
        %swap3A_1604 = tpu.vector_load %arg14[%swap3A_1602, %swap3A_1603] {strides = array<i32>} : memref<112x128xf32, #tpu.memory_space<vmem>>, vector<16xf32>,
        tpu.vector_store %arg14[%swap3A_1602, %swap3A_1603], %mul3A_1601 {strides = array<i32>} : memref<112x128xf32, #tpu.memory_space<vmem>>, vector<16xf32>,
        %get3A_1605 = arith.index_cast %add3A_1572 : i32 to index
        %get3A_1606 = arith.constant 64 : index
        %get3A_1607 = tpu.vector_load %arg14[%get3A_1605, %get3A_1606] {strides = array<i32>} : memref<112x128xf32, #tpu.memory_space<vmem>>, vector<16xf32>,
        %mul3A_1608 = vector.broadcast %squeeze3A_1568 : f32 to vector<16xf32>
        %mul3A_1609 = arith.mulf %get3A_1607, %mul3A_1608 : vector<16xf32>
        %swap3A_1610 = arith.index_cast %add3A_1572 : i32 to index
        %swap3A_1611 = arith.constant 64 : index
        %swap3A_1612 = tpu.vector_load %arg14[%swap3A_1610, %swap3A_1611] {strides = array<i32>} : memref<112x128xf32, #tpu.memory_space<vmem>>, vector<16xf32>,
        tpu.vector_store %arg14[%swap3A_1610, %swap3A_1611], %mul3A_1609 {strides = array<i32>} : memref<112x128xf32, #tpu.memory_space<vmem>>, vector<16xf32>,
        %get3A_1613 = arith.index_cast %add3A_1572 : i32 to index
        %get3A_1614 = arith.constant 80 : index
        %get3A_1615 = tpu.vector_load %arg14[%get3A_1613, %get3A_1614] {strides = array<i32>} : memref<112x128xf32, #tpu.memory_space<vmem>>, vector<16xf32>,
        %mul3A_1616 = vector.broadcast %squeeze3A_1568 : f32 to vector<16xf32>
        %mul3A_1617 = arith.mulf %get3A_1615, %mul3A_1616 : vector<16xf32>
        %swap3A_1618 = arith.index_cast %add3A_1572 : i32 to index
        %swap3A_1619 = arith.constant 80 : index
        %swap3A_1620 = tpu.vector_load %arg14[%swap3A_1618, %swap3A_1619] {strides = array<i32>} : memref<112x128xf32, #tpu.memory_space<vmem>>, vector<16xf32>,
        tpu.vector_store %arg14[%swap3A_1618, %swap3A_1619], %mul3A_1617 {strides = array<i32>} : memref<112x128xf32, #tpu.memory_space<vmem>>, vector<16xf32>,
        %get3A_1621 = arith.index_cast %add3A_1572 : i32 to index
        %get3A_1622 = arith.constant 96 : index
        %get3A_1623 = tpu.vector_load %arg14[%get3A_1621, %get3A_1622] {strides = array<i32>} : memref<112x128xf32, #tpu.memory_space<vmem>>, vector<16xf32>,
        %mul3A_1624 = vector.broadcast %squeeze3A_1568 : f32 to vector<16xf32>
        %mul3A_1625 = arith.mulf %get3A_1623, %mul3A_1624 : vector<16xf32>
        %swap3A_1626 = arith.index_cast %add3A_1572 : i32 to index
        %swap3A_1627 = arith.constant 96 : index
        %swap3A_1628 = tpu.vector_load %arg14[%swap3A_1626, %swap3A_1627] {strides = array<i32>} : memref<112x128xf32, #tpu.memory_space<vmem>>, vector<16xf32>,
        tpu.vector_store %arg14[%swap3A_1626, %swap3A_1627], %mul3A_1625 {strides = array<i32>} : memref<112x128xf32, #tpu.memory_space<vmem>>, vector<16xf32>,
        %get3A_1629 = arith.index_cast %add3A_1572 : i32 to index
        %get3A_1630 = arith.constant 112 : index
        %get3A_1631 = tpu.vector_load %arg14[%get3A_1629, %get3A_1630] {strides = array<i32>} : memref<112x128xf32, #tpu.memory_space<vmem>>, vector<16xf32>,
        %mul3A_1632 = vector.broadcast %squeeze3A_1568 : f32 to vector<16xf32>
        %mul3A_1633 = arith.mulf %get3A_1631, %mul3A_1632 : vector<16xf32>
        %swap3A_1634 = arith.index_cast %add3A_1572 : i32 to index
        %swap3A_1635 = arith.constant 112 : index
        %swap3A_1636 = tpu.vector_load %arg14[%swap3A_1634, %swap3A_1635] {strides = array<i32>} : memref<112x128xf32, #tpu.memory_space<vmem>>, vector<16xf32>,
        tpu.vector_store %arg14[%swap3A_1634, %swap3A_1635], %mul3A_1633 {strides = array<i32>} : memref<112x128xf32, #tpu.memory_space<vmem>>, vector<16xf32>,
        %slice3A_1637 = vector.extract_strided_slice %get3A_588 {offsets = [15], sizes = [1], strides = [1]} : vector<16xf32> to vector<1xf32>
        %squeeze3A_1638 = vector.extract %slice3A_1637[0] : f32 from vector<1xf32>
        %mul3A_1639 = arith.constant 16 : i32
        %mul3A_1640 = arith.muli %add3A_584, %mul3A_1639 : i32
        %add3A_1641 = arith.constant 15 : i32
        %add3A_1642 = arith.addi %mul3A_1640, %add3A_1641 : i32
        %get3A_1643 = arith.index_cast %add3A_1642 : i32 to index
        %get3A_1644 = arith.constant 0 : index
        %get3A_1645 = tpu.vector_load %arg14[%get3A_1643, %get3A_1644] {strides = array<i32>} : memref<112x128xf32, #tpu.memory_space<vmem>>, vector<16xf32>,
        %mul3A_1646 = vector.broadcast %squeeze3A_1638 : f32 to vector<16xf32>
        %mul3A_1647 = arith.mulf %get3A_1645, %mul3A_1646 : vector<16xf32>
        %swap3A_1648 = arith.index_cast %add3A_1642 : i32 to index
        %swap3A_1649 = arith.constant 0 : index
        %swap3A_1650 = tpu.vector_load %arg14[%swap3A_1648, %swap3A_1649] {strides = array<i32>} : memref<112x128xf32, #tpu.memory_space<vmem>>, vector<16xf32>,
        tpu.vector_store %arg14[%swap3A_1648, %swap3A_1649], %mul3A_1647 {strides = array<i32>} : memref<112x128xf32, #tpu.memory_space<vmem>>, vector<16xf32>,
        %get3A_1651 = arith.index_cast %add3A_1642 : i32 to index
        %get3A_1652 = arith.constant 16 : index
        %get3A_1653 = tpu.vector_load %arg14[%get3A_1651, %get3A_1652] {strides = array<i32>} : memref<112x128xf32, #tpu.memory_space<vmem>>, vector<16xf32>,
        %mul3A_1654 = vector.broadcast %squeeze3A_1638 : f32 to vector<16xf32>
        %mul3A_1655 = arith.mulf %get3A_1653, %mul3A_1654 : vector<16xf32>
        %swap3A_1656 = arith.index_cast %add3A_1642 : i32 to index
        %swap3A_1657 = arith.constant 16 : index
        %swap3A_1658 = tpu.vector_load %arg14[%swap3A_1656, %swap3A_1657] {strides = array<i32>} : memref<112x128xf32, #tpu.memory_space<vmem>>, vector<16xf32>,
        tpu.vector_store %arg14[%swap3A_1656, %swap3A_1657], %mul3A_1655 {strides = array<i32>} : memref<112x128xf32, #tpu.memory_space<vmem>>, vector<16xf32>,
        %get3A_1659 = arith.index_cast %add3A_1642 : i32 to index
        %get3A_1660 = arith.constant 32 : index
        %get3A_1661 = tpu.vector_load %arg14[%get3A_1659, %get3A_1660] {strides = array<i32>} : memref<112x128xf32, #tpu.memory_space<vmem>>, vector<16xf32>,
        %mul3A_1662 = vector.broadcast %squeeze3A_1638 : f32 to vector<16xf32>
        %mul3A_1663 = arith.mulf %get3A_1661, %mul3A_1662 : vector<16xf32>
        %swap3A_1664 = arith.index_cast %add3A_1642 : i32 to index
        %swap3A_1665 = arith.constant 32 : index
        %swap3A_1666 = tpu.vector_load %arg14[%swap3A_1664, %swap3A_1665] {strides = array<i32>} : memref<112x128xf32, #tpu.memory_space<vmem>>, vector<16xf32>,
        tpu.vector_store %arg14[%swap3A_1664, %swap3A_1665], %mul3A_1663 {strides = array<i32>} : memref<112x128xf32, #tpu.memory_space<vmem>>, vector<16xf32>,
        %get3A_1667 = arith.index_cast %add3A_1642 : i32 to index
        %get3A_1668 = arith.constant 48 : index
        %get3A_1669 = tpu.vector_load %arg14[%get3A_1667, %get3A_1668] {strides = array<i32>} : memref<112x128xf32, #tpu.memory_space<vmem>>, vector<16xf32>,
        %mul3A_1670 = vector.broadcast %squeeze3A_1638 : f32 to vector<16xf32>
        %mul3A_1671 = arith.mulf %get3A_1669, %mul3A_1670 : vector<16xf32>
        %swap3A_1672 = arith.index_cast %add3A_1642 : i32 to index
        %swap3A_1673 = arith.constant 48 : index
        %swap3A_1674 = tpu.vector_load %arg14[%swap3A_1672, %swap3A_1673] {strides = array<i32>} : memref<112x128xf32, #tpu.memory_space<vmem>>, vector<16xf32>,
        tpu.vector_store %arg14[%swap3A_1672, %swap3A_1673], %mul3A_1671 {strides = array<i32>} : memref<112x128xf32, #tpu.memory_space<vmem>>, vector<16xf32>,
        %get3A_1675 = arith.index_cast %add3A_1642 : i32 to index
        %get3A_1676 = arith.constant 64 : index
        %get3A_1677 = tpu.vector_load %arg14[%get3A_1675, %get3A_1676] {strides = array<i32>} : memref<112x128xf32, #tpu.memory_space<vmem>>, vector<16xf32>,
        %mul3A_1678 = vector.broadcast %squeeze3A_1638 : f32 to vector<16xf32>
        %mul3A_1679 = arith.mulf %get3A_1677, %mul3A_1678 : vector<16xf32>
        %swap3A_1680 = arith.index_cast %add3A_1642 : i32 to index
        %swap3A_1681 = arith.constant 64 : index
        %swap3A_1682 = tpu.vector_load %arg14[%swap3A_1680, %swap3A_1681] {strides = array<i32>} : memref<112x128xf32, #tpu.memory_space<vmem>>, vector<16xf32>,
        tpu.vector_store %arg14[%swap3A_1680, %swap3A_1681], %mul3A_1679 {strides = array<i32>} : memref<112x128xf32, #tpu.memory_space<vmem>>, vector<16xf32>,
        %get3A_1683 = arith.index_cast %add3A_1642 : i32 to index
        %get3A_1684 = arith.constant 80 : index
        %get3A_1685 = tpu.vector_load %arg14[%get3A_1683, %get3A_1684] {strides = array<i32>} : memref<112x128xf32, #tpu.memory_space<vmem>>, vector<16xf32>,
        %mul3A_1686 = vector.broadcast %squeeze3A_1638 : f32 to vector<16xf32>
        %mul3A_1687 = arith.mulf %get3A_1685, %mul3A_1686 : vector<16xf32>
        %swap3A_1688 = arith.index_cast %add3A_1642 : i32 to index
        %swap3A_1689 = arith.constant 80 : index
        %swap3A_1690 = tpu.vector_load %arg14[%swap3A_1688, %swap3A_1689] {strides = array<i32>} : memref<112x128xf32, #tpu.memory_space<vmem>>, vector<16xf32>,
        tpu.vector_store %arg14[%swap3A_1688, %swap3A_1689], %mul3A_1687 {strides = array<i32>} : memref<112x128xf32, #tpu.memory_space<vmem>>, vector<16xf32>,
        %get3A_1691 = arith.index_cast %add3A_1642 : i32 to index
        %get3A_1692 = arith.constant 96 : index
        %get3A_1693 = tpu.vector_load %arg14[%get3A_1691, %get3A_1692] {strides = array<i32>} : memref<112x128xf32, #tpu.memory_space<vmem>>, vector<16xf32>,
        %mul3A_1694 = vector.broadcast %squeeze3A_1638 : f32 to vector<16xf32>
        %mul3A_1695 = arith.mulf %get3A_1693, %mul3A_1694 : vector<16xf32>
        %swap3A_1696 = arith.index_cast %add3A_1642 : i32 to index
        %swap3A_1697 = arith.constant 96 : index
        %swap3A_1698 = tpu.vector_load %arg14[%swap3A_1696, %swap3A_1697] {strides = array<i32>} : memref<112x128xf32, #tpu.memory_space<vmem>>, vector<16xf32>,
        tpu.vector_store %arg14[%swap3A_1696, %swap3A_1697], %mul3A_1695 {strides = array<i32>} : memref<112x128xf32, #tpu.memory_space<vmem>>, vector<16xf32>,
        %get3A_1699 = arith.index_cast %add3A_1642 : i32 to index
        %get3A_1700 = arith.constant 112 : index
        %get3A_1701 = tpu.vector_load %arg14[%get3A_1699, %get3A_1700] {strides = array<i32>} : memref<112x128xf32, #tpu.memory_space<vmem>>, vector<16xf32>,
        %mul3A_1702 = vector.broadcast %squeeze3A_1638 : f32 to vector<16xf32>
        %mul3A_1703 = arith.mulf %get3A_1701, %mul3A_1702 : vector<16xf32>
        %swap3A_1704 = arith.index_cast %add3A_1642 : i32 to index
        %swap3A_1705 = arith.constant 112 : index
        %swap3A_1706 = tpu.vector_load %arg14[%swap3A_1704, %swap3A_1705] {strides = array<i32>} : memref<112x128xf32, #tpu.memory_space<vmem>>, vector<16xf32>,
        tpu.vector_store %arg14[%swap3A_1704, %swap3A_1705], %mul3A_1703 {strides = array<i32>} : memref<112x128xf32, #tpu.memory_space<vmem>>, vector<16xf32>,
      }
      %scan3A_321 = arith.constant 7 : i32
      %dma_start3A_322 = arith.constant 0 : i32
      %dma_start3A_323 = arith.constant 0 : i32
      %dma_start3A_324 = tpu.memref_slice %arg16[%dma_start3A_322, %dma_start3A_323] : memref<10000x128xf32, #tpu.memory_space<vmem_shared>> -> memref<10000x128xf32, #tpu.memory_space<vmem_shared>>
      tpu.enqueue_indirect_dma source(%arg14 : memref<112x128xf32, #tpu.memory_space<vmem>>) target(%dma_start3A_324 : memref<10000x128xf32, #tpu.memory_space<vmem_shared>>) offsets(%arg12 : memref<112xi32, #tpu.memory_space<vmem>>) semaphore(%arg19 : memref<!tpu.dma_semaphore, #tpu.memory_space<semaphore_mem>>) {add = true}
      %add3A_325 = arith.constant 1 : i32
      %add3A_326 = arith.addi %mul3A_77, %add3A_325 : i32
      %add3A_327 = arith.constant 1 : i32
      %add3A_328 = arith.addi %add3A_326, %add3A_327 : i32
      %get3A_329 = arith.constant 0 : i32
      %get3A_330 = arith.index_cast %get3A_329 : i32 to index
      %get3A_331 = arith.constant 0 : index
      %get3A_332 = tpu.vector_load %arg8[%get3A_330, %get3A_331] {strides = array<i32>} : memref<3x112xi32, #tpu.memory_space<vmem>>, vector<16xi32>,
      %get3A_333 = arith.constant 1 : i32
      %get3A_334 = arith.index_cast %get3A_333 : i32 to index
      %get3A_335 = arith.constant 0 : index
      %get3A_336 = tpu.vector_load %arg8[%get3A_334, %get3A_335] {strides = array<i32>} : memref<3x112xi32, #tpu.memory_space<vmem>>, vector<16xi32>,
      %get3A_337 = arith.constant 2 : i32
      %get3A_338 = arith.index_cast %get3A_337 : i32 to index
      %get3A_339 = arith.constant 0 : index
      %get3A_340 = tpu.vector_load %arg8[%get3A_338, %get3A_339] {strides = array<i32>} : memref<3x112xi32, #tpu.memory_space<vmem>>, vector<16xi32>,
      %bitcast3A_341 = vector.bitcast %get3A_340 : vector<16xi32> to vector<16xf32>
      %swap3A_342 = arith.constant 0 : index
      %swap3A_343 = tpu.vector_load %arg13[%swap3A_342] {strides = array<i32>} : memref<112xi32, #tpu.memory_space<vmem>>, vector<16xi32>,
      tpu.vector_store %arg13[%swap3A_342], %get3A_332 {strides = array<i32>} : memref<112xi32, #tpu.memory_space<vmem>>, vector<16xi32>,
      %gather3A_344 = tpu.vector_load_idx %arg9[%get3A_332] : memref<10000xf32, #tpu.memory_space<vmem>>[vector<16xi32>], vector<16xf32>,
      %gather3A_345 = tpu.vector_load_idx %arg10[%get3A_336] : memref<10000xf32, #tpu.memory_space<vmem>>[vector<16xi32>], vector<16xf32>,
      %add3A_346 = arith.addf %gather3A_344, %gather3A_345 : vector<16xf32>
      %add3A_347 = arith.addf %add3A_346, %add3A_346 : vector<16xf32>
      %exp3A_348 = math.exp %add3A_347 : vector<16xf32>
      %add3A_349 = arith.constant 1.000000e+00 : f32
      %add3A_350 = vector.broadcast %add3A_349 : f32 to vector<16xf32>
      %add3A_351 = arith.addf %exp3A_348, %add3A_350 : vector<16xf32>
      %div3A_352 = arith.constant 2.000000e+00 : f32
      %div3A_353 = vector.broadcast %div3A_352 : f32 to vector<16xf32>
      %div3A_354 = arith.divf %div3A_353, %add3A_351 : vector<16xf32>
      %sub3A_355 = arith.constant 1.000000e+00 : f32
      %sub3A_356 = vector.broadcast %sub3A_355 : f32 to vector<16xf32>
      %sub3A_357 = arith.subf %sub3A_356, %div3A_354 : vector<16xf32>
      %mul3A_358 = arith.mulf %bitcast3A_341, %sub3A_357 : vector<16xf32>
      %swap3A_359 = arith.constant 0 : index
      %swap3A_360 = tpu.vector_load %arg11[%swap3A_359] {strides = array<i32>} : memref<112xf32, #tpu.memory_space<vmem>>, vector<16xf32>,
      tpu.vector_store %arg11[%swap3A_359], %mul3A_358 {strides = array<i32>} : memref<112xf32, #tpu.memory_space<vmem>>, vector<16xf32>,
      %get3A_361 = arith.constant 0 : i32
      %get3A_362 = arith.index_cast %get3A_361 : i32 to index
      %get3A_363 = arith.constant 16 : index
      %get3A_364 = tpu.vector_load %arg8[%get3A_362, %get3A_363] {strides = array<i32>} : memref<3x112xi32, #tpu.memory_space<vmem>>, vector<16xi32>,
      %get3A_365 = arith.constant 1 : i32
      %get3A_366 = arith.index_cast %get3A_365 : i32 to index
      %get3A_367 = arith.constant 16 : index
      %get3A_368 = tpu.vector_load %arg8[%get3A_366, %get3A_367] {strides = array<i32>} : memref<3x112xi32, #tpu.memory_space<vmem>>, vector<16xi32>,
      %get3A_369 = arith.constant 2 : i32
      %get3A_370 = arith.index_cast %get3A_369 : i32 to index
      %get3A_371 = arith.constant 16 : index
      %get3A_372 = tpu.vector_load %arg8[%get3A_370, %get3A_371] {strides = array<i32>} : memref<3x112xi32, #tpu.memory_space<vmem>>, vector<16xi32>,
      %bitcast3A_373 = vector.bitcast %get3A_372 : vector<16xi32> to vector<16xf32>
      %swap3A_374 = arith.constant 16 : index
      %swap3A_375 = tpu.vector_load %arg13[%swap3A_374] {strides = array<i32>} : memref<112xi32, #tpu.memory_space<vmem>>, vector<16xi32>,
      tpu.vector_store %arg13[%swap3A_374], %get3A_364 {strides = array<i32>} : memref<112xi32, #tpu.memory_space<vmem>>, vector<16xi32>,
      %gather3A_376 = tpu.vector_load_idx %arg9[%get3A_364] : memref<10000xf32, #tpu.memory_space<vmem>>[vector<16xi32>], vector<16xf32>,
      %gather3A_377 = tpu.vector_load_idx %arg10[%get3A_368] : memref<10000xf32, #tpu.memory_space<vmem>>[vector<16xi32>], vector<16xf32>,
      %add3A_378 = arith.addf %gather3A_376, %gather3A_377 : vector<16xf32>
      %add3A_379 = arith.addf %add3A_378, %add3A_378 : vector<16xf32>
      %exp3A_380 = math.exp %add3A_379 : vector<16xf32>
      %add3A_381 = arith.constant 1.000000e+00 : f32
      %add3A_382 = vector.broadcast %add3A_381 : f32 to vector<16xf32>
      %add3A_383 = arith.addf %exp3A_380, %add3A_382 : vector<16xf32>
      %div3A_384 = arith.constant 2.000000e+00 : f32
      %div3A_385 = vector.broadcast %div3A_384 : f32 to vector<16xf32>
      %div3A_386 = arith.divf %div3A_385, %add3A_383 : vector<16xf32>
      %sub3A_387 = arith.constant 1.000000e+00 : f32
      %sub3A_388 = vector.broadcast %sub3A_387 : f32 to vector<16xf32>
      %sub3A_389 = arith.subf %sub3A_388, %div3A_386 : vector<16xf32>
      %mul3A_390 = arith.mulf %bitcast3A_373, %sub3A_389 : vector<16xf32>
      %swap3A_391 = arith.constant 16 : index
      %swap3A_392 = tpu.vector_load %arg11[%swap3A_391] {strides = array<i32>} : memref<112xf32, #tpu.memory_space<vmem>>, vector<16xf32>,
      tpu.vector_store %arg11[%swap3A_391], %mul3A_390 {strides = array<i32>} : memref<112xf32, #tpu.memory_space<vmem>>, vector<16xf32>,
      %get3A_393 = arith.constant 0 : i32
      %get3A_394 = arith.index_cast %get3A_393 : i32 to index
      %get3A_395 = arith.constant 32 : index
      %get3A_396 = tpu.vector_load %arg8[%get3A_394, %get3A_395] {strides = array<i32>} : memref<3x112xi32, #tpu.memory_space<vmem>>, vector<16xi32>,
      %get3A_397 = arith.constant 1 : i32
      %get3A_398 = arith.index_cast %get3A_397 : i32 to index
      %get3A_399 = arith.constant 32 : index
      %get3A_400 = tpu.vector_load %arg8[%get3A_398, %get3A_399] {strides = array<i32>} : memref<3x112xi32, #tpu.memory_space<vmem>>, vector<16xi32>,
      %get3A_401 = arith.constant 2 : i32
      %get3A_402 = arith.index_cast %get3A_401 : i32 to index
      %get3A_403 = arith.constant 32 : index
      %get3A_404 = tpu.vector_load %arg8[%get3A_402, %get3A_403] {strides = array<i32>} : memref<3x112xi32, #tpu.memory_space<vmem>>, vector<16xi32>,
      %bitcast3A_405 = vector.bitcast %get3A_404 : vector<16xi32> to vector<16xf32>
      %swap3A_406 = arith.constant 32 : index
      %swap3A_407 = tpu.vector_load %arg13[%swap3A_406] {strides = array<i32>} : memref<112xi32, #tpu.memory_space<vmem>>, vector<16xi32>,
      tpu.vector_store %arg13[%swap3A_406], %get3A_396 {strides = array<i32>} : memref<112xi32, #tpu.memory_space<vmem>>, vector<16xi32>,
      %gather3A_408 = tpu.vector_load_idx %arg9[%get3A_396] : memref<10000xf32, #tpu.memory_space<vmem>>[vector<16xi32>], vector<16xf32>,
      %gather3A_409 = tpu.vector_load_idx %arg10[%get3A_400] : memref<10000xf32, #tpu.memory_space<vmem>>[vector<16xi32>], vector<16xf32>,
      %add3A_410 = arith.addf %gather3A_408, %gather3A_409 : vector<16xf32>
      %add3A_411 = arith.addf %add3A_410, %add3A_410 : vector<16xf32>
      %exp3A_412 = math.exp %add3A_411 : vector<16xf32>
      %add3A_413 = arith.constant 1.000000e+00 : f32
      %add3A_414 = vector.broadcast %add3A_413 : f32 to vector<16xf32>
      %add3A_415 = arith.addf %exp3A_412, %add3A_414 : vector<16xf32>
      %div3A_416 = arith.constant 2.000000e+00 : f32
      %div3A_417 = vector.broadcast %div3A_416 : f32 to vector<16xf32>
      %div3A_418 = arith.divf %div3A_417, %add3A_415 : vector<16xf32>
      %sub3A_419 = arith.constant 1.000000e+00 : f32
      %sub3A_420 = vector.broadcast %sub3A_419 : f32 to vector<16xf32>
      %sub3A_421 = arith.subf %sub3A_420, %div3A_418 : vector<16xf32>
      %mul3A_422 = arith.mulf %bitcast3A_405, %sub3A_421 : vector<16xf32>
      %swap3A_423 = arith.constant 32 : index
      %swap3A_424 = tpu.vector_load %arg11[%swap3A_423] {strides = array<i32>} : memref<112xf32, #tpu.memory_space<vmem>>, vector<16xf32>,
      tpu.vector_store %arg11[%swap3A_423], %mul3A_422 {strides = array<i32>} : memref<112xf32, #tpu.memory_space<vmem>>, vector<16xf32>,
      %get3A_425 = arith.constant 0 : i32
      %get3A_426 = arith.index_cast %get3A_425 : i32 to index
      %get3A_427 = arith.constant 48 : index
      %get3A_428 = tpu.vector_load %arg8[%get3A_426, %get3A_427] {strides = array<i32>} : memref<3x112xi32, #tpu.memory_space<vmem>>, vector<16xi32>,
      %get3A_429 = arith.constant 1 : i32
      %get3A_430 = arith.index_cast %get3A_429 : i32 to index
      %get3A_431 = arith.constant 48 : index
      %get3A_432 = tpu.vector_load %arg8[%get3A_430, %get3A_431] {strides = array<i32>} : memref<3x112xi32, #tpu.memory_space<vmem>>, vector<16xi32>,
      %get3A_433 = arith.constant 2 : i32
      %get3A_434 = arith.index_cast %get3A_433 : i32 to index
      %get3A_435 = arith.constant 48 : index
      %get3A_436 = tpu.vector_load %arg8[%get3A_434, %get3A_435] {strides = array<i32>} : memref<3x112xi32, #tpu.memory_space<vmem>>, vector<16xi32>,
      %bitcast3A_437 = vector.bitcast %get3A_436 : vector<16xi32> to vector<16xf32>
      %swap3A_438 = arith.constant 48 : index
      %swap3A_439 = tpu.vector_load %arg13[%swap3A_438] {strides = array<i32>} : memref<112xi32, #tpu.memory_space<vmem>>, vector<16xi32>,
      tpu.vector_store %arg13[%swap3A_438], %get3A_428 {strides = array<i32>} : memref<112xi32, #tpu.memory_space<vmem>>, vector<16xi32>,
      %gather3A_440 = tpu.vector_load_idx %arg9[%get3A_428] : memref<10000xf32, #tpu.memory_space<vmem>>[vector<16xi32>], vector<16xf32>,
      %gather3A_441 = tpu.vector_load_idx %arg10[%get3A_432] : memref<10000xf32, #tpu.memory_space<vmem>>[vector<16xi32>], vector<16xf32>,
      %add3A_442 = arith.addf %gather3A_440, %gather3A_441 : vector<16xf32>
      %add3A_443 = arith.addf %add3A_442, %add3A_442 : vector<16xf32>
      %exp3A_444 = math.exp %add3A_443 : vector<16xf32>
      %add3A_445 = arith.constant 1.000000e+00 : f32
      %add3A_446 = vector.broadcast %add3A_445 : f32 to vector<16xf32>
      %add3A_447 = arith.addf %exp3A_444, %add3A_446 : vector<16xf32>
      %div3A_448 = arith.constant 2.000000e+00 : f32
      %div3A_449 = vector.broadcast %div3A_448 : f32 to vector<16xf32>
      %div3A_450 = arith.divf %div3A_449, %add3A_447 : vector<16xf32>
      %sub3A_451 = arith.constant 1.000000e+00 : f32
      %sub3A_452 = vector.broadcast %sub3A_451 : f32 to vector<16xf32>
      %sub3A_453 = arith.subf %sub3A_452, %div3A_450 : vector<16xf32>
      %mul3A_454 = arith.mulf %bitcast3A_437, %sub3A_453 : vector<16xf32>
      %swap3A_455 = arith.constant 48 : index
      %swap3A_456 = tpu.vector_load %arg11[%swap3A_455] {strides = array<i32>} : memref<112xf32, #tpu.memory_space<vmem>>, vector<16xf32>,
      tpu.vector_store %arg11[%swap3A_455], %mul3A_454 {strides = array<i32>} : memref<112xf32, #tpu.memory_space<vmem>>, vector<16xf32>,
      %get3A_457 = arith.constant 0 : i32
      %get3A_458 = arith.index_cast %get3A_457 : i32 to index
      %get3A_459 = arith.constant 64 : index
      %get3A_460 = tpu.vector_load %arg8[%get3A_458, %get3A_459] {strides = array<i32>} : memref<3x112xi32, #tpu.memory_space<vmem>>, vector<16xi32>,
      %get3A_461 = arith.constant 1 : i32
      %get3A_462 = arith.index_cast %get3A_461 : i32 to index
      %get3A_463 = arith.constant 64 : index
      %get3A_464 = tpu.vector_load %arg8[%get3A_462, %get3A_463] {strides = array<i32>} : memref<3x112xi32, #tpu.memory_space<vmem>>, vector<16xi32>,
      %get3A_465 = arith.constant 2 : i32
      %get3A_466 = arith.index_cast %get3A_465 : i32 to index
      %get3A_467 = arith.constant 64 : index
      %get3A_468 = tpu.vector_load %arg8[%get3A_466, %get3A_467] {strides = array<i32>} : memref<3x112xi32, #tpu.memory_space<vmem>>, vector<16xi32>,
      %bitcast3A_469 = vector.bitcast %get3A_468 : vector<16xi32> to vector<16xf32>
      %swap3A_470 = arith.constant 64 : index
      %swap3A_471 = tpu.vector_load %arg13[%swap3A_470] {strides = array<i32>} : memref<112xi32, #tpu.memory_space<vmem>>, vector<16xi32>,
      tpu.vector_store %arg13[%swap3A_470], %get3A_460 {strides = array<i32>} : memref<112xi32, #tpu.memory_space<vmem>>, vector<16xi32>,
      %gather3A_472 = tpu.vector_load_idx %arg9[%get3A_460] : memref<10000xf32, #tpu.memory_space<vmem>>[vector<16xi32>], vector<16xf32>,
      %gather3A_473 = tpu.vector_load_idx %arg10[%get3A_464] : memref<10000xf32, #tpu.memory_space<vmem>>[vector<16xi32>], vector<16xf32>,
      %add3A_474 = arith.addf %gather3A_472, %gather3A_473 : vector<16xf32>
      %add3A_475 = arith.addf %add3A_474, %add3A_474 : vector<16xf32>
      %exp3A_476 = math.exp %add3A_475 : vector<16xf32>
      %add3A_477 = arith.constant 1.000000e+00 : f32
      %add3A_478 = vector.broadcast %add3A_477 : f32 to vector<16xf32>
      %add3A_479 = arith.addf %exp3A_476, %add3A_478 : vector<16xf32>
      %div3A_480 = arith.constant 2.000000e+00 : f32
      %div3A_481 = vector.broadcast %div3A_480 : f32 to vector<16xf32>
      %div3A_482 = arith.divf %div3A_481, %add3A_479 : vector<16xf32>
      %sub3A_483 = arith.constant 1.000000e+00 : f32
      %sub3A_484 = vector.broadcast %sub3A_483 : f32 to vector<16xf32>
      %sub3A_485 = arith.subf %sub3A_484, %div3A_482 : vector<16xf32>
      %mul3A_486 = arith.mulf %bitcast3A_469, %sub3A_485 : vector<16xf32>
      %swap3A_487 = arith.constant 64 : index
      %swap3A_488 = tpu.vector_load %arg11[%swap3A_487] {strides = array<i32>} : memref<112xf32, #tpu.memory_space<vmem>>, vector<16xf32>,
      tpu.vector_store %arg11[%swap3A_487], %mul3A_486 {strides = array<i32>} : memref<112xf32, #tpu.memory_space<vmem>>, vector<16xf32>,
      %get3A_489 = arith.constant 0 : i32
      %get3A_490 = arith.index_cast %get3A_489 : i32 to index
      %get3A_491 = arith.constant 80 : index
      %get3A_492 = tpu.vector_load %arg8[%get3A_490, %get3A_491] {strides = array<i32>} : memref<3x112xi32, #tpu.memory_space<vmem>>, vector<16xi32>,
      %get3A_493 = arith.constant 1 : i32
      %get3A_494 = arith.index_cast %get3A_493 : i32 to index
      %get3A_495 = arith.constant 80 : index
      %get3A_496 = tpu.vector_load %arg8[%get3A_494, %get3A_495] {strides = array<i32>} : memref<3x112xi32, #tpu.memory_space<vmem>>, vector<16xi32>,
      %get3A_497 = arith.constant 2 : i32
      %get3A_498 = arith.index_cast %get3A_497 : i32 to index
      %get3A_499 = arith.constant 80 : index
      %get3A_500 = tpu.vector_load %arg8[%get3A_498, %get3A_499] {strides = array<i32>} : memref<3x112xi32, #tpu.memory_space<vmem>>, vector<16xi32>,
      %bitcast3A_501 = vector.bitcast %get3A_500 : vector<16xi32> to vector<16xf32>
      %swap3A_502 = arith.constant 80 : index
      %swap3A_503 = tpu.vector_load %arg13[%swap3A_502] {strides = array<i32>} : memref<112xi32, #tpu.memory_space<vmem>>, vector<16xi32>,
      tpu.vector_store %arg13[%swap3A_502], %get3A_492 {strides = array<i32>} : memref<112xi32, #tpu.memory_space<vmem>>, vector<16xi32>,
      %gather3A_504 = tpu.vector_load_idx %arg9[%get3A_492] : memref<10000xf32, #tpu.memory_space<vmem>>[vector<16xi32>], vector<16xf32>,
      %gather3A_505 = tpu.vector_load_idx %arg10[%get3A_496] : memref<10000xf32, #tpu.memory_space<vmem>>[vector<16xi32>], vector<16xf32>,
      %add3A_506 = arith.addf %gather3A_504, %gather3A_505 : vector<16xf32>
      %add3A_507 = arith.addf %add3A_506, %add3A_506 : vector<16xf32>
      %exp3A_508 = math.exp %add3A_507 : vector<16xf32>
      %add3A_509 = arith.constant 1.000000e+00 : f32
      %add3A_510 = vector.broadcast %add3A_509 : f32 to vector<16xf32>
      %add3A_511 = arith.addf %exp3A_508, %add3A_510 : vector<16xf32>
      %div3A_512 = arith.constant 2.000000e+00 : f32
      %div3A_513 = vector.broadcast %div3A_512 : f32 to vector<16xf32>
      %div3A_514 = arith.divf %div3A_513, %add3A_511 : vector<16xf32>
      %sub3A_515 = arith.constant 1.000000e+00 : f32
      %sub3A_516 = vector.broadcast %sub3A_515 : f32 to vector<16xf32>
      %sub3A_517 = arith.subf %sub3A_516, %div3A_514 : vector<16xf32>
      %mul3A_518 = arith.mulf %bitcast3A_501, %sub3A_517 : vector<16xf32>
      %swap3A_519 = arith.constant 80 : index
      %swap3A_520 = tpu.vector_load %arg11[%swap3A_519] {strides = array<i32>} : memref<112xf32, #tpu.memory_space<vmem>>, vector<16xf32>,
      tpu.vector_store %arg11[%swap3A_519], %mul3A_518 {strides = array<i32>} : memref<112xf32, #tpu.memory_space<vmem>>, vector<16xf32>,
      %get3A_521 = arith.constant 0 : i32
      %get3A_522 = arith.index_cast %get3A_521 : i32 to index
      %get3A_523 = arith.constant 96 : index
      %get3A_524 = tpu.vector_load %arg8[%get3A_522, %get3A_523] {strides = array<i32>} : memref<3x112xi32, #tpu.memory_space<vmem>>, vector<16xi32>,
      %get3A_525 = arith.constant 1 : i32
      %get3A_526 = arith.index_cast %get3A_525 : i32 to index
      %get3A_527 = arith.constant 96 : index
      %get3A_528 = tpu.vector_load %arg8[%get3A_526, %get3A_527] {strides = array<i32>} : memref<3x112xi32, #tpu.memory_space<vmem>>, vector<16xi32>,
      %get3A_529 = arith.constant 2 : i32
      %get3A_530 = arith.index_cast %get3A_529 : i32 to index
      %get3A_531 = arith.constant 96 : index
      %get3A_532 = tpu.vector_load %arg8[%get3A_530, %get3A_531] {strides = array<i32>} : memref<3x112xi32, #tpu.memory_space<vmem>>, vector<16xi32>,
      %bitcast3A_533 = vector.bitcast %get3A_532 : vector<16xi32> to vector<16xf32>
      %swap3A_534 = arith.constant 96 : index
      %swap3A_535 = tpu.vector_load %arg13[%swap3A_534] {strides = array<i32>} : memref<112xi32, #tpu.memory_space<vmem>>, vector<16xi32>,
      tpu.vector_store %arg13[%swap3A_534], %get3A_524 {strides = array<i32>} : memref<112xi32, #tpu.memory_space<vmem>>, vector<16xi32>,
      %gather3A_536 = tpu.vector_load_idx %arg9[%get3A_524] : memref<10000xf32, #tpu.memory_space<vmem>>[vector<16xi32>], vector<16xf32>,
      %gather3A_537 = tpu.vector_load_idx %arg10[%get3A_528] : memref<10000xf32, #tpu.memory_space<vmem>>[vector<16xi32>], vector<16xf32>,
      %add3A_538 = arith.addf %gather3A_536, %gather3A_537 : vector<16xf32>
      %add3A_539 = arith.addf %add3A_538, %add3A_538 : vector<16xf32>
      %exp3A_540 = math.exp %add3A_539 : vector<16xf32>
      %add3A_541 = arith.constant 1.000000e+00 : f32
      %add3A_542 = vector.broadcast %add3A_541 : f32 to vector<16xf32>
      %add3A_543 = arith.addf %exp3A_540, %add3A_542 : vector<16xf32>
      %div3A_544 = arith.constant 2.000000e+00 : f32
      %div3A_545 = vector.broadcast %div3A_544 : f32 to vector<16xf32>
      %div3A_546 = arith.divf %div3A_545, %add3A_543 : vector<16xf32>
      %sub3A_547 = arith.constant 1.000000e+00 : f32
      %sub3A_548 = vector.broadcast %sub3A_547 : f32 to vector<16xf32>
      %sub3A_549 = arith.subf %sub3A_548, %div3A_546 : vector<16xf32>
      %mul3A_550 = arith.mulf %bitcast3A_533, %sub3A_549 : vector<16xf32>
      %swap3A_551 = arith.constant 96 : index
      %swap3A_552 = tpu.vector_load %arg11[%swap3A_551] {strides = array<i32>} : memref<112xf32, #tpu.memory_space<vmem>>, vector<16xf32>,
      tpu.vector_store %arg11[%swap3A_551], %mul3A_550 {strides = array<i32>} : memref<112xf32, #tpu.memory_space<vmem>>, vector<16xf32>,
      %lt3A_553 = arith.constant 90 : i32
      %lt3A_554 = arith.cmpi slt, %add3A_328, %lt3A_553 : i32
      %convert_element_type3A_555 = arith.extui %lt3A_554 : i1 to i32
      %cond3A_556 = arith.constant 0 : i32
      %cond3A_557 = arith.cmpi ne, %convert_element_type3A_555, %cond3A_556 : i32
      scf.if %cond3A_557 {
        %ge3A = arith.constant 2 : i32
        %ge3A_580 = arith.cmpi sge, %add3A_328, %ge3A : i32
        %convert_element_type3A_581 = arith.extui %ge3A_580 : i1 to i32
        %cond3A_582 = arith.constant 0 : i32
        %cond3A_583 = arith.cmpi ne, %convert_element_type3A_581, %cond3A_582 : i32
        scf.if %cond3A_583 {
          %dma_wait3A_600 = arith.constant 0 : i32
          %dma_wait3A_601 = arith.constant 0 : i32
          %dma_wait3A_602 = tpu.memref_slice %arg16[%dma_wait3A_600, %dma_wait3A_601] : memref<10000x128xf32, #tpu.memory_space<vmem_shared>> -> memref<10000x128xf32, #tpu.memory_space<vmem_shared>>
          tpu.wait_indirect_dma semaphore(%arg19 : memref<!tpu.dma_semaphore, #tpu.memory_space<semaphore_mem>>) src(%arg14 : memref<112x128xf32, #tpu.memory_space<vmem>>) dst(%dma_wait3A_602 : memref<10000x128xf32, #tpu.memory_space<vmem_shared>>)
        } else {
        }
        %dma_wait3A_584 = arith.constant 0 : i32
        %dma_wait3A_585 = arith.constant 0 : i32
        %dma_wait3A_586 = arith.constant 0 : i32
        %dma_wait3A_587 = tpu.memref_slice %arg5[%add3A, %dma_wait3A_584, %dma_wait3A_585, %dma_wait3A_586] : memref<32x90x3x112xi32, #tpu.memory_space<hbm>> -> memref<1x1x3x112xi32, #tpu.memory_space<hbm>>
        %dma_wait3A_588 = tpu.memref_squeeze %dma_wait3A_587 : memref<1x1x3x112xi32, #tpu.memory_space<hbm>> -> memref<3x112xi32, #tpu.memory_space<hbm>>
        %dma_wait3A_589 = arith.constant 0 : i32
        %dma_wait3A_590 = arith.constant 0 : i32
        %dma_wait3A_591 = tpu.memref_slice %arg5[%add3A, %dma_wait3A_584, %dma_wait3A_589, %dma_wait3A_590] : memref<32x90x3x112xi32, #tpu.memory_space<hbm>> -> memref<1x1x3x112xi32, #tpu.memory_space<hbm>>
        %dma_wait3A_592 = tpu.memref_squeeze %dma_wait3A_591 : memref<1x1x3x112xi32, #tpu.memory_space<hbm>> -> memref<3x112xi32, #tpu.memory_space<hbm>>
        tpu.wait_dma2 semaphore(%arg21 : memref<!tpu.dma_semaphore, #tpu.memory_space<semaphore_mem>>) src(%dma_wait3A_592 : memref<3x112xi32, #tpu.memory_space<hbm>>) dst(%arg7 : memref<3x112xi32, #tpu.memory_space<vmem>>)
        %dma_start3A_593 = arith.constant 1 : i32
        %dma_start3A_594 = arith.constant 0 : i32
        %dma_start3A_595 = tpu.memref_slice %arg7[%dma_start3A_593, %dma_start3A_594] : memref<3x112xi32, #tpu.memory_space<vmem>> -> memref<1x112xi32, #tpu.memory_space<vmem>>
        %dma_start3A_596 = tpu.memref_squeeze %dma_start3A_595 : memref<1x112xi32, #tpu.memory_space<vmem>> -> memref<112xi32, #tpu.memory_space<vmem>>
        %dma_start3A_597 = arith.constant 0 : i32
        %dma_start3A_598 = arith.constant 0 : i32
        %dma_start3A_599 = tpu.memref_slice %arg2[%dma_start3A_597, %dma_start3A_598] : memref<10000x128xf32, #tpu.memory_space<hbm>> -> memref<10000x128xf32, #tpu.memory_space<hbm>>
        tpu.enqueue_indirect_dma source(%dma_start3A_599 : memref<10000x128xf32, #tpu.memory_space<hbm>>) target(%arg14 : memref<112x128xf32, #tpu.memory_space<vmem>>) offsets(%dma_start3A_596 : memref<112xi32, #tpu.memory_space<vmem>>) semaphore(%arg17 : memref<!tpu.dma_semaphore, #tpu.memory_space<semaphore_mem>>)
      } else {
      }
      %dma_wait3A_558 = arith.constant 1 : i32
      %dma_wait3A_559 = arith.constant 0 : i32
      %dma_wait3A_560 = tpu.memref_slice %arg8[%dma_wait3A_558, %dma_wait3A_559] : memref<3x112xi32, #tpu.memory_space<vmem>> -> memref<1x112xi32, #tpu.memory_space<vmem>>
      %dma_wait3A_561 = tpu.memref_squeeze %dma_wait3A_560 : memref<1x112xi32, #tpu.memory_space<vmem>> -> memref<112xi32, #tpu.memory_space<vmem>>
      %dma_wait3A_562 = arith.constant 0 : i32
      %dma_wait3A_563 = arith.constant 0 : i32
      %dma_wait3A_564 = tpu.memref_slice %arg2[%dma_wait3A_562, %dma_wait3A_563] : memref<10000x128xf32, #tpu.memory_space<hbm>> -> memref<10000x128xf32, #tpu.memory_space<hbm>>
      tpu.wait_indirect_dma semaphore(%arg18 : memref<!tpu.dma_semaphore, #tpu.memory_space<semaphore_mem>>) src(%dma_wait3A_564 : memref<10000x128xf32, #tpu.memory_space<hbm>>) dst(%arg15 : memref<112x128xf32, #tpu.memory_space<vmem>>)
      %add3A_565 = arith.constant 2 : i32
      %add3A_566 = arith.addi %add3A_326, %add3A_565 : i32
      %lt3A_567 = arith.constant 90 : i32
      %lt3A_568 = arith.cmpi slt, %add3A_566, %lt3A_567 : i32
      %convert_element_type3A_569 = arith.extui %lt3A_568 : i1 to i32
      %cond3A_570 = arith.constant 0 : i32
      %cond3A_571 = arith.cmpi ne, %convert_element_type3A_569, %cond3A_570 : i32
      scf.if %cond3A_571 {
        %add3A_580 = arith.constant 2 : i32
        %add3A_581 = arith.addi %add3A_326, %add3A_580 : i32
        %dma_start3A_582 = arith.constant 0 : i32
        %dma_start3A_583 = arith.constant 0 : i32
        %dma_start3A_584 = tpu.memref_slice %arg5[%add3A, %add3A_581, %dma_start3A_582, %dma_start3A_583] : memref<32x90x3x112xi32, #tpu.memory_space<hbm>> -> memref<1x1x3x112xi32, #tpu.memory_space<hbm>>
        %dma_start3A_585 = tpu.memref_squeeze %dma_start3A_584 : memref<1x1x3x112xi32, #tpu.memory_space<hbm>> -> memref<3x112xi32, #tpu.memory_space<hbm>>
        %dma_start3A_586 = arith.constant 0 : i32
        %dma_start3A_587 = arith.constant 0 : i32
        %dma_start3A_588 = tpu.memref_slice %arg5[%add3A, %add3A_581, %dma_start3A_586, %dma_start3A_587] : memref<32x90x3x112xi32, #tpu.memory_space<hbm>> -> memref<1x1x3x112xi32, #tpu.memory_space<hbm>>
        %dma_start3A_589 = tpu.memref_squeeze %dma_start3A_588 : memref<1x1x3x112xi32, #tpu.memory_space<hbm>> -> memref<3x112xi32, #tpu.memory_space<hbm>>
        tpu.enqueue_dma source(%dma_start3A_589 : memref<3x112xi32, #tpu.memory_space<hbm>>) target(%arg8 : memref<3x112xi32, #tpu.memory_space<vmem>>) target_semaphore(%arg22 : memref<!tpu.dma_semaphore, #tpu.memory_space<semaphore_mem>>)
      } else {
      }
      %scan3A_572 = arith.constant 0 : i32
      %scan3A_573 = arith.constant 7 : i32
      %scan3A_574 = arith.addi %scan3A_572, %scan3A_573 : i32
      %scan3A_575 = arith.constant 1 : i32
      scf.for %scan3A_580 = %scan3A_572 to %scan3A_574 step %scan3A_575  : i32 {
        %mul3A_581 = arith.constant 1 : i32
        %mul3A_582 = arith.muli %scan3A_580, %mul3A_581 : i32
        %add3A_583 = arith.constant 0 : i32
        %add3A_584 = arith.addi %add3A_583, %mul3A_582 : i32
        %mul3A_585 = arith.constant 16 : i32
        %mul3A_586 = arith.muli %add3A_584, %mul3A_585 : i32
        %get3A_587 = arith.index_cast %mul3A_586 : i32 to index
        %get3A_588 = tpu.vector_load %arg11[%get3A_587] {strides = array<i32>} : memref<112xf32, #tpu.memory_space<vmem>>, vector<16xf32>,
        %slice3A = vector.extract_strided_slice %get3A_588 {offsets = [0], sizes = [1], strides = [1]} : vector<16xf32> to vector<1xf32>
        %squeeze3A = vector.extract %slice3A[0] : f32 from vector<1xf32>
        %mul3A_589 = arith.constant 16 : i32
        %mul3A_590 = arith.muli %add3A_584, %mul3A_589 : i32
        %add3A_591 = arith.constant 0 : i32
        %add3A_592 = arith.addi %mul3A_590, %add3A_591 : i32
        %get3A_593 = arith.index_cast %add3A_592 : i32 to index
        %get3A_594 = arith.constant 0 : index
        %get3A_595 = tpu.vector_load %arg15[%get3A_593, %get3A_594] {strides = array<i32>} : memref<112x128xf32, #tpu.memory_space<vmem>>, vector<16xf32>,
        %mul3A_596 = vector.broadcast %squeeze3A : f32 to vector<16xf32>
        %mul3A_597 = arith.mulf %get3A_595, %mul3A_596 : vector<16xf32>
        %swap3A_598 = arith.index_cast %add3A_592 : i32 to index
        %swap3A_599 = arith.constant 0 : index
        %swap3A_600 = tpu.vector_load %arg15[%swap3A_598, %swap3A_599] {strides = array<i32>} : memref<112x128xf32, #tpu.memory_space<vmem>>, vector<16xf32>,
        tpu.vector_store %arg15[%swap3A_598, %swap3A_599], %mul3A_597 {strides = array<i32>} : memref<112x128xf32, #tpu.memory_space<vmem>>, vector<16xf32>,
        %get3A_601 = arith.index_cast %add3A_592 : i32 to index
        %get3A_602 = arith.constant 16 : index
        %get3A_603 = tpu.vector_load %arg15[%get3A_601, %get3A_602] {strides = array<i32>} : memref<112x128xf32, #tpu.memory_space<vmem>>, vector<16xf32>,
        %mul3A_604 = vector.broadcast %squeeze3A : f32 to vector<16xf32>
        %mul3A_605 = arith.mulf %get3A_603, %mul3A_604 : vector<16xf32>
        %swap3A_606 = arith.index_cast %add3A_592 : i32 to index
        %swap3A_607 = arith.constant 16 : index
        %swap3A_608 = tpu.vector_load %arg15[%swap3A_606, %swap3A_607] {strides = array<i32>} : memref<112x128xf32, #tpu.memory_space<vmem>>, vector<16xf32>,
        tpu.vector_store %arg15[%swap3A_606, %swap3A_607], %mul3A_605 {strides = array<i32>} : memref<112x128xf32, #tpu.memory_space<vmem>>, vector<16xf32>,
        %get3A_609 = arith.index_cast %add3A_592 : i32 to index
        %get3A_610 = arith.constant 32 : index
        %get3A_611 = tpu.vector_load %arg15[%get3A_609, %get3A_610] {strides = array<i32>} : memref<112x128xf32, #tpu.memory_space<vmem>>, vector<16xf32>,
        %mul3A_612 = vector.broadcast %squeeze3A : f32 to vector<16xf32>
        %mul3A_613 = arith.mulf %get3A_611, %mul3A_612 : vector<16xf32>
        %swap3A_614 = arith.index_cast %add3A_592 : i32 to index
        %swap3A_615 = arith.constant 32 : index
        %swap3A_616 = tpu.vector_load %arg15[%swap3A_614, %swap3A_615] {strides = array<i32>} : memref<112x128xf32, #tpu.memory_space<vmem>>, vector<16xf32>,
        tpu.vector_store %arg15[%swap3A_614, %swap3A_615], %mul3A_613 {strides = array<i32>} : memref<112x128xf32, #tpu.memory_space<vmem>>, vector<16xf32>,
        %get3A_617 = arith.index_cast %add3A_592 : i32 to index
        %get3A_618 = arith.constant 48 : index
        %get3A_619 = tpu.vector_load %arg15[%get3A_617, %get3A_618] {strides = array<i32>} : memref<112x128xf32, #tpu.memory_space<vmem>>, vector<16xf32>,
        %mul3A_620 = vector.broadcast %squeeze3A : f32 to vector<16xf32>
        %mul3A_621 = arith.mulf %get3A_619, %mul3A_620 : vector<16xf32>
        %swap3A_622 = arith.index_cast %add3A_592 : i32 to index
        %swap3A_623 = arith.constant 48 : index
        %swap3A_624 = tpu.vector_load %arg15[%swap3A_622, %swap3A_623] {strides = array<i32>} : memref<112x128xf32, #tpu.memory_space<vmem>>, vector<16xf32>,
        tpu.vector_store %arg15[%swap3A_622, %swap3A_623], %mul3A_621 {strides = array<i32>} : memref<112x128xf32, #tpu.memory_space<vmem>>, vector<16xf32>,
        %get3A_625 = arith.index_cast %add3A_592 : i32 to index
        %get3A_626 = arith.constant 64 : index
        %get3A_627 = tpu.vector_load %arg15[%get3A_625, %get3A_626] {strides = array<i32>} : memref<112x128xf32, #tpu.memory_space<vmem>>, vector<16xf32>,
        %mul3A_628 = vector.broadcast %squeeze3A : f32 to vector<16xf32>
        %mul3A_629 = arith.mulf %get3A_627, %mul3A_628 : vector<16xf32>
        %swap3A_630 = arith.index_cast %add3A_592 : i32 to index
        %swap3A_631 = arith.constant 64 : index
        %swap3A_632 = tpu.vector_load %arg15[%swap3A_630, %swap3A_631] {strides = array<i32>} : memref<112x128xf32, #tpu.memory_space<vmem>>, vector<16xf32>,
        tpu.vector_store %arg15[%swap3A_630, %swap3A_631], %mul3A_629 {strides = array<i32>} : memref<112x128xf32, #tpu.memory_space<vmem>>, vector<16xf32>,
        %get3A_633 = arith.index_cast %add3A_592 : i32 to index
        %get3A_634 = arith.constant 80 : index
        %get3A_635 = tpu.vector_load %arg15[%get3A_633, %get3A_634] {strides = array<i32>} : memref<112x128xf32, #tpu.memory_space<vmem>>, vector<16xf32>,
        %mul3A_636 = vector.broadcast %squeeze3A : f32 to vector<16xf32>
        %mul3A_637 = arith.mulf %get3A_635, %mul3A_636 : vector<16xf32>
        %swap3A_638 = arith.index_cast %add3A_592 : i32 to index
        %swap3A_639 = arith.constant 80 : index
        %swap3A_640 = tpu.vector_load %arg15[%swap3A_638, %swap3A_639] {strides = array<i32>} : memref<112x128xf32, #tpu.memory_space<vmem>>, vector<16xf32>,
        tpu.vector_store %arg15[%swap3A_638, %swap3A_639], %mul3A_637 {strides = array<i32>} : memref<112x128xf32, #tpu.memory_space<vmem>>, vector<16xf32>,
        %get3A_641 = arith.index_cast %add3A_592 : i32 to index
        %get3A_642 = arith.constant 96 : index
        %get3A_643 = tpu.vector_load %arg15[%get3A_641, %get3A_642] {strides = array<i32>} : memref<112x128xf32, #tpu.memory_space<vmem>>, vector<16xf32>,
        %mul3A_644 = vector.broadcast %squeeze3A : f32 to vector<16xf32>
        %mul3A_645 = arith.mulf %get3A_643, %mul3A_644 : vector<16xf32>
        %swap3A_646 = arith.index_cast %add3A_592 : i32 to index
        %swap3A_647 = arith.constant 96 : index
        %swap3A_648 = tpu.vector_load %arg15[%swap3A_646, %swap3A_647] {strides = array<i32>} : memref<112x128xf32, #tpu.memory_space<vmem>>, vector<16xf32>,
        tpu.vector_store %arg15[%swap3A_646, %swap3A_647], %mul3A_645 {strides = array<i32>} : memref<112x128xf32, #tpu.memory_space<vmem>>, vector<16xf32>,
        %get3A_649 = arith.index_cast %add3A_592 : i32 to index
        %get3A_650 = arith.constant 112 : index
        %get3A_651 = tpu.vector_load %arg15[%get3A_649, %get3A_650] {strides = array<i32>} : memref<112x128xf32, #tpu.memory_space<vmem>>, vector<16xf32>,
        %mul3A_652 = vector.broadcast %squeeze3A : f32 to vector<16xf32>
        %mul3A_653 = arith.mulf %get3A_651, %mul3A_652 : vector<16xf32>
        %swap3A_654 = arith.index_cast %add3A_592 : i32 to index
        %swap3A_655 = arith.constant 112 : index
        %swap3A_656 = tpu.vector_load %arg15[%swap3A_654, %swap3A_655] {strides = array<i32>} : memref<112x128xf32, #tpu.memory_space<vmem>>, vector<16xf32>,
        tpu.vector_store %arg15[%swap3A_654, %swap3A_655], %mul3A_653 {strides = array<i32>} : memref<112x128xf32, #tpu.memory_space<vmem>>, vector<16xf32>,
        %slice3A_657 = vector.extract_strided_slice %get3A_588 {offsets = [1], sizes = [1], strides = [1]} : vector<16xf32> to vector<1xf32>
        %squeeze3A_658 = vector.extract %slice3A_657[0] : f32 from vector<1xf32>
        %mul3A_659 = arith.constant 16 : i32
        %mul3A_660 = arith.muli %add3A_584, %mul3A_659 : i32
        %add3A_661 = arith.constant 1 : i32
        %add3A_662 = arith.addi %mul3A_660, %add3A_661 : i32
        %get3A_663 = arith.index_cast %add3A_662 : i32 to index
        %get3A_664 = arith.constant 0 : index
        %get3A_665 = tpu.vector_load %arg15[%get3A_663, %get3A_664] {strides = array<i32>} : memref<112x128xf32, #tpu.memory_space<vmem>>, vector<16xf32>,
        %mul3A_666 = vector.broadcast %squeeze3A_658 : f32 to vector<16xf32>
        %mul3A_667 = arith.mulf %get3A_665, %mul3A_666 : vector<16xf32>
        %swap3A_668 = arith.index_cast %add3A_662 : i32 to index
        %swap3A_669 = arith.constant 0 : index
        %swap3A_670 = tpu.vector_load %arg15[%swap3A_668, %swap3A_669] {strides = array<i32>} : memref<112x128xf32, #tpu.memory_space<vmem>>, vector<16xf32>,
        tpu.vector_store %arg15[%swap3A_668, %swap3A_669], %mul3A_667 {strides = array<i32>} : memref<112x128xf32, #tpu.memory_space<vmem>>, vector<16xf32>,
        %get3A_671 = arith.index_cast %add3A_662 : i32 to index
        %get3A_672 = arith.constant 16 : index
        %get3A_673 = tpu.vector_load %arg15[%get3A_671, %get3A_672] {strides = array<i32>} : memref<112x128xf32, #tpu.memory_space<vmem>>, vector<16xf32>,
        %mul3A_674 = vector.broadcast %squeeze3A_658 : f32 to vector<16xf32>
        %mul3A_675 = arith.mulf %get3A_673, %mul3A_674 : vector<16xf32>
        %swap3A_676 = arith.index_cast %add3A_662 : i32 to index
        %swap3A_677 = arith.constant 16 : index
        %swap3A_678 = tpu.vector_load %arg15[%swap3A_676, %swap3A_677] {strides = array<i32>} : memref<112x128xf32, #tpu.memory_space<vmem>>, vector<16xf32>,
        tpu.vector_store %arg15[%swap3A_676, %swap3A_677], %mul3A_675 {strides = array<i32>} : memref<112x128xf32, #tpu.memory_space<vmem>>, vector<16xf32>,
        %get3A_679 = arith.index_cast %add3A_662 : i32 to index
        %get3A_680 = arith.constant 32 : index
        %get3A_681 = tpu.vector_load %arg15[%get3A_679, %get3A_680] {strides = array<i32>} : memref<112x128xf32, #tpu.memory_space<vmem>>, vector<16xf32>,
        %mul3A_682 = vector.broadcast %squeeze3A_658 : f32 to vector<16xf32>
        %mul3A_683 = arith.mulf %get3A_681, %mul3A_682 : vector<16xf32>
        %swap3A_684 = arith.index_cast %add3A_662 : i32 to index
        %swap3A_685 = arith.constant 32 : index
        %swap3A_686 = tpu.vector_load %arg15[%swap3A_684, %swap3A_685] {strides = array<i32>} : memref<112x128xf32, #tpu.memory_space<vmem>>, vector<16xf32>,
        tpu.vector_store %arg15[%swap3A_684, %swap3A_685], %mul3A_683 {strides = array<i32>} : memref<112x128xf32, #tpu.memory_space<vmem>>, vector<16xf32>,
        %get3A_687 = arith.index_cast %add3A_662 : i32 to index
        %get3A_688 = arith.constant 48 : index
        %get3A_689 = tpu.vector_load %arg15[%get3A_687, %get3A_688] {strides = array<i32>} : memref<112x128xf32, #tpu.memory_space<vmem>>, vector<16xf32>,
        %mul3A_690 = vector.broadcast %squeeze3A_658 : f32 to vector<16xf32>
        %mul3A_691 = arith.mulf %get3A_689, %mul3A_690 : vector<16xf32>
        %swap3A_692 = arith.index_cast %add3A_662 : i32 to index
        %swap3A_693 = arith.constant 48 : index
        %swap3A_694 = tpu.vector_load %arg15[%swap3A_692, %swap3A_693] {strides = array<i32>} : memref<112x128xf32, #tpu.memory_space<vmem>>, vector<16xf32>,
        tpu.vector_store %arg15[%swap3A_692, %swap3A_693], %mul3A_691 {strides = array<i32>} : memref<112x128xf32, #tpu.memory_space<vmem>>, vector<16xf32>,
        %get3A_695 = arith.index_cast %add3A_662 : i32 to index
        %get3A_696 = arith.constant 64 : index
        %get3A_697 = tpu.vector_load %arg15[%get3A_695, %get3A_696] {strides = array<i32>} : memref<112x128xf32, #tpu.memory_space<vmem>>, vector<16xf32>,
        %mul3A_698 = vector.broadcast %squeeze3A_658 : f32 to vector<16xf32>
        %mul3A_699 = arith.mulf %get3A_697, %mul3A_698 : vector<16xf32>
        %swap3A_700 = arith.index_cast %add3A_662 : i32 to index
        %swap3A_701 = arith.constant 64 : index
        %swap3A_702 = tpu.vector_load %arg15[%swap3A_700, %swap3A_701] {strides = array<i32>} : memref<112x128xf32, #tpu.memory_space<vmem>>, vector<16xf32>,
        tpu.vector_store %arg15[%swap3A_700, %swap3A_701], %mul3A_699 {strides = array<i32>} : memref<112x128xf32, #tpu.memory_space<vmem>>, vector<16xf32>,
        %get3A_703 = arith.index_cast %add3A_662 : i32 to index
        %get3A_704 = arith.constant 80 : index
        %get3A_705 = tpu.vector_load %arg15[%get3A_703, %get3A_704] {strides = array<i32>} : memref<112x128xf32, #tpu.memory_space<vmem>>, vector<16xf32>,
        %mul3A_706 = vector.broadcast %squeeze3A_658 : f32 to vector<16xf32>
        %mul3A_707 = arith.mulf %get3A_705, %mul3A_706 : vector<16xf32>
        %swap3A_708 = arith.index_cast %add3A_662 : i32 to index
        %swap3A_709 = arith.constant 80 : index
        %swap3A_710 = tpu.vector_load %arg15[%swap3A_708, %swap3A_709] {strides = array<i32>} : memref<112x128xf32, #tpu.memory_space<vmem>>, vector<16xf32>,
        tpu.vector_store %arg15[%swap3A_708, %swap3A_709], %mul3A_707 {strides = array<i32>} : memref<112x128xf32, #tpu.memory_space<vmem>>, vector<16xf32>,
        %get3A_711 = arith.index_cast %add3A_662 : i32 to index
        %get3A_712 = arith.constant 96 : index
        %get3A_713 = tpu.vector_load %arg15[%get3A_711, %get3A_712] {strides = array<i32>} : memref<112x128xf32, #tpu.memory_space<vmem>>, vector<16xf32>,
        %mul3A_714 = vector.broadcast %squeeze3A_658 : f32 to vector<16xf32>
        %mul3A_715 = arith.mulf %get3A_713, %mul3A_714 : vector<16xf32>
        %swap3A_716 = arith.index_cast %add3A_662 : i32 to index
        %swap3A_717 = arith.constant 96 : index
        %swap3A_718 = tpu.vector_load %arg15[%swap3A_716, %swap3A_717] {strides = array<i32>} : memref<112x128xf32, #tpu.memory_space<vmem>>, vector<16xf32>,
        tpu.vector_store %arg15[%swap3A_716, %swap3A_717], %mul3A_715 {strides = array<i32>} : memref<112x128xf32, #tpu.memory_space<vmem>>, vector<16xf32>,
        %get3A_719 = arith.index_cast %add3A_662 : i32 to index
        %get3A_720 = arith.constant 112 : index
        %get3A_721 = tpu.vector_load %arg15[%get3A_719, %get3A_720] {strides = array<i32>} : memref<112x128xf32, #tpu.memory_space<vmem>>, vector<16xf32>,
        %mul3A_722 = vector.broadcast %squeeze3A_658 : f32 to vector<16xf32>
        %mul3A_723 = arith.mulf %get3A_721, %mul3A_722 : vector<16xf32>
        %swap3A_724 = arith.index_cast %add3A_662 : i32 to index
        %swap3A_725 = arith.constant 112 : index
        %swap3A_726 = tpu.vector_load %arg15[%swap3A_724, %swap3A_725] {strides = array<i32>} : memref<112x128xf32, #tpu.memory_space<vmem>>, vector<16xf32>,
        tpu.vector_store %arg15[%swap3A_724, %swap3A_725], %mul3A_723 {strides = array<i32>} : memref<112x128xf32, #tpu.memory_space<vmem>>, vector<16xf32>,
        %slice3A_727 = vector.extract_strided_slice %get3A_588 {offsets = [2], sizes = [1], strides = [1]} : vector<16xf32> to vector<1xf32>
        %squeeze3A_728 = vector.extract %slice3A_727[0] : f32 from vector<1xf32>
        %mul3A_729 = arith.constant 16 : i32
        %mul3A_730 = arith.muli %add3A_584, %mul3A_729 : i32
        %add3A_731 = arith.constant 2 : i32
        %add3A_732 = arith.addi %mul3A_730, %add3A_731 : i32
        %get3A_733 = arith.index_cast %add3A_732 : i32 to index
        %get3A_734 = arith.constant 0 : index
        %get3A_735 = tpu.vector_load %arg15[%get3A_733, %get3A_734] {strides = array<i32>} : memref<112x128xf32, #tpu.memory_space<vmem>>, vector<16xf32>,
        %mul3A_736 = vector.broadcast %squeeze3A_728 : f32 to vector<16xf32>
        %mul3A_737 = arith.mulf %get3A_735, %mul3A_736 : vector<16xf32>
        %swap3A_738 = arith.index_cast %add3A_732 : i32 to index
        %swap3A_739 = arith.constant 0 : index
        %swap3A_740 = tpu.vector_load %arg15[%swap3A_738, %swap3A_739] {strides = array<i32>} : memref<112x128xf32, #tpu.memory_space<vmem>>, vector<16xf32>,
        tpu.vector_store %arg15[%swap3A_738, %swap3A_739], %mul3A_737 {strides = array<i32>} : memref<112x128xf32, #tpu.memory_space<vmem>>, vector<16xf32>,
        %get3A_741 = arith.index_cast %add3A_732 : i32 to index
        %get3A_742 = arith.constant 16 : index
        %get3A_743 = tpu.vector_load %arg15[%get3A_741, %get3A_742] {strides = array<i32>} : memref<112x128xf32, #tpu.memory_space<vmem>>, vector<16xf32>,
        %mul3A_744 = vector.broadcast %squeeze3A_728 : f32 to vector<16xf32>
        %mul3A_745 = arith.mulf %get3A_743, %mul3A_744 : vector<16xf32>
        %swap3A_746 = arith.index_cast %add3A_732 : i32 to index
        %swap3A_747 = arith.constant 16 : index
        %swap3A_748 = tpu.vector_load %arg15[%swap3A_746, %swap3A_747] {strides = array<i32>} : memref<112x128xf32, #tpu.memory_space<vmem>>, vector<16xf32>,
        tpu.vector_store %arg15[%swap3A_746, %swap3A_747], %mul3A_745 {strides = array<i32>} : memref<112x128xf32, #tpu.memory_space<vmem>>, vector<16xf32>,
        %get3A_749 = arith.index_cast %add3A_732 : i32 to index
        %get3A_750 = arith.constant 32 : index
        %get3A_751 = tpu.vector_load %arg15[%get3A_749, %get3A_750] {strides = array<i32>} : memref<112x128xf32, #tpu.memory_space<vmem>>, vector<16xf32>,
        %mul3A_752 = vector.broadcast %squeeze3A_728 : f32 to vector<16xf32>
        %mul3A_753 = arith.mulf %get3A_751, %mul3A_752 : vector<16xf32>
        %swap3A_754 = arith.index_cast %add3A_732 : i32 to index
        %swap3A_755 = arith.constant 32 : index
        %swap3A_756 = tpu.vector_load %arg15[%swap3A_754, %swap3A_755] {strides = array<i32>} : memref<112x128xf32, #tpu.memory_space<vmem>>, vector<16xf32>,
        tpu.vector_store %arg15[%swap3A_754, %swap3A_755], %mul3A_753 {strides = array<i32>} : memref<112x128xf32, #tpu.memory_space<vmem>>, vector<16xf32>,
        %get3A_757 = arith.index_cast %add3A_732 : i32 to index
        %get3A_758 = arith.constant 48 : index
        %get3A_759 = tpu.vector_load %arg15[%get3A_757, %get3A_758] {strides = array<i32>} : memref<112x128xf32, #tpu.memory_space<vmem>>, vector<16xf32>,
        %mul3A_760 = vector.broadcast %squeeze3A_728 : f32 to vector<16xf32>
        %mul3A_761 = arith.mulf %get3A_759, %mul3A_760 : vector<16xf32>
        %swap3A_762 = arith.index_cast %add3A_732 : i32 to index
        %swap3A_763 = arith.constant 48 : index
        %swap3A_764 = tpu.vector_load %arg15[%swap3A_762, %swap3A_763] {strides = array<i32>} : memref<112x128xf32, #tpu.memory_space<vmem>>, vector<16xf32>,
        tpu.vector_store %arg15[%swap3A_762, %swap3A_763], %mul3A_761 {strides = array<i32>} : memref<112x128xf32, #tpu.memory_space<vmem>>, vector<16xf32>,
        %get3A_765 = arith.index_cast %add3A_732 : i32 to index
        %get3A_766 = arith.constant 64 : index
        %get3A_767 = tpu.vector_load %arg15[%get3A_765, %get3A_766] {strides = array<i32>} : memref<112x128xf32, #tpu.memory_space<vmem>>, vector<16xf32>,
        %mul3A_768 = vector.broadcast %squeeze3A_728 : f32 to vector<16xf32>
        %mul3A_769 = arith.mulf %get3A_767, %mul3A_768 : vector<16xf32>
        %swap3A_770 = arith.index_cast %add3A_732 : i32 to index
        %swap3A_771 = arith.constant 64 : index
        %swap3A_772 = tpu.vector_load %arg15[%swap3A_770, %swap3A_771] {strides = array<i32>} : memref<112x128xf32, #tpu.memory_space<vmem>>, vector<16xf32>,
        tpu.vector_store %arg15[%swap3A_770, %swap3A_771], %mul3A_769 {strides = array<i32>} : memref<112x128xf32, #tpu.memory_space<vmem>>, vector<16xf32>,
        %get3A_773 = arith.index_cast %add3A_732 : i32 to index
        %get3A_774 = arith.constant 80 : index
        %get3A_775 = tpu.vector_load %arg15[%get3A_773, %get3A_774] {strides = array<i32>} : memref<112x128xf32, #tpu.memory_space<vmem>>, vector<16xf32>,
        %mul3A_776 = vector.broadcast %squeeze3A_728 : f32 to vector<16xf32>
        %mul3A_777 = arith.mulf %get3A_775, %mul3A_776 : vector<16xf32>
        %swap3A_778 = arith.index_cast %add3A_732 : i32 to index
        %swap3A_779 = arith.constant 80 : index
        %swap3A_780 = tpu.vector_load %arg15[%swap3A_778, %swap3A_779] {strides = array<i32>} : memref<112x128xf32, #tpu.memory_space<vmem>>, vector<16xf32>,
        tpu.vector_store %arg15[%swap3A_778, %swap3A_779], %mul3A_777 {strides = array<i32>} : memref<112x128xf32, #tpu.memory_space<vmem>>, vector<16xf32>,
        %get3A_781 = arith.index_cast %add3A_732 : i32 to index
        %get3A_782 = arith.constant 96 : index
        %get3A_783 = tpu.vector_load %arg15[%get3A_781, %get3A_782] {strides = array<i32>} : memref<112x128xf32, #tpu.memory_space<vmem>>, vector<16xf32>,
        %mul3A_784 = vector.broadcast %squeeze3A_728 : f32 to vector<16xf32>
        %mul3A_785 = arith.mulf %get3A_783, %mul3A_784 : vector<16xf32>
        %swap3A_786 = arith.index_cast %add3A_732 : i32 to index
        %swap3A_787 = arith.constant 96 : index
        %swap3A_788 = tpu.vector_load %arg15[%swap3A_786, %swap3A_787] {strides = array<i32>} : memref<112x128xf32, #tpu.memory_space<vmem>>, vector<16xf32>,
        tpu.vector_store %arg15[%swap3A_786, %swap3A_787], %mul3A_785 {strides = array<i32>} : memref<112x128xf32, #tpu.memory_space<vmem>>, vector<16xf32>,
        %get3A_789 = arith.index_cast %add3A_732 : i32 to index
        %get3A_790 = arith.constant 112 : index
        %get3A_791 = tpu.vector_load %arg15[%get3A_789, %get3A_790] {strides = array<i32>} : memref<112x128xf32, #tpu.memory_space<vmem>>, vector<16xf32>,
        %mul3A_792 = vector.broadcast %squeeze3A_728 : f32 to vector<16xf32>
        %mul3A_793 = arith.mulf %get3A_791, %mul3A_792 : vector<16xf32>
        %swap3A_794 = arith.index_cast %add3A_732 : i32 to index
        %swap3A_795 = arith.constant 112 : index
        %swap3A_796 = tpu.vector_load %arg15[%swap3A_794, %swap3A_795] {strides = array<i32>} : memref<112x128xf32, #tpu.memory_space<vmem>>, vector<16xf32>,
        tpu.vector_store %arg15[%swap3A_794, %swap3A_795], %mul3A_793 {strides = array<i32>} : memref<112x128xf32, #tpu.memory_space<vmem>>, vector<16xf32>,
        %slice3A_797 = vector.extract_strided_slice %get3A_588 {offsets = [3], sizes = [1], strides = [1]} : vector<16xf32> to vector<1xf32>
        %squeeze3A_798 = vector.extract %slice3A_797[0] : f32 from vector<1xf32>
        %mul3A_799 = arith.constant 16 : i32
        %mul3A_800 = arith.muli %add3A_584, %mul3A_799 : i32
        %add3A_801 = arith.constant 3 : i32
        %add3A_802 = arith.addi %mul3A_800, %add3A_801 : i32
        %get3A_803 = arith.index_cast %add3A_802 : i32 to index
        %get3A_804 = arith.constant 0 : index
        %get3A_805 = tpu.vector_load %arg15[%get3A_803, %get3A_804] {strides = array<i32>} : memref<112x128xf32, #tpu.memory_space<vmem>>, vector<16xf32>,
        %mul3A_806 = vector.broadcast %squeeze3A_798 : f32 to vector<16xf32>
        %mul3A_807 = arith.mulf %get3A_805, %mul3A_806 : vector<16xf32>
        %swap3A_808 = arith.index_cast %add3A_802 : i32 to index
        %swap3A_809 = arith.constant 0 : index
        %swap3A_810 = tpu.vector_load %arg15[%swap3A_808, %swap3A_809] {strides = array<i32>} : memref<112x128xf32, #tpu.memory_space<vmem>>, vector<16xf32>,
        tpu.vector_store %arg15[%swap3A_808, %swap3A_809], %mul3A_807 {strides = array<i32>} : memref<112x128xf32, #tpu.memory_space<vmem>>, vector<16xf32>,
        %get3A_811 = arith.index_cast %add3A_802 : i32 to index
        %get3A_812 = arith.constant 16 : index
        %get3A_813 = tpu.vector_load %arg15[%get3A_811, %get3A_812] {strides = array<i32>} : memref<112x128xf32, #tpu.memory_space<vmem>>, vector<16xf32>,
        %mul3A_814 = vector.broadcast %squeeze3A_798 : f32 to vector<16xf32>
        %mul3A_815 = arith.mulf %get3A_813, %mul3A_814 : vector<16xf32>
        %swap3A_816 = arith.index_cast %add3A_802 : i32 to index
        %swap3A_817 = arith.constant 16 : index
        %swap3A_818 = tpu.vector_load %arg15[%swap3A_816, %swap3A_817] {strides = array<i32>} : memref<112x128xf32, #tpu.memory_space<vmem>>, vector<16xf32>,
        tpu.vector_store %arg15[%swap3A_816, %swap3A_817], %mul3A_815 {strides = array<i32>} : memref<112x128xf32, #tpu.memory_space<vmem>>, vector<16xf32>,
        %get3A_819 = arith.index_cast %add3A_802 : i32 to index
        %get3A_820 = arith.constant 32 : index
        %get3A_821 = tpu.vector_load %arg15[%get3A_819, %get3A_820] {strides = array<i32>} : memref<112x128xf32, #tpu.memory_space<vmem>>, vector<16xf32>,
        %mul3A_822 = vector.broadcast %squeeze3A_798 : f32 to vector<16xf32>
        %mul3A_823 = arith.mulf %get3A_821, %mul3A_822 : vector<16xf32>
        %swap3A_824 = arith.index_cast %add3A_802 : i32 to index
        %swap3A_825 = arith.constant 32 : index
        %swap3A_826 = tpu.vector_load %arg15[%swap3A_824, %swap3A_825] {strides = array<i32>} : memref<112x128xf32, #tpu.memory_space<vmem>>, vector<16xf32>,
        tpu.vector_store %arg15[%swap3A_824, %swap3A_825], %mul3A_823 {strides = array<i32>} : memref<112x128xf32, #tpu.memory_space<vmem>>, vector<16xf32>,
        %get3A_827 = arith.index_cast %add3A_802 : i32 to index
        %get3A_828 = arith.constant 48 : index
        %get3A_829 = tpu.vector_load %arg15[%get3A_827, %get3A_828] {strides = array<i32>} : memref<112x128xf32, #tpu.memory_space<vmem>>, vector<16xf32>,
        %mul3A_830 = vector.broadcast %squeeze3A_798 : f32 to vector<16xf32>
        %mul3A_831 = arith.mulf %get3A_829, %mul3A_830 : vector<16xf32>
        %swap3A_832 = arith.index_cast %add3A_802 : i32 to index
        %swap3A_833 = arith.constant 48 : index
        %swap3A_834 = tpu.vector_load %arg15[%swap3A_832, %swap3A_833] {strides = array<i32>} : memref<112x128xf32, #tpu.memory_space<vmem>>, vector<16xf32>,
        tpu.vector_store %arg15[%swap3A_832, %swap3A_833], %mul3A_831 {strides = array<i32>} : memref<112x128xf32, #tpu.memory_space<vmem>>, vector<16xf32>,
        %get3A_835 = arith.index_cast %add3A_802 : i32 to index
        %get3A_836 = arith.constant 64 : index
        %get3A_837 = tpu.vector_load %arg15[%get3A_835, %get3A_836] {strides = array<i32>} : memref<112x128xf32, #tpu.memory_space<vmem>>, vector<16xf32>,
        %mul3A_838 = vector.broadcast %squeeze3A_798 : f32 to vector<16xf32>
        %mul3A_839 = arith.mulf %get3A_837, %mul3A_838 : vector<16xf32>
        %swap3A_840 = arith.index_cast %add3A_802 : i32 to index
        %swap3A_841 = arith.constant 64 : index
        %swap3A_842 = tpu.vector_load %arg15[%swap3A_840, %swap3A_841] {strides = array<i32>} : memref<112x128xf32, #tpu.memory_space<vmem>>, vector<16xf32>,
        tpu.vector_store %arg15[%swap3A_840, %swap3A_841], %mul3A_839 {strides = array<i32>} : memref<112x128xf32, #tpu.memory_space<vmem>>, vector<16xf32>,
        %get3A_843 = arith.index_cast %add3A_802 : i32 to index
        %get3A_844 = arith.constant 80 : index
        %get3A_845 = tpu.vector_load %arg15[%get3A_843, %get3A_844] {strides = array<i32>} : memref<112x128xf32, #tpu.memory_space<vmem>>, vector<16xf32>,
        %mul3A_846 = vector.broadcast %squeeze3A_798 : f32 to vector<16xf32>
        %mul3A_847 = arith.mulf %get3A_845, %mul3A_846 : vector<16xf32>
        %swap3A_848 = arith.index_cast %add3A_802 : i32 to index
        %swap3A_849 = arith.constant 80 : index
        %swap3A_850 = tpu.vector_load %arg15[%swap3A_848, %swap3A_849] {strides = array<i32>} : memref<112x128xf32, #tpu.memory_space<vmem>>, vector<16xf32>,
        tpu.vector_store %arg15[%swap3A_848, %swap3A_849], %mul3A_847 {strides = array<i32>} : memref<112x128xf32, #tpu.memory_space<vmem>>, vector<16xf32>,
        %get3A_851 = arith.index_cast %add3A_802 : i32 to index
        %get3A_852 = arith.constant 96 : index
        %get3A_853 = tpu.vector_load %arg15[%get3A_851, %get3A_852] {strides = array<i32>} : memref<112x128xf32, #tpu.memory_space<vmem>>, vector<16xf32>,
        %mul3A_854 = vector.broadcast %squeeze3A_798 : f32 to vector<16xf32>
        %mul3A_855 = arith.mulf %get3A_853, %mul3A_854 : vector<16xf32>
        %swap3A_856 = arith.index_cast %add3A_802 : i32 to index
        %swap3A_857 = arith.constant 96 : index
        %swap3A_858 = tpu.vector_load %arg15[%swap3A_856, %swap3A_857] {strides = array<i32>} : memref<112x128xf32, #tpu.memory_space<vmem>>, vector<16xf32>,
        tpu.vector_store %arg15[%swap3A_856, %swap3A_857], %mul3A_855 {strides = array<i32>} : memref<112x128xf32, #tpu.memory_space<vmem>>, vector<16xf32>,
        %get3A_859 = arith.index_cast %add3A_802 : i32 to index
        %get3A_860 = arith.constant 112 : index
        %get3A_861 = tpu.vector_load %arg15[%get3A_859, %get3A_860] {strides = array<i32>} : memref<112x128xf32, #tpu.memory_space<vmem>>, vector<16xf32>,
        %mul3A_862 = vector.broadcast %squeeze3A_798 : f32 to vector<16xf32>
        %mul3A_863 = arith.mulf %get3A_861, %mul3A_862 : vector<16xf32>
        %swap3A_864 = arith.index_cast %add3A_802 : i32 to index
        %swap3A_865 = arith.constant 112 : index
        %swap3A_866 = tpu.vector_load %arg15[%swap3A_864, %swap3A_865] {strides = array<i32>} : memref<112x128xf32, #tpu.memory_space<vmem>>, vector<16xf32>,
        tpu.vector_store %arg15[%swap3A_864, %swap3A_865], %mul3A_863 {strides = array<i32>} : memref<112x128xf32, #tpu.memory_space<vmem>>, vector<16xf32>,
        %slice3A_867 = vector.extract_strided_slice %get3A_588 {offsets = [4], sizes = [1], strides = [1]} : vector<16xf32> to vector<1xf32>
        %squeeze3A_868 = vector.extract %slice3A_867[0] : f32 from vector<1xf32>
        %mul3A_869 = arith.constant 16 : i32
        %mul3A_870 = arith.muli %add3A_584, %mul3A_869 : i32
        %add3A_871 = arith.constant 4 : i32
        %add3A_872 = arith.addi %mul3A_870, %add3A_871 : i32
        %get3A_873 = arith.index_cast %add3A_872 : i32 to index
        %get3A_874 = arith.constant 0 : index
        %get3A_875 = tpu.vector_load %arg15[%get3A_873, %get3A_874] {strides = array<i32>} : memref<112x128xf32, #tpu.memory_space<vmem>>, vector<16xf32>,
        %mul3A_876 = vector.broadcast %squeeze3A_868 : f32 to vector<16xf32>
        %mul3A_877 = arith.mulf %get3A_875, %mul3A_876 : vector<16xf32>
        %swap3A_878 = arith.index_cast %add3A_872 : i32 to index
        %swap3A_879 = arith.constant 0 : index
        %swap3A_880 = tpu.vector_load %arg15[%swap3A_878, %swap3A_879] {strides = array<i32>} : memref<112x128xf32, #tpu.memory_space<vmem>>, vector<16xf32>,
        tpu.vector_store %arg15[%swap3A_878, %swap3A_879], %mul3A_877 {strides = array<i32>} : memref<112x128xf32, #tpu.memory_space<vmem>>, vector<16xf32>,
        %get3A_881 = arith.index_cast %add3A_872 : i32 to index
        %get3A_882 = arith.constant 16 : index
        %get3A_883 = tpu.vector_load %arg15[%get3A_881, %get3A_882] {strides = array<i32>} : memref<112x128xf32, #tpu.memory_space<vmem>>, vector<16xf32>,
        %mul3A_884 = vector.broadcast %squeeze3A_868 : f32 to vector<16xf32>
        %mul3A_885 = arith.mulf %get3A_883, %mul3A_884 : vector<16xf32>
        %swap3A_886 = arith.index_cast %add3A_872 : i32 to index
        %swap3A_887 = arith.constant 16 : index
        %swap3A_888 = tpu.vector_load %arg15[%swap3A_886, %swap3A_887] {strides = array<i32>} : memref<112x128xf32, #tpu.memory_space<vmem>>, vector<16xf32>,
        tpu.vector_store %arg15[%swap3A_886, %swap3A_887], %mul3A_885 {strides = array<i32>} : memref<112x128xf32, #tpu.memory_space<vmem>>, vector<16xf32>,
        %get3A_889 = arith.index_cast %add3A_872 : i32 to index
        %get3A_890 = arith.constant 32 : index
        %get3A_891 = tpu.vector_load %arg15[%get3A_889, %get3A_890] {strides = array<i32>} : memref<112x128xf32, #tpu.memory_space<vmem>>, vector<16xf32>,
        %mul3A_892 = vector.broadcast %squeeze3A_868 : f32 to vector<16xf32>
        %mul3A_893 = arith.mulf %get3A_891, %mul3A_892 : vector<16xf32>
        %swap3A_894 = arith.index_cast %add3A_872 : i32 to index
        %swap3A_895 = arith.constant 32 : index
        %swap3A_896 = tpu.vector_load %arg15[%swap3A_894, %swap3A_895] {strides = array<i32>} : memref<112x128xf32, #tpu.memory_space<vmem>>, vector<16xf32>,
        tpu.vector_store %arg15[%swap3A_894, %swap3A_895], %mul3A_893 {strides = array<i32>} : memref<112x128xf32, #tpu.memory_space<vmem>>, vector<16xf32>,
        %get3A_897 = arith.index_cast %add3A_872 : i32 to index
        %get3A_898 = arith.constant 48 : index
        %get3A_899 = tpu.vector_load %arg15[%get3A_897, %get3A_898] {strides = array<i32>} : memref<112x128xf32, #tpu.memory_space<vmem>>, vector<16xf32>,
        %mul3A_900 = vector.broadcast %squeeze3A_868 : f32 to vector<16xf32>
        %mul3A_901 = arith.mulf %get3A_899, %mul3A_900 : vector<16xf32>
        %swap3A_902 = arith.index_cast %add3A_872 : i32 to index
        %swap3A_903 = arith.constant 48 : index
        %swap3A_904 = tpu.vector_load %arg15[%swap3A_902, %swap3A_903] {strides = array<i32>} : memref<112x128xf32, #tpu.memory_space<vmem>>, vector<16xf32>,
        tpu.vector_store %arg15[%swap3A_902, %swap3A_903], %mul3A_901 {strides = array<i32>} : memref<112x128xf32, #tpu.memory_space<vmem>>, vector<16xf32>,
        %get3A_905 = arith.index_cast %add3A_872 : i32 to index
        %get3A_906 = arith.constant 64 : index
        %get3A_907 = tpu.vector_load %arg15[%get3A_905, %get3A_906] {strides = array<i32>} : memref<112x128xf32, #tpu.memory_space<vmem>>, vector<16xf32>,
        %mul3A_908 = vector.broadcast %squeeze3A_868 : f32 to vector<16xf32>
        %mul3A_909 = arith.mulf %get3A_907, %mul3A_908 : vector<16xf32>
        %swap3A_910 = arith.index_cast %add3A_872 : i32 to index
        %swap3A_911 = arith.constant 64 : index
        %swap3A_912 = tpu.vector_load %arg15[%swap3A_910, %swap3A_911] {strides = array<i32>} : memref<112x128xf32, #tpu.memory_space<vmem>>, vector<16xf32>,
        tpu.vector_store %arg15[%swap3A_910, %swap3A_911], %mul3A_909 {strides = array<i32>} : memref<112x128xf32, #tpu.memory_space<vmem>>, vector<16xf32>,
        %get3A_913 = arith.index_cast %add3A_872 : i32 to index
        %get3A_914 = arith.constant 80 : index
        %get3A_915 = tpu.vector_load %arg15[%get3A_913, %get3A_914] {strides = array<i32>} : memref<112x128xf32, #tpu.memory_space<vmem>>, vector<16xf32>,
        %mul3A_916 = vector.broadcast %squeeze3A_868 : f32 to vector<16xf32>
        %mul3A_917 = arith.mulf %get3A_915, %mul3A_916 : vector<16xf32>
        %swap3A_918 = arith.index_cast %add3A_872 : i32 to index
        %swap3A_919 = arith.constant 80 : index
        %swap3A_920 = tpu.vector_load %arg15[%swap3A_918, %swap3A_919] {strides = array<i32>} : memref<112x128xf32, #tpu.memory_space<vmem>>, vector<16xf32>,
        tpu.vector_store %arg15[%swap3A_918, %swap3A_919], %mul3A_917 {strides = array<i32>} : memref<112x128xf32, #tpu.memory_space<vmem>>, vector<16xf32>,
        %get3A_921 = arith.index_cast %add3A_872 : i32 to index
        %get3A_922 = arith.constant 96 : index
        %get3A_923 = tpu.vector_load %arg15[%get3A_921, %get3A_922] {strides = array<i32>} : memref<112x128xf32, #tpu.memory_space<vmem>>, vector<16xf32>,
        %mul3A_924 = vector.broadcast %squeeze3A_868 : f32 to vector<16xf32>
        %mul3A_925 = arith.mulf %get3A_923, %mul3A_924 : vector<16xf32>
        %swap3A_926 = arith.index_cast %add3A_872 : i32 to index
        %swap3A_927 = arith.constant 96 : index
        %swap3A_928 = tpu.vector_load %arg15[%swap3A_926, %swap3A_927] {strides = array<i32>} : memref<112x128xf32, #tpu.memory_space<vmem>>, vector<16xf32>,
        tpu.vector_store %arg15[%swap3A_926, %swap3A_927], %mul3A_925 {strides = array<i32>} : memref<112x128xf32, #tpu.memory_space<vmem>>, vector<16xf32>,
        %get3A_929 = arith.index_cast %add3A_872 : i32 to index
        %get3A_930 = arith.constant 112 : index
        %get3A_931 = tpu.vector_load %arg15[%get3A_929, %get3A_930] {strides = array<i32>} : memref<112x128xf32, #tpu.memory_space<vmem>>, vector<16xf32>,
        %mul3A_932 = vector.broadcast %squeeze3A_868 : f32 to vector<16xf32>
        %mul3A_933 = arith.mulf %get3A_931, %mul3A_932 : vector<16xf32>
        %swap3A_934 = arith.index_cast %add3A_872 : i32 to index
        %swap3A_935 = arith.constant 112 : index
        %swap3A_936 = tpu.vector_load %arg15[%swap3A_934, %swap3A_935] {strides = array<i32>} : memref<112x128xf32, #tpu.memory_space<vmem>>, vector<16xf32>,
        tpu.vector_store %arg15[%swap3A_934, %swap3A_935], %mul3A_933 {strides = array<i32>} : memref<112x128xf32, #tpu.memory_space<vmem>>, vector<16xf32>,
        %slice3A_937 = vector.extract_strided_slice %get3A_588 {offsets = [5], sizes = [1], strides = [1]} : vector<16xf32> to vector<1xf32>
        %squeeze3A_938 = vector.extract %slice3A_937[0] : f32 from vector<1xf32>
        %mul3A_939 = arith.constant 16 : i32
        %mul3A_940 = arith.muli %add3A_584, %mul3A_939 : i32
        %add3A_941 = arith.constant 5 : i32
        %add3A_942 = arith.addi %mul3A_940, %add3A_941 : i32
        %get3A_943 = arith.index_cast %add3A_942 : i32 to index
        %get3A_944 = arith.constant 0 : index
        %get3A_945 = tpu.vector_load %arg15[%get3A_943, %get3A_944] {strides = array<i32>} : memref<112x128xf32, #tpu.memory_space<vmem>>, vector<16xf32>,
        %mul3A_946 = vector.broadcast %squeeze3A_938 : f32 to vector<16xf32>
        %mul3A_947 = arith.mulf %get3A_945, %mul3A_946 : vector<16xf32>
        %swap3A_948 = arith.index_cast %add3A_942 : i32 to index
        %swap3A_949 = arith.constant 0 : index
        %swap3A_950 = tpu.vector_load %arg15[%swap3A_948, %swap3A_949] {strides = array<i32>} : memref<112x128xf32, #tpu.memory_space<vmem>>, vector<16xf32>,
        tpu.vector_store %arg15[%swap3A_948, %swap3A_949], %mul3A_947 {strides = array<i32>} : memref<112x128xf32, #tpu.memory_space<vmem>>, vector<16xf32>,
        %get3A_951 = arith.index_cast %add3A_942 : i32 to index
        %get3A_952 = arith.constant 16 : index
        %get3A_953 = tpu.vector_load %arg15[%get3A_951, %get3A_952] {strides = array<i32>} : memref<112x128xf32, #tpu.memory_space<vmem>>, vector<16xf32>,
        %mul3A_954 = vector.broadcast %squeeze3A_938 : f32 to vector<16xf32>
        %mul3A_955 = arith.mulf %get3A_953, %mul3A_954 : vector<16xf32>
        %swap3A_956 = arith.index_cast %add3A_942 : i32 to index
        %swap3A_957 = arith.constant 16 : index
        %swap3A_958 = tpu.vector_load %arg15[%swap3A_956, %swap3A_957] {strides = array<i32>} : memref<112x128xf32, #tpu.memory_space<vmem>>, vector<16xf32>,
        tpu.vector_store %arg15[%swap3A_956, %swap3A_957], %mul3A_955 {strides = array<i32>} : memref<112x128xf32, #tpu.memory_space<vmem>>, vector<16xf32>,
        %get3A_959 = arith.index_cast %add3A_942 : i32 to index
        %get3A_960 = arith.constant 32 : index
        %get3A_961 = tpu.vector_load %arg15[%get3A_959, %get3A_960] {strides = array<i32>} : memref<112x128xf32, #tpu.memory_space<vmem>>, vector<16xf32>,
        %mul3A_962 = vector.broadcast %squeeze3A_938 : f32 to vector<16xf32>
        %mul3A_963 = arith.mulf %get3A_961, %mul3A_962 : vector<16xf32>
        %swap3A_964 = arith.index_cast %add3A_942 : i32 to index
        %swap3A_965 = arith.constant 32 : index
        %swap3A_966 = tpu.vector_load %arg15[%swap3A_964, %swap3A_965] {strides = array<i32>} : memref<112x128xf32, #tpu.memory_space<vmem>>, vector<16xf32>,
        tpu.vector_store %arg15[%swap3A_964, %swap3A_965], %mul3A_963 {strides = array<i32>} : memref<112x128xf32, #tpu.memory_space<vmem>>, vector<16xf32>,
        %get3A_967 = arith.index_cast %add3A_942 : i32 to index
        %get3A_968 = arith.constant 48 : index
        %get3A_969 = tpu.vector_load %arg15[%get3A_967, %get3A_968] {strides = array<i32>} : memref<112x128xf32, #tpu.memory_space<vmem>>, vector<16xf32>,
        %mul3A_970 = vector.broadcast %squeeze3A_938 : f32 to vector<16xf32>
        %mul3A_971 = arith.mulf %get3A_969, %mul3A_970 : vector<16xf32>
        %swap3A_972 = arith.index_cast %add3A_942 : i32 to index
        %swap3A_973 = arith.constant 48 : index
        %swap3A_974 = tpu.vector_load %arg15[%swap3A_972, %swap3A_973] {strides = array<i32>} : memref<112x128xf32, #tpu.memory_space<vmem>>, vector<16xf32>,
        tpu.vector_store %arg15[%swap3A_972, %swap3A_973], %mul3A_971 {strides = array<i32>} : memref<112x128xf32, #tpu.memory_space<vmem>>, vector<16xf32>,
        %get3A_975 = arith.index_cast %add3A_942 : i32 to index
        %get3A_976 = arith.constant 64 : index
        %get3A_977 = tpu.vector_load %arg15[%get3A_975, %get3A_976] {strides = array<i32>} : memref<112x128xf32, #tpu.memory_space<vmem>>, vector<16xf32>,
        %mul3A_978 = vector.broadcast %squeeze3A_938 : f32 to vector<16xf32>
        %mul3A_979 = arith.mulf %get3A_977, %mul3A_978 : vector<16xf32>
        %swap3A_980 = arith.index_cast %add3A_942 : i32 to index
        %swap3A_981 = arith.constant 64 : index
        %swap3A_982 = tpu.vector_load %arg15[%swap3A_980, %swap3A_981] {strides = array<i32>} : memref<112x128xf32, #tpu.memory_space<vmem>>, vector<16xf32>,
        tpu.vector_store %arg15[%swap3A_980, %swap3A_981], %mul3A_979 {strides = array<i32>} : memref<112x128xf32, #tpu.memory_space<vmem>>, vector<16xf32>,
        %get3A_983 = arith.index_cast %add3A_942 : i32 to index
        %get3A_984 = arith.constant 80 : index
        %get3A_985 = tpu.vector_load %arg15[%get3A_983, %get3A_984] {strides = array<i32>} : memref<112x128xf32, #tpu.memory_space<vmem>>, vector<16xf32>,
        %mul3A_986 = vector.broadcast %squeeze3A_938 : f32 to vector<16xf32>
        %mul3A_987 = arith.mulf %get3A_985, %mul3A_986 : vector<16xf32>
        %swap3A_988 = arith.index_cast %add3A_942 : i32 to index
        %swap3A_989 = arith.constant 80 : index
        %swap3A_990 = tpu.vector_load %arg15[%swap3A_988, %swap3A_989] {strides = array<i32>} : memref<112x128xf32, #tpu.memory_space<vmem>>, vector<16xf32>,
        tpu.vector_store %arg15[%swap3A_988, %swap3A_989], %mul3A_987 {strides = array<i32>} : memref<112x128xf32, #tpu.memory_space<vmem>>, vector<16xf32>,
        %get3A_991 = arith.index_cast %add3A_942 : i32 to index
        %get3A_992 = arith.constant 96 : index
        %get3A_993 = tpu.vector_load %arg15[%get3A_991, %get3A_992] {strides = array<i32>} : memref<112x128xf32, #tpu.memory_space<vmem>>, vector<16xf32>,
        %mul3A_994 = vector.broadcast %squeeze3A_938 : f32 to vector<16xf32>
        %mul3A_995 = arith.mulf %get3A_993, %mul3A_994 : vector<16xf32>
        %swap3A_996 = arith.index_cast %add3A_942 : i32 to index
        %swap3A_997 = arith.constant 96 : index
        %swap3A_998 = tpu.vector_load %arg15[%swap3A_996, %swap3A_997] {strides = array<i32>} : memref<112x128xf32, #tpu.memory_space<vmem>>, vector<16xf32>,
        tpu.vector_store %arg15[%swap3A_996, %swap3A_997], %mul3A_995 {strides = array<i32>} : memref<112x128xf32, #tpu.memory_space<vmem>>, vector<16xf32>,
        %get3A_999 = arith.index_cast %add3A_942 : i32 to index
        %get3A_1000 = arith.constant 112 : index
        %get3A_1001 = tpu.vector_load %arg15[%get3A_999, %get3A_1000] {strides = array<i32>} : memref<112x128xf32, #tpu.memory_space<vmem>>, vector<16xf32>,
        %mul3A_1002 = vector.broadcast %squeeze3A_938 : f32 to vector<16xf32>
        %mul3A_1003 = arith.mulf %get3A_1001, %mul3A_1002 : vector<16xf32>
        %swap3A_1004 = arith.index_cast %add3A_942 : i32 to index
        %swap3A_1005 = arith.constant 112 : index
        %swap3A_1006 = tpu.vector_load %arg15[%swap3A_1004, %swap3A_1005] {strides = array<i32>} : memref<112x128xf32, #tpu.memory_space<vmem>>, vector<16xf32>,
        tpu.vector_store %arg15[%swap3A_1004, %swap3A_1005], %mul3A_1003 {strides = array<i32>} : memref<112x128xf32, #tpu.memory_space<vmem>>, vector<16xf32>,
        %slice3A_1007 = vector.extract_strided_slice %get3A_588 {offsets = [6], sizes = [1], strides = [1]} : vector<16xf32> to vector<1xf32>
        %squeeze3A_1008 = vector.extract %slice3A_1007[0] : f32 from vector<1xf32>
        %mul3A_1009 = arith.constant 16 : i32
        %mul3A_1010 = arith.muli %add3A_584, %mul3A_1009 : i32
        %add3A_1011 = arith.constant 6 : i32
        %add3A_1012 = arith.addi %mul3A_1010, %add3A_1011 : i32
        %get3A_1013 = arith.index_cast %add3A_1012 : i32 to index
        %get3A_1014 = arith.constant 0 : index
        %get3A_1015 = tpu.vector_load %arg15[%get3A_1013, %get3A_1014] {strides = array<i32>} : memref<112x128xf32, #tpu.memory_space<vmem>>, vector<16xf32>,
        %mul3A_1016 = vector.broadcast %squeeze3A_1008 : f32 to vector<16xf32>
        %mul3A_1017 = arith.mulf %get3A_1015, %mul3A_1016 : vector<16xf32>
        %swap3A_1018 = arith.index_cast %add3A_1012 : i32 to index
        %swap3A_1019 = arith.constant 0 : index
        %swap3A_1020 = tpu.vector_load %arg15[%swap3A_1018, %swap3A_1019] {strides = array<i32>} : memref<112x128xf32, #tpu.memory_space<vmem>>, vector<16xf32>,
        tpu.vector_store %arg15[%swap3A_1018, %swap3A_1019], %mul3A_1017 {strides = array<i32>} : memref<112x128xf32, #tpu.memory_space<vmem>>, vector<16xf32>,
        %get3A_1021 = arith.index_cast %add3A_1012 : i32 to index
        %get3A_1022 = arith.constant 16 : index
        %get3A_1023 = tpu.vector_load %arg15[%get3A_1021, %get3A_1022] {strides = array<i32>} : memref<112x128xf32, #tpu.memory_space<vmem>>, vector<16xf32>,
        %mul3A_1024 = vector.broadcast %squeeze3A_1008 : f32 to vector<16xf32>
        %mul3A_1025 = arith.mulf %get3A_1023, %mul3A_1024 : vector<16xf32>
        %swap3A_1026 = arith.index_cast %add3A_1012 : i32 to index
        %swap3A_1027 = arith.constant 16 : index
        %swap3A_1028 = tpu.vector_load %arg15[%swap3A_1026, %swap3A_1027] {strides = array<i32>} : memref<112x128xf32, #tpu.memory_space<vmem>>, vector<16xf32>,
        tpu.vector_store %arg15[%swap3A_1026, %swap3A_1027], %mul3A_1025 {strides = array<i32>} : memref<112x128xf32, #tpu.memory_space<vmem>>, vector<16xf32>,
        %get3A_1029 = arith.index_cast %add3A_1012 : i32 to index
        %get3A_1030 = arith.constant 32 : index
        %get3A_1031 = tpu.vector_load %arg15[%get3A_1029, %get3A_1030] {strides = array<i32>} : memref<112x128xf32, #tpu.memory_space<vmem>>, vector<16xf32>,
        %mul3A_1032 = vector.broadcast %squeeze3A_1008 : f32 to vector<16xf32>
        %mul3A_1033 = arith.mulf %get3A_1031, %mul3A_1032 : vector<16xf32>
        %swap3A_1034 = arith.index_cast %add3A_1012 : i32 to index
        %swap3A_1035 = arith.constant 32 : index
        %swap3A_1036 = tpu.vector_load %arg15[%swap3A_1034, %swap3A_1035] {strides = array<i32>} : memref<112x128xf32, #tpu.memory_space<vmem>>, vector<16xf32>,
        tpu.vector_store %arg15[%swap3A_1034, %swap3A_1035], %mul3A_1033 {strides = array<i32>} : memref<112x128xf32, #tpu.memory_space<vmem>>, vector<16xf32>,
        %get3A_1037 = arith.index_cast %add3A_1012 : i32 to index
        %get3A_1038 = arith.constant 48 : index
        %get3A_1039 = tpu.vector_load %arg15[%get3A_1037, %get3A_1038] {strides = array<i32>} : memref<112x128xf32, #tpu.memory_space<vmem>>, vector<16xf32>,
        %mul3A_1040 = vector.broadcast %squeeze3A_1008 : f32 to vector<16xf32>
        %mul3A_1041 = arith.mulf %get3A_1039, %mul3A_1040 : vector<16xf32>
        %swap3A_1042 = arith.index_cast %add3A_1012 : i32 to index
        %swap3A_1043 = arith.constant 48 : index
        %swap3A_1044 = tpu.vector_load %arg15[%swap3A_1042, %swap3A_1043] {strides = array<i32>} : memref<112x128xf32, #tpu.memory_space<vmem>>, vector<16xf32>,
        tpu.vector_store %arg15[%swap3A_1042, %swap3A_1043], %mul3A_1041 {strides = array<i32>} : memref<112x128xf32, #tpu.memory_space<vmem>>, vector<16xf32>,
        %get3A_1045 = arith.index_cast %add3A_1012 : i32 to index
        %get3A_1046 = arith.constant 64 : index
        %get3A_1047 = tpu.vector_load %arg15[%get3A_1045, %get3A_1046] {strides = array<i32>} : memref<112x128xf32, #tpu.memory_space<vmem>>, vector<16xf32>,
        %mul3A_1048 = vector.broadcast %squeeze3A_1008 : f32 to vector<16xf32>
        %mul3A_1049 = arith.mulf %get3A_1047, %mul3A_1048 : vector<16xf32>
        %swap3A_1050 = arith.index_cast %add3A_1012 : i32 to index
        %swap3A_1051 = arith.constant 64 : index
        %swap3A_1052 = tpu.vector_load %arg15[%swap3A_1050, %swap3A_1051] {strides = array<i32>} : memref<112x128xf32, #tpu.memory_space<vmem>>, vector<16xf32>,
        tpu.vector_store %arg15[%swap3A_1050, %swap3A_1051], %mul3A_1049 {strides = array<i32>} : memref<112x128xf32, #tpu.memory_space<vmem>>, vector<16xf32>,
        %get3A_1053 = arith.index_cast %add3A_1012 : i32 to index
        %get3A_1054 = arith.constant 80 : index
        %get3A_1055 = tpu.vector_load %arg15[%get3A_1053, %get3A_1054] {strides = array<i32>} : memref<112x128xf32, #tpu.memory_space<vmem>>, vector<16xf32>,
        %mul3A_1056 = vector.broadcast %squeeze3A_1008 : f32 to vector<16xf32>
        %mul3A_1057 = arith.mulf %get3A_1055, %mul3A_1056 : vector<16xf32>
        %swap3A_1058 = arith.index_cast %add3A_1012 : i32 to index
        %swap3A_1059 = arith.constant 80 : index
        %swap3A_1060 = tpu.vector_load %arg15[%swap3A_1058, %swap3A_1059] {strides = array<i32>} : memref<112x128xf32, #tpu.memory_space<vmem>>, vector<16xf32>,
        tpu.vector_store %arg15[%swap3A_1058, %swap3A_1059], %mul3A_1057 {strides = array<i32>} : memref<112x128xf32, #tpu.memory_space<vmem>>, vector<16xf32>,
        %get3A_1061 = arith.index_cast %add3A_1012 : i32 to index
        %get3A_1062 = arith.constant 96 : index
        %get3A_1063 = tpu.vector_load %arg15[%get3A_1061, %get3A_1062] {strides = array<i32>} : memref<112x128xf32, #tpu.memory_space<vmem>>, vector<16xf32>,
        %mul3A_1064 = vector.broadcast %squeeze3A_1008 : f32 to vector<16xf32>
        %mul3A_1065 = arith.mulf %get3A_1063, %mul3A_1064 : vector<16xf32>
        %swap3A_1066 = arith.index_cast %add3A_1012 : i32 to index
        %swap3A_1067 = arith.constant 96 : index
        %swap3A_1068 = tpu.vector_load %arg15[%swap3A_1066, %swap3A_1067] {strides = array<i32>} : memref<112x128xf32, #tpu.memory_space<vmem>>, vector<16xf32>,
        tpu.vector_store %arg15[%swap3A_1066, %swap3A_1067], %mul3A_1065 {strides = array<i32>} : memref<112x128xf32, #tpu.memory_space<vmem>>, vector<16xf32>,
        %get3A_1069 = arith.index_cast %add3A_1012 : i32 to index
        %get3A_1070 = arith.constant 112 : index
        %get3A_1071 = tpu.vector_load %arg15[%get3A_1069, %get3A_1070] {strides = array<i32>} : memref<112x128xf32, #tpu.memory_space<vmem>>, vector<16xf32>,
        %mul3A_1072 = vector.broadcast %squeeze3A_1008 : f32 to vector<16xf32>
        %mul3A_1073 = arith.mulf %get3A_1071, %mul3A_1072 : vector<16xf32>
        %swap3A_1074 = arith.index_cast %add3A_1012 : i32 to index
        %swap3A_1075 = arith.constant 112 : index
        %swap3A_1076 = tpu.vector_load %arg15[%swap3A_1074, %swap3A_1075] {strides = array<i32>} : memref<112x128xf32, #tpu.memory_space<vmem>>, vector<16xf32>,
        tpu.vector_store %arg15[%swap3A_1074, %swap3A_1075], %mul3A_1073 {strides = array<i32>} : memref<112x128xf32, #tpu.memory_space<vmem>>, vector<16xf32>,
        %slice3A_1077 = vector.extract_strided_slice %get3A_588 {offsets = [7], sizes = [1], strides = [1]} : vector<16xf32> to vector<1xf32>
        %squeeze3A_1078 = vector.extract %slice3A_1077[0] : f32 from vector<1xf32>
        %mul3A_1079 = arith.constant 16 : i32
        %mul3A_1080 = arith.muli %add3A_584, %mul3A_1079 : i32
        %add3A_1081 = arith.constant 7 : i32
        %add3A_1082 = arith.addi %mul3A_1080, %add3A_1081 : i32
        %get3A_1083 = arith.index_cast %add3A_1082 : i32 to index
        %get3A_1084 = arith.constant 0 : index
        %get3A_1085 = tpu.vector_load %arg15[%get3A_1083, %get3A_1084] {strides = array<i32>} : memref<112x128xf32, #tpu.memory_space<vmem>>, vector<16xf32>,
        %mul3A_1086 = vector.broadcast %squeeze3A_1078 : f32 to vector<16xf32>
        %mul3A_1087 = arith.mulf %get3A_1085, %mul3A_1086 : vector<16xf32>
        %swap3A_1088 = arith.index_cast %add3A_1082 : i32 to index
        %swap3A_1089 = arith.constant 0 : index
        %swap3A_1090 = tpu.vector_load %arg15[%swap3A_1088, %swap3A_1089] {strides = array<i32>} : memref<112x128xf32, #tpu.memory_space<vmem>>, vector<16xf32>,
        tpu.vector_store %arg15[%swap3A_1088, %swap3A_1089], %mul3A_1087 {strides = array<i32>} : memref<112x128xf32, #tpu.memory_space<vmem>>, vector<16xf32>,
        %get3A_1091 = arith.index_cast %add3A_1082 : i32 to index
        %get3A_1092 = arith.constant 16 : index
        %get3A_1093 = tpu.vector_load %arg15[%get3A_1091, %get3A_1092] {strides = array<i32>} : memref<112x128xf32, #tpu.memory_space<vmem>>, vector<16xf32>,
        %mul3A_1094 = vector.broadcast %squeeze3A_1078 : f32 to vector<16xf32>
        %mul3A_1095 = arith.mulf %get3A_1093, %mul3A_1094 : vector<16xf32>
        %swap3A_1096 = arith.index_cast %add3A_1082 : i32 to index
        %swap3A_1097 = arith.constant 16 : index
        %swap3A_1098 = tpu.vector_load %arg15[%swap3A_1096, %swap3A_1097] {strides = array<i32>} : memref<112x128xf32, #tpu.memory_space<vmem>>, vector<16xf32>,
        tpu.vector_store %arg15[%swap3A_1096, %swap3A_1097], %mul3A_1095 {strides = array<i32>} : memref<112x128xf32, #tpu.memory_space<vmem>>, vector<16xf32>,
        %get3A_1099 = arith.index_cast %add3A_1082 : i32 to index
        %get3A_1100 = arith.constant 32 : index
        %get3A_1101 = tpu.vector_load %arg15[%get3A_1099, %get3A_1100] {strides = array<i32>} : memref<112x128xf32, #tpu.memory_space<vmem>>, vector<16xf32>,
        %mul3A_1102 = vector.broadcast %squeeze3A_1078 : f32 to vector<16xf32>
        %mul3A_1103 = arith.mulf %get3A_1101, %mul3A_1102 : vector<16xf32>
        %swap3A_1104 = arith.index_cast %add3A_1082 : i32 to index
        %swap3A_1105 = arith.constant 32 : index
        %swap3A_1106 = tpu.vector_load %arg15[%swap3A_1104, %swap3A_1105] {strides = array<i32>} : memref<112x128xf32, #tpu.memory_space<vmem>>, vector<16xf32>,
        tpu.vector_store %arg15[%swap3A_1104, %swap3A_1105], %mul3A_1103 {strides = array<i32>} : memref<112x128xf32, #tpu.memory_space<vmem>>, vector<16xf32>,
        %get3A_1107 = arith.index_cast %add3A_1082 : i32 to index
        %get3A_1108 = arith.constant 48 : index
        %get3A_1109 = tpu.vector_load %arg15[%get3A_1107, %get3A_1108] {strides = array<i32>} : memref<112x128xf32, #tpu.memory_space<vmem>>, vector<16xf32>,
        %mul3A_1110 = vector.broadcast %squeeze3A_1078 : f32 to vector<16xf32>
        %mul3A_1111 = arith.mulf %get3A_1109, %mul3A_1110 : vector<16xf32>
        %swap3A_1112 = arith.index_cast %add3A_1082 : i32 to index
        %swap3A_1113 = arith.constant 48 : index
        %swap3A_1114 = tpu.vector_load %arg15[%swap3A_1112, %swap3A_1113] {strides = array<i32>} : memref<112x128xf32, #tpu.memory_space<vmem>>, vector<16xf32>,
        tpu.vector_store %arg15[%swap3A_1112, %swap3A_1113], %mul3A_1111 {strides = array<i32>} : memref<112x128xf32, #tpu.memory_space<vmem>>, vector<16xf32>,
        %get3A_1115 = arith.index_cast %add3A_1082 : i32 to index
        %get3A_1116 = arith.constant 64 : index
        %get3A_1117 = tpu.vector_load %arg15[%get3A_1115, %get3A_1116] {strides = array<i32>} : memref<112x128xf32, #tpu.memory_space<vmem>>, vector<16xf32>,
        %mul3A_1118 = vector.broadcast %squeeze3A_1078 : f32 to vector<16xf32>
        %mul3A_1119 = arith.mulf %get3A_1117, %mul3A_1118 : vector<16xf32>
        %swap3A_1120 = arith.index_cast %add3A_1082 : i32 to index
        %swap3A_1121 = arith.constant 64 : index
        %swap3A_1122 = tpu.vector_load %arg15[%swap3A_1120, %swap3A_1121] {strides = array<i32>} : memref<112x128xf32, #tpu.memory_space<vmem>>, vector<16xf32>,
        tpu.vector_store %arg15[%swap3A_1120, %swap3A_1121], %mul3A_1119 {strides = array<i32>} : memref<112x128xf32, #tpu.memory_space<vmem>>, vector<16xf32>,
        %get3A_1123 = arith.index_cast %add3A_1082 : i32 to index
        %get3A_1124 = arith.constant 80 : index
        %get3A_1125 = tpu.vector_load %arg15[%get3A_1123, %get3A_1124] {strides = array<i32>} : memref<112x128xf32, #tpu.memory_space<vmem>>, vector<16xf32>,
        %mul3A_1126 = vector.broadcast %squeeze3A_1078 : f32 to vector<16xf32>
        %mul3A_1127 = arith.mulf %get3A_1125, %mul3A_1126 : vector<16xf32>
        %swap3A_1128 = arith.index_cast %add3A_1082 : i32 to index
        %swap3A_1129 = arith.constant 80 : index
        %swap3A_1130 = tpu.vector_load %arg15[%swap3A_1128, %swap3A_1129] {strides = array<i32>} : memref<112x128xf32, #tpu.memory_space<vmem>>, vector<16xf32>,
        tpu.vector_store %arg15[%swap3A_1128, %swap3A_1129], %mul3A_1127 {strides = array<i32>} : memref<112x128xf32, #tpu.memory_space<vmem>>, vector<16xf32>,
        %get3A_1131 = arith.index_cast %add3A_1082 : i32 to index
        %get3A_1132 = arith.constant 96 : index
        %get3A_1133 = tpu.vector_load %arg15[%get3A_1131, %get3A_1132] {strides = array<i32>} : memref<112x128xf32, #tpu.memory_space<vmem>>, vector<16xf32>,
        %mul3A_1134 = vector.broadcast %squeeze3A_1078 : f32 to vector<16xf32>
        %mul3A_1135 = arith.mulf %get3A_1133, %mul3A_1134 : vector<16xf32>
        %swap3A_1136 = arith.index_cast %add3A_1082 : i32 to index
        %swap3A_1137 = arith.constant 96 : index
        %swap3A_1138 = tpu.vector_load %arg15[%swap3A_1136, %swap3A_1137] {strides = array<i32>} : memref<112x128xf32, #tpu.memory_space<vmem>>, vector<16xf32>,
        tpu.vector_store %arg15[%swap3A_1136, %swap3A_1137], %mul3A_1135 {strides = array<i32>} : memref<112x128xf32, #tpu.memory_space<vmem>>, vector<16xf32>,
        %get3A_1139 = arith.index_cast %add3A_1082 : i32 to index
        %get3A_1140 = arith.constant 112 : index
        %get3A_1141 = tpu.vector_load %arg15[%get3A_1139, %get3A_1140] {strides = array<i32>} : memref<112x128xf32, #tpu.memory_space<vmem>>, vector<16xf32>,
        %mul3A_1142 = vector.broadcast %squeeze3A_1078 : f32 to vector<16xf32>
        %mul3A_1143 = arith.mulf %get3A_1141, %mul3A_1142 : vector<16xf32>
        %swap3A_1144 = arith.index_cast %add3A_1082 : i32 to index
        %swap3A_1145 = arith.constant 112 : index
        %swap3A_1146 = tpu.vector_load %arg15[%swap3A_1144, %swap3A_1145] {strides = array<i32>} : memref<112x128xf32, #tpu.memory_space<vmem>>, vector<16xf32>,
        tpu.vector_store %arg15[%swap3A_1144, %swap3A_1145], %mul3A_1143 {strides = array<i32>} : memref<112x128xf32, #tpu.memory_space<vmem>>, vector<16xf32>,
        %slice3A_1147 = vector.extract_strided_slice %get3A_588 {offsets = [8], sizes = [1], strides = [1]} : vector<16xf32> to vector<1xf32>
        %squeeze3A_1148 = vector.extract %slice3A_1147[0] : f32 from vector<1xf32>
        %mul3A_1149 = arith.constant 16 : i32
        %mul3A_1150 = arith.muli %add3A_584, %mul3A_1149 : i32
        %add3A_1151 = arith.constant 8 : i32
        %add3A_1152 = arith.addi %mul3A_1150, %add3A_1151 : i32
        %get3A_1153 = arith.index_cast %add3A_1152 : i32 to index
        %get3A_1154 = arith.constant 0 : index
        %get3A_1155 = tpu.vector_load %arg15[%get3A_1153, %get3A_1154] {strides = array<i32>} : memref<112x128xf32, #tpu.memory_space<vmem>>, vector<16xf32>,
        %mul3A_1156 = vector.broadcast %squeeze3A_1148 : f32 to vector<16xf32>
        %mul3A_1157 = arith.mulf %get3A_1155, %mul3A_1156 : vector<16xf32>
        %swap3A_1158 = arith.index_cast %add3A_1152 : i32 to index
        %swap3A_1159 = arith.constant 0 : index
        %swap3A_1160 = tpu.vector_load %arg15[%swap3A_1158, %swap3A_1159] {strides = array<i32>} : memref<112x128xf32, #tpu.memory_space<vmem>>, vector<16xf32>,
        tpu.vector_store %arg15[%swap3A_1158, %swap3A_1159], %mul3A_1157 {strides = array<i32>} : memref<112x128xf32, #tpu.memory_space<vmem>>, vector<16xf32>,
        %get3A_1161 = arith.index_cast %add3A_1152 : i32 to index
        %get3A_1162 = arith.constant 16 : index
        %get3A_1163 = tpu.vector_load %arg15[%get3A_1161, %get3A_1162] {strides = array<i32>} : memref<112x128xf32, #tpu.memory_space<vmem>>, vector<16xf32>,
        %mul3A_1164 = vector.broadcast %squeeze3A_1148 : f32 to vector<16xf32>
        %mul3A_1165 = arith.mulf %get3A_1163, %mul3A_1164 : vector<16xf32>
        %swap3A_1166 = arith.index_cast %add3A_1152 : i32 to index
        %swap3A_1167 = arith.constant 16 : index
        %swap3A_1168 = tpu.vector_load %arg15[%swap3A_1166, %swap3A_1167] {strides = array<i32>} : memref<112x128xf32, #tpu.memory_space<vmem>>, vector<16xf32>,
        tpu.vector_store %arg15[%swap3A_1166, %swap3A_1167], %mul3A_1165 {strides = array<i32>} : memref<112x128xf32, #tpu.memory_space<vmem>>, vector<16xf32>,
        %get3A_1169 = arith.index_cast %add3A_1152 : i32 to index
        %get3A_1170 = arith.constant 32 : index
        %get3A_1171 = tpu.vector_load %arg15[%get3A_1169, %get3A_1170] {strides = array<i32>} : memref<112x128xf32, #tpu.memory_space<vmem>>, vector<16xf32>,
        %mul3A_1172 = vector.broadcast %squeeze3A_1148 : f32 to vector<16xf32>
        %mul3A_1173 = arith.mulf %get3A_1171, %mul3A_1172 : vector<16xf32>
        %swap3A_1174 = arith.index_cast %add3A_1152 : i32 to index
        %swap3A_1175 = arith.constant 32 : index
        %swap3A_1176 = tpu.vector_load %arg15[%swap3A_1174, %swap3A_1175] {strides = array<i32>} : memref<112x128xf32, #tpu.memory_space<vmem>>, vector<16xf32>,
        tpu.vector_store %arg15[%swap3A_1174, %swap3A_1175], %mul3A_1173 {strides = array<i32>} : memref<112x128xf32, #tpu.memory_space<vmem>>, vector<16xf32>,
        %get3A_1177 = arith.index_cast %add3A_1152 : i32 to index
        %get3A_1178 = arith.constant 48 : index
        %get3A_1179 = tpu.vector_load %arg15[%get3A_1177, %get3A_1178] {strides = array<i32>} : memref<112x128xf32, #tpu.memory_space<vmem>>, vector<16xf32>,
        %mul3A_1180 = vector.broadcast %squeeze3A_1148 : f32 to vector<16xf32>
        %mul3A_1181 = arith.mulf %get3A_1179, %mul3A_1180 : vector<16xf32>
        %swap3A_1182 = arith.index_cast %add3A_1152 : i32 to index
        %swap3A_1183 = arith.constant 48 : index
        %swap3A_1184 = tpu.vector_load %arg15[%swap3A_1182, %swap3A_1183] {strides = array<i32>} : memref<112x128xf32, #tpu.memory_space<vmem>>, vector<16xf32>,
        tpu.vector_store %arg15[%swap3A_1182, %swap3A_1183], %mul3A_1181 {strides = array<i32>} : memref<112x128xf32, #tpu.memory_space<vmem>>, vector<16xf32>,
        %get3A_1185 = arith.index_cast %add3A_1152 : i32 to index
        %get3A_1186 = arith.constant 64 : index
        %get3A_1187 = tpu.vector_load %arg15[%get3A_1185, %get3A_1186] {strides = array<i32>} : memref<112x128xf32, #tpu.memory_space<vmem>>, vector<16xf32>,
        %mul3A_1188 = vector.broadcast %squeeze3A_1148 : f32 to vector<16xf32>
        %mul3A_1189 = arith.mulf %get3A_1187, %mul3A_1188 : vector<16xf32>
        %swap3A_1190 = arith.index_cast %add3A_1152 : i32 to index
        %swap3A_1191 = arith.constant 64 : index
        %swap3A_1192 = tpu.vector_load %arg15[%swap3A_1190, %swap3A_1191] {strides = array<i32>} : memref<112x128xf32, #tpu.memory_space<vmem>>, vector<16xf32>,
        tpu.vector_store %arg15[%swap3A_1190, %swap3A_1191], %mul3A_1189 {strides = array<i32>} : memref<112x128xf32, #tpu.memory_space<vmem>>, vector<16xf32>,
        %get3A_1193 = arith.index_cast %add3A_1152 : i32 to index
        %get3A_1194 = arith.constant 80 : index
        %get3A_1195 = tpu.vector_load %arg15[%get3A_1193, %get3A_1194] {strides = array<i32>} : memref<112x128xf32, #tpu.memory_space<vmem>>, vector<16xf32>,
        %mul3A_1196 = vector.broadcast %squeeze3A_1148 : f32 to vector<16xf32>
        %mul3A_1197 = arith.mulf %get3A_1195, %mul3A_1196 : vector<16xf32>
        %swap3A_1198 = arith.index_cast %add3A_1152 : i32 to index
        %swap3A_1199 = arith.constant 80 : index
        %swap3A_1200 = tpu.vector_load %arg15[%swap3A_1198, %swap3A_1199] {strides = array<i32>} : memref<112x128xf32, #tpu.memory_space<vmem>>, vector<16xf32>,
        tpu.vector_store %arg15[%swap3A_1198, %swap3A_1199], %mul3A_1197 {strides = array<i32>} : memref<112x128xf32, #tpu.memory_space<vmem>>, vector<16xf32>,
        %get3A_1201 = arith.index_cast %add3A_1152 : i32 to index
        %get3A_1202 = arith.constant 96 : index
        %get3A_1203 = tpu.vector_load %arg15[%get3A_1201, %get3A_1202] {strides = array<i32>} : memref<112x128xf32, #tpu.memory_space<vmem>>, vector<16xf32>,
        %mul3A_1204 = vector.broadcast %squeeze3A_1148 : f32 to vector<16xf32>
        %mul3A_1205 = arith.mulf %get3A_1203, %mul3A_1204 : vector<16xf32>
        %swap3A_1206 = arith.index_cast %add3A_1152 : i32 to index
        %swap3A_1207 = arith.constant 96 : index
        %swap3A_1208 = tpu.vector_load %arg15[%swap3A_1206, %swap3A_1207] {strides = array<i32>} : memref<112x128xf32, #tpu.memory_space<vmem>>, vector<16xf32>,
        tpu.vector_store %arg15[%swap3A_1206, %swap3A_1207], %mul3A_1205 {strides = array<i32>} : memref<112x128xf32, #tpu.memory_space<vmem>>, vector<16xf32>,
        %get3A_1209 = arith.index_cast %add3A_1152 : i32 to index
        %get3A_1210 = arith.constant 112 : index
        %get3A_1211 = tpu.vector_load %arg15[%get3A_1209, %get3A_1210] {strides = array<i32>} : memref<112x128xf32, #tpu.memory_space<vmem>>, vector<16xf32>,
        %mul3A_1212 = vector.broadcast %squeeze3A_1148 : f32 to vector<16xf32>
        %mul3A_1213 = arith.mulf %get3A_1211, %mul3A_1212 : vector<16xf32>
        %swap3A_1214 = arith.index_cast %add3A_1152 : i32 to index
        %swap3A_1215 = arith.constant 112 : index
        %swap3A_1216 = tpu.vector_load %arg15[%swap3A_1214, %swap3A_1215] {strides = array<i32>} : memref<112x128xf32, #tpu.memory_space<vmem>>, vector<16xf32>,
        tpu.vector_store %arg15[%swap3A_1214, %swap3A_1215], %mul3A_1213 {strides = array<i32>} : memref<112x128xf32, #tpu.memory_space<vmem>>, vector<16xf32>,
        %slice3A_1217 = vector.extract_strided_slice %get3A_588 {offsets = [9], sizes = [1], strides = [1]} : vector<16xf32> to vector<1xf32>
        %squeeze3A_1218 = vector.extract %slice3A_1217[0] : f32 from vector<1xf32>
        %mul3A_1219 = arith.constant 16 : i32
        %mul3A_1220 = arith.muli %add3A_584, %mul3A_1219 : i32
        %add3A_1221 = arith.constant 9 : i32
        %add3A_1222 = arith.addi %mul3A_1220, %add3A_1221 : i32
        %get3A_1223 = arith.index_cast %add3A_1222 : i32 to index
        %get3A_1224 = arith.constant 0 : index
        %get3A_1225 = tpu.vector_load %arg15[%get3A_1223, %get3A_1224] {strides = array<i32>} : memref<112x128xf32, #tpu.memory_space<vmem>>, vector<16xf32>,
        %mul3A_1226 = vector.broadcast %squeeze3A_1218 : f32 to vector<16xf32>
        %mul3A_1227 = arith.mulf %get3A_1225, %mul3A_1226 : vector<16xf32>
        %swap3A_1228 = arith.index_cast %add3A_1222 : i32 to index
        %swap3A_1229 = arith.constant 0 : index
        %swap3A_1230 = tpu.vector_load %arg15[%swap3A_1228, %swap3A_1229] {strides = array<i32>} : memref<112x128xf32, #tpu.memory_space<vmem>>, vector<16xf32>,
        tpu.vector_store %arg15[%swap3A_1228, %swap3A_1229], %mul3A_1227 {strides = array<i32>} : memref<112x128xf32, #tpu.memory_space<vmem>>, vector<16xf32>,
        %get3A_1231 = arith.index_cast %add3A_1222 : i32 to index
        %get3A_1232 = arith.constant 16 : index
        %get3A_1233 = tpu.vector_load %arg15[%get3A_1231, %get3A_1232] {strides = array<i32>} : memref<112x128xf32, #tpu.memory_space<vmem>>, vector<16xf32>,
        %mul3A_1234 = vector.broadcast %squeeze3A_1218 : f32 to vector<16xf32>
        %mul3A_1235 = arith.mulf %get3A_1233, %mul3A_1234 : vector<16xf32>
        %swap3A_1236 = arith.index_cast %add3A_1222 : i32 to index
        %swap3A_1237 = arith.constant 16 : index
        %swap3A_1238 = tpu.vector_load %arg15[%swap3A_1236, %swap3A_1237] {strides = array<i32>} : memref<112x128xf32, #tpu.memory_space<vmem>>, vector<16xf32>,
        tpu.vector_store %arg15[%swap3A_1236, %swap3A_1237], %mul3A_1235 {strides = array<i32>} : memref<112x128xf32, #tpu.memory_space<vmem>>, vector<16xf32>,
        %get3A_1239 = arith.index_cast %add3A_1222 : i32 to index
        %get3A_1240 = arith.constant 32 : index
        %get3A_1241 = tpu.vector_load %arg15[%get3A_1239, %get3A_1240] {strides = array<i32>} : memref<112x128xf32, #tpu.memory_space<vmem>>, vector<16xf32>,
        %mul3A_1242 = vector.broadcast %squeeze3A_1218 : f32 to vector<16xf32>
        %mul3A_1243 = arith.mulf %get3A_1241, %mul3A_1242 : vector<16xf32>
        %swap3A_1244 = arith.index_cast %add3A_1222 : i32 to index
        %swap3A_1245 = arith.constant 32 : index
        %swap3A_1246 = tpu.vector_load %arg15[%swap3A_1244, %swap3A_1245] {strides = array<i32>} : memref<112x128xf32, #tpu.memory_space<vmem>>, vector<16xf32>,
        tpu.vector_store %arg15[%swap3A_1244, %swap3A_1245], %mul3A_1243 {strides = array<i32>} : memref<112x128xf32, #tpu.memory_space<vmem>>, vector<16xf32>,
        %get3A_1247 = arith.index_cast %add3A_1222 : i32 to index
        %get3A_1248 = arith.constant 48 : index
        %get3A_1249 = tpu.vector_load %arg15[%get3A_1247, %get3A_1248] {strides = array<i32>} : memref<112x128xf32, #tpu.memory_space<vmem>>, vector<16xf32>,
        %mul3A_1250 = vector.broadcast %squeeze3A_1218 : f32 to vector<16xf32>
        %mul3A_1251 = arith.mulf %get3A_1249, %mul3A_1250 : vector<16xf32>
        %swap3A_1252 = arith.index_cast %add3A_1222 : i32 to index
        %swap3A_1253 = arith.constant 48 : index
        %swap3A_1254 = tpu.vector_load %arg15[%swap3A_1252, %swap3A_1253] {strides = array<i32>} : memref<112x128xf32, #tpu.memory_space<vmem>>, vector<16xf32>,
        tpu.vector_store %arg15[%swap3A_1252, %swap3A_1253], %mul3A_1251 {strides = array<i32>} : memref<112x128xf32, #tpu.memory_space<vmem>>, vector<16xf32>,
        %get3A_1255 = arith.index_cast %add3A_1222 : i32 to index
        %get3A_1256 = arith.constant 64 : index
        %get3A_1257 = tpu.vector_load %arg15[%get3A_1255, %get3A_1256] {strides = array<i32>} : memref<112x128xf32, #tpu.memory_space<vmem>>, vector<16xf32>,
        %mul3A_1258 = vector.broadcast %squeeze3A_1218 : f32 to vector<16xf32>
        %mul3A_1259 = arith.mulf %get3A_1257, %mul3A_1258 : vector<16xf32>
        %swap3A_1260 = arith.index_cast %add3A_1222 : i32 to index
        %swap3A_1261 = arith.constant 64 : index
        %swap3A_1262 = tpu.vector_load %arg15[%swap3A_1260, %swap3A_1261] {strides = array<i32>} : memref<112x128xf32, #tpu.memory_space<vmem>>, vector<16xf32>,
        tpu.vector_store %arg15[%swap3A_1260, %swap3A_1261], %mul3A_1259 {strides = array<i32>} : memref<112x128xf32, #tpu.memory_space<vmem>>, vector<16xf32>,
        %get3A_1263 = arith.index_cast %add3A_1222 : i32 to index
        %get3A_1264 = arith.constant 80 : index
        %get3A_1265 = tpu.vector_load %arg15[%get3A_1263, %get3A_1264] {strides = array<i32>} : memref<112x128xf32, #tpu.memory_space<vmem>>, vector<16xf32>,
        %mul3A_1266 = vector.broadcast %squeeze3A_1218 : f32 to vector<16xf32>
        %mul3A_1267 = arith.mulf %get3A_1265, %mul3A_1266 : vector<16xf32>
        %swap3A_1268 = arith.index_cast %add3A_1222 : i32 to index
        %swap3A_1269 = arith.constant 80 : index
        %swap3A_1270 = tpu.vector_load %arg15[%swap3A_1268, %swap3A_1269] {strides = array<i32>} : memref<112x128xf32, #tpu.memory_space<vmem>>, vector<16xf32>,
        tpu.vector_store %arg15[%swap3A_1268, %swap3A_1269], %mul3A_1267 {strides = array<i32>} : memref<112x128xf32, #tpu.memory_space<vmem>>, vector<16xf32>,
        %get3A_1271 = arith.index_cast %add3A_1222 : i32 to index
        %get3A_1272 = arith.constant 96 : index
        %get3A_1273 = tpu.vector_load %arg15[%get3A_1271, %get3A_1272] {strides = array<i32>} : memref<112x128xf32, #tpu.memory_space<vmem>>, vector<16xf32>,
        %mul3A_1274 = vector.broadcast %squeeze3A_1218 : f32 to vector<16xf32>
        %mul3A_1275 = arith.mulf %get3A_1273, %mul3A_1274 : vector<16xf32>
        %swap3A_1276 = arith.index_cast %add3A_1222 : i32 to index
        %swap3A_1277 = arith.constant 96 : index
        %swap3A_1278 = tpu.vector_load %arg15[%swap3A_1276, %swap3A_1277] {strides = array<i32>} : memref<112x128xf32, #tpu.memory_space<vmem>>, vector<16xf32>,
        tpu.vector_store %arg15[%swap3A_1276, %swap3A_1277], %mul3A_1275 {strides = array<i32>} : memref<112x128xf32, #tpu.memory_space<vmem>>, vector<16xf32>,
        %get3A_1279 = arith.index_cast %add3A_1222 : i32 to index
        %get3A_1280 = arith.constant 112 : index
        %get3A_1281 = tpu.vector_load %arg15[%get3A_1279, %get3A_1280] {strides = array<i32>} : memref<112x128xf32, #tpu.memory_space<vmem>>, vector<16xf32>,
        %mul3A_1282 = vector.broadcast %squeeze3A_1218 : f32 to vector<16xf32>
        %mul3A_1283 = arith.mulf %get3A_1281, %mul3A_1282 : vector<16xf32>
        %swap3A_1284 = arith.index_cast %add3A_1222 : i32 to index
        %swap3A_1285 = arith.constant 112 : index
        %swap3A_1286 = tpu.vector_load %arg15[%swap3A_1284, %swap3A_1285] {strides = array<i32>} : memref<112x128xf32, #tpu.memory_space<vmem>>, vector<16xf32>,
        tpu.vector_store %arg15[%swap3A_1284, %swap3A_1285], %mul3A_1283 {strides = array<i32>} : memref<112x128xf32, #tpu.memory_space<vmem>>, vector<16xf32>,
        %slice3A_1287 = vector.extract_strided_slice %get3A_588 {offsets = [10], sizes = [1], strides = [1]} : vector<16xf32> to vector<1xf32>
        %squeeze3A_1288 = vector.extract %slice3A_1287[0] : f32 from vector<1xf32>
        %mul3A_1289 = arith.constant 16 : i32
        %mul3A_1290 = arith.muli %add3A_584, %mul3A_1289 : i32
        %add3A_1291 = arith.constant 10 : i32
        %add3A_1292 = arith.addi %mul3A_1290, %add3A_1291 : i32
        %get3A_1293 = arith.index_cast %add3A_1292 : i32 to index
        %get3A_1294 = arith.constant 0 : index
        %get3A_1295 = tpu.vector_load %arg15[%get3A_1293, %get3A_1294] {strides = array<i32>} : memref<112x128xf32, #tpu.memory_space<vmem>>, vector<16xf32>,
        %mul3A_1296 = vector.broadcast %squeeze3A_1288 : f32 to vector<16xf32>
        %mul3A_1297 = arith.mulf %get3A_1295, %mul3A_1296 : vector<16xf32>
        %swap3A_1298 = arith.index_cast %add3A_1292 : i32 to index
        %swap3A_1299 = arith.constant 0 : index
        %swap3A_1300 = tpu.vector_load %arg15[%swap3A_1298, %swap3A_1299] {strides = array<i32>} : memref<112x128xf32, #tpu.memory_space<vmem>>, vector<16xf32>,
        tpu.vector_store %arg15[%swap3A_1298, %swap3A_1299], %mul3A_1297 {strides = array<i32>} : memref<112x128xf32, #tpu.memory_space<vmem>>, vector<16xf32>,
        %get3A_1301 = arith.index_cast %add3A_1292 : i32 to index
        %get3A_1302 = arith.constant 16 : index
        %get3A_1303 = tpu.vector_load %arg15[%get3A_1301, %get3A_1302] {strides = array<i32>} : memref<112x128xf32, #tpu.memory_space<vmem>>, vector<16xf32>,
        %mul3A_1304 = vector.broadcast %squeeze3A_1288 : f32 to vector<16xf32>
        %mul3A_1305 = arith.mulf %get3A_1303, %mul3A_1304 : vector<16xf32>
        %swap3A_1306 = arith.index_cast %add3A_1292 : i32 to index
        %swap3A_1307 = arith.constant 16 : index
        %swap3A_1308 = tpu.vector_load %arg15[%swap3A_1306, %swap3A_1307] {strides = array<i32>} : memref<112x128xf32, #tpu.memory_space<vmem>>, vector<16xf32>,
        tpu.vector_store %arg15[%swap3A_1306, %swap3A_1307], %mul3A_1305 {strides = array<i32>} : memref<112x128xf32, #tpu.memory_space<vmem>>, vector<16xf32>,
        %get3A_1309 = arith.index_cast %add3A_1292 : i32 to index
        %get3A_1310 = arith.constant 32 : index
        %get3A_1311 = tpu.vector_load %arg15[%get3A_1309, %get3A_1310] {strides = array<i32>} : memref<112x128xf32, #tpu.memory_space<vmem>>, vector<16xf32>,
        %mul3A_1312 = vector.broadcast %squeeze3A_1288 : f32 to vector<16xf32>
        %mul3A_1313 = arith.mulf %get3A_1311, %mul3A_1312 : vector<16xf32>
        %swap3A_1314 = arith.index_cast %add3A_1292 : i32 to index
        %swap3A_1315 = arith.constant 32 : index
        %swap3A_1316 = tpu.vector_load %arg15[%swap3A_1314, %swap3A_1315] {strides = array<i32>} : memref<112x128xf32, #tpu.memory_space<vmem>>, vector<16xf32>,
        tpu.vector_store %arg15[%swap3A_1314, %swap3A_1315], %mul3A_1313 {strides = array<i32>} : memref<112x128xf32, #tpu.memory_space<vmem>>, vector<16xf32>,
        %get3A_1317 = arith.index_cast %add3A_1292 : i32 to index
        %get3A_1318 = arith.constant 48 : index
        %get3A_1319 = tpu.vector_load %arg15[%get3A_1317, %get3A_1318] {strides = array<i32>} : memref<112x128xf32, #tpu.memory_space<vmem>>, vector<16xf32>,
        %mul3A_1320 = vector.broadcast %squeeze3A_1288 : f32 to vector<16xf32>
        %mul3A_1321 = arith.mulf %get3A_1319, %mul3A_1320 : vector<16xf32>
        %swap3A_1322 = arith.index_cast %add3A_1292 : i32 to index
        %swap3A_1323 = arith.constant 48 : index
        %swap3A_1324 = tpu.vector_load %arg15[%swap3A_1322, %swap3A_1323] {strides = array<i32>} : memref<112x128xf32, #tpu.memory_space<vmem>>, vector<16xf32>,
        tpu.vector_store %arg15[%swap3A_1322, %swap3A_1323], %mul3A_1321 {strides = array<i32>} : memref<112x128xf32, #tpu.memory_space<vmem>>, vector<16xf32>,
        %get3A_1325 = arith.index_cast %add3A_1292 : i32 to index
        %get3A_1326 = arith.constant 64 : index
        %get3A_1327 = tpu.vector_load %arg15[%get3A_1325, %get3A_1326] {strides = array<i32>} : memref<112x128xf32, #tpu.memory_space<vmem>>, vector<16xf32>,
        %mul3A_1328 = vector.broadcast %squeeze3A_1288 : f32 to vector<16xf32>
        %mul3A_1329 = arith.mulf %get3A_1327, %mul3A_1328 : vector<16xf32>
        %swap3A_1330 = arith.index_cast %add3A_1292 : i32 to index
        %swap3A_1331 = arith.constant 64 : index
        %swap3A_1332 = tpu.vector_load %arg15[%swap3A_1330, %swap3A_1331] {strides = array<i32>} : memref<112x128xf32, #tpu.memory_space<vmem>>, vector<16xf32>,
        tpu.vector_store %arg15[%swap3A_1330, %swap3A_1331], %mul3A_1329 {strides = array<i32>} : memref<112x128xf32, #tpu.memory_space<vmem>>, vector<16xf32>,
        %get3A_1333 = arith.index_cast %add3A_1292 : i32 to index
        %get3A_1334 = arith.constant 80 : index
        %get3A_1335 = tpu.vector_load %arg15[%get3A_1333, %get3A_1334] {strides = array<i32>} : memref<112x128xf32, #tpu.memory_space<vmem>>, vector<16xf32>,
        %mul3A_1336 = vector.broadcast %squeeze3A_1288 : f32 to vector<16xf32>
        %mul3A_1337 = arith.mulf %get3A_1335, %mul3A_1336 : vector<16xf32>
        %swap3A_1338 = arith.index_cast %add3A_1292 : i32 to index
        %swap3A_1339 = arith.constant 80 : index
        %swap3A_1340 = tpu.vector_load %arg15[%swap3A_1338, %swap3A_1339] {strides = array<i32>} : memref<112x128xf32, #tpu.memory_space<vmem>>, vector<16xf32>,
        tpu.vector_store %arg15[%swap3A_1338, %swap3A_1339], %mul3A_1337 {strides = array<i32>} : memref<112x128xf32, #tpu.memory_space<vmem>>, vector<16xf32>,
        %get3A_1341 = arith.index_cast %add3A_1292 : i32 to index
        %get3A_1342 = arith.constant 96 : index
        %get3A_1343 = tpu.vector_load %arg15[%get3A_1341, %get3A_1342] {strides = array<i32>} : memref<112x128xf32, #tpu.memory_space<vmem>>, vector<16xf32>,
        %mul3A_1344 = vector.broadcast %squeeze3A_1288 : f32 to vector<16xf32>
        %mul3A_1345 = arith.mulf %get3A_1343, %mul3A_1344 : vector<16xf32>
        %swap3A_1346 = arith.index_cast %add3A_1292 : i32 to index
        %swap3A_1347 = arith.constant 96 : index
        %swap3A_1348 = tpu.vector_load %arg15[%swap3A_1346, %swap3A_1347] {strides = array<i32>} : memref<112x128xf32, #tpu.memory_space<vmem>>, vector<16xf32>,
        tpu.vector_store %arg15[%swap3A_1346, %swap3A_1347], %mul3A_1345 {strides = array<i32>} : memref<112x128xf32, #tpu.memory_space<vmem>>, vector<16xf32>,
        %get3A_1349 = arith.index_cast %add3A_1292 : i32 to index
        %get3A_1350 = arith.constant 112 : index
        %get3A_1351 = tpu.vector_load %arg15[%get3A_1349, %get3A_1350] {strides = array<i32>} : memref<112x128xf32, #tpu.memory_space<vmem>>, vector<16xf32>,
        %mul3A_1352 = vector.broadcast %squeeze3A_1288 : f32 to vector<16xf32>
        %mul3A_1353 = arith.mulf %get3A_1351, %mul3A_1352 : vector<16xf32>
        %swap3A_1354 = arith.index_cast %add3A_1292 : i32 to index
        %swap3A_1355 = arith.constant 112 : index
        %swap3A_1356 = tpu.vector_load %arg15[%swap3A_1354, %swap3A_1355] {strides = array<i32>} : memref<112x128xf32, #tpu.memory_space<vmem>>, vector<16xf32>,
        tpu.vector_store %arg15[%swap3A_1354, %swap3A_1355], %mul3A_1353 {strides = array<i32>} : memref<112x128xf32, #tpu.memory_space<vmem>>, vector<16xf32>,
        %slice3A_1357 = vector.extract_strided_slice %get3A_588 {offsets = [11], sizes = [1], strides = [1]} : vector<16xf32> to vector<1xf32>
        %squeeze3A_1358 = vector.extract %slice3A_1357[0] : f32 from vector<1xf32>
        %mul3A_1359 = arith.constant 16 : i32
        %mul3A_1360 = arith.muli %add3A_584, %mul3A_1359 : i32
        %add3A_1361 = arith.constant 11 : i32
        %add3A_1362 = arith.addi %mul3A_1360, %add3A_1361 : i32
        %get3A_1363 = arith.index_cast %add3A_1362 : i32 to index
        %get3A_1364 = arith.constant 0 : index
        %get3A_1365 = tpu.vector_load %arg15[%get3A_1363, %get3A_1364] {strides = array<i32>} : memref<112x128xf32, #tpu.memory_space<vmem>>, vector<16xf32>,
        %mul3A_1366 = vector.broadcast %squeeze3A_1358 : f32 to vector<16xf32>
        %mul3A_1367 = arith.mulf %get3A_1365, %mul3A_1366 : vector<16xf32>
        %swap3A_1368 = arith.index_cast %add3A_1362 : i32 to index
        %swap3A_1369 = arith.constant 0 : index
        %swap3A_1370 = tpu.vector_load %arg15[%swap3A_1368, %swap3A_1369] {strides = array<i32>} : memref<112x128xf32, #tpu.memory_space<vmem>>, vector<16xf32>,
        tpu.vector_store %arg15[%swap3A_1368, %swap3A_1369], %mul3A_1367 {strides = array<i32>} : memref<112x128xf32, #tpu.memory_space<vmem>>, vector<16xf32>,
        %get3A_1371 = arith.index_cast %add3A_1362 : i32 to index
        %get3A_1372 = arith.constant 16 : index
        %get3A_1373 = tpu.vector_load %arg15[%get3A_1371, %get3A_1372] {strides = array<i32>} : memref<112x128xf32, #tpu.memory_space<vmem>>, vector<16xf32>,
        %mul3A_1374 = vector.broadcast %squeeze3A_1358 : f32 to vector<16xf32>
        %mul3A_1375 = arith.mulf %get3A_1373, %mul3A_1374 : vector<16xf32>
        %swap3A_1376 = arith.index_cast %add3A_1362 : i32 to index
        %swap3A_1377 = arith.constant 16 : index
        %swap3A_1378 = tpu.vector_load %arg15[%swap3A_1376, %swap3A_1377] {strides = array<i32>} : memref<112x128xf32, #tpu.memory_space<vmem>>, vector<16xf32>,
        tpu.vector_store %arg15[%swap3A_1376, %swap3A_1377], %mul3A_1375 {strides = array<i32>} : memref<112x128xf32, #tpu.memory_space<vmem>>, vector<16xf32>,
        %get3A_1379 = arith.index_cast %add3A_1362 : i32 to index
        %get3A_1380 = arith.constant 32 : index
        %get3A_1381 = tpu.vector_load %arg15[%get3A_1379, %get3A_1380] {strides = array<i32>} : memref<112x128xf32, #tpu.memory_space<vmem>>, vector<16xf32>,
        %mul3A_1382 = vector.broadcast %squeeze3A_1358 : f32 to vector<16xf32>
        %mul3A_1383 = arith.mulf %get3A_1381, %mul3A_1382 : vector<16xf32>
        %swap3A_1384 = arith.index_cast %add3A_1362 : i32 to index
        %swap3A_1385 = arith.constant 32 : index
        %swap3A_1386 = tpu.vector_load %arg15[%swap3A_1384, %swap3A_1385] {strides = array<i32>} : memref<112x128xf32, #tpu.memory_space<vmem>>, vector<16xf32>,
        tpu.vector_store %arg15[%swap3A_1384, %swap3A_1385], %mul3A_1383 {strides = array<i32>} : memref<112x128xf32, #tpu.memory_space<vmem>>, vector<16xf32>,
        %get3A_1387 = arith.index_cast %add3A_1362 : i32 to index
        %get3A_1388 = arith.constant 48 : index
        %get3A_1389 = tpu.vector_load %arg15[%get3A_1387, %get3A_1388] {strides = array<i32>} : memref<112x128xf32, #tpu.memory_space<vmem>>, vector<16xf32>,
        %mul3A_1390 = vector.broadcast %squeeze3A_1358 : f32 to vector<16xf32>
        %mul3A_1391 = arith.mulf %get3A_1389, %mul3A_1390 : vector<16xf32>
        %swap3A_1392 = arith.index_cast %add3A_1362 : i32 to index
        %swap3A_1393 = arith.constant 48 : index
        %swap3A_1394 = tpu.vector_load %arg15[%swap3A_1392, %swap3A_1393] {strides = array<i32>} : memref<112x128xf32, #tpu.memory_space<vmem>>, vector<16xf32>,
        tpu.vector_store %arg15[%swap3A_1392, %swap3A_1393], %mul3A_1391 {strides = array<i32>} : memref<112x128xf32, #tpu.memory_space<vmem>>, vector<16xf32>,
        %get3A_1395 = arith.index_cast %add3A_1362 : i32 to index
        %get3A_1396 = arith.constant 64 : index
        %get3A_1397 = tpu.vector_load %arg15[%get3A_1395, %get3A_1396] {strides = array<i32>} : memref<112x128xf32, #tpu.memory_space<vmem>>, vector<16xf32>,
        %mul3A_1398 = vector.broadcast %squeeze3A_1358 : f32 to vector<16xf32>
        %mul3A_1399 = arith.mulf %get3A_1397, %mul3A_1398 : vector<16xf32>
        %swap3A_1400 = arith.index_cast %add3A_1362 : i32 to index
        %swap3A_1401 = arith.constant 64 : index
        %swap3A_1402 = tpu.vector_load %arg15[%swap3A_1400, %swap3A_1401] {strides = array<i32>} : memref<112x128xf32, #tpu.memory_space<vmem>>, vector<16xf32>,
        tpu.vector_store %arg15[%swap3A_1400, %swap3A_1401], %mul3A_1399 {strides = array<i32>} : memref<112x128xf32, #tpu.memory_space<vmem>>, vector<16xf32>,
        %get3A_1403 = arith.index_cast %add3A_1362 : i32 to index
        %get3A_1404 = arith.constant 80 : index
        %get3A_1405 = tpu.vector_load %arg15[%get3A_1403, %get3A_1404] {strides = array<i32>} : memref<112x128xf32, #tpu.memory_space<vmem>>, vector<16xf32>,
        %mul3A_1406 = vector.broadcast %squeeze3A_1358 : f32 to vector<16xf32>
        %mul3A_1407 = arith.mulf %get3A_1405, %mul3A_1406 : vector<16xf32>
        %swap3A_1408 = arith.index_cast %add3A_1362 : i32 to index
        %swap3A_1409 = arith.constant 80 : index
        %swap3A_1410 = tpu.vector_load %arg15[%swap3A_1408, %swap3A_1409] {strides = array<i32>} : memref<112x128xf32, #tpu.memory_space<vmem>>, vector<16xf32>,
        tpu.vector_store %arg15[%swap3A_1408, %swap3A_1409], %mul3A_1407 {strides = array<i32>} : memref<112x128xf32, #tpu.memory_space<vmem>>, vector<16xf32>,
        %get3A_1411 = arith.index_cast %add3A_1362 : i32 to index
        %get3A_1412 = arith.constant 96 : index
        %get3A_1413 = tpu.vector_load %arg15[%get3A_1411, %get3A_1412] {strides = array<i32>} : memref<112x128xf32, #tpu.memory_space<vmem>>, vector<16xf32>,
        %mul3A_1414 = vector.broadcast %squeeze3A_1358 : f32 to vector<16xf32>
        %mul3A_1415 = arith.mulf %get3A_1413, %mul3A_1414 : vector<16xf32>
        %swap3A_1416 = arith.index_cast %add3A_1362 : i32 to index
        %swap3A_1417 = arith.constant 96 : index
        %swap3A_1418 = tpu.vector_load %arg15[%swap3A_1416, %swap3A_1417] {strides = array<i32>} : memref<112x128xf32, #tpu.memory_space<vmem>>, vector<16xf32>,
        tpu.vector_store %arg15[%swap3A_1416, %swap3A_1417], %mul3A_1415 {strides = array<i32>} : memref<112x128xf32, #tpu.memory_space<vmem>>, vector<16xf32>,
        %get3A_1419 = arith.index_cast %add3A_1362 : i32 to index
        %get3A_1420 = arith.constant 112 : index
        %get3A_1421 = tpu.vector_load %arg15[%get3A_1419, %get3A_1420] {strides = array<i32>} : memref<112x128xf32, #tpu.memory_space<vmem>>, vector<16xf32>,
        %mul3A_1422 = vector.broadcast %squeeze3A_1358 : f32 to vector<16xf32>
        %mul3A_1423 = arith.mulf %get3A_1421, %mul3A_1422 : vector<16xf32>
        %swap3A_1424 = arith.index_cast %add3A_1362 : i32 to index
        %swap3A_1425 = arith.constant 112 : index
        %swap3A_1426 = tpu.vector_load %arg15[%swap3A_1424, %swap3A_1425] {strides = array<i32>} : memref<112x128xf32, #tpu.memory_space<vmem>>, vector<16xf32>,
        tpu.vector_store %arg15[%swap3A_1424, %swap3A_1425], %mul3A_1423 {strides = array<i32>} : memref<112x128xf32, #tpu.memory_space<vmem>>, vector<16xf32>,
        %slice3A_1427 = vector.extract_strided_slice %get3A_588 {offsets = [12], sizes = [1], strides = [1]} : vector<16xf32> to vector<1xf32>
        %squeeze3A_1428 = vector.extract %slice3A_1427[0] : f32 from vector<1xf32>
        %mul3A_1429 = arith.constant 16 : i32
        %mul3A_1430 = arith.muli %add3A_584, %mul3A_1429 : i32
        %add3A_1431 = arith.constant 12 : i32
        %add3A_1432 = arith.addi %mul3A_1430, %add3A_1431 : i32
        %get3A_1433 = arith.index_cast %add3A_1432 : i32 to index
        %get3A_1434 = arith.constant 0 : index
        %get3A_1435 = tpu.vector_load %arg15[%get3A_1433, %get3A_1434] {strides = array<i32>} : memref<112x128xf32, #tpu.memory_space<vmem>>, vector<16xf32>,
        %mul3A_1436 = vector.broadcast %squeeze3A_1428 : f32 to vector<16xf32>
        %mul3A_1437 = arith.mulf %get3A_1435, %mul3A_1436 : vector<16xf32>
        %swap3A_1438 = arith.index_cast %add3A_1432 : i32 to index
        %swap3A_1439 = arith.constant 0 : index
        %swap3A_1440 = tpu.vector_load %arg15[%swap3A_1438, %swap3A_1439] {strides = array<i32>} : memref<112x128xf32, #tpu.memory_space<vmem>>, vector<16xf32>,
        tpu.vector_store %arg15[%swap3A_1438, %swap3A_1439], %mul3A_1437 {strides = array<i32>} : memref<112x128xf32, #tpu.memory_space<vmem>>, vector<16xf32>,
        %get3A_1441 = arith.index_cast %add3A_1432 : i32 to index
        %get3A_1442 = arith.constant 16 : index
        %get3A_1443 = tpu.vector_load %arg15[%get3A_1441, %get3A_1442] {strides = array<i32>} : memref<112x128xf32, #tpu.memory_space<vmem>>, vector<16xf32>,
        %mul3A_1444 = vector.broadcast %squeeze3A_1428 : f32 to vector<16xf32>
        %mul3A_1445 = arith.mulf %get3A_1443, %mul3A_1444 : vector<16xf32>
        %swap3A_1446 = arith.index_cast %add3A_1432 : i32 to index
        %swap3A_1447 = arith.constant 16 : index
        %swap3A_1448 = tpu.vector_load %arg15[%swap3A_1446, %swap3A_1447] {strides = array<i32>} : memref<112x128xf32, #tpu.memory_space<vmem>>, vector<16xf32>,
        tpu.vector_store %arg15[%swap3A_1446, %swap3A_1447], %mul3A_1445 {strides = array<i32>} : memref<112x128xf32, #tpu.memory_space<vmem>>, vector<16xf32>,
        %get3A_1449 = arith.index_cast %add3A_1432 : i32 to index
        %get3A_1450 = arith.constant 32 : index
        %get3A_1451 = tpu.vector_load %arg15[%get3A_1449, %get3A_1450] {strides = array<i32>} : memref<112x128xf32, #tpu.memory_space<vmem>>, vector<16xf32>,
        %mul3A_1452 = vector.broadcast %squeeze3A_1428 : f32 to vector<16xf32>
        %mul3A_1453 = arith.mulf %get3A_1451, %mul3A_1452 : vector<16xf32>
        %swap3A_1454 = arith.index_cast %add3A_1432 : i32 to index
        %swap3A_1455 = arith.constant 32 : index
        %swap3A_1456 = tpu.vector_load %arg15[%swap3A_1454, %swap3A_1455] {strides = array<i32>} : memref<112x128xf32, #tpu.memory_space<vmem>>, vector<16xf32>,
        tpu.vector_store %arg15[%swap3A_1454, %swap3A_1455], %mul3A_1453 {strides = array<i32>} : memref<112x128xf32, #tpu.memory_space<vmem>>, vector<16xf32>,
        %get3A_1457 = arith.index_cast %add3A_1432 : i32 to index
        %get3A_1458 = arith.constant 48 : index
        %get3A_1459 = tpu.vector_load %arg15[%get3A_1457, %get3A_1458] {strides = array<i32>} : memref<112x128xf32, #tpu.memory_space<vmem>>, vector<16xf32>,
        %mul3A_1460 = vector.broadcast %squeeze3A_1428 : f32 to vector<16xf32>
        %mul3A_1461 = arith.mulf %get3A_1459, %mul3A_1460 : vector<16xf32>
        %swap3A_1462 = arith.index_cast %add3A_1432 : i32 to index
        %swap3A_1463 = arith.constant 48 : index
        %swap3A_1464 = tpu.vector_load %arg15[%swap3A_1462, %swap3A_1463] {strides = array<i32>} : memref<112x128xf32, #tpu.memory_space<vmem>>, vector<16xf32>,
        tpu.vector_store %arg15[%swap3A_1462, %swap3A_1463], %mul3A_1461 {strides = array<i32>} : memref<112x128xf32, #tpu.memory_space<vmem>>, vector<16xf32>,
        %get3A_1465 = arith.index_cast %add3A_1432 : i32 to index
        %get3A_1466 = arith.constant 64 : index
        %get3A_1467 = tpu.vector_load %arg15[%get3A_1465, %get3A_1466] {strides = array<i32>} : memref<112x128xf32, #tpu.memory_space<vmem>>, vector<16xf32>,
        %mul3A_1468 = vector.broadcast %squeeze3A_1428 : f32 to vector<16xf32>
        %mul3A_1469 = arith.mulf %get3A_1467, %mul3A_1468 : vector<16xf32>
        %swap3A_1470 = arith.index_cast %add3A_1432 : i32 to index
        %swap3A_1471 = arith.constant 64 : index
        %swap3A_1472 = tpu.vector_load %arg15[%swap3A_1470, %swap3A_1471] {strides = array<i32>} : memref<112x128xf32, #tpu.memory_space<vmem>>, vector<16xf32>,
        tpu.vector_store %arg15[%swap3A_1470, %swap3A_1471], %mul3A_1469 {strides = array<i32>} : memref<112x128xf32, #tpu.memory_space<vmem>>, vector<16xf32>,
        %get3A_1473 = arith.index_cast %add3A_1432 : i32 to index
        %get3A_1474 = arith.constant 80 : index
        %get3A_1475 = tpu.vector_load %arg15[%get3A_1473, %get3A_1474] {strides = array<i32>} : memref<112x128xf32, #tpu.memory_space<vmem>>, vector<16xf32>,
        %mul3A_1476 = vector.broadcast %squeeze3A_1428 : f32 to vector<16xf32>
        %mul3A_1477 = arith.mulf %get3A_1475, %mul3A_1476 : vector<16xf32>
        %swap3A_1478 = arith.index_cast %add3A_1432 : i32 to index
        %swap3A_1479 = arith.constant 80 : index
        %swap3A_1480 = tpu.vector_load %arg15[%swap3A_1478, %swap3A_1479] {strides = array<i32>} : memref<112x128xf32, #tpu.memory_space<vmem>>, vector<16xf32>,
        tpu.vector_store %arg15[%swap3A_1478, %swap3A_1479], %mul3A_1477 {strides = array<i32>} : memref<112x128xf32, #tpu.memory_space<vmem>>, vector<16xf32>,
        %get3A_1481 = arith.index_cast %add3A_1432 : i32 to index
        %get3A_1482 = arith.constant 96 : index
        %get3A_1483 = tpu.vector_load %arg15[%get3A_1481, %get3A_1482] {strides = array<i32>} : memref<112x128xf32, #tpu.memory_space<vmem>>, vector<16xf32>,
        %mul3A_1484 = vector.broadcast %squeeze3A_1428 : f32 to vector<16xf32>
        %mul3A_1485 = arith.mulf %get3A_1483, %mul3A_1484 : vector<16xf32>
        %swap3A_1486 = arith.index_cast %add3A_1432 : i32 to index
        %swap3A_1487 = arith.constant 96 : index
        %swap3A_1488 = tpu.vector_load %arg15[%swap3A_1486, %swap3A_1487] {strides = array<i32>} : memref<112x128xf32, #tpu.memory_space<vmem>>, vector<16xf32>,
        tpu.vector_store %arg15[%swap3A_1486, %swap3A_1487], %mul3A_1485 {strides = array<i32>} : memref<112x128xf32, #tpu.memory_space<vmem>>, vector<16xf32>,
        %get3A_1489 = arith.index_cast %add3A_1432 : i32 to index
        %get3A_1490 = arith.constant 112 : index
        %get3A_1491 = tpu.vector_load %arg15[%get3A_1489, %get3A_1490] {strides = array<i32>} : memref<112x128xf32, #tpu.memory_space<vmem>>, vector<16xf32>,
        %mul3A_1492 = vector.broadcast %squeeze3A_1428 : f32 to vector<16xf32>
        %mul3A_1493 = arith.mulf %get3A_1491, %mul3A_1492 : vector<16xf32>
        %swap3A_1494 = arith.index_cast %add3A_1432 : i32 to index
        %swap3A_1495 = arith.constant 112 : index
        %swap3A_1496 = tpu.vector_load %arg15[%swap3A_1494, %swap3A_1495] {strides = array<i32>} : memref<112x128xf32, #tpu.memory_space<vmem>>, vector<16xf32>,
        tpu.vector_store %arg15[%swap3A_1494, %swap3A_1495], %mul3A_1493 {strides = array<i32>} : memref<112x128xf32, #tpu.memory_space<vmem>>, vector<16xf32>,
        %slice3A_1497 = vector.extract_strided_slice %get3A_588 {offsets = [13], sizes = [1], strides = [1]} : vector<16xf32> to vector<1xf32>
        %squeeze3A_1498 = vector.extract %slice3A_1497[0] : f32 from vector<1xf32>
        %mul3A_1499 = arith.constant 16 : i32
        %mul3A_1500 = arith.muli %add3A_584, %mul3A_1499 : i32
        %add3A_1501 = arith.constant 13 : i32
        %add3A_1502 = arith.addi %mul3A_1500, %add3A_1501 : i32
        %get3A_1503 = arith.index_cast %add3A_1502 : i32 to index
        %get3A_1504 = arith.constant 0 : index
        %get3A_1505 = tpu.vector_load %arg15[%get3A_1503, %get3A_1504] {strides = array<i32>} : memref<112x128xf32, #tpu.memory_space<vmem>>, vector<16xf32>,
        %mul3A_1506 = vector.broadcast %squeeze3A_1498 : f32 to vector<16xf32>
        %mul3A_1507 = arith.mulf %get3A_1505, %mul3A_1506 : vector<16xf32>
        %swap3A_1508 = arith.index_cast %add3A_1502 : i32 to index
        %swap3A_1509 = arith.constant 0 : index
        %swap3A_1510 = tpu.vector_load %arg15[%swap3A_1508, %swap3A_1509] {strides = array<i32>} : memref<112x128xf32, #tpu.memory_space<vmem>>, vector<16xf32>,
        tpu.vector_store %arg15[%swap3A_1508, %swap3A_1509], %mul3A_1507 {strides = array<i32>} : memref<112x128xf32, #tpu.memory_space<vmem>>, vector<16xf32>,
        %get3A_1511 = arith.index_cast %add3A_1502 : i32 to index
        %get3A_1512 = arith.constant 16 : index
        %get3A_1513 = tpu.vector_load %arg15[%get3A_1511, %get3A_1512] {strides = array<i32>} : memref<112x128xf32, #tpu.memory_space<vmem>>, vector<16xf32>,
        %mul3A_1514 = vector.broadcast %squeeze3A_1498 : f32 to vector<16xf32>
        %mul3A_1515 = arith.mulf %get3A_1513, %mul3A_1514 : vector<16xf32>
        %swap3A_1516 = arith.index_cast %add3A_1502 : i32 to index
        %swap3A_1517 = arith.constant 16 : index
        %swap3A_1518 = tpu.vector_load %arg15[%swap3A_1516, %swap3A_1517] {strides = array<i32>} : memref<112x128xf32, #tpu.memory_space<vmem>>, vector<16xf32>,
        tpu.vector_store %arg15[%swap3A_1516, %swap3A_1517], %mul3A_1515 {strides = array<i32>} : memref<112x128xf32, #tpu.memory_space<vmem>>, vector<16xf32>,
        %get3A_1519 = arith.index_cast %add3A_1502 : i32 to index
        %get3A_1520 = arith.constant 32 : index
        %get3A_1521 = tpu.vector_load %arg15[%get3A_1519, %get3A_1520] {strides = array<i32>} : memref<112x128xf32, #tpu.memory_space<vmem>>, vector<16xf32>,
        %mul3A_1522 = vector.broadcast %squeeze3A_1498 : f32 to vector<16xf32>
        %mul3A_1523 = arith.mulf %get3A_1521, %mul3A_1522 : vector<16xf32>
        %swap3A_1524 = arith.index_cast %add3A_1502 : i32 to index
        %swap3A_1525 = arith.constant 32 : index
        %swap3A_1526 = tpu.vector_load %arg15[%swap3A_1524, %swap3A_1525] {strides = array<i32>} : memref<112x128xf32, #tpu.memory_space<vmem>>, vector<16xf32>,
        tpu.vector_store %arg15[%swap3A_1524, %swap3A_1525], %mul3A_1523 {strides = array<i32>} : memref<112x128xf32, #tpu.memory_space<vmem>>, vector<16xf32>,
        %get3A_1527 = arith.index_cast %add3A_1502 : i32 to index
        %get3A_1528 = arith.constant 48 : index
        %get3A_1529 = tpu.vector_load %arg15[%get3A_1527, %get3A_1528] {strides = array<i32>} : memref<112x128xf32, #tpu.memory_space<vmem>>, vector<16xf32>,
        %mul3A_1530 = vector.broadcast %squeeze3A_1498 : f32 to vector<16xf32>
        %mul3A_1531 = arith.mulf %get3A_1529, %mul3A_1530 : vector<16xf32>
        %swap3A_1532 = arith.index_cast %add3A_1502 : i32 to index
        %swap3A_1533 = arith.constant 48 : index
        %swap3A_1534 = tpu.vector_load %arg15[%swap3A_1532, %swap3A_1533] {strides = array<i32>} : memref<112x128xf32, #tpu.memory_space<vmem>>, vector<16xf32>,
        tpu.vector_store %arg15[%swap3A_1532, %swap3A_1533], %mul3A_1531 {strides = array<i32>} : memref<112x128xf32, #tpu.memory_space<vmem>>, vector<16xf32>,
        %get3A_1535 = arith.index_cast %add3A_1502 : i32 to index
        %get3A_1536 = arith.constant 64 : index
        %get3A_1537 = tpu.vector_load %arg15[%get3A_1535, %get3A_1536] {strides = array<i32>} : memref<112x128xf32, #tpu.memory_space<vmem>>, vector<16xf32>,
        %mul3A_1538 = vector.broadcast %squeeze3A_1498 : f32 to vector<16xf32>
        %mul3A_1539 = arith.mulf %get3A_1537, %mul3A_1538 : vector<16xf32>
        %swap3A_1540 = arith.index_cast %add3A_1502 : i32 to index
        %swap3A_1541 = arith.constant 64 : index
        %swap3A_1542 = tpu.vector_load %arg15[%swap3A_1540, %swap3A_1541] {strides = array<i32>} : memref<112x128xf32, #tpu.memory_space<vmem>>, vector<16xf32>,
        tpu.vector_store %arg15[%swap3A_1540, %swap3A_1541], %mul3A_1539 {strides = array<i32>} : memref<112x128xf32, #tpu.memory_space<vmem>>, vector<16xf32>,
        %get3A_1543 = arith.index_cast %add3A_1502 : i32 to index
        %get3A_1544 = arith.constant 80 : index
        %get3A_1545 = tpu.vector_load %arg15[%get3A_1543, %get3A_1544] {strides = array<i32>} : memref<112x128xf32, #tpu.memory_space<vmem>>, vector<16xf32>,
        %mul3A_1546 = vector.broadcast %squeeze3A_1498 : f32 to vector<16xf32>
        %mul3A_1547 = arith.mulf %get3A_1545, %mul3A_1546 : vector<16xf32>
        %swap3A_1548 = arith.index_cast %add3A_1502 : i32 to index
        %swap3A_1549 = arith.constant 80 : index
        %swap3A_1550 = tpu.vector_load %arg15[%swap3A_1548, %swap3A_1549] {strides = array<i32>} : memref<112x128xf32, #tpu.memory_space<vmem>>, vector<16xf32>,
        tpu.vector_store %arg15[%swap3A_1548, %swap3A_1549], %mul3A_1547 {strides = array<i32>} : memref<112x128xf32, #tpu.memory_space<vmem>>, vector<16xf32>,
        %get3A_1551 = arith.index_cast %add3A_1502 : i32 to index
        %get3A_1552 = arith.constant 96 : index
        %get3A_1553 = tpu.vector_load %arg15[%get3A_1551, %get3A_1552] {strides = array<i32>} : memref<112x128xf32, #tpu.memory_space<vmem>>, vector<16xf32>,
        %mul3A_1554 = vector.broadcast %squeeze3A_1498 : f32 to vector<16xf32>
        %mul3A_1555 = arith.mulf %get3A_1553, %mul3A_1554 : vector<16xf32>
        %swap3A_1556 = arith.index_cast %add3A_1502 : i32 to index
        %swap3A_1557 = arith.constant 96 : index
        %swap3A_1558 = tpu.vector_load %arg15[%swap3A_1556, %swap3A_1557] {strides = array<i32>} : memref<112x128xf32, #tpu.memory_space<vmem>>, vector<16xf32>,
        tpu.vector_store %arg15[%swap3A_1556, %swap3A_1557], %mul3A_1555 {strides = array<i32>} : memref<112x128xf32, #tpu.memory_space<vmem>>, vector<16xf32>,
        %get3A_1559 = arith.index_cast %add3A_1502 : i32 to index
        %get3A_1560 = arith.constant 112 : index
        %get3A_1561 = tpu.vector_load %arg15[%get3A_1559, %get3A_1560] {strides = array<i32>} : memref<112x128xf32, #tpu.memory_space<vmem>>, vector<16xf32>,
        %mul3A_1562 = vector.broadcast %squeeze3A_1498 : f32 to vector<16xf32>
        %mul3A_1563 = arith.mulf %get3A_1561, %mul3A_1562 : vector<16xf32>
        %swap3A_1564 = arith.index_cast %add3A_1502 : i32 to index
        %swap3A_1565 = arith.constant 112 : index
        %swap3A_1566 = tpu.vector_load %arg15[%swap3A_1564, %swap3A_1565] {strides = array<i32>} : memref<112x128xf32, #tpu.memory_space<vmem>>, vector<16xf32>,
        tpu.vector_store %arg15[%swap3A_1564, %swap3A_1565], %mul3A_1563 {strides = array<i32>} : memref<112x128xf32, #tpu.memory_space<vmem>>, vector<16xf32>,
        %slice3A_1567 = vector.extract_strided_slice %get3A_588 {offsets = [14], sizes = [1], strides = [1]} : vector<16xf32> to vector<1xf32>
        %squeeze3A_1568 = vector.extract %slice3A_1567[0] : f32 from vector<1xf32>
        %mul3A_1569 = arith.constant 16 : i32
        %mul3A_1570 = arith.muli %add3A_584, %mul3A_1569 : i32
        %add3A_1571 = arith.constant 14 : i32
        %add3A_1572 = arith.addi %mul3A_1570, %add3A_1571 : i32
        %get3A_1573 = arith.index_cast %add3A_1572 : i32 to index
        %get3A_1574 = arith.constant 0 : index
        %get3A_1575 = tpu.vector_load %arg15[%get3A_1573, %get3A_1574] {strides = array<i32>} : memref<112x128xf32, #tpu.memory_space<vmem>>, vector<16xf32>,
        %mul3A_1576 = vector.broadcast %squeeze3A_1568 : f32 to vector<16xf32>
        %mul3A_1577 = arith.mulf %get3A_1575, %mul3A_1576 : vector<16xf32>
        %swap3A_1578 = arith.index_cast %add3A_1572 : i32 to index
        %swap3A_1579 = arith.constant 0 : index
        %swap3A_1580 = tpu.vector_load %arg15[%swap3A_1578, %swap3A_1579] {strides = array<i32>} : memref<112x128xf32, #tpu.memory_space<vmem>>, vector<16xf32>,
        tpu.vector_store %arg15[%swap3A_1578, %swap3A_1579], %mul3A_1577 {strides = array<i32>} : memref<112x128xf32, #tpu.memory_space<vmem>>, vector<16xf32>,
        %get3A_1581 = arith.index_cast %add3A_1572 : i32 to index
        %get3A_1582 = arith.constant 16 : index
        %get3A_1583 = tpu.vector_load %arg15[%get3A_1581, %get3A_1582] {strides = array<i32>} : memref<112x128xf32, #tpu.memory_space<vmem>>, vector<16xf32>,
        %mul3A_1584 = vector.broadcast %squeeze3A_1568 : f32 to vector<16xf32>
        %mul3A_1585 = arith.mulf %get3A_1583, %mul3A_1584 : vector<16xf32>
        %swap3A_1586 = arith.index_cast %add3A_1572 : i32 to index
        %swap3A_1587 = arith.constant 16 : index
        %swap3A_1588 = tpu.vector_load %arg15[%swap3A_1586, %swap3A_1587] {strides = array<i32>} : memref<112x128xf32, #tpu.memory_space<vmem>>, vector<16xf32>,
        tpu.vector_store %arg15[%swap3A_1586, %swap3A_1587], %mul3A_1585 {strides = array<i32>} : memref<112x128xf32, #tpu.memory_space<vmem>>, vector<16xf32>,
        %get3A_1589 = arith.index_cast %add3A_1572 : i32 to index
        %get3A_1590 = arith.constant 32 : index
        %get3A_1591 = tpu.vector_load %arg15[%get3A_1589, %get3A_1590] {strides = array<i32>} : memref<112x128xf32, #tpu.memory_space<vmem>>, vector<16xf32>,
        %mul3A_1592 = vector.broadcast %squeeze3A_1568 : f32 to vector<16xf32>
        %mul3A_1593 = arith.mulf %get3A_1591, %mul3A_1592 : vector<16xf32>
        %swap3A_1594 = arith.index_cast %add3A_1572 : i32 to index
        %swap3A_1595 = arith.constant 32 : index
        %swap3A_1596 = tpu.vector_load %arg15[%swap3A_1594, %swap3A_1595] {strides = array<i32>} : memref<112x128xf32, #tpu.memory_space<vmem>>, vector<16xf32>,
        tpu.vector_store %arg15[%swap3A_1594, %swap3A_1595], %mul3A_1593 {strides = array<i32>} : memref<112x128xf32, #tpu.memory_space<vmem>>, vector<16xf32>,
        %get3A_1597 = arith.index_cast %add3A_1572 : i32 to index
        %get3A_1598 = arith.constant 48 : index
        %get3A_1599 = tpu.vector_load %arg15[%get3A_1597, %get3A_1598] {strides = array<i32>} : memref<112x128xf32, #tpu.memory_space<vmem>>, vector<16xf32>,
        %mul3A_1600 = vector.broadcast %squeeze3A_1568 : f32 to vector<16xf32>
        %mul3A_1601 = arith.mulf %get3A_1599, %mul3A_1600 : vector<16xf32>
        %swap3A_1602 = arith.index_cast %add3A_1572 : i32 to index
        %swap3A_1603 = arith.constant 48 : index
        %swap3A_1604 = tpu.vector_load %arg15[%swap3A_1602, %swap3A_1603] {strides = array<i32>} : memref<112x128xf32, #tpu.memory_space<vmem>>, vector<16xf32>,
        tpu.vector_store %arg15[%swap3A_1602, %swap3A_1603], %mul3A_1601 {strides = array<i32>} : memref<112x128xf32, #tpu.memory_space<vmem>>, vector<16xf32>,
        %get3A_1605 = arith.index_cast %add3A_1572 : i32 to index
        %get3A_1606 = arith.constant 64 : index
        %get3A_1607 = tpu.vector_load %arg15[%get3A_1605, %get3A_1606] {strides = array<i32>} : memref<112x128xf32, #tpu.memory_space<vmem>>, vector<16xf32>,
        %mul3A_1608 = vector.broadcast %squeeze3A_1568 : f32 to vector<16xf32>
        %mul3A_1609 = arith.mulf %get3A_1607, %mul3A_1608 : vector<16xf32>
        %swap3A_1610 = arith.index_cast %add3A_1572 : i32 to index
        %swap3A_1611 = arith.constant 64 : index
        %swap3A_1612 = tpu.vector_load %arg15[%swap3A_1610, %swap3A_1611] {strides = array<i32>} : memref<112x128xf32, #tpu.memory_space<vmem>>, vector<16xf32>,
        tpu.vector_store %arg15[%swap3A_1610, %swap3A_1611], %mul3A_1609 {strides = array<i32>} : memref<112x128xf32, #tpu.memory_space<vmem>>, vector<16xf32>,
        %get3A_1613 = arith.index_cast %add3A_1572 : i32 to index
        %get3A_1614 = arith.constant 80 : index
        %get3A_1615 = tpu.vector_load %arg15[%get3A_1613, %get3A_1614] {strides = array<i32>} : memref<112x128xf32, #tpu.memory_space<vmem>>, vector<16xf32>,
        %mul3A_1616 = vector.broadcast %squeeze3A_1568 : f32 to vector<16xf32>
        %mul3A_1617 = arith.mulf %get3A_1615, %mul3A_1616 : vector<16xf32>
        %swap3A_1618 = arith.index_cast %add3A_1572 : i32 to index
        %swap3A_1619 = arith.constant 80 : index
        %swap3A_1620 = tpu.vector_load %arg15[%swap3A_1618, %swap3A_1619] {strides = array<i32>} : memref<112x128xf32, #tpu.memory_space<vmem>>, vector<16xf32>,
        tpu.vector_store %arg15[%swap3A_1618, %swap3A_1619], %mul3A_1617 {strides = array<i32>} : memref<112x128xf32, #tpu.memory_space<vmem>>, vector<16xf32>,
        %get3A_1621 = arith.index_cast %add3A_1572 : i32 to index
        %get3A_1622 = arith.constant 96 : index
        %get3A_1623 = tpu.vector_load %arg15[%get3A_1621, %get3A_1622] {strides = array<i32>} : memref<112x128xf32, #tpu.memory_space<vmem>>, vector<16xf32>,
        %mul3A_1624 = vector.broadcast %squeeze3A_1568 : f32 to vector<16xf32>
        %mul3A_1625 = arith.mulf %get3A_1623, %mul3A_1624 : vector<16xf32>
        %swap3A_1626 = arith.index_cast %add3A_1572 : i32 to index
        %swap3A_1627 = arith.constant 96 : index
        %swap3A_1628 = tpu.vector_load %arg15[%swap3A_1626, %swap3A_1627] {strides = array<i32>} : memref<112x128xf32, #tpu.memory_space<vmem>>, vector<16xf32>,
        tpu.vector_store %arg15[%swap3A_1626, %swap3A_1627], %mul3A_1625 {strides = array<i32>} : memref<112x128xf32, #tpu.memory_space<vmem>>, vector<16xf32>,
        %get3A_1629 = arith.index_cast %add3A_1572 : i32 to index
        %get3A_1630 = arith.constant 112 : index
        %get3A_1631 = tpu.vector_load %arg15[%get3A_1629, %get3A_1630] {strides = array<i32>} : memref<112x128xf32, #tpu.memory_space<vmem>>, vector<16xf32>,
        %mul3A_1632 = vector.broadcast %squeeze3A_1568 : f32 to vector<16xf32>
        %mul3A_1633 = arith.mulf %get3A_1631, %mul3A_1632 : vector<16xf32>
        %swap3A_1634 = arith.index_cast %add3A_1572 : i32 to index
        %swap3A_1635 = arith.constant 112 : index
        %swap3A_1636 = tpu.vector_load %arg15[%swap3A_1634, %swap3A_1635] {strides = array<i32>} : memref<112x128xf32, #tpu.memory_space<vmem>>, vector<16xf32>,
        tpu.vector_store %arg15[%swap3A_1634, %swap3A_1635], %mul3A_1633 {strides = array<i32>} : memref<112x128xf32, #tpu.memory_space<vmem>>, vector<16xf32>,
        %slice3A_1637 = vector.extract_strided_slice %get3A_588 {offsets = [15], sizes = [1], strides = [1]} : vector<16xf32> to vector<1xf32>
        %squeeze3A_1638 = vector.extract %slice3A_1637[0] : f32 from vector<1xf32>
        %mul3A_1639 = arith.constant 16 : i32
        %mul3A_1640 = arith.muli %add3A_584, %mul3A_1639 : i32
        %add3A_1641 = arith.constant 15 : i32
        %add3A_1642 = arith.addi %mul3A_1640, %add3A_1641 : i32
        %get3A_1643 = arith.index_cast %add3A_1642 : i32 to index
        %get3A_1644 = arith.constant 0 : index
        %get3A_1645 = tpu.vector_load %arg15[%get3A_1643, %get3A_1644] {strides = array<i32>} : memref<112x128xf32, #tpu.memory_space<vmem>>, vector<16xf32>,
        %mul3A_1646 = vector.broadcast %squeeze3A_1638 : f32 to vector<16xf32>
        %mul3A_1647 = arith.mulf %get3A_1645, %mul3A_1646 : vector<16xf32>
        %swap3A_1648 = arith.index_cast %add3A_1642 : i32 to index
        %swap3A_1649 = arith.constant 0 : index
        %swap3A_1650 = tpu.vector_load %arg15[%swap3A_1648, %swap3A_1649] {strides = array<i32>} : memref<112x128xf32, #tpu.memory_space<vmem>>, vector<16xf32>,
        tpu.vector_store %arg15[%swap3A_1648, %swap3A_1649], %mul3A_1647 {strides = array<i32>} : memref<112x128xf32, #tpu.memory_space<vmem>>, vector<16xf32>,
        %get3A_1651 = arith.index_cast %add3A_1642 : i32 to index
        %get3A_1652 = arith.constant 16 : index
        %get3A_1653 = tpu.vector_load %arg15[%get3A_1651, %get3A_1652] {strides = array<i32>} : memref<112x128xf32, #tpu.memory_space<vmem>>, vector<16xf32>,
        %mul3A_1654 = vector.broadcast %squeeze3A_1638 : f32 to vector<16xf32>
        %mul3A_1655 = arith.mulf %get3A_1653, %mul3A_1654 : vector<16xf32>
        %swap3A_1656 = arith.index_cast %add3A_1642 : i32 to index
        %swap3A_1657 = arith.constant 16 : index
        %swap3A_1658 = tpu.vector_load %arg15[%swap3A_1656, %swap3A_1657] {strides = array<i32>} : memref<112x128xf32, #tpu.memory_space<vmem>>, vector<16xf32>,
        tpu.vector_store %arg15[%swap3A_1656, %swap3A_1657], %mul3A_1655 {strides = array<i32>} : memref<112x128xf32, #tpu.memory_space<vmem>>, vector<16xf32>,
        %get3A_1659 = arith.index_cast %add3A_1642 : i32 to index
        %get3A_1660 = arith.constant 32 : index
        %get3A_1661 = tpu.vector_load %arg15[%get3A_1659, %get3A_1660] {strides = array<i32>} : memref<112x128xf32, #tpu.memory_space<vmem>>, vector<16xf32>,
        %mul3A_1662 = vector.broadcast %squeeze3A_1638 : f32 to vector<16xf32>
        %mul3A_1663 = arith.mulf %get3A_1661, %mul3A_1662 : vector<16xf32>
        %swap3A_1664 = arith.index_cast %add3A_1642 : i32 to index
        %swap3A_1665 = arith.constant 32 : index
        %swap3A_1666 = tpu.vector_load %arg15[%swap3A_1664, %swap3A_1665] {strides = array<i32>} : memref<112x128xf32, #tpu.memory_space<vmem>>, vector<16xf32>,
        tpu.vector_store %arg15[%swap3A_1664, %swap3A_1665], %mul3A_1663 {strides = array<i32>} : memref<112x128xf32, #tpu.memory_space<vmem>>, vector<16xf32>,
        %get3A_1667 = arith.index_cast %add3A_1642 : i32 to index
        %get3A_1668 = arith.constant 48 : index
        %get3A_1669 = tpu.vector_load %arg15[%get3A_1667, %get3A_1668] {strides = array<i32>} : memref<112x128xf32, #tpu.memory_space<vmem>>, vector<16xf32>,
        %mul3A_1670 = vector.broadcast %squeeze3A_1638 : f32 to vector<16xf32>
        %mul3A_1671 = arith.mulf %get3A_1669, %mul3A_1670 : vector<16xf32>
        %swap3A_1672 = arith.index_cast %add3A_1642 : i32 to index
        %swap3A_1673 = arith.constant 48 : index
        %swap3A_1674 = tpu.vector_load %arg15[%swap3A_1672, %swap3A_1673] {strides = array<i32>} : memref<112x128xf32, #tpu.memory_space<vmem>>, vector<16xf32>,
        tpu.vector_store %arg15[%swap3A_1672, %swap3A_1673], %mul3A_1671 {strides = array<i32>} : memref<112x128xf32, #tpu.memory_space<vmem>>, vector<16xf32>,
        %get3A_1675 = arith.index_cast %add3A_1642 : i32 to index
        %get3A_1676 = arith.constant 64 : index
        %get3A_1677 = tpu.vector_load %arg15[%get3A_1675, %get3A_1676] {strides = array<i32>} : memref<112x128xf32, #tpu.memory_space<vmem>>, vector<16xf32>,
        %mul3A_1678 = vector.broadcast %squeeze3A_1638 : f32 to vector<16xf32>
        %mul3A_1679 = arith.mulf %get3A_1677, %mul3A_1678 : vector<16xf32>
        %swap3A_1680 = arith.index_cast %add3A_1642 : i32 to index
        %swap3A_1681 = arith.constant 64 : index
        %swap3A_1682 = tpu.vector_load %arg15[%swap3A_1680, %swap3A_1681] {strides = array<i32>} : memref<112x128xf32, #tpu.memory_space<vmem>>, vector<16xf32>,
        tpu.vector_store %arg15[%swap3A_1680, %swap3A_1681], %mul3A_1679 {strides = array<i32>} : memref<112x128xf32, #tpu.memory_space<vmem>>, vector<16xf32>,
        %get3A_1683 = arith.index_cast %add3A_1642 : i32 to index
        %get3A_1684 = arith.constant 80 : index
        %get3A_1685 = tpu.vector_load %arg15[%get3A_1683, %get3A_1684] {strides = array<i32>} : memref<112x128xf32, #tpu.memory_space<vmem>>, vector<16xf32>,
        %mul3A_1686 = vector.broadcast %squeeze3A_1638 : f32 to vector<16xf32>
        %mul3A_1687 = arith.mulf %get3A_1685, %mul3A_1686 : vector<16xf32>
        %swap3A_1688 = arith.index_cast %add3A_1642 : i32 to index
        %swap3A_1689 = arith.constant 80 : index
        %swap3A_1690 = tpu.vector_load %arg15[%swap3A_1688, %swap3A_1689] {strides = array<i32>} : memref<112x128xf32, #tpu.memory_space<vmem>>, vector<16xf32>,
        tpu.vector_store %arg15[%swap3A_1688, %swap3A_1689], %mul3A_1687 {strides = array<i32>} : memref<112x128xf32, #tpu.memory_space<vmem>>, vector<16xf32>,
        %get3A_1691 = arith.index_cast %add3A_1642 : i32 to index
        %get3A_1692 = arith.constant 96 : index
        %get3A_1693 = tpu.vector_load %arg15[%get3A_1691, %get3A_1692] {strides = array<i32>} : memref<112x128xf32, #tpu.memory_space<vmem>>, vector<16xf32>,
        %mul3A_1694 = vector.broadcast %squeeze3A_1638 : f32 to vector<16xf32>
        %mul3A_1695 = arith.mulf %get3A_1693, %mul3A_1694 : vector<16xf32>
        %swap3A_1696 = arith.index_cast %add3A_1642 : i32 to index
        %swap3A_1697 = arith.constant 96 : index
        %swap3A_1698 = tpu.vector_load %arg15[%swap3A_1696, %swap3A_1697] {strides = array<i32>} : memref<112x128xf32, #tpu.memory_space<vmem>>, vector<16xf32>,
        tpu.vector_store %arg15[%swap3A_1696, %swap3A_1697], %mul3A_1695 {strides = array<i32>} : memref<112x128xf32, #tpu.memory_space<vmem>>, vector<16xf32>,
        %get3A_1699 = arith.index_cast %add3A_1642 : i32 to index
        %get3A_1700 = arith.constant 112 : index
        %get3A_1701 = tpu.vector_load %arg15[%get3A_1699, %get3A_1700] {strides = array<i32>} : memref<112x128xf32, #tpu.memory_space<vmem>>, vector<16xf32>,
        %mul3A_1702 = vector.broadcast %squeeze3A_1638 : f32 to vector<16xf32>
        %mul3A_1703 = arith.mulf %get3A_1701, %mul3A_1702 : vector<16xf32>
        %swap3A_1704 = arith.index_cast %add3A_1642 : i32 to index
        %swap3A_1705 = arith.constant 112 : index
        %swap3A_1706 = tpu.vector_load %arg15[%swap3A_1704, %swap3A_1705] {strides = array<i32>} : memref<112x128xf32, #tpu.memory_space<vmem>>, vector<16xf32>,
        tpu.vector_store %arg15[%swap3A_1704, %swap3A_1705], %mul3A_1703 {strides = array<i32>} : memref<112x128xf32, #tpu.memory_space<vmem>>, vector<16xf32>,
      }
      %scan3A_576 = arith.constant 7 : i32
      %dma_start3A_577 = arith.constant 0 : i32
      %dma_start3A_578 = arith.constant 0 : i32
      %dma_start3A_579 = tpu.memref_slice %arg16[%dma_start3A_577, %dma_start3A_578] : memref<10000x128xf32, #tpu.memory_space<vmem_shared>> -> memref<10000x128xf32, #tpu.memory_space<vmem_shared>>
      tpu.enqueue_indirect_dma source(%arg15 : memref<112x128xf32, #tpu.memory_space<vmem>>) target(%dma_start3A_579 : memref<10000x128xf32, #tpu.memory_space<vmem_shared>>) offsets(%arg13 : memref<112xi32, #tpu.memory_space<vmem>>) semaphore(%arg20 : memref<!tpu.dma_semaphore, #tpu.memory_space<semaphore_mem>>) {add = true}
    }
    %scan3A_45 = arith.constant 45 : i32
    %dma_wait3A = arith.constant 0 : i32
    %dma_wait3A_46 = arith.constant 0 : i32
    %dma_wait3A_47 = tpu.memref_slice %arg16[%dma_wait3A, %dma_wait3A_46] : memref<10000x128xf32, #tpu.memory_space<vmem_shared>> -> memref<10000x128xf32, #tpu.memory_space<vmem_shared>>
    tpu.wait_indirect_dma semaphore(%arg19 : memref<!tpu.dma_semaphore, #tpu.memory_space<semaphore_mem>>) src(%arg14 : memref<112x128xf32, #tpu.memory_space<vmem>>) dst(%dma_wait3A_47 : memref<10000x128xf32, #tpu.memory_space<vmem_shared>>)
    %dma_wait3A_48 = arith.constant 0 : i32
    %dma_wait3A_49 = arith.constant 0 : i32
    %dma_wait3A_50 = tpu.memref_slice %arg16[%dma_wait3A_48, %dma_wait3A_49] : memref<10000x128xf32, #tpu.memory_space<vmem_shared>> -> memref<10000x128xf32, #tpu.memory_space<vmem_shared>>
    tpu.wait_indirect_dma semaphore(%arg20 : memref<!tpu.dma_semaphore, #tpu.memory_space<semaphore_mem>>) src(%arg15 : memref<112x128xf32, #tpu.memory_space<vmem>>) dst(%dma_wait3A_50 : memref<10000x128xf32, #tpu.memory_space<vmem_shared>>)
    %barrier3A_51 = arith.constant 0 : index
    tpu.barrier barrier_id(%barrier3A_51)
    %sub3A_52 = arith.constant 0 : i32
    %sub3A_53 = arith.subi %select_n3A, %sub3A_52 : i32
    %sub3A_54 = arith.constant 1 : i32
    %sub3A_55 = arith.constant 1 : i32
    %sub3A_56 = arith.subi %sub3A_54, %sub3A_55 : i32
    %add3A_57 = arith.addi %sub3A_53, %sub3A_56 : i32
    %div3A_58 = arith.constant 1 : i32
    %div3A_59 = arith.divsi %add3A_57, %div3A_58 : i32
    %while3A_60 = arith.constant 1 : i32
    %while3A_61 = arith.constant 0 : i32
    %while3A_62 = arith.constant 0 : i32
    %while3A_63 = arith.subi %div3A_59, %while3A_62 : i32
    %while3A_64 = arith.addi %while3A_62, %while3A_63 : i32
    %while3A_65 = arith.constant 1 : i32
    %while3A_66 = arith.divsi %while3A_63, %while3A_65 : i32
    %while3A_67 = arith.muli %while3A_66, %while3A_65 : i32
    %while3A_68 = arith.addi %while3A_62, %while3A_67 : i32
    %while3A_69 = arith.constant 1 : i32
    scf.for %while3A_71 = %while3A_62 to %while3A_68 step %while3A_69  : i32 {
      %mul3A_72 = arith.muli %while3A_71, %while3A_60 : i32
      %add3A_73 = arith.addi %while3A_61, %mul3A_72 : i32
      %mul3A_74 = arith.constant 80 : i32
      %mul3A_75 = arith.muli %add3A_73, %mul3A_74 : i32
      %add3A_76 = arith.addi %mul3A_7, %mul3A_75 : i32
      %multiple_of3A = tpu.assume_multiple %add3A_76, 8 : i32
      "tpu.region"() ({
        %run_scoped3A_77 = tpu.sem_alloc : memref<!tpu.dma_semaphore, #tpu.memory_space<semaphore_mem>>
        %dma_start3A_78 = arith.constant 0 : i32
        %dma_start3A_79 = tpu.memref_slice %arg6[%arg0, %multiple_of3A, %dma_start3A_78] : memref<2x10000x128xf32, #tpu.memory_space<hbm>> -> memref<1x80x128xf32, #tpu.memory_space<hbm>>
        %dma_start3A_80 = tpu.memref_squeeze %dma_start3A_79 : memref<1x80x128xf32, #tpu.memory_space<hbm>> -> memref<80x128xf32, #tpu.memory_space<hbm>>
        %dma_start3A_81 = arith.constant 0 : i32
        %dma_start3A_82 = tpu.memref_slice %arg16[%multiple_of3A, %dma_start3A_81] : memref<10000x128xf32, #tpu.memory_space<vmem_shared>> -> memref<80x128xf32, #tpu.memory_space<vmem_shared>>
        tpu.enqueue_dma source(%dma_start3A_82 : memref<80x128xf32, #tpu.memory_space<vmem_shared>>) target(%dma_start3A_80 : memref<80x128xf32, #tpu.memory_space<hbm>>) target_semaphore(%run_scoped3A_77 : memref<!tpu.dma_semaphore, #tpu.memory_space<semaphore_mem>>)
        %dma_wait3A_83 = arith.constant 0 : i32
        %dma_wait3A_84 = tpu.memref_slice %arg6[%arg0, %multiple_of3A, %dma_wait3A_83] : memref<2x10000x128xf32, #tpu.memory_space<hbm>> -> memref<1x80x128xf32, #tpu.memory_space<hbm>>
        %dma_wait3A_85 = tpu.memref_squeeze %dma_wait3A_84 : memref<1x80x128xf32, #tpu.memory_space<hbm>> -> memref<80x128xf32, #tpu.memory_space<hbm>>
        %dma_wait3A_86 = arith.constant 0 : i32
        %dma_wait3A_87 = tpu.memref_slice %arg16[%multiple_of3A, %dma_wait3A_86] : memref<10000x128xf32, #tpu.memory_space<vmem_shared>> -> memref<80x128xf32, #tpu.memory_space<vmem_shared>>
        tpu.wait_dma2 semaphore(%run_scoped3A_77 : memref<!tpu.dma_semaphore, #tpu.memory_space<semaphore_mem>>) src(%dma_wait3A_87 : memref<80x128xf32, #tpu.memory_space<vmem_shared>>) dst(%dma_wait3A_85 : memref<80x128xf32, #tpu.memory_space<hbm>>)
        tpu.yield
      }) : () -> ()
    }
    %while3A_70 = arith.constant 1 : i32
    scf.for %while3A_71 = %while3A_68 to %while3A_64 step %while3A_70  : i32 {
      %mul3A_72 = arith.muli %while3A_71, %while3A_60 : i32
      %add3A_73 = arith.addi %while3A_61, %mul3A_72 : i32
      %mul3A_74 = arith.constant 80 : i32
      %mul3A_75 = arith.muli %add3A_73, %mul3A_74 : i32
      %add3A_76 = arith.addi %mul3A_7, %mul3A_75 : i32
      %multiple_of3A = tpu.assume_multiple %add3A_76, 8 : i32
      "tpu.region"() ({
        %run_scoped3A_77 = tpu.sem_alloc : memref<!tpu.dma_semaphore, #tpu.memory_space<semaphore_mem>>
        %dma_start3A_78 = arith.constant 0 : i32
        %dma_start3A_79 = tpu.memref_slice %arg6[%arg0, %multiple_of3A, %dma_start3A_78] : memref<2x10000x128xf32, #tpu.memory_space<hbm>> -> memref<1x80x128xf32, #tpu.memory_space<hbm>>
        %dma_start3A_80 = tpu.memref_squeeze %dma_start3A_79 : memref<1x80x128xf32, #tpu.memory_space<hbm>> -> memref<80x128xf32, #tpu.memory_space<hbm>>
        %dma_start3A_81 = arith.constant 0 : i32
        %dma_start3A_82 = tpu.memref_slice %arg16[%multiple_of3A, %dma_start3A_81] : memref<10000x128xf32, #tpu.memory_space<vmem_shared>> -> memref<80x128xf32, #tpu.memory_space<vmem_shared>>
        tpu.enqueue_dma source(%dma_start3A_82 : memref<80x128xf32, #tpu.memory_space<vmem_shared>>) target(%dma_start3A_80 : memref<80x128xf32, #tpu.memory_space<hbm>>) target_semaphore(%run_scoped3A_77 : memref<!tpu.dma_semaphore, #tpu.memory_space<semaphore_mem>>)
        %dma_wait3A_83 = arith.constant 0 : i32
        %dma_wait3A_84 = tpu.memref_slice %arg6[%arg0, %multiple_of3A, %dma_wait3A_83] : memref<2x10000x128xf32, #tpu.memory_space<hbm>> -> memref<1x80x128xf32, #tpu.memory_space<hbm>>
        %dma_wait3A_85 = tpu.memref_squeeze %dma_wait3A_84 : memref<1x80x128xf32, #tpu.memory_space<hbm>> -> memref<80x128xf32, #tpu.memory_space<hbm>>
        %dma_wait3A_86 = arith.constant 0 : i32
        %dma_wait3A_87 = tpu.memref_slice %arg16[%multiple_of3A, %dma_wait3A_86] : memref<10000x128xf32, #tpu.memory_space<vmem_shared>> -> memref<80x128xf32, #tpu.memory_space<vmem_shared>>
        tpu.wait_dma2 semaphore(%run_scoped3A_77 : memref<!tpu.dma_semaphore, #tpu.memory_space<semaphore_mem>>) src(%dma_wait3A_87 : memref<80x128xf32, #tpu.memory_space<vmem_shared>>) dst(%dma_wait3A_85 : memref<80x128xf32, #tpu.memory_space<hbm>>)
        tpu.yield
      }) : () -> ()
    }
    return
  }
}

module attributes {stable_mosaic.version = 14 : i64} {
  func.func @_gate_body(%arg0: memref<10000x128xf32, #tpu.memory_space<vmem>>, %arg1: memref<2x128xf32, #tpu.memory_space<vmem>>, %arg2: memref<1x2xf32, #tpu.memory_space<vmem>>, %arg3: memref<10000x2xf32, #tpu.memory_space<vmem>>) attributes {dimension_semantics = [], scalar_prefetch = 0 : i64, scratch_operands = 0 : i64, tpu.core_type = #tpu.core_type<tc>} {
    %get3A = arith.constant 0 : index
    %get3A_0 = arith.constant 0 : index
    %get3A_1 = vector.load %arg0[%get3A, %get3A_0] : memref<10000x128xf32, #tpu.memory_space<vmem>>, vector<10000x128xf32>
    %get3A_2 = arith.constant 0 : index
    %get3A_3 = arith.constant 0 : index
    %get3A_4 = vector.load %arg1[%get3A_2, %get3A_3] : memref<2x128xf32, #tpu.memory_space<vmem>>, vector<2x128xf32>
    %dot_general3A = arith.constant dense<0.000000e+00> : vector<10000x2xf32>
    %dot_general3A_5 = tpu.matmul %get3A_1, %get3A_4, %dot_general3A {dimension_numbers = #tpu.dot_dimension_numbers<[1], [1], [0], [0], [0, 0, 1, 0], [], []>, transpose_lhs_hint = false} : vector<10000x128xf32>, vector<2x128xf32>, vector<10000x2xf32> -> vector<10000x2xf32>
    %get3A_6 = arith.constant 0 : index
    %get3A_7 = arith.constant 0 : index
    %get3A_8 = vector.load %arg2[%get3A_6, %get3A_7] : memref<1x2xf32, #tpu.memory_space<vmem>>, vector<1x2xf32>
    %add3A = vector.broadcast %get3A_8 : vector<1x2xf32> to vector<10000x2xf32>
    %add3A_9 = arith.addf %dot_general3A_5, %add3A : vector<10000x2xf32>
    %swap3A = arith.constant 0 : index
    %swap3A_10 = arith.constant 0 : index
    %swap3A_11 = vector.load %arg3[%swap3A, %swap3A_10] : memref<10000x2xf32, #tpu.memory_space<vmem>>, vector<10000x2xf32>
    tpu.vector_store %arg3[%swap3A, %swap3A_10], %add3A_9 {strides = array<i32>} : memref<10000x2xf32, #tpu.memory_space<vmem>>, vector<10000x2xf32>,
    return
  }
}

module attributes {stable_mosaic.version = 14 : i64} {
  func.func @_sum_body(%arg0: memref<2x10000x128xf32, #tpu.memory_space<vmem>>, %arg1: memref<10000x128xf32, #tpu.memory_space<vmem>>) attributes {dimension_semantics = [], scalar_prefetch = 0 : i64, scratch_operands = 0 : i64, tpu.core_type = #tpu.core_type<tc>} {
    %get3A = arith.constant 0 : index
    %get3A_0 = arith.constant 0 : index
    %get3A_1 = arith.constant 0 : index
    %get3A_2 = vector.load %arg0[%get3A, %get3A_0, %get3A_1] : memref<2x10000x128xf32, #tpu.memory_space<vmem>>, vector<1x10000x128xf32>
    %get3A_3 = vector.shape_cast %get3A_2 : vector<1x10000x128xf32> to vector<10000x128xf32>
    %get3A_4 = arith.constant 1 : index
    %get3A_5 = arith.constant 0 : index
    %get3A_6 = arith.constant 0 : index
    %get3A_7 = vector.load %arg0[%get3A_4, %get3A_5, %get3A_6] : memref<2x10000x128xf32, #tpu.memory_space<vmem>>, vector<1x10000x128xf32>
    %get3A_8 = vector.shape_cast %get3A_7 : vector<1x10000x128xf32> to vector<10000x128xf32>
    %add3A = arith.addf %get3A_3, %get3A_8 : vector<10000x128xf32>
    %swap3A = arith.constant 0 : index
    %swap3A_9 = arith.constant 0 : index
    %swap3A_10 = vector.load %arg1[%swap3A, %swap3A_9] : memref<10000x128xf32, #tpu.memory_space<vmem>>, vector<10000x128xf32>
    tpu.vector_store %arg1[%swap3A, %swap3A_9], %add3A {strides = array<i32>} : memref<10000x128xf32, #tpu.memory_space<vmem>>, vector<10000x128xf32>,
    return
  }
}

</mosaic_0001>

<sc_bundles>
// kernel: kernel.5.cloned.1.call-start
scs
__scs_entry_jumppad:
0x0: {  	(pc) =	sbr.rel $0x88, $3  }
0x1: {  	(tag) =	ssettag $0x0;
	lr =	simm.s32 $0x1  }
0x2: {  	[smem:$0x3F9C] =	sst lr;
	_ =	strace $0xD0000000  }
0x3: {  	_ = 	snop  }
0x4: {  	_ = 	snop  }
0x5: {  	_ = 	snop  }
0x6: {  	_ = 	snop  }
0x7: {  	_ = 	snop  }
__scs_overlays_trampoline_lowered:
0x8: {  	[smem:$0x3FAB] =	sst s0  }
0x9: {  	[smem:$0x3FAC] =	sst s1  }
0xa: {  	[smem:$0x3FAD] =	sst s2  }
0xb: {  	[smem:$0x3FAE] =	sst s3  }
0xc: {  	[smem:$0x3FAF] =	sst s4  }
0xd: {  	[smem:$0x3FB0] =	sst s5  }
0xe: {  	[smem:$0x3FB1] =	sst s6  }
0xf: {  	[smem:$0x3FB2] =	sst s7  }
0x10: {  	[smem:$0x3FB3] =	sst s8  }
0x11: {  	[smem:$0x3FB4] =	sst s9;
	s0 =	simm.s32 @!p0 $0x0  }
0x12: {  	s1 =	sld [smem:$0x3F9A];
	s0 =	simm.s32 @p0 $0x1  }
0x13: {  	[smem:$0x3FB5] =	sst s0;
	s0 =	simm.s32 @!p1 $0x0  }
0x14: {  	s2 =	sld [smem:$0x3F99];
	s0 =	simm.s32 @p1 $0x1  }
0x15: {  	[smem:$0x3FB6] =	sst s0;
	s0 =	simm.s32 @!p2 $0x0  }
0x16: {  	s3 =	sld [smem:$0x3FDB];
	s0 =	simm.s32 @p2 $0x1  }
0x17: {  	s4 =	simm.s32 $0x1BF5;
	[smem:$0x3FB8] =	sst s0  }
0x18: {  	s0 =	sld [smem:$0x3F9B];
	_ =	swait.ge [sflag:s4], $0x0  }
0x19: {  	s7 =	sld [smem:$0x3F9C]  }
0x1a: {  	s8 =	sadd.s32 $0xFFFFE003, lr  }
0x1b: {  	s9 =	sadd.s32 $0xFFFFFEF7, lr;
	s5 =	simm.s32 $0xFFFFFFFF;
	p2 =	slt.u32 s8, $0xFFFFF086  }
0x1c: {  	p1 =	slt.u32 s9, $0xF7A;
	s5 =	simm.s32 @!p2 $0x0  }
0x1d: {  	s5 =	simm.s32 @p1 $0x1;
	p0 =	seq.s32 s7, s2  }
0x1e: {  	s7 =	smul.u32 @!p0 $0xF7A, s2;
	p2 =	seq.s32 @!p0 s5, $0x0  }
0x1f: {  	s9 =	smul.u32 $0xF7A, s1;
	s8 =	simm.s32 @!p0 $0x1BF5;
	p2 =	por !p2, p0  }
0x20: {  	[sflag:s8] =	ssyncset.s32 @!p0 $0xFFFFF086;
	s6 =	sadd.s32 @!p0 s3, s7;
	s7 =	simm.s32 @!p0 $0x108  }
0x21: {  	s3 =	sadd.s32 s3, s9;
	s6 =	sadd.s32 @!p0 $0x88, s6;
	s7 =	simm.s32 @p2 $0x1082  }
0x22: {  	[simem:s7], [sflag:s8] =	dma.local @!p0 [hbm:s6], $0xF7A  }
0x23: {  	s9 =	sor.u32 $0xD0000000, s2;
	s6 =	simm.s32 $0x108;
	_ =	swait.ge @!p0 [sflag:s8], $0x0  }
0x24: {  	s3 =	sadd.s32 $0x88, s3;
	s6 =	simm.s32 @!p1 $0x1082;
	[sflag:s4] =	ssyncset.s32 $0xFFFFF086  }
0x25: {  	[simem:s6], [sflag:s4] =	dma.local [hbm:s3], $0xF7A  }
0x26: {  	[smem:$0x3F9C] =	sst s1;
	(tag) =	ssettag s2;
	_ =	strace s9  }
0x27: {  	s1 =	sld [smem:$0x3FAC]  }
0x28: {  	s2 =	sld [smem:$0x3FAD]  }
0x29: {  	s4 =	sld [smem:$0x3FAF]  }
0x2a: {  	p0 =	seq.s32 s5, $0x0;
	s5 =	sld [smem:$0x3FB0]  }
0x2b: {  	s6 =	sld [smem:$0x3FB1]  }
0x2c: {  	s7 =	sld [smem:$0x3FB2]  }
0x2d: {  	s3 =	simm.s32 $0x108;
	s8 =	sld [smem:$0x3FB3]  }
0x2e: {  	s3 =	simm.s32 @!p0 $0x1082;
	s9 =	sld [smem:$0x3FB4]  }
0x2f: {  	lr =	sadd.s32 s0, s3;
	s0 =	sld [smem:$0x3FAB]  }
0x30: {  	s3 =	sld [smem:$0x3FAE]  }
0x31: {  	[smem:$0x3FB7] =	sst s10  }
0x32: {  	s10 =	sld [smem:$0x3FB5];
	_ =	sdelay $0x3  }
0x33: {  	p0 =	seq.s32 s10, $0x1;
	s10 =	sld [smem:$0x3FB7];
	_ =	sdelay $0x3  }
0x34: {  	[smem:$0x3FB7] =	sst s10  }
0x35: {  	s10 =	sld [smem:$0x3FB6];
	_ =	sdelay $0x3  }
0x36: {  	p1 =	seq.s32 s10, $0x1;
	s10 =	sld [smem:$0x3FB7];
	_ =	sdelay $0x3  }
0x37: {  	[smem:$0x3FB7] =	sst s10  }
0x38: {  	s10 =	sld [smem:$0x3FB8]  }
0x39: {  	_ = 	snop;
	(pc) =	sbr.ind lr, $3  }
0x3a: {  	_ = 	snop  }
0x3b: {  	_ = 	snop  }
0x3c: {  	p2 =	seq.s32 s10, $0x1;
	s10 =	sld [smem:$0x3FB7]  }
0x3d: {  	_ =	shalt  }
0x3e: {  	_ =	shalt  }
0x3f: {  	_ =	shalt  }
0x40: {  	_ =	shalt  }
0x41: {  	_ =	shalt  }
0x42: {  	_ =	shalt  }
0x43: {  	_ =	shalt  }
0x44: {  	_ =	shalt  }
0x45: {  	_ =	shalt  }
0x46: {  	_ =	shalt  }
0x47: {  	_ =	shalt  }
0x48: {  	_ =	shalt  }
0x49: {  	_ =	shalt  }
0x4a: {  	_ =	shalt  }
0x4b: {  	_ =	shalt  }
0x4c: {  	_ =	shalt  }
0x4d: {  	_ =	shalt  }
0x4e: {  	_ =	shalt  }
0x4f: {  	_ =	shalt  }
0x50: {  	_ =	shalt  }
0x51: {  	_ =	shalt  }
0x52: {  	_ =	shalt  }
0x53: {  	_ =	shalt  }
0x54: {  	_ =	shalt  }
0x55: {  	_ =	shalt  }
0x56: {  	_ =	shalt  }
0x57: {  	_ =	shalt  }
0x58: {  	_ =	shalt  }
0x59: {  	_ =	shalt  }
0x5a: {  	_ =	shalt  }
0x5b: {  	_ =	shalt  }
0x5c: {  	_ =	shalt  }
0x5d: {  	_ =	shalt  }
0x5e: {  	_ =	shalt  }
0x5f: {  	_ =	shalt  }
0x60: {  	_ =	shalt  }
0x61: {  	_ =	shalt  }
0x62: {  	_ =	shalt  }
0x63: {  	_ =	shalt  }
0x64: {  	_ =	shalt  }
0x65: {  	_ =	shalt  }
0x66: {  	_ =	shalt  }
0x67: {  	_ =	shalt  }
0x68: {  	_ =	shalt  }
0x69: {  	_ =	shalt  }
0x6a: {  	_ =	shalt  }
0x6b: {  	_ =	shalt  }
0x6c: {  	_ =	shalt  }
0x6d: {  	_ =	shalt  }
0x6e: {  	_ =	shalt  }
0x6f: {  	_ =	shalt  }
0x70: {  	_ =	shalt  }
0x71: {  	_ =	shalt  }
0x72: {  	_ =	shalt  }
0x73: {  	_ =	shalt  }
0x74: {  	_ =	shalt  }
0x75: {  	_ =	shalt  }
0x76: {  	_ =	shalt  }
0x77: {  	_ =	shalt  }
0x78: {  	_ =	shalt  }
0x79: {  	_ =	shalt  }
0x7a: {  	_ =	shalt  }
0x7b: {  	_ =	shalt  }
0x7c: {  	_ =	shalt  }
0x7d: {  	_ =	shalt  }
0x7e: {  	_ =	shalt  }
0x7f: {  	_ =	shalt  }
0x80: {  	_ =	shalt  }
0x81: {  	_ =	shalt  }
0x82: {  	_ =	shalt  }
0x83: {  	_ =	shalt  }
0x84: {  	_ =	shalt  }
0x85: {  	_ =	shalt  }
0x86: {  	_ =	shalt  }
0x87: {  	_ =	shalt  }
.Lfunc_end0:
.L_simem_size_0:
called_computation_lowered:
.L_overlay_start_0:
0x88: {  	s2 =	sld [smem:$0x3FD9]  }
0x89: {  	s3 =	sld [smem:$0x3FFE];
	_ =	sdelay $0x1  }
0x8a: {  	s1 =	srdreg.scid  }
0x8b: {  	s0 =	sand.u32 $0x1, s1  }
0x8c: {  	s17 =	sshll.u32 s0, $0xA;
	s2 =	sadd.s32 s3, s2  }
0x8d: {  	s2 =	sadd.s32 s2, s17  }
0x8e: {  	[smem:$0x3FC3] =	sst s2  }
0x8f: {  	_ = 	snop  }
0x90: {  	s2 =	sld [smem:$0x3FC9]  }
0x91: {  	s18 =	sld [smem:$0x3FD0];
	(tm) =	ssettm $0x1  }
0x92: {  	s4 =	sld [smem:$0x3FFB];
	_ =	sdelay $0x3  }
0x93: {  	_ =	strace s4  }
0x94: {  	s4 =	sld [smem:$0x3FFC];
	_ =	sdelay $0x3  }
0x95: {  	_ =	strace s4  }
0x96: {  	s4 =	sld [smem:$0x3FFD];
	_ =	sdelay $0x3  }
0x97: {  	_ =	strace s4  }
0x98: {  	_ =	strace $0x8FFFFFFF  }
0x99: {  	s19 =	sld [smem:$0x3FDB];
	_ =	sdelay $0x1  }
0x9a: {  	s5 =	simm.s32 $_scs_section_size  }
0x9b: {  	s6 =	simm.s32 $_size__tile_overlayer_lowered;
	s7 =	simm.s32 $_tile_overlayer_lowered  }
0x9c: {  	s22 =	simm.s32 $0x1BFF;
	s21 =	sshll.u32 s7, $0x1;
	s4 =	sadd.s32 s5, s19  }
0x9d: {  	s8 =	simm.s32 $0x0;
	s20 =	sshll.u32 s6, $0x1;
	s6 =	sadd.s32 s21, s4  }
0x9e: {  	[timem:s8], [sflag:s22] =	dma.local [hbm:s6], s20  }
0x9f: {  	_ =	swait.ge [sflag:s22], s20  }
0xa0: {  	s5 =	ssub.s32 $0x0, s20;
	[sflag:s22] =	ssyncset.done $0x0  }
0xa1: {  	[sflag:s22] =	ssyncadd.s32 s5;
	_ =	sdelay $0x1  }
0xa2: {  	s23 =	simm.s32 $0x1B8B  }
0xa3: {  	_ =	swait.ge [sflag:s23], $0x1  }
0xa4: {  	[sflag:s23] =	ssyncset.done $0x0  }
0xa5: {  	s25 =	simm.s32 $0x1B8E;
	s24 =	sld [smem:$0x3FFE];
	[sflag:s23] =	ssyncadd.s32 $0xFFFFFFFF  }
0xa6: {  	s26 =	simm.s32 $execute0_lowered;
	[smem:$0x3FD2] =	sst s25  }
0xa7: {  	s6 =	sshll.u32 s26, $0x1;
	_ =	strace $0x80000046;
	[dreg:$0x1] =	wrdreg $0xFFFFFFFF  }
0xa8: {  	s28 =	simm.s32 $_size_execute0_lowered;
	s4 =	sadd.s32 s4, s6;
	[dreg:$0x0] =	wrdreg $0x0  }
0xa9: {  	s6 =	sshll.u32 s28, $0x1;
	[dreg:$0x2] =	wrdreg s4  }
0xaa: {  	[dreg:$0x3] =	wrdreg s6  }
0xab: {  	[dreg:$0x4] =	wrdreg $0xC0  }
0xac: {  	_ =	task [dreg:s8], $0x5FFFF  }
0xad: {  	[dreg:$0x1] =	wrdreg $0xFFFFFFFF  }
0xae: {  	[dreg:$0x0] =	wrdreg $0x60  }
0xaf: {  	[dreg:$0x2] =	wrdreg s2  }
0xb0: {  	[dreg:$0x3] =	wrdreg s24  }
0xb1: {  	[dreg:$0x4] =	wrdreg s18  }
0xb2: {  	[dreg:$0x5] =	wrdreg $0xC4800  }
0xb3: {  	[dreg:$0x6] =	wrdreg $0x9  }
0xb4: {  	_ =	task.clear_ibuf [dreg:s8], $0x7FFFF;
	_ =	strace $0x90000046  }
0xb5: {  	s29 =	simm.s32 $0x9;
	_ =	strace $0x80000048  }
0xb6: {  	_ =	swait.ge [sflag:s29], $0x1  }
0xb7: {  	[sflag:s29] =	ssyncadd.s32 $0xFFFFFFFF  }
0xb8: {  	_ =	strace $0x90000048  }
0xb9: {  	_ =	sfence  }
0xba: {  	s30 =	sld [smem:$0x0];
	_ =	sdelay $0x2  }
0xbb: {  	s31 =	sshll.u32 s1, $0xD;
	s1 =	sshrl.u32 s1, $0x2  }
0xbc: {  	s3 =	sand.u32 $0x4000, s31;
	s1 =	sadd.s32 s1, s30  }
0xbd: {  	s0 =	sor.u32 s3, s0;
	s1 =	sshll.u32 s1, $0x11  }
0xbe: {  	s0 =	sor.u32 s1, s0  }
0xbf: {  	s0 =	sadd.s32 $0x8F2B, s0  }
0xc0: {  	[sflag:s0] =	ssyncadd.remote.s32 $0x1  }
0xc1: {  	_ =	sfence.sel $0xFFFF  }
0xc2: {  	[dreg:$0x0] =	wrdreg $0xFFFFFFFF;
	(pc) =	sbr.abs _section_cstart, $3  }
0xc3: {  	[dreg:$0x1] =	wrdreg $0xFFFFFFFF  }
0xc4: {  	_ =	task.clear_ibuf [dreg:s8], $0x2FFFF;
	_ =	strace $0x9FFFFFFF  }
0xc5: {  	(tm) =	ssettm $0x7FFFFFFF  }
tec
execute0_lowered:
.L_overlay_start_1:
0x0: {  	(tag) =	ssettag $0x1  }
0x1: {  	s1 =	rddreg [dreg:$0x0]  }
0x2: {  	s0 =	rddreg [dreg:$0x1]  }
0x3: {  	s3 =	rddreg [dreg:$0x3];
	s4 =	simm.s32 $0x0  }
0x4: {  	s2 =	srdreg.scid;
	s6 =	stileid.u32;
	s17 =	simm.s32 $0x400  }
0x5: {  	s18 =	simm.s32 $0x7;
	s19 =	simm.s32 $0x2B80;
	s20 =	simm.s32 $0x5480  }
0x6: {  	s28 =	simm.s32 $0x1;
	s29 =	simm.s32 $0x5380;
	s30 =	simm.s32 $0x5400  }
0x7: {  	s31 =	simm.s32 $0x3;
	[smem:$0x7FF] =	sst s4;
	s2 =	sand.u32 $0x1, s2  }
0x8: {  	s5 =	sadd.s32 $0x2DA00, s0;
	s7 =	sadd.s32 $0xA00, s0;
	s25 =	smul.u32 $0x50000, s6  }
0x9: {  	s8 =	sadd.s32 $0x2E000, s0;
	p0 =	seq.s32 s6, $0xF;
	s16 =	smul.u32 $0x14000, s6  }
0xa: {  	s0 =	simm.s32 $0x4;
	_ =	strace $0x80000047;
	s21 =	sshll.u32 s2, $0x4  }
0xb: {  	[dreg:$0x5] =	wrdreg s5;
	s22 =	ssub.s32 $0x2, s2;
	s2 =	smul.u32 $0x138800, s2  }
0xc: {  	s4 =	sor.u32 s6, s21;
	s9 =	sshrl.u32 s22, $0x1;
	s26 =	sshrl.u32 s25, $0x2  }
0xd: {  	s21 =	simm.s32 $0x70;
	s25 =	simm.s32 $0x280;
	s4 =	smul.u32 $0xB400, s4  }
0xe: {  	s23 =	ssub.s32 s22, s9;
	s9 =	simm.s32 $0x5;
	s15 =	sadd.s32 s26, s3  }
0xf: {  	s16 =	sadd.s32 s16, s2;
	s26 =	simm.s32 $0x8C80;
	s24 =	sshrl.u32 s4, $0x3  }
0x10: {  	s2 =	simm.s32 $0x0;
	s9 =	simm.s32 @!p0 $0x8;
	s10 =	sadd.s32 s7, s24  }
0x11: {  	s14 =	smax.u32 s23, $0x1;
	s12 =	sadd.s32 $0x400, s4;
	s11 =	sadd.s32 $0x40, s10  }
0x12: {  	v0 =	vimm.f32 $0.0e+00;
	s13 =	sadd.s32 $0x600, s4;
	s24 =	simm.s32 $0x6;
	[dreg:$0x6] =	wrdreg s11  }
.LBB2_1:
0x13: {  	s5 =	simm.s32 $0x0;
	s4 =	rddreg [dreg:$0x5]  }
0x14: {  	[tilespmem:s17], [sflag:$0x7] =	stream.linear.gather [hbm4b:s4+s5], $0x2780, $0x38;
	[tilespmem:$0x1FD00] =	vst v63  }
0x15: {  	_ =	swait.ge [sflag:s18], $0x2780  }
0x16: {  	[sflag:s18] =	ssyncset.done $0x0  }
0x17: {  	[sflag:s18] =	ssyncadd.s32 $0xFFFFD880  }
0x18: {  	s23 =	rddreg [dreg:$0x2]  }
0x19: {  	[tilespmem:s19], [sflag:$0x7] =	stream.linear.gather [hbm4b:s23+s5], $0x2780, $0x38;
	[tilespmem:$0x1FD00] =	vst v63  }
0x1a: {  	_ =	swait.ge [sflag:s18], $0x2780  }
0x1b: {  	[sflag:s18] =	ssyncset.done $0x0  }
0x1c: {  	s4 =	simm.s32 $0x0;
	s5 =	simm.s32 $0x200;
	[sflag:s18] =	ssyncadd.s32 $0xFFFFD880  }
.LBB2_2:
0x1d: {  	p0 =	sne.s32 s5, $0x9E00;
	[tilespmem:s4+$0x54F0] =	vst v0  }
0x1e: {  	[tilespmem:s4+$0x5480] =	vst v0  }
0x1f: {  	[tilespmem:s4+$0x5490] =	vst v0  }
.Ltmp0:
0x20: {  	[tilespmem:s4+$0x54A0] =	vst v0;
	(pc) =	sbr.rel @p0 .LBB2_2-.Ltmp0, $4  }
0x21: {  	[tilespmem:s4+$0x54B0] =	vst v0  }
0x22: {  	[tilespmem:s4+$0x54C0] =	vst v0  }
0x23: {  	[tilespmem:s4+$0x54D0] =	vst v0  }
0x24: {  	[tilespmem:s4+$0x54E0] =	vst v0;
	s4 =	sshra.s32 s5, $0x2;
	s5 =	sadd.s32 $0x200, s5  }
0x25: {  	[tilespmem:s4+$0x54F0] =	vst v0  }
0x26: {  	[tilespmem:s4+$0x5480] =	vst v0  }
0x27: {  	[tilespmem:s4+$0x5490] =	vst v0  }
0x28: {  	[tilespmem:s4+$0x54A0] =	vst v0  }
0x29: {  	[tilespmem:s4+$0x54B0] =	vst v0  }
0x2a: {  	[tilespmem:s4+$0x54C0] =	vst v0;
	p0 =	sne.s32 s9, $0x1  }
.Ltmp1:
0x2b: {  	[tilespmem:s4+$0x54D0] =	vst v0;
	(pc) =	sbr.rel @!p0 .LBB2_5-.Ltmp1, $4  }
0x2c: {  	[tilespmem:s4+$0x54E0] =	vst v0  }
0x2d: {  	[spmem:s15] =	stream.linear.scatter [tilespmem:s20], [sflag:$0x7], $0x2800, $0x38;
	[tilespmem:$0x1FD00] =	vst v63  }
0x2e: {  	_ =	swait.ge [sflag:s18], $0x2800  }
0x2f: {  	s4 =	sadd.s32 $0xFFFFFFFF, s9;
	s5 =	smov.u32 s15;
	[sflag:s18] =	ssyncset.done $0x0  }
.LBB2_4:
0x30: {  	p1 =	sne.s32 s4, $0x1;
	[sflag:s18] =	ssyncadd.s32 $0xFFFFD800;
	s5 =	sadd.s32 $0x2800, s5  }
.Ltmp2:
0x31: {  	s4 =	sadd.s32 $0xFFFFFFFF, s4;
	(pc) =	sbr.rel @p1 .LBB2_4-.Ltmp2, $4  }
0x32: {  	_ = 	snop  }
0x33: {  	[spmem:s5] =	stream.linear.scatter [tilespmem:s20], [sflag:$0x7], $0x2800, $0x38;
	[tilespmem:$0x1FD00] =	vst v63  }
0x34: {  	_ =	swait.ge [sflag:s18], $0x2800  }
0x35: {  	[sflag:s18] =	ssyncset.done $0x0  }
.LBB2_5:
0x36: {  	[sflag:s18] =	ssyncadd.s32 $0xFFFFD800  }
0x37: {  	s22 =	simm.s32 $0x0;
	[bflag:$0x0] =	sbarrier.arrive $0xFFFF  }
0x38: {  	[tilespmem:s22], [sflag:$0x7] =	stream.linear.gather [hbm4b:s10+s22], $0x180, $0x38;
	[tilespmem:$0x1FD00] =	vst v63  }
0x39: {  	_ =	swait.ge [sflag:s18], $0x180  }
0x3a: {  	[sflag:s18] =	ssyncset.done $0x0  }
0x3b: {  	s4 =	simm.s32 $0x80;
	[sflag:s18] =	ssyncadd.s32 $0xFFFFFE80  }
0x3c: {  	[tilespmem:s20], [sflag:$0x1] =	stream.indirect.gather [hbm4b:s1+s21], $0x80, s4, s21, $0xb8;
	[tilespmem:$0x1FD00] =	vst v63  }
0x3d: {  	s5 =	simm.s32 $0x200;
	s23 =	rddreg [dreg:$0x6]  }
0x3e: {  	[tilespmem:s5], [sflag:$0x6] =	stream.linear.gather [hbm4b:s23+s22], $0x180, $0x38;
	[tilespmem:$0x1FD00] =	vst v63  }
.LBB2_6:
0x3f: {  	v1 =	vld [tilespmem:$0x0]  }
0x40: {  	v2 =	vld [tilespmem:$0x80];
	_ =	sdelay $0x5  }
0x41: {  	[tilespmem:$0x5380] =	vst v1  }
0x42: {  	v1 =	vld.idx.msk [tilespmem:v1+s17+$0x0], $0xffff  }
0x43: {  	v2 =	vld.idx.msk [tilespmem:v2+s19+$0x0], $0xffff;
	_ =	sdelay $0x4  }
0x44: {  	v1 =	vadd.f32 v2, v1;
	_ =	sdelay $0x1  }
0x45: {  	v1 =	vadd.f32 v1, v1;
	_ =	sdelay $0x1  }
0x46: {  	v1 =	vmul.f32 $1.442695020e+00, v1;
	_ =	sdelay $0x1  }
0x47: {  	(erf) = vpow2.f32 v1;
	_ =	sdelay $0x8  }
0x48: {  	v1 =	vpop (erf)  }
0x49: {  	v1 =	vadd.f32 $1.000000000e+00, v1;
	_ =	sdelay $0x1  }
0x4a: {  	(erf) = vrcp.f32 v1;
	_ =	sdelay $0x7  }
0x4b: {  	v3 =	vld [tilespmem:$0x10]  }
0x4c: {  	v1 =	vld [tilespmem:$0x100];
	v2 =	vpop (erf)  }
0x4d: {  	v4 =	vld [tilespmem:$0x90];
	v2 =	vadd.f32 v2, v2;
	_ =	sdelay $0x1  }
0x4e: {  	v2 =	vsub.f32 $1.000000000e+00, v2;
	_ =	sdelay $0x1  }
0x4f: {  	v1 =	vmul.f32 v2, v1  }
0x50: {  	[tilespmem:$0x5390] =	vst v3  }
0x51: {  	[tilespmem:$0x5300] =	vst v1  }
0x52: {  	v1 =	vld.idx.msk [tilespmem:v3+s17+$0x0], $0xffff  }
0x53: {  	v2 =	vld.idx.msk [tilespmem:v4+s19+$0x0], $0xffff;
	_ =	sdelay $0x4  }
0x54: {  	v1 =	vadd.f32 v2, v1;
	_ =	sdelay $0x1  }
0x55: {  	v1 =	vadd.f32 v1, v1;
	_ =	sdelay $0x1  }
0x56: {  	v1 =	vmul.f32 $1.442695020e+00, v1;
	_ =	sdelay $0x1  }
0x57: {  	(erf) = vpow2.f32 v1;
	_ =	sdelay $0x8  }
0x58: {  	v1 =	vpop (erf)  }
0x59: {  	v1 =	vadd.f32 $1.000000000e+00, v1;
	_ =	sdelay $0x1  }
0x5a: {  	(erf) = vrcp.f32 v1;
	_ =	sdelay $0x7  }
0x5b: {  	v3 =	vld [tilespmem:$0x20]  }
0x5c: {  	v1 =	vld [tilespmem:$0x110];
	v2 =	vpop (erf)  }
0x5d: {  	v16 =	vld [tilespmem:$0xA0];
	v2 =	vadd.f32 v2, v2;
	_ =	sdelay $0x1  }
0x5e: {  	v2 =	vsub.f32 $1.000000000e+00, v2;
	_ =	sdelay $0x1  }
0x5f: {  	v1 =	vmul.f32 v2, v1  }
0x60: {  	[tilespmem:$0x53A0] =	vst v3  }
0x61: {  	[tilespmem:$0x5310] =	vst v1  }
0x62: {  	v1 =	vld.idx.msk [tilespmem:v3+s17+$0x0], $0xffff  }
0x63: {  	v2 =	vld.idx.msk [tilespmem:v16+s19+$0x0], $0xffff;
	_ =	sdelay $0x4  }
0x64: {  	v1 =	vadd.f32 v2, v1;
	_ =	sdelay $0x1  }
0x65: {  	v1 =	vadd.f32 v1, v1;
	_ =	sdelay $0x1  }
0x66: {  	v1 =	vmul.f32 $1.442695020e+00, v1;
	_ =	sdelay $0x1  }
0x67: {  	(erf) = vpow2.f32 v1;
	_ =	sdelay $0x8  }
0x68: {  	v1 =	vpop (erf)  }
0x69: {  	v1 =	vadd.f32 $1.000000000e+00, v1;
	_ =	sdelay $0x1  }
0x6a: {  	(erf) = vrcp.f32 v1;
	_ =	sdelay $0x7  }
0x6b: {  	v3 =	vld [tilespmem:$0x30]  }
0x6c: {  	v1 =	vld [tilespmem:$0x120];
	v2 =	vpop (erf)  }
0x6d: {  	v17 =	vld [tilespmem:$0xB0];
	v2 =	vadd.f32 v2, v2;
	_ =	sdelay $0x1  }
0x6e: {  	v2 =	vsub.f32 $1.000000000e+00, v2;
	_ =	sdelay $0x1  }
0x6f: {  	v1 =	vmul.f32 v2, v1  }
0x70: {  	[tilespmem:$0x53B0] =	vst v3  }
0x71: {  	[tilespmem:$0x5320] =	vst v1  }
0x72: {  	v1 =	vld.idx.msk [tilespmem:v3+s17+$0x0], $0xffff  }
0x73: {  	v2 =	vld.idx.msk [tilespmem:v17+s19+$0x0], $0xffff;
	_ =	sdelay $0x4  }
0x74: {  	v1 =	vadd.f32 v2, v1;
	_ =	sdelay $0x1  }
0x75: {  	v1 =	vadd.f32 v1, v1;
	_ =	sdelay $0x1  }
0x76: {  	v1 =	vmul.f32 $1.442695020e+00, v1;
	_ =	sdelay $0x1  }
0x77: {  	(erf) = vpow2.f32 v1;
	_ =	sdelay $0x8  }
0x78: {  	v1 =	vpop (erf)  }
0x79: {  	v1 =	vadd.f32 $1.000000000e+00, v1;
	_ =	sdelay $0x1  }
0x7a: {  	(erf) = vrcp.f32 v1;
	_ =	sdelay $0x7  }
0x7b: {  	v3 =	vld [tilespmem:$0x40]  }
0x7c: {  	v1 =	vld [tilespmem:$0x130];
	v2 =	vpop (erf)  }
0x7d: {  	v18 =	vld [tilespmem:$0xC0];
	v2 =	vadd.f32 v2, v2;
	_ =	sdelay $0x1  }
0x7e: {  	v2 =	vsub.f32 $1.000000000e+00, v2;
	_ =	sdelay $0x1  }
0x7f: {  	v1 =	vmul.f32 v2, v1  }
0x80: {  	[tilespmem:$0x53C0] =	vst v3  }
0x81: {  	[tilespmem:$0x5330] =	vst v1  }
0x82: {  	v1 =	vld.idx.msk [tilespmem:v3+s17+$0x0], $0xffff  }
0x83: {  	v2 =	vld.idx.msk [tilespmem:v18+s19+$0x0], $0xffff;
	_ =	sdelay $0x4  }
0x84: {  	v1 =	vadd.f32 v2, v1;
	_ =	sdelay $0x1  }
0x85: {  	v1 =	vadd.f32 v1, v1;
	_ =	sdelay $0x1  }
0x86: {  	v1 =	vmul.f32 $1.442695020e+00, v1;
	_ =	sdelay $0x1  }
0x87: {  	(erf) = vpow2.f32 v1;
	_ =	sdelay $0x8  }
0x88: {  	v1 =	vpop (erf)  }
0x89: {  	v1 =	vadd.f32 $1.000000000e+00, v1;
	_ =	sdelay $0x1  }
0x8a: {  	(erf) = vrcp.f32 v1;
	_ =	sdelay $0x7  }
0x8b: {  	v3 =	vld [tilespmem:$0x50]  }
0x8c: {  	v1 =	vld [tilespmem:$0x140];
	v2 =	vpop (erf)  }
0x8d: {  	v19 =	vld [tilespmem:$0xD0];
	v2 =	vadd.f32 v2, v2;
	_ =	sdelay $0x1  }
0x8e: {  	v2 =	vsub.f32 $1.000000000e+00, v2;
	_ =	sdelay $0x1  }
0x8f: {  	v1 =	vmul.f32 v2, v1  }
0x90: {  	[tilespmem:$0x53D0] =	vst v3  }
0x91: {  	[tilespmem:$0x5340] =	vst v1  }
0x92: {  	v1 =	vld.idx.msk [tilespmem:v3+s17+$0x0], $0xffff  }
0x93: {  	v2 =	vld.idx.msk [tilespmem:v19+s19+$0x0], $0xffff;
	_ =	sdelay $0x4  }
0x94: {  	v1 =	vadd.f32 v2, v1;
	_ =	sdelay $0x1  }
0x95: {  	v1 =	vadd.f32 v1, v1;
	_ =	sdelay $0x1  }
0x96: {  	v1 =	vmul.f32 $1.442695020e+00, v1;
	_ =	sdelay $0x1  }
0x97: {  	(erf) = vpow2.f32 v1;
	_ =	sdelay $0x8  }
0x98: {  	v1 =	vpop (erf)  }
0x99: {  	v1 =	vadd.f32 $1.000000000e+00, v1;
	_ =	sdelay $0x1  }
0x9a: {  	(erf) = vrcp.f32 v1;
	_ =	sdelay $0x7  }
0x9b: {  	v3 =	vld [tilespmem:$0x60]  }
0x9c: {  	v1 =	vld [tilespmem:$0x150];
	v2 =	vpop (erf)  }
0x9d: {  	v20 =	vld [tilespmem:$0xE0];
	v2 =	vadd.f32 v2, v2;
	_ =	sdelay $0x1  }
0x9e: {  	v2 =	vsub.f32 $1.000000000e+00, v2;
	_ =	sdelay $0x1  }
0x9f: {  	v1 =	vmul.f32 v2, v1  }
0xa0: {  	[tilespmem:$0x53E0] =	vst v3  }
0xa1: {  	[tilespmem:$0x5350] =	vst v1  }
0xa2: {  	v1 =	vld.idx.msk [tilespmem:v3+s17+$0x0], $0xffff  }
0xa3: {  	v2 =	vld.idx.msk [tilespmem:v20+s19+$0x0], $0xffff;
	_ =	sdelay $0x4  }
0xa4: {  	v1 =	vadd.f32 v2, v1;
	_ =	sdelay $0x1  }
0xa5: {  	v1 =	vadd.f32 v1, v1;
	_ =	sdelay $0x1  }
0xa6: {  	v1 =	vmul.f32 $1.442695020e+00, v1;
	_ =	sdelay $0x1  }
0xa7: {  	(erf) = vpow2.f32 v1;
	_ =	sdelay $0x8  }
0xa8: {  	v1 =	vpop (erf)  }
0xa9: {  	v1 =	vadd.f32 $1.000000000e+00, v1;
	_ =	sdelay $0x1  }
0xaa: {  	(erf) = vrcp.f32 v1;
	_ =	sdelay $0x8  }
0xab: {  	v1 =	vld [tilespmem:$0x160];
	v2 =	vpop (erf)  }
0xac: {  	v2 =	vadd.f32 v2, v2;
	_ =	sdelay $0x1  }
0xad: {  	v2 =	vsub.f32 $1.000000000e+00, v2;
	_ =	sdelay $0x1  }
0xae: {  	v1 =	vmul.f32 v2, v1  }
0xaf: {  	p1 =	seq.s32 s22, $0x0  }
0xb0: {  	s4 =	simm.s32 @!p1 $0x4;
	[tilespmem:$0x5360] =	vst v1  }
0xb1: {  	_ =	swait.ge @!p1 [sflag:s4], $0x3800  }
0xb2: {  	[sflag:s4] =	ssyncset.done @!p1 $0x0  }
0xb3: {  	[sflag:s4] =	ssyncadd.s32 @!p1 $0xFFFFC800  }
0xb4: {  	_ =	swait.ge [sflag:s24], $0x180  }
0xb5: {  	[sflag:s24] =	ssyncset.done $0x0  }
0xb6: {  	s23 =	sshll.u32 s22, $0xA;
	p1 =	seq.s32 s22, $0x2C;
	[sflag:s24] =	ssyncadd.s32 $0xFFFFFE80  }
0xb7: {  	[tilespmem:s26], [sflag:$0x2] =	stream.indirect.gather [hbm4b:s1+s21], $0x80, s25, s21, $0xb8;
	[tilespmem:$0x1FD00] =	vst v63  }
0xb8: {  	s4 =	sadd.s32 @!p1 s23, s12;
	_ =	swait.ge [sflag:s28], $0x3800  }
0xb9: {  	s6 =	simm.s32 $0x0;
	s4 =	sshrl.u32 @!p1 s4, $0x3;
	[sflag:s28] =	ssyncset.done $0x0  }
0xba: {  	s5 =	simm.s32 @!p1 $0x0;
	s4 =	sadd.s32 @!p1 s7, s4;
	[sflag:s28] =	ssyncadd.s32 $0xFFFFC800  }
0xbb: {  	[tilespmem:s5], [sflag:$0x5] =	stream.linear.gather @!p1 [hbm4b:s4+s5], $0x180, $0x38;
	[tilespmem:$0x1FD00] =	vst v63  }
0xbc: {  	s4 =	sand.u32 $0x3FFFFFF0, s6  }
0xbd: {  	s11 =	simm.s32 $0x0;
	v1 =	vld [tilespmem:s4+$0x5300]  }
0xbe: {  	s5 =	sand.u32 $0x3FFFF800, s11  }
0xbf: {  	v3 =	vld [tilespmem:s5+$0x54A0]  }
0xc0: {  	v21 =	vld [tilespmem:s5+$0x54B0]  }
0xc1: {  	v10 =	vld [tilespmem:s5+$0x54E0]  }
0xc2: {  	v11 =	vld [tilespmem:s5+$0x54F0];
	v2 =	vbroadcast v1, $0x0  }
0xc3: {  	v12 =	vld [tilespmem:s5+$0x5500]  }
0xc4: {  	v13 =	vld [tilespmem:s5+$0x5510];
	v3 =	vmul.f32 v3, v2  }
0xc5: {  	v14 =	vld [tilespmem:s5+$0x5520];
	v4 =	vmul.f32 v21, v2  }
0xc6: {  	v9 =	vld [tilespmem:s5+$0x5530];
	v23 =	vbroadcast v1, $0x1;
	v22 =	vmul.f32 v10, v2;
	[tilespmem:s5+$0x54A0] =	vst v3  }
0xc7: {  	v7 =	vld [tilespmem:s5+$0x5540];
	v11 =	vmul.f32 v11, v2;
	[tilespmem:s5+$0x54B0] =	vst v4  }
0xc8: {  	v8 =	vld [tilespmem:s5+$0x5550];
	v12 =	vmul.f32 v12, v23;
	[tilespmem:s5+$0x54E0] =	vst v22  }
0xc9: {  	v25 =	vld [tilespmem:s5+$0x5570];
	v13 =	vmul.f32 v13, v23;
	[tilespmem:s5+$0x54F0] =	vst v11  }
0xca: {  	v26 =	vld [tilespmem:s5+$0x5580];
	v14 =	vmul.f32 v14, v23;
	[tilespmem:s5+$0x5500] =	vst v12  }
0xcb: {  	v27 =	vld [tilespmem:s5+$0x5590];
	v9 =	vmul.f32 v9, v23;
	[tilespmem:s5+$0x5510] =	vst v13  }
0xcc: {  	v6 =	vld [tilespmem:s5+$0x59F0];
	v7 =	vmul.f32 v7, v23;
	[tilespmem:s5+$0x5520] =	vst v14  }
0xcd: {  	v24 =	vld [tilespmem:s5+$0x5560];
	v15 =	vbroadcast v1, $0x2;
	v8 =	vmul.f32 v8, v23;
	[tilespmem:s5+$0x5530] =	vst v9  }
0xce: {  	v28 =	vld [tilespmem:s5+$0x55A0];
	v10 =	vmul.f32 v25, v23;
	[tilespmem:s5+$0x5540] =	vst v7  }
0xcf: {  	v29 =	vld [tilespmem:s5+$0x55B0];
	v5 =	vbroadcast v1, $0xA;
	v32 =	vmul.f32 v26, v15;
	[tilespmem:s5+$0x5550] =	vst v8  }
0xd0: {  	v30 =	vld [tilespmem:s5+$0x55C0];
	v34 =	vmul.f32 v27, v15;
	[tilespmem:s5+$0x5570] =	vst v10  }
0xd1: {  	v33 =	vld [tilespmem:s5+$0x55E0];
	v3 =	vmul.f32 v6, v5;
	[tilespmem:s5+$0x5580] =	vst v32  }
0xd2: {  	v35 =	vld [tilespmem:s5+$0x55F0];
	v11 =	vmul.f32 v24, v23;
	[tilespmem:s5+$0x5590] =	vst v34  }
0xd3: {  	v36 =	vld [tilespmem:s5+$0x5600];
	v9 =	vmul.f32 v28, v15;
	[tilespmem:s5+$0x59F0] =	vst v3  }
0xd4: {  	v31 =	vld [tilespmem:s5+$0x55D0];
	v7 =	vmul.f32 v29, v15;
	[tilespmem:s5+$0x5560] =	vst v11  }
0xd5: {  	v37 =	vld [tilespmem:s5+$0x5610];
	v8 =	vmul.f32 v30, v15;
	[tilespmem:s5+$0x55A0] =	vst v9  }
0xd6: {  	v38 =	vld [tilespmem:s5+$0x5620];
	v41 =	vbroadcast v1, $0x3;
	v10 =	vmul.f32 v33, v15;
	[tilespmem:s5+$0x55B0] =	vst v7  }
0xd7: {  	v39 =	vld [tilespmem:s5+$0x5630];
	v12 =	vmul.f32 v35, v15;
	[tilespmem:s5+$0x55C0] =	vst v8  }
0xd8: {  	v42 =	vld [tilespmem:s5+$0x5650];
	v13 =	vmul.f32 v36, v41;
	[tilespmem:s5+$0x55E0] =	vst v10  }
0xd9: {  	v43 =	vld [tilespmem:s5+$0x5660];
	v11 =	vmul.f32 v31, v15;
	[tilespmem:s5+$0x55F0] =	vst v12  }
0xda: {  	v44 =	vld [tilespmem:s5+$0x5670];
	v9 =	vmul.f32 v37, v41;
	[tilespmem:s5+$0x5600] =	vst v13  }
0xdb: {  	v40 =	vld [tilespmem:s5+$0x5640];
	v7 =	vmul.f32 v38, v41;
	[tilespmem:s5+$0x55D0] =	vst v11  }
0xdc: {  	v45 =	vld [tilespmem:s5+$0x5680];
	v8 =	vmul.f32 v39, v41;
	[tilespmem:s5+$0x5610] =	vst v9  }
0xdd: {  	v46 =	vld [tilespmem:s5+$0x5690];
	v10 =	vmul.f32 v42, v41;
	[tilespmem:s5+$0x5620] =	vst v7  }
0xde: {  	v47 =	vld [tilespmem:s5+$0x56A0];
	v12 =	vmul.f32 v43, v41;
	[tilespmem:s5+$0x5630] =	vst v8  }
0xdf: {  	v49 =	vld [tilespmem:s5+$0x56C0];
	v50 =	vbroadcast v1, $0x4;
	v13 =	vmul.f32 v44, v41;
	[tilespmem:s5+$0x5650] =	vst v10  }
0xe0: {  	v51 =	vld [tilespmem:s5+$0x56D0];
	v11 =	vmul.f32 v40, v41;
	[tilespmem:s5+$0x5660] =	vst v12  }
0xe1: {  	v52 =	vld [tilespmem:s5+$0x56E0];
	v9 =	vmul.f32 v45, v50;
	[tilespmem:s5+$0x5670] =	vst v13  }
0xe2: {  	v48 =	vld [tilespmem:s5+$0x56B0];
	v7 =	vmul.f32 v46, v50;
	[tilespmem:s5+$0x5640] =	vst v11  }
0xe3: {  	v53 =	vld [tilespmem:s5+$0x56F0];
	v8 =	vmul.f32 v47, v50;
	[tilespmem:s5+$0x5680] =	vst v9  }
0xe4: {  	v54 =	vld [tilespmem:s5+$0x5700];
	v10 =	vmul.f32 v49, v50;
	[tilespmem:s5+$0x5690] =	vst v7  }
0xe5: {  	v55 =	vld [tilespmem:s5+$0x5710];
	v12 =	vmul.f32 v51, v50;
	[tilespmem:s5+$0x56A0] =	vst v8  }
0xe6: {  	v57 =	vld [tilespmem:s5+$0x5730];
	v13 =	vmul.f32 v52, v50;
	[tilespmem:s5+$0x56C0] =	vst v10  }
0xe7: {  	v58 =	vld [tilespmem:s5+$0x5740];
	v59 =	vbroadcast v1, $0x5;
	v11 =	vmul.f32 v48, v50;
	[tilespmem:s5+$0x56D0] =	vst v12  }
0xe8: {  	v60 =	vld [tilespmem:s5+$0x5750];
	v9 =	vmul.f32 v53, v50;
	[tilespmem:s5+$0x56E0] =	vst v13  }
0xe9: {  	v56 =	vld [tilespmem:s5+$0x5720];
	v7 =	vmul.f32 v54, v59;
	[tilespmem:s5+$0x56B0] =	vst v11  }
0xea: {  	v61 =	vld [tilespmem:s5+$0x5760];
	v8 =	vmul.f32 v55, v59;
	[tilespmem:s5+$0x56F0] =	vst v9  }
0xeb: {  	v62 =	vld [tilespmem:s5+$0x5770];
	v10 =	vmul.f32 v57, v59;
	[tilespmem:s5+$0x5700] =	vst v7  }
0xec: {  	v63 =	vld [tilespmem:s5+$0x5780];
	v12 =	vmul.f32 v58, v59;
	[tilespmem:s5+$0x5710] =	vst v8  }
0xed: {  	v19 =	vld [tilespmem:s5+$0x57A0];
	v13 =	vmul.f32 v60, v59;
	[tilespmem:s5+$0x5730] =	vst v10  }
0xee: {  	v20 =	vld [tilespmem:s5+$0x57B0];
	v11 =	vmul.f32 v56, v59;
	[tilespmem:s5+$0x5740] =	vst v12  }
0xef: {  	v21 =	vld [tilespmem:s5+$0x57C0];
	v22 =	vbroadcast v1, $0x6;
	v9 =	vmul.f32 v61, v59;
	[tilespmem:s5+$0x5750] =	vst v13  }
0xf0: {  	v18 =	vld [tilespmem:s5+$0x5790];
	v7 =	vmul.f32 v62, v59;
	[tilespmem:s5+$0x5720] =	vst v11  }
0xf1: {  	v23 =	vld [tilespmem:s5+$0x57D0];
	v8 =	vmul.f32 v63, v22;
	[tilespmem:s5+$0x5760] =	vst v9  }
0xf2: {  	v24 =	vld [tilespmem:s5+$0x57E0];
	v10 =	vmul.f32 v19, v22;
	[tilespmem:s5+$0x5770] =	vst v7  }
0xf3: {  	v25 =	vld [tilespmem:s5+$0x57F0];
	v12 =	vmul.f32 v20, v22;
	[tilespmem:s5+$0x5780] =	vst v8  }
0xf4: {  	v27 =	vld [tilespmem:s5+$0x5810];
	v13 =	vmul.f32 v21, v22;
	[tilespmem:s5+$0x57A0] =	vst v10  }
0xf5: {  	v28 =	vld [tilespmem:s5+$0x5820];
	v11 =	vmul.f32 v18, v22;
	[tilespmem:s5+$0x57B0] =	vst v12  }
0xf6: {  	v29 =	vld [tilespmem:s5+$0x5830];
	v9 =	vmul.f32 v23, v22;
	[tilespmem:s5+$0x57C0] =	vst v13  }
0xf7: {  	v31 =	vbroadcast v1, $0x7;
	v53 =	vld [tilespmem:s5+$0x5980];
	v7 =	vmul.f32 v24, v22;
	[tilespmem:s5+$0x5790] =	vst v11  }
0xf8: {  	v57 =	vld [tilespmem:s5+$0x59C0];
	v8 =	vmul.f32 v25, v22;
	[tilespmem:s5+$0x57D0] =	vst v9  }
0xf9: {  	v58 =	vld [tilespmem:s5+$0x59D0];
	v10 =	vmul.f32 v27, v31;
	[tilespmem:s5+$0x57E0] =	vst v7  }
0xfa: {  	v26 =	vld [tilespmem:s5+$0x5800];
	v12 =	vmul.f32 v28, v31;
	[tilespmem:s5+$0x57F0] =	vst v8  }
0xfb: {  	v30 =	vld [tilespmem:s5+$0x5840];
	v13 =	vmul.f32 v29, v31;
	[tilespmem:s5+$0x5810] =	vst v10  }
0xfc: {  	v32 =	vld [tilespmem:s5+$0x5850];
	v59 =	vmul.f32 v53, v5;
	[tilespmem:s5+$0x5820] =	vst v12  }
0xfd: {  	v33 =	vld [tilespmem:s5+$0x5860];
	v18 =	vmul.f32 v57, v5;
	[tilespmem:s5+$0x5830] =	vst v13  }
0xfe: {  	v35 =	vld [tilespmem:s5+$0x5880];
	v20 =	vmul.f32 v58, v5;
	[tilespmem:s5+$0x5980] =	vst v59  }
0xff: {  	v36 =	vld [tilespmem:s5+$0x5890];
	v11 =	vmul.f32 v26, v31;
	[tilespmem:s5+$0x59C0] =	vst v18  }
0x100: {  	v37 =	vld [tilespmem:s5+$0x58A0];
	v9 =	vmul.f32 v30, v31;
	[tilespmem:s5+$0x59D0] =	vst v20  }
0x101: {  	v4 =	vld [tilespmem:s5+$0x5A00];
	v40 =	vbroadcast v1, $0x8;
	v7 =	vmul.f32 v32, v31;
	[tilespmem:s5+$0x5800] =	vst v11  }
0x102: {  	v6 =	vld [tilespmem:s5+$0x5A10];
	v8 =	vmul.f32 v33, v31;
	[tilespmem:s5+$0x5840] =	vst v9  }
0x103: {  	v3 =	vld [tilespmem:s5+$0x5C50];
	v10 =	vmul.f32 v35, v40;
	[tilespmem:s5+$0x5850] =	vst v7  }
0x104: {  	v61 =	vld [tilespmem:s5+$0x5480];
	v23 =	vbroadcast v1, $0xB;
	v12 =	vmul.f32 v36, v40;
	[tilespmem:s5+$0x5860] =	vst v8  }
0x105: {  	v34 =	vld [tilespmem:s5+$0x5870];
	v13 =	vmul.f32 v37, v40;
	[tilespmem:s5+$0x5880] =	vst v10  }
0x106: {  	v38 =	vld [tilespmem:s5+$0x58B0];
	v27 =	vbroadcast v1, $0xF;
	v4 =	vmul.f32 v4, v23;
	[tilespmem:s5+$0x5890] =	vst v12  }
0x107: {  	v39 =	vld [tilespmem:s5+$0x58C0];
	v6 =	vmul.f32 v6, v23;
	[tilespmem:s5+$0x58A0] =	vst v13  }
0x108: {  	v41 =	vld [tilespmem:s5+$0x58D0];
	v3 =	vmul.f32 v3, v27;
	[tilespmem:s5+$0x5A00] =	vst v4  }
0x109: {  	v43 =	vld [tilespmem:s5+$0x58F0];
	v24 =	vmul.f32 v2, v61;
	[tilespmem:s5+$0x5A10] =	vst v6  }
0x10a: {  	v44 =	vld [tilespmem:s5+$0x5900];
	v11 =	vmul.f32 v34, v31;
	[tilespmem:s5+$0x5C50] =	vst v3  }
0x10b: {  	v45 =	vld [tilespmem:s5+$0x5910];
	v9 =	vmul.f32 v38, v40;
	[tilespmem:s5+$0x5480] =	vst v24  }
0x10c: {  	v63 =	vld [tilespmem:s5+$0x54C0];
	v7 =	vmul.f32 v39, v40;
	[tilespmem:s5+$0x5870] =	vst v11  }
0x10d: {  	v49 =	vbroadcast v1, $0x9;
	v29 =	vld [tilespmem:s5+$0x5A70];
	v8 =	vmul.f32 v41, v40;
	[tilespmem:s5+$0x58B0] =	vst v9  }
0x10e: {  	v42 =	vld [tilespmem:s5+$0x58E0];
	v10 =	vmul.f32 v43, v40;
	[tilespmem:s5+$0x58C0] =	vst v7  }
0x10f: {  	v46 =	vld [tilespmem:s5+$0x5920];
	v12 =	vmul.f32 v44, v49;
	[tilespmem:s5+$0x58D0] =	vst v8  }
0x110: {  	v47 =	vld [tilespmem:s5+$0x5930];
	v13 =	vmul.f32 v45, v49;
	[tilespmem:s5+$0x58F0] =	vst v10  }
0x111: {  	v48 =	vld [tilespmem:s5+$0x5940];
	v3 =	vmul.f32 v63, v2;
	[tilespmem:s5+$0x5900] =	vst v12  }
0x112: {  	v51 =	vld [tilespmem:s5+$0x5960];
	v6 =	vmul.f32 v29, v23;
	[tilespmem:s5+$0x5910] =	vst v13  }
0x113: {  	v52 =	vld [tilespmem:s5+$0x5970];
	v11 =	vmul.f32 v42, v40;
	[tilespmem:s5+$0x54C0] =	vst v3  }
0x114: {  	v28 =	vld [tilespmem:s5+$0x5A60];
	v9 =	vmul.f32 v46, v49;
	[tilespmem:s5+$0x5A70] =	vst v6  }
0x115: {  	v26 =	vld [tilespmem:s5+$0x5A50];
	v7 =	vmul.f32 v47, v49;
	[tilespmem:s5+$0x58E0] =	vst v11  }
0x116: {  	v30 =	vld [tilespmem:s5+$0x5A80];
	v8 =	vmul.f32 v48, v49;
	[tilespmem:s5+$0x5920] =	vst v9  }
0x117: {  	v50 =	vld [tilespmem:s5+$0x5950];
	v10 =	vmul.f32 v51, v49;
	[tilespmem:s5+$0x5930] =	vst v7  }
0x118: {  	v54 =	vld [tilespmem:s5+$0x5990];
	v12 =	vmul.f32 v52, v49;
	[tilespmem:s5+$0x5940] =	vst v8  }
0x119: {  	v55 =	vld [tilespmem:s5+$0x59A0];
	v35 =	vbroadcast v1, $0xC;
	v40 =	vmul.f32 v28, v23;
	[tilespmem:s5+$0x5960] =	vst v10  }
0x11a: {  	v56 =	vld [tilespmem:s5+$0x59B0];
	v32 =	vmul.f32 v26, v23;
	[tilespmem:s5+$0x5970] =	vst v12  }
0x11b: {  	v60 =	vld [tilespmem:s5+$0x59E0];
	v15 =	vmul.f32 v30, v35;
	[tilespmem:s5+$0x5A60] =	vst v40  }
0x11c: {  	v62 =	vld [tilespmem:s5+$0x5490];
	v11 =	vmul.f32 v50, v49;
	[tilespmem:s5+$0x5A50] =	vst v32  }
0x11d: {  	v19 =	vld [tilespmem:s5+$0x54D0];
	v9 =	vmul.f32 v54, v5;
	[tilespmem:s5+$0x5A80] =	vst v15  }
0x11e: {  	v33 =	vld [tilespmem:s5+$0x5AB0];
	v7 =	vmul.f32 v55, v5;
	[tilespmem:s5+$0x5950] =	vst v11  }
0x11f: {  	v61 =	vld [tilespmem:s5+$0x5C70];
	v8 =	vmul.f32 v56, v5;
	[tilespmem:s5+$0x5990] =	vst v9  }
0x120: {  	v38 =	vld [tilespmem:s5+$0x5AF0];
	v5 =	vmul.f32 v60, v5;
	[tilespmem:s5+$0x59A0] =	vst v7  }
0x121: {  	v21 =	vld [tilespmem:s5+$0x5A20];
	v12 =	vmul.f32 v62, v2;
	[tilespmem:s5+$0x59B0] =	vst v8  }
0x122: {  	v22 =	vld [tilespmem:s5+$0x5A30];
	v2 =	vmul.f32 v19, v2;
	[tilespmem:s5+$0x59E0] =	vst v5  }
0x123: {  	v25 =	vld [tilespmem:s5+$0x5A40];
	v62 =	vmul.f32 v33, v35;
	[tilespmem:s5+$0x5490] =	vst v12  }
0x124: {  	v31 =	vld [tilespmem:s5+$0x5A90];
	v63 =	vmul.f32 v61, v27;
	[tilespmem:s5+$0x54D0] =	vst v2  }
0x125: {  	v34 =	vld [tilespmem:s5+$0x5AC0];
	v15 =	vmul.f32 v38, v35;
	[tilespmem:s5+$0x5AB0] =	vst v62  }
0x126: {  	v41 =	vld [tilespmem:s5+$0x5B20];
	v7 =	vmul.f32 v21, v23;
	[tilespmem:s5+$0x5C70] =	vst v63  }
0x127: {  	v46 =	vld [tilespmem:s5+$0x5B60];
	v8 =	vmul.f32 v22, v23;
	[tilespmem:s5+$0x5AF0] =	vst v15  }
0x128: {  	v36 =	vld [tilespmem:s5+$0x5AD0];
	v5 =	vmul.f32 v25, v23;
	[tilespmem:s5+$0x5A20] =	vst v7  }
0x129: {  	v44 =	vbroadcast v1, $0xD;
	v9 =	vmul.f32 v31, v35;
	v2 =	vld [tilespmem:s5+$0x5B10];
	[tilespmem:s5+$0x5A30] =	vst v8  }
0x12a: {  	v37 =	vld [tilespmem:s5+$0x5AE0];
	v12 =	vmul.f32 v34, v35;
	[tilespmem:s5+$0x5A40] =	vst v5  }
0x12b: {  	v39 =	vld [tilespmem:s5+$0x5B00];
	v11 =	vmul.f32 v41, v44;
	[tilespmem:s5+$0x5A90] =	vst v9  }
0x12c: {  	v42 =	vld [tilespmem:s5+$0x5B30];
	v51 =	vmul.f32 v46, v44;
	[tilespmem:s5+$0x5AC0] =	vst v12  }
0x12d: {  	v48 =	vld [tilespmem:s5+$0x5B90];
	v8 =	vmul.f32 v36, v35;
	[tilespmem:s5+$0x5B20] =	vst v11  }
0x12e: {  	v49 =	vld [tilespmem:s5+$0x5BA0];
	[tilespmem:s5+$0x5B60] =	vst v51;
	v2 =	vmul.f32 v2, v44  }
0x12f: {  	v50 =	vld [tilespmem:s5+$0x5BB0];
	v5 =	vmul.f32 v37, v35;
	[tilespmem:s5+$0x5AD0] =	vst v8  }
0x130: {  	v1 =	vbroadcast v1, $0xE;
	v9 =	vmul.f32 v39, v44;
	[tilespmem:s5+$0x5B10] =	vst v2;
	v2 =	vld [tilespmem:s5+$0x5B80]  }
0x131: {  	v60 =	vld [tilespmem:s5+$0x5C60];
	v12 =	vmul.f32 v42, v44;
	[tilespmem:s5+$0x5AE0] =	vst v5  }
0x132: {  	v45 =	vld [tilespmem:s5+$0x5B50];
	v11 =	vmul.f32 v48, v1;
	[tilespmem:s5+$0x5B00] =	vst v9  }
0x133: {  	v47 =	vld [tilespmem:s5+$0x5B70];
	v10 =	vmul.f32 v49, v1;
	[tilespmem:s5+$0x5B30] =	vst v12  }
0x134: {  	v43 =	vld [tilespmem:s5+$0x5B40];
	v6 =	vmul.f32 v50, v1;
	[tilespmem:s5+$0x5B90] =	vst v11  }
0x135: {  	v55 =	vld [tilespmem:s5+$0x5C00];
	[tilespmem:s5+$0x5BA0] =	vst v10;
	v2 =	vmul.f32 v2, v1  }
0x136: {  	v57 =	vld [tilespmem:s5+$0x5C20];
	v4 =	vmul.f32 v60, v27;
	[tilespmem:s5+$0x5BB0] =	vst v6  }
0x137: {  	v5 =	vmul.f32 v45, v44;
	[tilespmem:s5+$0x5B80] =	vst v2;
	v2 =	vld [tilespmem:s5+$0x5BF0]  }
0x138: {  	v52 =	vld [tilespmem:s5+$0x5BC0];
	v9 =	vmul.f32 v47, v44;
	[tilespmem:s5+$0x5C60] =	vst v4  }
0x139: {  	v56 =	vld [tilespmem:s5+$0x5C10];
	v8 =	vmul.f32 v43, v44;
	[tilespmem:s5+$0x5B50] =	vst v5  }
0x13a: {  	v54 =	vld [tilespmem:s5+$0x5BE0];
	v11 =	vmul.f32 v55, v27;
	[tilespmem:s5+$0x5B70] =	vst v9  }
0x13b: {  	v58 =	vld [tilespmem:s5+$0x5C30];
	v6 =	vmul.f32 v57, v27;
	[tilespmem:s5+$0x5B40] =	vst v8  }
0x13c: {  	v53 =	vld [tilespmem:s5+$0x5BD0];
	[tilespmem:s5+$0x5C00] =	vst v11;
	v2 =	vmul.f32 v2, v1  }
0x13d: {  	v59 =	vld [tilespmem:s5+$0x5C40];
	v5 =	vmul.f32 v52, v1;
	[tilespmem:s5+$0x5C20] =	vst v6  }
0x13e: {  	[tilespmem:s5+$0x5BF0] =	vst v2;
	v2 =	vmul.f32 v56, v27  }
0x13f: {  	v3 =	vld [tilespmem:s5+$0x5AA0];
	v9 =	vmul.f32 v54, v1;
	[tilespmem:s5+$0x5BC0] =	vst v5  }
0x140: {  	[tilespmem:s5+$0x5C10] =	vst v2;
	v2 =	vmul.f32 v58, v27  }
0x141: {  	[tilespmem:s5+$0x5BE0] =	vst v9;
	v1 =	vmul.f32 v53, v1  }
0x142: {  	[tilespmem:s5+$0x5C30] =	vst v2;
	v2 =	vmul.f32 v59, v27  }
0x143: {  	[tilespmem:s5+$0x5BD0] =	vst v1  }
0x144: {  	s4 =	simm.s32 $0x1;
	[tilespmem:s5+$0x5C40] =	vst v2;
	v2 =	vmul.f32 v3, v35  }
.LBB2_7:
0x145: {  	s6 =	sshll.u32 s4, $0x4  }
0x146: {  	p1 =	sne.s32 s4, $0x6;
	[tilespmem:s5+$0x5AA0] =	vst v2;
	s5 =	smov.u32 s4;
	s4 =	sadd.s32 $0x1, s4  }
0x147: {  	s6 =	sand.u32 $0x3FFFFFF0, s6  }
0x148: {  	s5 =	sshll.u32 s5, $0xB;
	v1 =	vld [tilespmem:s6+$0x5300]  }
0x149: {  	s5 =	sand.u32 $0x3FFFF800, s5  }
0x14a: {  	v8 =	vld [tilespmem:s5+$0x5540]  }
0x14b: {  	v9 =	vld [tilespmem:s5+$0x5550]  }
0x14c: {  	v10 =	vld [tilespmem:s5+$0x5530]  }
0x14d: {  	v2 =	vbroadcast v1, $0x0;
	v3 =	vld [tilespmem:s5+$0x54A0];
	v7 =	vbroadcast v1, $0x4  }
0x14e: {  	v5 =	vld [tilespmem:s5+$0x54B0]  }
0x14f: {  	v6 =	vld [tilespmem:s5+$0x59F0]  }
0x150: {  	v11 =	vld [tilespmem:s5+$0x54E0]  }
0x151: {  	v12 =	vld [tilespmem:s5+$0x54F0]  }
0x152: {  	v4 =	vbroadcast v1, $0xA;
	v3 =	vmul.f32 v3, v2;
	v13 =	vld [tilespmem:s5+$0x5500]  }
0x153: {  	v5 =	vmul.f32 v5, v2;
	v14 =	vld [tilespmem:s5+$0x5510]  }
0x154: {  	[tilespmem:s5+$0x54A0] =	vst v3;
	v15 =	vld [tilespmem:s5+$0x5520];
	v3 =	vmul.f32 v6, v4  }
0x155: {  	[tilespmem:s5+$0x54B0] =	vst v5;
	v6 =	vmul.f32 v11, v2;
	v11 =	vbroadcast v1, $0x1;
	v5 =	vld [tilespmem:s5+$0x5A00]  }
0x156: {  	v12 =	vmul.f32 v12, v2;
	[tilespmem:s5+$0x59F0] =	vst v3;
	v3 =	vld [tilespmem:s5+$0x5C50]  }
0x157: {  	[tilespmem:s5+$0x54E0] =	vst v6;
	v13 =	vmul.f32 v13, v11;
	v6 =	vld [tilespmem:s5+$0x5A10]  }
0x158: {  	[tilespmem:s5+$0x54F0] =	vst v12;
	v12 =	vmul.f32 v14, v11;
	v14 =	vld [tilespmem:s5+$0x5560]  }
0x159: {  	[tilespmem:s5+$0x5500] =	vst v13;
	v13 =	vmul.f32 v15, v11;
	v15 =	vld [tilespmem:s5+$0x5570]  }
0x15a: {  	v10 =	vmul.f32 v10, v11;
	[tilespmem:s5+$0x5510] =	vst v12;
	v12 =	vld [tilespmem:s5+$0x5580]  }
0x15b: {  	v8 =	vmul.f32 v8, v11;
	[tilespmem:s5+$0x5520] =	vst v13;
	v13 =	vld [tilespmem:s5+$0x5590]  }
0x15c: {  	v9 =	vmul.f32 v9, v11;
	[tilespmem:s5+$0x5530] =	vst v10;
	v10 =	vld [tilespmem:s5+$0x55A0]  }
0x15d: {  	[tilespmem:s5+$0x5540] =	vst v8;
	v8 =	vmul.f32 v14, v11;
	v14 =	vbroadcast v1, $0x2;
	v16 =	vld [tilespmem:s5+$0x55B0]  }
0x15e: {  	[tilespmem:s5+$0x5550] =	vst v9;
	v9 =	vmul.f32 v15, v11;
	v11 =	vld [tilespmem:s5+$0x55C0]  }
0x15f: {  	[tilespmem:s5+$0x5560] =	vst v8;
	v8 =	vmul.f32 v12, v14;
	v12 =	vld [tilespmem:s5+$0x55D0]  }
0x160: {  	[tilespmem:s5+$0x5570] =	vst v9;
	v9 =	vmul.f32 v13, v14;
	v13 =	vld [tilespmem:s5+$0x55E0]  }
0x161: {  	[tilespmem:s5+$0x5580] =	vst v8;
	v8 =	vmul.f32 v10, v14;
	v10 =	vld [tilespmem:s5+$0x55F0]  }
0x162: {  	[tilespmem:s5+$0x5590] =	vst v9;
	v9 =	vmul.f32 v16, v14;
	v15 =	vld [tilespmem:s5+$0x5600]  }
0x163: {  	[tilespmem:s5+$0x55A0] =	vst v8;
	v8 =	vmul.f32 v11, v14;
	v11 =	vld [tilespmem:s5+$0x5610]  }
0x164: {  	[tilespmem:s5+$0x55B0] =	vst v9;
	v9 =	vmul.f32 v12, v14;
	v12 =	vld [tilespmem:s5+$0x5620]  }
0x165: {  	[tilespmem:s5+$0x55C0] =	vst v8;
	v8 =	vmul.f32 v13, v14;
	v13 =	vbroadcast v1, $0x3;
	v16 =	vld [tilespmem:s5+$0x5630]  }
0x166: {  	[tilespmem:s5+$0x55D0] =	vst v9;
	v9 =	vmul.f32 v10, v14;
	v10 =	vld [tilespmem:s5+$0x5640]  }
0x167: {  	[tilespmem:s5+$0x55E0] =	vst v8;
	v8 =	vmul.f32 v15, v13;
	v14 =	vld [tilespmem:s5+$0x5650]  }
0x168: {  	[tilespmem:s5+$0x55F0] =	vst v9;
	v9 =	vmul.f32 v11, v13;
	v11 =	vld [tilespmem:s5+$0x5660]  }
0x169: {  	[tilespmem:s5+$0x5600] =	vst v8;
	v8 =	vmul.f32 v12, v13;
	v12 =	vld [tilespmem:s5+$0x5670]  }
0x16a: {  	[tilespmem:s5+$0x5610] =	vst v9;
	v9 =	vmul.f32 v16, v13;
	v15 =	vld [tilespmem:s5+$0x5680]  }
0x16b: {  	[tilespmem:s5+$0x5620] =	vst v8;
	v8 =	vmul.f32 v10, v13;
	v10 =	vld [tilespmem:s5+$0x5690]  }
0x16c: {  	[tilespmem:s5+$0x5630] =	vst v9;
	v9 =	vmul.f32 v14, v13;
	v14 =	vld [tilespmem:s5+$0x56A0]  }
0x16d: {  	[tilespmem:s5+$0x5640] =	vst v8;
	v8 =	vmul.f32 v11, v13;
	v11 =	vld [tilespmem:s5+$0x56B0]  }
0x16e: {  	[tilespmem:s5+$0x5650] =	vst v9;
	v9 =	vmul.f32 v12, v13;
	v12 =	vld [tilespmem:s5+$0x56C0]  }
0x16f: {  	[tilespmem:s5+$0x5660] =	vst v8;
	v8 =	vmul.f32 v15, v7;
	v13 =	vld [tilespmem:s5+$0x56D0]  }
0x170: {  	[tilespmem:s5+$0x5670] =	vst v9;
	v9 =	vmul.f32 v10, v7;
	v10 =	vld [tilespmem:s5+$0x56E0]  }
0x171: {  	[tilespmem:s5+$0x5680] =	vst v8;
	v8 =	vmul.f32 v14, v7;
	v14 =	vld [tilespmem:s5+$0x56F0]  }
0x172: {  	[tilespmem:s5+$0x5690] =	vst v9;
	v9 =	vmul.f32 v11, v7;
	v11 =	vld [tilespmem:s5+$0x5700]  }
0x173: {  	[tilespmem:s5+$0x56A0] =	vst v8;
	v8 =	vmul.f32 v12, v7;
	v12 =	vld [tilespmem:s5+$0x5710]  }
0x174: {  	[tilespmem:s5+$0x56B0] =	vst v9;
	v9 =	vmul.f32 v13, v7;
	v13 =	vld [tilespmem:s5+$0x5720]  }
0x175: {  	[tilespmem:s5+$0x56C0] =	vst v8;
	v8 =	vmul.f32 v10, v7;
	v10 =	vbroadcast v1, $0x5;
	v15 =	vld [tilespmem:s5+$0x5730]  }
0x176: {  	[tilespmem:s5+$0x56D0] =	vst v9;
	v7 =	vmul.f32 v14, v7;
	v9 =	vld [tilespmem:s5+$0x5740]  }
0x177: {  	[tilespmem:s5+$0x56E0] =	vst v8;
	v8 =	vmul.f32 v11, v10;
	v11 =	vld [tilespmem:s5+$0x5750]  }
0x178: {  	[tilespmem:s5+$0x56F0] =	vst v7;
	v7 =	vmul.f32 v12, v10;
	v12 =	vld [tilespmem:s5+$0x5760]  }
0x179: {  	[tilespmem:s5+$0x5700] =	vst v8;
	v8 =	vmul.f32 v13, v10;
	v13 =	vld [tilespmem:s5+$0x5770]  }
0x17a: {  	[tilespmem:s5+$0x5710] =	vst v7;
	v7 =	vmul.f32 v15, v10;
	v14 =	vld [tilespmem:s5+$0x5780]  }
0x17b: {  	[tilespmem:s5+$0x5720] =	vst v8;
	v8 =	vmul.f32 v9, v10;
	v9 =	vld [tilespmem:s5+$0x5790]  }
0x17c: {  	[tilespmem:s5+$0x5730] =	vst v7;
	v7 =	vmul.f32 v11, v10;
	v11 =	vld [tilespmem:s5+$0x57A0]  }
0x17d: {  	[tilespmem:s5+$0x5740] =	vst v8;
	v8 =	vmul.f32 v12, v10;
	v12 =	vbroadcast v1, $0x6;
	v15 =	vld [tilespmem:s5+$0x57B0]  }
0x17e: {  	[tilespmem:s5+$0x5750] =	vst v7;
	v7 =	vmul.f32 v13, v10;
	v10 =	vld [tilespmem:s5+$0x57C0]  }
0x17f: {  	[tilespmem:s5+$0x5760] =	vst v8;
	v8 =	vmul.f32 v14, v12;
	v13 =	vld [tilespmem:s5+$0x57D0]  }
0x180: {  	[tilespmem:s5+$0x5770] =	vst v7;
	v7 =	vmul.f32 v9, v12;
	v9 =	vld [tilespmem:s5+$0x57E0]  }
0x181: {  	[tilespmem:s5+$0x5780] =	vst v8;
	v8 =	vmul.f32 v11, v12;
	v11 =	vld [tilespmem:s5+$0x57F0]  }
0x182: {  	[tilespmem:s5+$0x5790] =	vst v7;
	v7 =	vmul.f32 v15, v12;
	v14 =	vld [tilespmem:s5+$0x5800]  }
0x183: {  	[tilespmem:s5+$0x57A0] =	vst v8;
	v8 =	vmul.f32 v10, v12;
	v10 =	vld [tilespmem:s5+$0x5810]  }
0x184: {  	[tilespmem:s5+$0x57B0] =	vst v7;
	v7 =	vmul.f32 v13, v12;
	v13 =	vld [tilespmem:s5+$0x5820]  }
0x185: {  	[tilespmem:s5+$0x57C0] =	vst v8;
	v8 =	vmul.f32 v9, v12;
	v9 =	vbroadcast v1, $0x7;
	v15 =	vld [tilespmem:s5+$0x5830]  }
0x186: {  	[tilespmem:s5+$0x57D0] =	vst v7;
	v7 =	vmul.f32 v11, v12;
	v11 =	vld [tilespmem:s5+$0x5840]  }
0x187: {  	[tilespmem:s5+$0x57E0] =	vst v8;
	v8 =	vmul.f32 v14, v9;
	v12 =	vld [tilespmem:s5+$0x5850]  }
0x188: {  	[tilespmem:s5+$0x57F0] =	vst v7;
	v7 =	vmul.f32 v10, v9;
	v10 =	vld [tilespmem:s5+$0x5860]  }
0x189: {  	[tilespmem:s5+$0x5800] =	vst v8;
	v8 =	vmul.f32 v13, v9;
	v13 =	vld [tilespmem:s5+$0x5870]  }
0x18a: {  	[tilespmem:s5+$0x5810] =	vst v7;
	v7 =	vmul.f32 v15, v9;
	v14 =	vld [tilespmem:s5+$0x5880]  }
0x18b: {  	[tilespmem:s5+$0x5820] =	vst v8;
	v8 =	vmul.f32 v11, v9;
	v11 =	vld [tilespmem:s5+$0x5890]  }
0x18c: {  	[tilespmem:s5+$0x5830] =	vst v7;
	v7 =	vmul.f32 v12, v9;
	v12 =	vld [tilespmem:s5+$0x58A0]  }
0x18d: {  	[tilespmem:s5+$0x5840] =	vst v8;
	v8 =	vmul.f32 v10, v9;
	v10 =	vbroadcast v1, $0x8;
	v15 =	vld [tilespmem:s5+$0x58B0]  }
0x18e: {  	[tilespmem:s5+$0x5850] =	vst v7;
	v7 =	vmul.f32 v13, v9;
	v9 =	vld [tilespmem:s5+$0x58C0]  }
0x18f: {  	[tilespmem:s5+$0x5860] =	vst v8;
	v8 =	vmul.f32 v14, v10;
	v13 =	vld [tilespmem:s5+$0x58D0]  }
0x190: {  	[tilespmem:s5+$0x5870] =	vst v7;
	v7 =	vmul.f32 v11, v10;
	v11 =	vld [tilespmem:s5+$0x58E0]  }
0x191: {  	[tilespmem:s5+$0x5880] =	vst v8;
	v8 =	vmul.f32 v12, v10;
	v12 =	vld [tilespmem:s5+$0x58F0]  }
0x192: {  	[tilespmem:s5+$0x5890] =	vst v7;
	v7 =	vmul.f32 v15, v10;
	v14 =	vld [tilespmem:s5+$0x5900]  }
0x193: {  	[tilespmem:s5+$0x58A0] =	vst v8;
	v8 =	vmul.f32 v9, v10;
	v9 =	vld [tilespmem:s5+$0x5910]  }
0x194: {  	[tilespmem:s5+$0x58B0] =	vst v7;
	v7 =	vmul.f32 v13, v10;
	v13 =	vld [tilespmem:s5+$0x5920]  }
0x195: {  	[tilespmem:s5+$0x58C0] =	vst v8;
	v8 =	vmul.f32 v11, v10;
	v11 =	vbroadcast v1, $0x9;
	v15 =	vld [tilespmem:s5+$0x5930]  }
0x196: {  	[tilespmem:s5+$0x58D0] =	vst v7;
	v7 =	vmul.f32 v12, v10;
	v10 =	vld [tilespmem:s5+$0x5940]  }
0x197: {  	[tilespmem:s5+$0x58E0] =	vst v8;
	v8 =	vmul.f32 v14, v11;
	v12 =	vld [tilespmem:s5+$0x5950]  }
0x198: {  	[tilespmem:s5+$0x58F0] =	vst v7;
	v7 =	vmul.f32 v9, v11;
	v9 =	vld [tilespmem:s5+$0x5960]  }
0x199: {  	[tilespmem:s5+$0x5900] =	vst v8;
	v8 =	vmul.f32 v13, v11;
	v13 =	vld [tilespmem:s5+$0x5970]  }
0x19a: {  	[tilespmem:s5+$0x5910] =	vst v7;
	v7 =	vmul.f32 v15, v11;
	v14 =	vld [tilespmem:s5+$0x5980]  }
0x19b: {  	[tilespmem:s5+$0x5920] =	vst v8;
	v8 =	vmul.f32 v10, v11;
	v10 =	vld [tilespmem:s5+$0x5990]  }
0x19c: {  	[tilespmem:s5+$0x5930] =	vst v7;
	v7 =	vmul.f32 v12, v11;
	v12 =	vld [tilespmem:s5+$0x59A0]  }
0x19d: {  	[tilespmem:s5+$0x5940] =	vst v8;
	v8 =	vmul.f32 v9, v11;
	v9 =	vld [tilespmem:s5+$0x59B0]  }
0x19e: {  	[tilespmem:s5+$0x5950] =	vst v7;
	v7 =	vmul.f32 v13, v11;
	v11 =	vld [tilespmem:s5+$0x59C0]  }
0x19f: {  	[tilespmem:s5+$0x5960] =	vst v8;
	v8 =	vmul.f32 v14, v4;
	v13 =	vld [tilespmem:s5+$0x59D0]  }
0x1a0: {  	[tilespmem:s5+$0x5970] =	vst v7;
	v7 =	vmul.f32 v10, v4;
	v10 =	vld [tilespmem:s5+$0x59E0]  }
0x1a1: {  	v14 =	vld [tilespmem:s5+$0x5480];
	[tilespmem:s5+$0x5980] =	vst v8;
	v8 =	vmul.f32 v12, v4  }
0x1a2: {  	v12 =	vld [tilespmem:s5+$0x5490];
	[tilespmem:s5+$0x5990] =	vst v7;
	v7 =	vmul.f32 v9, v4  }
0x1a3: {  	v9 =	vld [tilespmem:s5+$0x54C0];
	[tilespmem:s5+$0x59A0] =	vst v8;
	v8 =	vmul.f32 v11, v4  }
0x1a4: {  	v11 =	vld [tilespmem:s5+$0x54D0];
	[tilespmem:s5+$0x59B0] =	vst v7;
	v7 =	vmul.f32 v13, v4  }
0x1a5: {  	[tilespmem:s5+$0x59C0] =	vst v8;
	v8 =	vmul.f32 v10, v4;
	v10 =	vbroadcast v1, $0xB;
	v13 =	vld [tilespmem:s5+$0x5A20]  }
0x1a6: {  	v4 =	vbroadcast v1, $0xF;
	v14 =	vmul.f32 v2, v14;
	[tilespmem:s5+$0x59D0] =	vst v7;
	v7 =	vld [tilespmem:s5+$0x5A30]  }
0x1a7: {  	v12 =	vmul.f32 v12, v2;
	[tilespmem:s5+$0x59E0] =	vst v8;
	v5 =	vmul.f32 v5, v10;
	v8 =	vld [tilespmem:s5+$0x5A40]  }
0x1a8: {  	v6 =	vmul.f32 v6, v10;
	[tilespmem:s5+$0x5480] =	vst v14;
	v9 =	vmul.f32 v9, v2;
	v14 =	vld [tilespmem:s5+$0x5A50]  }
0x1a9: {  	v3 =	vmul.f32 v3, v4;
	v11 =	vmul.f32 v11, v2;
	[tilespmem:s5+$0x5A00] =	vst v5;
	v2 =	vld [tilespmem:s5+$0x5A60]  }
0x1aa: {  	[tilespmem:s5+$0x5A10] =	vst v6;
	v5 =	vmul.f32 v13, v10;
	v6 =	vld [tilespmem:s5+$0x5A70]  }
0x1ab: {  	v7 =	vmul.f32 v7, v10;
	v13 =	vld [tilespmem:s5+$0x5A80];
	[tilespmem:s5+$0x5C50] =	vst v3  }
0x1ac: {  	[tilespmem:s5+$0x5490] =	vst v12;
	v3 =	vmul.f32 v8, v10;
	v8 =	vld [tilespmem:s5+$0x5A90]  }
0x1ad: {  	[tilespmem:s5+$0x54C0] =	vst v9;
	v9 =	vmul.f32 v14, v10;
	v12 =	vld [tilespmem:s5+$0x5AA0]  }
0x1ae: {  	v14 =	vbroadcast v1, $0xC;
	[tilespmem:s5+$0x5A20] =	vst v5;
	v5 =	vmul.f32 v2, v10;
	v15 =	vld [tilespmem:s5+$0x5AB0]  }
0x1af: {  	[tilespmem:s5+$0x5A50] =	vst v9;
	v6 =	vmul.f32 v6, v10;
	v9 =	vld [tilespmem:s5+$0x5AC0]  }
0x1b0: {  	[tilespmem:s5+$0x5A30] =	vst v7;
	v2 =	vmul.f32 v13, v14;
	v7 =	vld [tilespmem:s5+$0x5AD0]  }
0x1b1: {  	[tilespmem:s5+$0x5A40] =	vst v3;
	v3 =	vmul.f32 v8, v14;
	v8 =	vld [tilespmem:s5+$0x5AE0]  }
0x1b2: {  	[tilespmem:s5+$0x5A80] =	vst v2;
	v2 =	vmul.f32 v12, v14;
	v10 =	vld [tilespmem:s5+$0x5AF0]  }
0x1b3: {  	[tilespmem:s5+$0x5A90] =	vst v3;
	v3 =	vld [tilespmem:s5+$0x5B00]  }
0x1b4: {  	[tilespmem:s5+$0x54D0] =	vst v11;
	v9 =	vmul.f32 v9, v14;
	v11 =	vld [tilespmem:s5+$0x5B10]  }
0x1b5: {  	[tilespmem:s5+$0x5A60] =	vst v5;
	v5 =	vmul.f32 v7, v14;
	v7 =	vld [tilespmem:s5+$0x5B20]  }
0x1b6: {  	[tilespmem:s5+$0x5AC0] =	vst v9;
	v8 =	vmul.f32 v8, v14;
	v9 =	vbroadcast v1, $0xD;
	v12 =	vld [tilespmem:s5+$0x5B30]  }
0x1b7: {  	[tilespmem:s5+$0x5AD0] =	vst v5;
	v5 =	vmul.f32 v10, v14;
	v10 =	vld [tilespmem:s5+$0x5B40]  }
0x1b8: {  	[tilespmem:s5+$0x5AE0] =	vst v8;
	v3 =	vmul.f32 v3, v9;
	v8 =	vld [tilespmem:s5+$0x5B50]  }
0x1b9: {  	[tilespmem:s5+$0x5AF0] =	vst v5;
	v5 =	vmul.f32 v11, v9;
	v11 =	vld [tilespmem:s5+$0x5B60]  }
0x1ba: {  	[tilespmem:s5+$0x5B00] =	vst v3;
	v3 =	vmul.f32 v7, v9;
	v7 =	vld [tilespmem:s5+$0x5B70]  }
0x1bb: {  	[tilespmem:s5+$0x5B10] =	vst v5;
	v5 =	vmul.f32 v12, v9;
	v12 =	vld [tilespmem:s5+$0x5B80]  }
0x1bc: {  	[tilespmem:s5+$0x5B20] =	vst v3;
	v3 =	vmul.f32 v10, v9;
	v10 =	vld [tilespmem:s5+$0x5B90]  }
0x1bd: {  	[tilespmem:s5+$0x5B30] =	vst v5;
	v5 =	vmul.f32 v8, v9;
	v8 =	vld [tilespmem:s5+$0x5BA0]  }
0x1be: {  	v1 =	vbroadcast v1, $0xE;
	[tilespmem:s5+$0x5A70] =	vst v6;
	v6 =	vmul.f32 v11, v9;
	v11 =	vld [tilespmem:s5+$0x5BB0]  }
0x1bf: {  	[tilespmem:s5+$0x5B50] =	vst v5;
	v5 =	vmul.f32 v7, v9;
	v7 =	vld [tilespmem:s5+$0x5BC0]  }
0x1c0: {  	[tilespmem:s5+$0x5B60] =	vst v6;
	v6 =	vmul.f32 v12, v1;
	v9 =	vld [tilespmem:s5+$0x5BD0]  }
0x1c1: {  	[tilespmem:s5+$0x5B70] =	vst v5;
	v5 =	vmul.f32 v10, v1;
	v10 =	vld [tilespmem:s5+$0x5BE0]  }
0x1c2: {  	[tilespmem:s5+$0x5B80] =	vst v6;
	v6 =	vmul.f32 v8, v1;
	v8 =	vld [tilespmem:s5+$0x5BF0]  }
0x1c3: {  	[tilespmem:s5+$0x5B90] =	vst v5;
	v5 =	vmul.f32 v11, v1;
	v11 =	vld [tilespmem:s5+$0x5C00]  }
0x1c4: {  	[tilespmem:s5+$0x5BA0] =	vst v6;
	v6 =	vmul.f32 v7, v1;
	v7 =	vld [tilespmem:s5+$0x5C10]  }
0x1c5: {  	[tilespmem:s5+$0x5BB0] =	vst v5;
	v5 =	vmul.f32 v9, v1;
	v9 =	vld [tilespmem:s5+$0x5C20]  }
0x1c6: {  	[tilespmem:s5+$0x5BC0] =	vst v6;
	v6 =	vmul.f32 v10, v1;
	v10 =	vld [tilespmem:s5+$0x5C30]  }
0x1c7: {  	[tilespmem:s5+$0x5B40] =	vst v3;
	v1 =	vmul.f32 v8, v1;
	v3 =	vld [tilespmem:s5+$0x5C40]  }
0x1c8: {  	[tilespmem:s5+$0x5BE0] =	vst v6;
	v6 =	vmul.f32 v11, v4;
	v8 =	vld [tilespmem:s5+$0x5C60]  }
0x1c9: {  	[tilespmem:s5+$0x5BF0] =	vst v1;
	v1 =	vmul.f32 v7, v4;
	v7 =	vld [tilespmem:s5+$0x5C70]  }
0x1ca: {  	[tilespmem:s5+$0x5C00] =	vst v6;
	v6 =	vmul.f32 v9, v4  }
0x1cb: {  	[tilespmem:s5+$0x5C10] =	vst v1;
	v1 =	vmul.f32 v10, v4  }
0x1cc: {  	v9 =	vmul.f32 v15, v14;
	[tilespmem:s5+$0x5C20] =	vst v6  }
0x1cd: {  	[tilespmem:s5+$0x5C30] =	vst v1;
	v1 =	vmul.f32 v3, v4  }
.Ltmp3:
0x1ce: {  	[tilespmem:s5+$0x5AB0] =	vst v9;
	v3 =	vmul.f32 v7, v4;
	(pc) =	sbr.rel @p1 .LBB2_7-.Ltmp3, $4  }
0x1cf: {  	[tilespmem:s5+$0x5C40] =	vst v1  }
0x1d0: {  	v1 =	vmul.f32 v8, v4;
	[tilespmem:s5+$0x5C70] =	vst v3  }
0x1d1: {  	[tilespmem:s5+$0x5BD0] =	vst v5  }
0x1d2: {  	[tilespmem:s5+$0x5C60] =	vst v1  }
0x1d3: {  	[tilespmem:s5+$0x5AA0] =	vst v2  }
0x1d4: {  	[spmem:s3] =	stream.indirect.scatter.add.f32 [tilespmem:s20], [sflag:$0x3], $0x80, s29, s21, $0xb8;
	[tilespmem:$0x1FD00] =	vst v63  }
0x1d5: {  	v1 =	vld [tilespmem:$0x200]  }
0x1d6: {  	v2 =	vld [tilespmem:$0x280];
	_ =	sdelay $0x5  }
0x1d7: {  	[tilespmem:$0x5400] =	vst v1  }
0x1d8: {  	v1 =	vld.idx.msk [tilespmem:v1+s17+$0x0], $0xffff  }
0x1d9: {  	v2 =	vld.idx.msk [tilespmem:v2+s19+$0x0], $0xffff;
	_ =	sdelay $0x4  }
0x1da: {  	v1 =	vadd.f32 v2, v1;
	_ =	sdelay $0x1  }
0x1db: {  	v1 =	vadd.f32 v1, v1;
	_ =	sdelay $0x1  }
0x1dc: {  	v1 =	vmul.f32 $1.442695020e+00, v1;
	_ =	sdelay $0x1  }
0x1dd: {  	(erf) = vpow2.f32 v1;
	_ =	sdelay $0x8  }
0x1de: {  	v1 =	vpop (erf)  }
0x1df: {  	v1 =	vadd.f32 $1.000000000e+00, v1;
	_ =	sdelay $0x1  }
0x1e0: {  	(erf) = vrcp.f32 v1;
	_ =	sdelay $0x7  }
0x1e1: {  	v3 =	vld [tilespmem:$0x210]  }
0x1e2: {  	v1 =	vld [tilespmem:$0x300];
	v2 =	vpop (erf)  }
0x1e3: {  	v4 =	vld [tilespmem:$0x290];
	v2 =	vadd.f32 v2, v2;
	_ =	sdelay $0x1  }
0x1e4: {  	v2 =	vsub.f32 $1.000000000e+00, v2;
	_ =	sdelay $0x1  }
0x1e5: {  	v1 =	vmul.f32 v2, v1  }
0x1e6: {  	[tilespmem:$0x5410] =	vst v3  }
0x1e7: {  	[tilespmem:$0x5300] =	vst v1  }
0x1e8: {  	v1 =	vld.idx.msk [tilespmem:v3+s17+$0x0], $0xffff  }
0x1e9: {  	v2 =	vld.idx.msk [tilespmem:v4+s19+$0x0], $0xffff;
	_ =	sdelay $0x4  }
0x1ea: {  	v1 =	vadd.f32 v2, v1;
	_ =	sdelay $0x1  }
0x1eb: {  	v1 =	vadd.f32 v1, v1;
	_ =	sdelay $0x1  }
0x1ec: {  	v1 =	vmul.f32 $1.442695020e+00, v1;
	_ =	sdelay $0x1  }
0x1ed: {  	(erf) = vpow2.f32 v1;
	_ =	sdelay $0x8  }
0x1ee: {  	v1 =	vpop (erf)  }
0x1ef: {  	v1 =	vadd.f32 $1.000000000e+00, v1;
	_ =	sdelay $0x1  }
0x1f0: {  	(erf) = vrcp.f32 v1;
	_ =	sdelay $0x7  }
0x1f1: {  	v3 =	vld [tilespmem:$0x220]  }
0x1f2: {  	v1 =	vld [tilespmem:$0x310];
	v2 =	vpop (erf)  }
0x1f3: {  	v16 =	vld [tilespmem:$0x2A0];
	v2 =	vadd.f32 v2, v2;
	_ =	sdelay $0x1  }
0x1f4: {  	v2 =	vsub.f32 $1.000000000e+00, v2;
	_ =	sdelay $0x1  }
0x1f5: {  	v1 =	vmul.f32 v2, v1  }
0x1f6: {  	[tilespmem:$0x5420] =	vst v3  }
0x1f7: {  	[tilespmem:$0x5310] =	vst v1  }
0x1f8: {  	v1 =	vld.idx.msk [tilespmem:v3+s17+$0x0], $0xffff  }
0x1f9: {  	v2 =	vld.idx.msk [tilespmem:v16+s19+$0x0], $0xffff;
	_ =	sdelay $0x4  }
0x1fa: {  	v1 =	vadd.f32 v2, v1;
	_ =	sdelay $0x1  }
0x1fb: {  	v1 =	vadd.f32 v1, v1;
	_ =	sdelay $0x1  }
0x1fc: {  	v1 =	vmul.f32 $1.442695020e+00, v1;
	_ =	sdelay $0x1  }
0x1fd: {  	(erf) = vpow2.f32 v1;
	_ =	sdelay $0x8  }
0x1fe: {  	v1 =	vpop (erf)  }
0x1ff: {  	v1 =	vadd.f32 $1.000000000e+00, v1;
	_ =	sdelay $0x1  }
0x200: {  	(erf) = vrcp.f32 v1;
	_ =	sdelay $0x7  }
0x201: {  	v3 =	vld [tilespmem:$0x230]  }
0x202: {  	v1 =	vld [tilespmem:$0x320];
	v2 =	vpop (erf)  }
0x203: {  	v17 =	vld [tilespmem:$0x2B0];
	v2 =	vadd.f32 v2, v2;
	_ =	sdelay $0x1  }
0x204: {  	v2 =	vsub.f32 $1.000000000e+00, v2;
	_ =	sdelay $0x1  }
0x205: {  	v1 =	vmul.f32 v2, v1  }
0x206: {  	[tilespmem:$0x5430] =	vst v3  }
0x207: {  	[tilespmem:$0x5320] =	vst v1  }
0x208: {  	v1 =	vld.idx.msk [tilespmem:v3+s17+$0x0], $0xffff  }
0x209: {  	v2 =	vld.idx.msk [tilespmem:v17+s19+$0x0], $0xffff;
	_ =	sdelay $0x4  }
0x20a: {  	v1 =	vadd.f32 v2, v1;
	_ =	sdelay $0x1  }
0x20b: {  	v1 =	vadd.f32 v1, v1;
	_ =	sdelay $0x1  }
0x20c: {  	v1 =	vmul.f32 $1.442695020e+00, v1;
	_ =	sdelay $0x1  }
0x20d: {  	(erf) = vpow2.f32 v1;
	_ =	sdelay $0x8  }
0x20e: {  	v1 =	vpop (erf)  }
0x20f: {  	v1 =	vadd.f32 $1.000000000e+00, v1;
	_ =	sdelay $0x1  }
0x210: {  	(erf) = vrcp.f32 v1;
	_ =	sdelay $0x7  }
0x211: {  	v3 =	vld [tilespmem:$0x240]  }
0x212: {  	v1 =	vld [tilespmem:$0x330];
	v2 =	vpop (erf)  }
0x213: {  	v18 =	vld [tilespmem:$0x2C0];
	v2 =	vadd.f32 v2, v2;
	_ =	sdelay $0x1  }
0x214: {  	v2 =	vsub.f32 $1.000000000e+00, v2;
	_ =	sdelay $0x1  }
0x215: {  	v1 =	vmul.f32 v2, v1  }
0x216: {  	[tilespmem:$0x5440] =	vst v3  }
0x217: {  	[tilespmem:$0x5330] =	vst v1  }
0x218: {  	v1 =	vld.idx.msk [tilespmem:v3+s17+$0x0], $0xffff  }
0x219: {  	v2 =	vld.idx.msk [tilespmem:v18+s19+$0x0], $0xffff;
	_ =	sdelay $0x4  }
0x21a: {  	v1 =	vadd.f32 v2, v1;
	_ =	sdelay $0x1  }
0x21b: {  	v1 =	vadd.f32 v1, v1;
	_ =	sdelay $0x1  }
0x21c: {  	v1 =	vmul.f32 $1.442695020e+00, v1;
	_ =	sdelay $0x1  }
0x21d: {  	(erf) = vpow2.f32 v1;
	_ =	sdelay $0x8  }
0x21e: {  	v1 =	vpop (erf)  }
0x21f: {  	v1 =	vadd.f32 $1.000000000e+00, v1;
	_ =	sdelay $0x1  }
0x220: {  	(erf) = vrcp.f32 v1;
	_ =	sdelay $0x7  }
0x221: {  	v3 =	vld [tilespmem:$0x250]  }
0x222: {  	v1 =	vld [tilespmem:$0x340];
	v2 =	vpop (erf)  }
0x223: {  	v19 =	vld [tilespmem:$0x2D0];
	v2 =	vadd.f32 v2, v2;
	_ =	sdelay $0x1  }
0x224: {  	v2 =	vsub.f32 $1.000000000e+00, v2;
	_ =	sdelay $0x1  }
0x225: {  	v1 =	vmul.f32 v2, v1  }
0x226: {  	[tilespmem:$0x5450] =	vst v3  }
0x227: {  	[tilespmem:$0x5340] =	vst v1  }
0x228: {  	v1 =	vld.idx.msk [tilespmem:v3+s17+$0x0], $0xffff  }
0x229: {  	v2 =	vld.idx.msk [tilespmem:v19+s19+$0x0], $0xffff;
	_ =	sdelay $0x4  }
0x22a: {  	v1 =	vadd.f32 v2, v1;
	_ =	sdelay $0x1  }
0x22b: {  	v1 =	vadd.f32 v1, v1;
	_ =	sdelay $0x1  }
0x22c: {  	v1 =	vmul.f32 $1.442695020e+00, v1;
	_ =	sdelay $0x1  }
0x22d: {  	(erf) = vpow2.f32 v1;
	_ =	sdelay $0x8  }
0x22e: {  	v1 =	vpop (erf)  }
0x22f: {  	v1 =	vadd.f32 $1.000000000e+00, v1;
	_ =	sdelay $0x1  }
0x230: {  	(erf) = vrcp.f32 v1;
	_ =	sdelay $0x7  }
0x231: {  	v3 =	vld [tilespmem:$0x260]  }
0x232: {  	v1 =	vld [tilespmem:$0x350];
	v2 =	vpop (erf)  }
0x233: {  	v20 =	vld [tilespmem:$0x2E0];
	v2 =	vadd.f32 v2, v2;
	_ =	sdelay $0x1  }
0x234: {  	v2 =	vsub.f32 $1.000000000e+00, v2;
	_ =	sdelay $0x1  }
0x235: {  	v1 =	vmul.f32 v2, v1  }
0x236: {  	[tilespmem:$0x5460] =	vst v3  }
0x237: {  	[tilespmem:$0x5350] =	vst v1  }
0x238: {  	v1 =	vld.idx.msk [tilespmem:v3+s17+$0x0], $0xffff  }
0x239: {  	v2 =	vld.idx.msk [tilespmem:v20+s19+$0x0], $0xffff;
	_ =	sdelay $0x4  }
0x23a: {  	v1 =	vadd.f32 v2, v1;
	_ =	sdelay $0x1  }
0x23b: {  	v1 =	vadd.f32 v1, v1;
	_ =	sdelay $0x1  }
0x23c: {  	v1 =	vmul.f32 $1.442695020e+00, v1;
	_ =	sdelay $0x1  }
0x23d: {  	(erf) = vpow2.f32 v1;
	_ =	sdelay $0x8  }
0x23e: {  	v1 =	vpop (erf)  }
0x23f: {  	v1 =	vadd.f32 $1.000000000e+00, v1;
	_ =	sdelay $0x1  }
0x240: {  	(erf) = vrcp.f32 v1;
	_ =	sdelay $0x8  }
0x241: {  	v1 =	vld [tilespmem:$0x360];
	v2 =	vpop (erf)  }
0x242: {  	v2 =	vadd.f32 v2, v2;
	_ =	sdelay $0x1  }
0x243: {  	v2 =	vsub.f32 $1.000000000e+00, v2;
	_ =	sdelay $0x1  }
0x244: {  	v1 =	vmul.f32 v2, v1  }
0x245: {  	p1 =	sne.s32 s22, $0x2C  }
0x246: {  	s4 =	simm.s32 @p1 $0x3;
	[tilespmem:$0x5360] =	vst v1  }
0x247: {  	_ =	swait.ge @p1 [sflag:s4], $0x3800  }
0x248: {  	[sflag:s4] =	ssyncset.done @p1 $0x0  }
0x249: {  	[sflag:s4] =	ssyncadd.s32 @p1 $0xFFFFC800;
	s4 =	simm.s32 @p1 $0x5  }
0x24a: {  	_ =	swait.ge @p1 [sflag:s4], $0x180  }
0x24b: {  	s5 =	simm.s32 @p1 $0x80;
	[sflag:s4] =	ssyncset.done @p1 $0x0  }
0x24c: {  	s6 =	simm.s32 @p1 $0x5480;
	[sflag:s4] =	ssyncadd.s32 @p1 $0xFFFFFE80;
	s4 =	simm.s32 @p1 $0x70  }
0x24d: {  	[tilespmem:s6], [sflag:$0x1] =	stream.indirect.gather @p1 [hbm4b:s1+s4], $0x80, s5, s4, $0xb8;
	[tilespmem:$0x1FD00] =	vst v63  }
0x24e: {  	s4 =	simm.s32 @p1 $0x2  }
0x24f: {  	_ =	swait.ge @p1 [sflag:s4], $0x3800  }
0x250: {  	s5 =	sadd.s32 @p1 s23, s13;
	[sflag:s4] =	ssyncset.done @p1 $0x0  }
0x251: {  	[sflag:s4] =	ssyncadd.s32 @p1 $0xFFFFC800;
	s4 =	sshrl.u32 @p1 s5, $0x3  }
0x252: {  	s6 =	simm.s32 @p1 $0x200;
	s5 =	simm.s32 @p1 $0x0;
	s4 =	sadd.s32 @p1 s7, s4  }
0x253: {  	[tilespmem:s6], [sflag:$0x6] =	stream.linear.gather @p1 [hbm4b:s4+s5], $0x180, $0x38;
	[tilespmem:$0x1FD00] =	vst v63  }
0x254: {  	s4 =	simm.s32 @!p1 $0x2  }
0x255: {  	_ =	swait.ge @!p1 [sflag:s4], $0x3800  }
0x256: {  	s6 =	simm.s32 $0x0;
	[sflag:s4] =	ssyncset.done @!p1 $0x0  }
0x257: {  	s11 =	sand.u32 $0x3FFFFFF0, s6;
	[sflag:s4] =	ssyncadd.s32 @!p1 $0xFFFFC800  }
0x258: {  	s23 =	simm.s32 $0x0;
	v1 =	vld [tilespmem:s11+$0x5300]  }
0x259: {  	s5 =	sand.u32 $0x3FFFF800, s23  }
0x25a: {  	v3 =	vld [tilespmem:s5+$0x8CA0]  }
0x25b: {  	v21 =	vld [tilespmem:s5+$0x8CB0]  }
0x25c: {  	v10 =	vld [tilespmem:s5+$0x8CE0]  }
0x25d: {  	v11 =	vld [tilespmem:s5+$0x8CF0];
	v2 =	vbroadcast v1, $0x0  }
0x25e: {  	v12 =	vld [tilespmem:s5+$0x8D00]  }
0x25f: {  	v13 =	vld [tilespmem:s5+$0x8D10];
	v3 =	vmul.f32 v3, v2  }
0x260: {  	v14 =	vld [tilespmem:s5+$0x8D20];
	v4 =	vmul.f32 v21, v2  }
0x261: {  	v9 =	vld [tilespmem:s5+$0x8D30];
	v23 =	vbroadcast v1, $0x1;
	v22 =	vmul.f32 v10, v2;
	[tilespmem:s5+$0x8CA0] =	vst v3  }
0x262: {  	v7 =	vld [tilespmem:s5+$0x8D40];
	v11 =	vmul.f32 v11, v2;
	[tilespmem:s5+$0x8CB0] =	vst v4  }
0x263: {  	v8 =	vld [tilespmem:s5+$0x8D50];
	v12 =	vmul.f32 v12, v23;
	[tilespmem:s5+$0x8CE0] =	vst v22  }
0x264: {  	v25 =	vld [tilespmem:s5+$0x8D70];
	v13 =	vmul.f32 v13, v23;
	[tilespmem:s5+$0x8CF0] =	vst v11  }
0x265: {  	v26 =	vld [tilespmem:s5+$0x8D80];
	v14 =	vmul.f32 v14, v23;
	[tilespmem:s5+$0x8D00] =	vst v12  }
0x266: {  	v27 =	vld [tilespmem:s5+$0x8D90];
	v9 =	vmul.f32 v9, v23;
	[tilespmem:s5+$0x8D10] =	vst v13  }
0x267: {  	v6 =	vld [tilespmem:s5+$0x91F0];
	v7 =	vmul.f32 v7, v23;
	[tilespmem:s5+$0x8D20] =	vst v14  }
0x268: {  	v24 =	vld [tilespmem:s5+$0x8D60];
	v15 =	vbroadcast v1, $0x2;
	v8 =	vmul.f32 v8, v23;
	[tilespmem:s5+$0x8D30] =	vst v9  }
0x269: {  	v28 =	vld [tilespmem:s5+$0x8DA0];
	v10 =	vmul.f32 v25, v23;
	[tilespmem:s5+$0x8D40] =	vst v7  }
0x26a: {  	v29 =	vld [tilespmem:s5+$0x8DB0];
	v5 =	vbroadcast v1, $0xA;
	v32 =	vmul.f32 v26, v15;
	[tilespmem:s5+$0x8D50] =	vst v8  }
0x26b: {  	v30 =	vld [tilespmem:s5+$0x8DC0];
	v34 =	vmul.f32 v27, v15;
	[tilespmem:s5+$0x8D70] =	vst v10  }
0x26c: {  	v33 =	vld [tilespmem:s5+$0x8DE0];
	v3 =	vmul.f32 v6, v5;
	[tilespmem:s5+$0x8D80] =	vst v32  }
0x26d: {  	v35 =	vld [tilespmem:s5+$0x8DF0];
	v11 =	vmul.f32 v24, v23;
	[tilespmem:s5+$0x8D90] =	vst v34  }
0x26e: {  	v36 =	vld [tilespmem:s5+$0x8E00];
	v9 =	vmul.f32 v28, v15;
	[tilespmem:s5+$0x91F0] =	vst v3  }
0x26f: {  	v31 =	vld [tilespmem:s5+$0x8DD0];
	v7 =	vmul.f32 v29, v15;
	[tilespmem:s5+$0x8D60] =	vst v11  }
0x270: {  	v37 =	vld [tilespmem:s5+$0x8E10];
	v8 =	vmul.f32 v30, v15;
	[tilespmem:s5+$0x8DA0] =	vst v9  }
0x271: {  	v38 =	vld [tilespmem:s5+$0x8E20];
	v41 =	vbroadcast v1, $0x3;
	v10 =	vmul.f32 v33, v15;
	[tilespmem:s5+$0x8DB0] =	vst v7  }
0x272: {  	v39 =	vld [tilespmem:s5+$0x8E30];
	v12 =	vmul.f32 v35, v15;
	[tilespmem:s5+$0x8DC0] =	vst v8  }
0x273: {  	v42 =	vld [tilespmem:s5+$0x8E50];
	v13 =	vmul.f32 v36, v41;
	[tilespmem:s5+$0x8DE0] =	vst v10  }
0x274: {  	v43 =	vld [tilespmem:s5+$0x8E60];
	v11 =	vmul.f32 v31, v15;
	[tilespmem:s5+$0x8DF0] =	vst v12  }
0x275: {  	v44 =	vld [tilespmem:s5+$0x8E70];
	v9 =	vmul.f32 v37, v41;
	[tilespmem:s5+$0x8E00] =	vst v13  }
0x276: {  	v40 =	vld [tilespmem:s5+$0x8E40];
	v7 =	vmul.f32 v38, v41;
	[tilespmem:s5+$0x8DD0] =	vst v11  }
0x277: {  	v45 =	vld [tilespmem:s5+$0x8E80];
	v8 =	vmul.f32 v39, v41;
	[tilespmem:s5+$0x8E10] =	vst v9  }
0x278: {  	v46 =	vld [tilespmem:s5+$0x8E90];
	v10 =	vmul.f32 v42, v41;
	[tilespmem:s5+$0x8E20] =	vst v7  }
0x279: {  	v47 =	vld [tilespmem:s5+$0x8EA0];
	v12 =	vmul.f32 v43, v41;
	[tilespmem:s5+$0x8E30] =	vst v8  }
0x27a: {  	v49 =	vld [tilespmem:s5+$0x8EC0];
	v50 =	vbroadcast v1, $0x4;
	v13 =	vmul.f32 v44, v41;
	[tilespmem:s5+$0x8E50] =	vst v10  }
0x27b: {  	v51 =	vld [tilespmem:s5+$0x8ED0];
	v11 =	vmul.f32 v40, v41;
	[tilespmem:s5+$0x8E60] =	vst v12  }
0x27c: {  	v52 =	vld [tilespmem:s5+$0x8EE0];
	v9 =	vmul.f32 v45, v50;
	[tilespmem:s5+$0x8E70] =	vst v13  }
0x27d: {  	v48 =	vld [tilespmem:s5+$0x8EB0];
	v7 =	vmul.f32 v46, v50;
	[tilespmem:s5+$0x8E40] =	vst v11  }
0x27e: {  	v53 =	vld [tilespmem:s5+$0x8EF0];
	v8 =	vmul.f32 v47, v50;
	[tilespmem:s5+$0x8E80] =	vst v9  }
0x27f: {  	v54 =	vld [tilespmem:s5+$0x8F00];
	v10 =	vmul.f32 v49, v50;
	[tilespmem:s5+$0x8E90] =	vst v7  }
0x280: {  	v55 =	vld [tilespmem:s5+$0x8F10];
	v12 =	vmul.f32 v51, v50;
	[tilespmem:s5+$0x8EA0] =	vst v8  }
0x281: {  	v57 =	vld [tilespmem:s5+$0x8F30];
	v13 =	vmul.f32 v52, v50;
	[tilespmem:s5+$0x8EC0] =	vst v10  }
0x282: {  	v58 =	vld [tilespmem:s5+$0x8F40];
	v59 =	vbroadcast v1, $0x5;
	v11 =	vmul.f32 v48, v50;
	[tilespmem:s5+$0x8ED0] =	vst v12  }
0x283: {  	v60 =	vld [tilespmem:s5+$0x8F50];
	v9 =	vmul.f32 v53, v50;
	[tilespmem:s5+$0x8EE0] =	vst v13  }
0x284: {  	v56 =	vld [tilespmem:s5+$0x8F20];
	v7 =	vmul.f32 v54, v59;
	[tilespmem:s5+$0x8EB0] =	vst v11  }
0x285: {  	v61 =	vld [tilespmem:s5+$0x8F60];
	v8 =	vmul.f32 v55, v59;
	[tilespmem:s5+$0x8EF0] =	vst v9  }
0x286: {  	v62 =	vld [tilespmem:s5+$0x8F70];
	v10 =	vmul.f32 v57, v59;
	[tilespmem:s5+$0x8F00] =	vst v7  }
0x287: {  	v63 =	vld [tilespmem:s5+$0x8F80];
	v12 =	vmul.f32 v58, v59;
	[tilespmem:s5+$0x8F10] =	vst v8  }
0x288: {  	v19 =	vld [tilespmem:s5+$0x8FA0];
	v13 =	vmul.f32 v60, v59;
	[tilespmem:s5+$0x8F30] =	vst v10  }
0x289: {  	v20 =	vld [tilespmem:s5+$0x8FB0];
	v11 =	vmul.f32 v56, v59;
	[tilespmem:s5+$0x8F40] =	vst v12  }
0x28a: {  	v21 =	vld [tilespmem:s5+$0x8FC0];
	v22 =	vbroadcast v1, $0x6;
	v9 =	vmul.f32 v61, v59;
	[tilespmem:s5+$0x8F50] =	vst v13  }
0x28b: {  	v18 =	vld [tilespmem:s5+$0x8F90];
	v7 =	vmul.f32 v62, v59;
	[tilespmem:s5+$0x8F20] =	vst v11  }
0x28c: {  	v23 =	vld [tilespmem:s5+$0x8FD0];
	v8 =	vmul.f32 v63, v22;
	[tilespmem:s5+$0x8F60] =	vst v9  }
0x28d: {  	v24 =	vld [tilespmem:s5+$0x8FE0];
	v10 =	vmul.f32 v19, v22;
	[tilespmem:s5+$0x8F70] =	vst v7  }
0x28e: {  	v25 =	vld [tilespmem:s5+$0x8FF0];
	v12 =	vmul.f32 v20, v22;
	[tilespmem:s5+$0x8F80] =	vst v8  }
0x28f: {  	v27 =	vld [tilespmem:s5+$0x9010];
	v13 =	vmul.f32 v21, v22;
	[tilespmem:s5+$0x8FA0] =	vst v10  }
0x290: {  	v28 =	vld [tilespmem:s5+$0x9020];
	v11 =	vmul.f32 v18, v22;
	[tilespmem:s5+$0x8FB0] =	vst v12  }
0x291: {  	v29 =	vld [tilespmem:s5+$0x9030];
	v9 =	vmul.f32 v23, v22;
	[tilespmem:s5+$0x8FC0] =	vst v13  }
0x292: {  	v31 =	vbroadcast v1, $0x7;
	v53 =	vld [tilespmem:s5+$0x9180];
	v7 =	vmul.f32 v24, v22;
	[tilespmem:s5+$0x8F90] =	vst v11  }
0x293: {  	v57 =	vld [tilespmem:s5+$0x91C0];
	v8 =	vmul.f32 v25, v22;
	[tilespmem:s5+$0x8FD0] =	vst v9  }
0x294: {  	v58 =	vld [tilespmem:s5+$0x91D0];
	v10 =	vmul.f32 v27, v31;
	[tilespmem:s5+$0x8FE0] =	vst v7  }
0x295: {  	v26 =	vld [tilespmem:s5+$0x9000];
	v12 =	vmul.f32 v28, v31;
	[tilespmem:s5+$0x8FF0] =	vst v8  }
0x296: {  	v30 =	vld [tilespmem:s5+$0x9040];
	v13 =	vmul.f32 v29, v31;
	[tilespmem:s5+$0x9010] =	vst v10  }
0x297: {  	v32 =	vld [tilespmem:s5+$0x9050];
	v59 =	vmul.f32 v53, v5;
	[tilespmem:s5+$0x9020] =	vst v12  }
0x298: {  	v33 =	vld [tilespmem:s5+$0x9060];
	v18 =	vmul.f32 v57, v5;
	[tilespmem:s5+$0x9030] =	vst v13  }
0x299: {  	v35 =	vld [tilespmem:s5+$0x9080];
	v20 =	vmul.f32 v58, v5;
	[tilespmem:s5+$0x9180] =	vst v59  }
0x29a: {  	v36 =	vld [tilespmem:s5+$0x9090];
	v11 =	vmul.f32 v26, v31;
	[tilespmem:s5+$0x91C0] =	vst v18  }
0x29b: {  	v37 =	vld [tilespmem:s5+$0x90A0];
	v9 =	vmul.f32 v30, v31;
	[tilespmem:s5+$0x91D0] =	vst v20  }
0x29c: {  	v4 =	vld [tilespmem:s5+$0x9200];
	v40 =	vbroadcast v1, $0x8;
	v7 =	vmul.f32 v32, v31;
	[tilespmem:s5+$0x9000] =	vst v11  }
0x29d: {  	v6 =	vld [tilespmem:s5+$0x9210];
	v8 =	vmul.f32 v33, v31;
	[tilespmem:s5+$0x9040] =	vst v9  }
0x29e: {  	v3 =	vld [tilespmem:s5+$0x9450];
	v10 =	vmul.f32 v35, v40;
	[tilespmem:s5+$0x9050] =	vst v7  }
0x29f: {  	v61 =	vld [tilespmem:s5+$0x8C80];
	v23 =	vbroadcast v1, $0xB;
	v12 =	vmul.f32 v36, v40;
	[tilespmem:s5+$0x9060] =	vst v8  }
0x2a0: {  	v34 =	vld [tilespmem:s5+$0x9070];
	v13 =	vmul.f32 v37, v40;
	[tilespmem:s5+$0x9080] =	vst v10  }
0x2a1: {  	v38 =	vld [tilespmem:s5+$0x90B0];
	v27 =	vbroadcast v1, $0xF;
	v4 =	vmul.f32 v4, v23;
	[tilespmem:s5+$0x9090] =	vst v12  }
0x2a2: {  	v39 =	vld [tilespmem:s5+$0x90C0];
	v6 =	vmul.f32 v6, v23;
	[tilespmem:s5+$0x90A0] =	vst v13  }
0x2a3: {  	v41 =	vld [tilespmem:s5+$0x90D0];
	v3 =	vmul.f32 v3, v27;
	[tilespmem:s5+$0x9200] =	vst v4  }
0x2a4: {  	v43 =	vld [tilespmem:s5+$0x90F0];
	v24 =	vmul.f32 v2, v61;
	[tilespmem:s5+$0x9210] =	vst v6  }
0x2a5: {  	v44 =	vld [tilespmem:s5+$0x9100];
	v11 =	vmul.f32 v34, v31;
	[tilespmem:s5+$0x9450] =	vst v3  }
0x2a6: {  	v45 =	vld [tilespmem:s5+$0x9110];
	v9 =	vmul.f32 v38, v40;
	[tilespmem:s5+$0x8C80] =	vst v24  }
0x2a7: {  	v63 =	vld [tilespmem:s5+$0x8CC0];
	v7 =	vmul.f32 v39, v40;
	[tilespmem:s5+$0x9070] =	vst v11  }
0x2a8: {  	v49 =	vbroadcast v1, $0x9;
	v29 =	vld [tilespmem:s5+$0x9270];
	v8 =	vmul.f32 v41, v40;
	[tilespmem:s5+$0x90B0] =	vst v9  }
0x2a9: {  	v42 =	vld [tilespmem:s5+$0x90E0];
	v10 =	vmul.f32 v43, v40;
	[tilespmem:s5+$0x90C0] =	vst v7  }
0x2aa: {  	v46 =	vld [tilespmem:s5+$0x9120];
	v12 =	vmul.f32 v44, v49;
	[tilespmem:s5+$0x90D0] =	vst v8  }
0x2ab: {  	v47 =	vld [tilespmem:s5+$0x9130];
	v13 =	vmul.f32 v45, v49;
	[tilespmem:s5+$0x90F0] =	vst v10  }
0x2ac: {  	v48 =	vld [tilespmem:s5+$0x9140];
	v3 =	vmul.f32 v63, v2;
	[tilespmem:s5+$0x9100] =	vst v12  }
0x2ad: {  	v51 =	vld [tilespmem:s5+$0x9160];
	v6 =	vmul.f32 v29, v23;
	[tilespmem:s5+$0x9110] =	vst v13  }
0x2ae: {  	v52 =	vld [tilespmem:s5+$0x9170];
	v11 =	vmul.f32 v42, v40;
	[tilespmem:s5+$0x8CC0] =	vst v3  }
0x2af: {  	v28 =	vld [tilespmem:s5+$0x9260];
	v9 =	vmul.f32 v46, v49;
	[tilespmem:s5+$0x9270] =	vst v6  }
0x2b0: {  	v26 =	vld [tilespmem:s5+$0x9250];
	v7 =	vmul.f32 v47, v49;
	[tilespmem:s5+$0x90E0] =	vst v11  }
0x2b1: {  	v30 =	vld [tilespmem:s5+$0x9280];
	v8 =	vmul.f32 v48, v49;
	[tilespmem:s5+$0x9120] =	vst v9  }
0x2b2: {  	v50 =	vld [tilespmem:s5+$0x9150];
	v10 =	vmul.f32 v51, v49;
	[tilespmem:s5+$0x9130] =	vst v7  }
0x2b3: {  	v54 =	vld [tilespmem:s5+$0x9190];
	v12 =	vmul.f32 v52, v49;
	[tilespmem:s5+$0x9140] =	vst v8  }
0x2b4: {  	v55 =	vld [tilespmem:s5+$0x91A0];
	v35 =	vbroadcast v1, $0xC;
	v40 =	vmul.f32 v28, v23;
	[tilespmem:s5+$0x9160] =	vst v10  }
0x2b5: {  	v56 =	vld [tilespmem:s5+$0x91B0];
	v32 =	vmul.f32 v26, v23;
	[tilespmem:s5+$0x9170] =	vst v12  }
0x2b6: {  	v60 =	vld [tilespmem:s5+$0x91E0];
	v15 =	vmul.f32 v30, v35;
	[tilespmem:s5+$0x9260] =	vst v40  }
0x2b7: {  	v62 =	vld [tilespmem:s5+$0x8C90];
	v11 =	vmul.f32 v50, v49;
	[tilespmem:s5+$0x9250] =	vst v32  }
0x2b8: {  	v19 =	vld [tilespmem:s5+$0x8CD0];
	v9 =	vmul.f32 v54, v5;
	[tilespmem:s5+$0x9280] =	vst v15  }
0x2b9: {  	v33 =	vld [tilespmem:s5+$0x92B0];
	v7 =	vmul.f32 v55, v5;
	[tilespmem:s5+$0x9150] =	vst v11  }
0x2ba: {  	v61 =	vld [tilespmem:s5+$0x9470];
	v8 =	vmul.f32 v56, v5;
	[tilespmem:s5+$0x9190] =	vst v9  }
0x2bb: {  	v38 =	vld [tilespmem:s5+$0x92F0];
	v5 =	vmul.f32 v60, v5;
	[tilespmem:s5+$0x91A0] =	vst v7  }
0x2bc: {  	v21 =	vld [tilespmem:s5+$0x9220];
	v12 =	vmul.f32 v62, v2;
	[tilespmem:s5+$0x91B0] =	vst v8  }
0x2bd: {  	v22 =	vld [tilespmem:s5+$0x9230];
	v2 =	vmul.f32 v19, v2;
	[tilespmem:s5+$0x91E0] =	vst v5  }
0x2be: {  	v25 =	vld [tilespmem:s5+$0x9240];
	v62 =	vmul.f32 v33, v35;
	[tilespmem:s5+$0x8C90] =	vst v12  }
0x2bf: {  	v31 =	vld [tilespmem:s5+$0x9290];
	v63 =	vmul.f32 v61, v27;
	[tilespmem:s5+$0x8CD0] =	vst v2  }
0x2c0: {  	v34 =	vld [tilespmem:s5+$0x92C0];
	v15 =	vmul.f32 v38, v35;
	[tilespmem:s5+$0x92B0] =	vst v62  }
0x2c1: {  	v41 =	vld [tilespmem:s5+$0x9320];
	v7 =	vmul.f32 v21, v23;
	[tilespmem:s5+$0x9470] =	vst v63  }
0x2c2: {  	v46 =	vld [tilespmem:s5+$0x9360];
	v8 =	vmul.f32 v22, v23;
	[tilespmem:s5+$0x92F0] =	vst v15  }
0x2c3: {  	v36 =	vld [tilespmem:s5+$0x92D0];
	v5 =	vmul.f32 v25, v23;
	[tilespmem:s5+$0x9220] =	vst v7  }
0x2c4: {  	v44 =	vbroadcast v1, $0xD;
	v9 =	vmul.f32 v31, v35;
	v2 =	vld [tilespmem:s5+$0x9310];
	[tilespmem:s5+$0x9230] =	vst v8  }
0x2c5: {  	v37 =	vld [tilespmem:s5+$0x92E0];
	v12 =	vmul.f32 v34, v35;
	[tilespmem:s5+$0x9240] =	vst v5  }
0x2c6: {  	v39 =	vld [tilespmem:s5+$0x9300];
	v11 =	vmul.f32 v41, v44;
	[tilespmem:s5+$0x9290] =	vst v9  }
0x2c7: {  	v42 =	vld [tilespmem:s5+$0x9330];
	v51 =	vmul.f32 v46, v44;
	[tilespmem:s5+$0x92C0] =	vst v12  }
0x2c8: {  	v48 =	vld [tilespmem:s5+$0x9390];
	v8 =	vmul.f32 v36, v35;
	[tilespmem:s5+$0x9320] =	vst v11  }
0x2c9: {  	v49 =	vld [tilespmem:s5+$0x93A0];
	[tilespmem:s5+$0x9360] =	vst v51;
	v2 =	vmul.f32 v2, v44  }
0x2ca: {  	v50 =	vld [tilespmem:s5+$0x93B0];
	v5 =	vmul.f32 v37, v35;
	[tilespmem:s5+$0x92D0] =	vst v8  }
0x2cb: {  	v1 =	vbroadcast v1, $0xE;
	v9 =	vmul.f32 v39, v44;
	[tilespmem:s5+$0x9310] =	vst v2;
	v2 =	vld [tilespmem:s5+$0x9380]  }
0x2cc: {  	v60 =	vld [tilespmem:s5+$0x9460];
	v12 =	vmul.f32 v42, v44;
	[tilespmem:s5+$0x92E0] =	vst v5  }
0x2cd: {  	v45 =	vld [tilespmem:s5+$0x9350];
	v11 =	vmul.f32 v48, v1;
	[tilespmem:s5+$0x9300] =	vst v9  }
0x2ce: {  	v47 =	vld [tilespmem:s5+$0x9370];
	v10 =	vmul.f32 v49, v1;
	[tilespmem:s5+$0x9330] =	vst v12  }
0x2cf: {  	v43 =	vld [tilespmem:s5+$0x9340];
	v6 =	vmul.f32 v50, v1;
	[tilespmem:s5+$0x9390] =	vst v11  }
0x2d0: {  	v55 =	vld [tilespmem:s5+$0x9400];
	[tilespmem:s5+$0x93A0] =	vst v10;
	v2 =	vmul.f32 v2, v1  }
0x2d1: {  	v57 =	vld [tilespmem:s5+$0x9420];
	v4 =	vmul.f32 v60, v27;
	[tilespmem:s5+$0x93B0] =	vst v6  }
0x2d2: {  	v5 =	vmul.f32 v45, v44;
	[tilespmem:s5+$0x9380] =	vst v2;
	v2 =	vld [tilespmem:s5+$0x93F0]  }
0x2d3: {  	v52 =	vld [tilespmem:s5+$0x93C0];
	v9 =	vmul.f32 v47, v44;
	[tilespmem:s5+$0x9460] =	vst v4  }
0x2d4: {  	v56 =	vld [tilespmem:s5+$0x9410];
	v8 =	vmul.f32 v43, v44;
	[tilespmem:s5+$0x9350] =	vst v5  }
0x2d5: {  	v54 =	vld [tilespmem:s5+$0x93E0];
	v11 =	vmul.f32 v55, v27;
	[tilespmem:s5+$0x9370] =	vst v9  }
0x2d6: {  	v58 =	vld [tilespmem:s5+$0x9430];
	v6 =	vmul.f32 v57, v27;
	[tilespmem:s5+$0x9340] =	vst v8  }
0x2d7: {  	v53 =	vld [tilespmem:s5+$0x93D0];
	[tilespmem:s5+$0x9400] =	vst v11;
	v2 =	vmul.f32 v2, v1  }
0x2d8: {  	v59 =	vld [tilespmem:s5+$0x9440];
	v5 =	vmul.f32 v52, v1;
	[tilespmem:s5+$0x9420] =	vst v6  }
0x2d9: {  	[tilespmem:s5+$0x93F0] =	vst v2;
	v2 =	vmul.f32 v56, v27  }
0x2da: {  	v3 =	vld [tilespmem:s5+$0x92A0];
	v9 =	vmul.f32 v54, v1;
	[tilespmem:s5+$0x93C0] =	vst v5  }
0x2db: {  	[tilespmem:s5+$0x9410] =	vst v2;
	v2 =	vmul.f32 v58, v27  }
0x2dc: {  	[tilespmem:s5+$0x93E0] =	vst v9;
	v1 =	vmul.f32 v53, v1  }
0x2dd: {  	[tilespmem:s5+$0x9430] =	vst v2;
	v2 =	vmul.f32 v59, v27  }
0x2de: {  	[tilespmem:s5+$0x93D0] =	vst v1  }
0x2df: {  	s4 =	simm.s32 $0x1;
	[tilespmem:s5+$0x9440] =	vst v2;
	v2 =	vmul.f32 v3, v35  }
.LBB2_9:
0x2e0: {  	s6 =	sshll.u32 s4, $0x4  }
0x2e1: {  	p1 =	sne.s32 s4, $0x6;
	[tilespmem:s5+$0x92A0] =	vst v2;
	s5 =	smov.u32 s4;
	s4 =	sadd.s32 $0x1, s4  }
0x2e2: {  	s6 =	sand.u32 $0x3FFFFFF0, s6  }
0x2e3: {  	s5 =	sshll.u32 s5, $0xB;
	v1 =	vld [tilespmem:s6+$0x5300]  }
0x2e4: {  	s5 =	sand.u32 $0x3FFFF800, s5  }
0x2e5: {  	v8 =	vld [tilespmem:s5+$0x8D40]  }
0x2e6: {  	v9 =	vld [tilespmem:s5+$0x8D50]  }
0x2e7: {  	v10 =	vld [tilespmem:s5+$0x8D30]  }
0x2e8: {  	v2 =	vbroadcast v1, $0x0;
	v3 =	vld [tilespmem:s5+$0x8CA0];
	v7 =	vbroadcast v1, $0x4  }
0x2e9: {  	v5 =	vld [tilespmem:s5+$0x8CB0]  }
0x2ea: {  	v6 =	vld [tilespmem:s5+$0x91F0]  }
0x2eb: {  	v11 =	vld [tilespmem:s5+$0x8CE0]  }
0x2ec: {  	v12 =	vld [tilespmem:s5+$0x8CF0]  }
0x2ed: {  	v4 =	vbroadcast v1, $0xA;
	v3 =	vmul.f32 v3, v2;
	v13 =	vld [tilespmem:s5+$0x8D00]  }
0x2ee: {  	v5 =	vmul.f32 v5, v2;
	v14 =	vld [tilespmem:s5+$0x8D10]  }
0x2ef: {  	[tilespmem:s5+$0x8CA0] =	vst v3;
	v15 =	vld [tilespmem:s5+$0x8D20];
	v3 =	vmul.f32 v6, v4  }
0x2f0: {  	[tilespmem:s5+$0x8CB0] =	vst v5;
	v6 =	vmul.f32 v11, v2;
	v11 =	vbroadcast v1, $0x1;
	v5 =	vld [tilespmem:s5+$0x9200]  }
0x2f1: {  	v12 =	vmul.f32 v12, v2;
	[tilespmem:s5+$0x91F0] =	vst v3;
	v3 =	vld [tilespmem:s5+$0x9450]  }
0x2f2: {  	[tilespmem:s5+$0x8CE0] =	vst v6;
	v13 =	vmul.f32 v13, v11;
	v6 =	vld [tilespmem:s5+$0x9210]  }
0x2f3: {  	[tilespmem:s5+$0x8CF0] =	vst v12;
	v12 =	vmul.f32 v14, v11;
	v14 =	vld [tilespmem:s5+$0x8D60]  }
0x2f4: {  	[tilespmem:s5+$0x8D00] =	vst v13;
	v13 =	vmul.f32 v15, v11;
	v15 =	vld [tilespmem:s5+$0x8D70]  }
0x2f5: {  	v10 =	vmul.f32 v10, v11;
	[tilespmem:s5+$0x8D10] =	vst v12;
	v12 =	vld [tilespmem:s5+$0x8D80]  }
0x2f6: {  	v8 =	vmul.f32 v8, v11;
	[tilespmem:s5+$0x8D20] =	vst v13;
	v13 =	vld [tilespmem:s5+$0x8D90]  }
0x2f7: {  	v9 =	vmul.f32 v9, v11;
	[tilespmem:s5+$0x8D30] =	vst v10;
	v10 =	vld [tilespmem:s5+$0x8DA0]  }
0x2f8: {  	[tilespmem:s5+$0x8D40] =	vst v8;
	v8 =	vmul.f32 v14, v11;
	v14 =	vbroadcast v1, $0x2;
	v16 =	vld [tilespmem:s5+$0x8DB0]  }
0x2f9: {  	[tilespmem:s5+$0x8D50] =	vst v9;
	v9 =	vmul.f32 v15, v11;
	v11 =	vld [tilespmem:s5+$0x8DC0]  }
0x2fa: {  	[tilespmem:s5+$0x8D60] =	vst v8;
	v8 =	vmul.f32 v12, v14;
	v12 =	vld [tilespmem:s5+$0x8DD0]  }
0x2fb: {  	[tilespmem:s5+$0x8D70] =	vst v9;
	v9 =	vmul.f32 v13, v14;
	v13 =	vld [tilespmem:s5+$0x8DE0]  }
0x2fc: {  	[tilespmem:s5+$0x8D80] =	vst v8;
	v8 =	vmul.f32 v10, v14;
	v10 =	vld [tilespmem:s5+$0x8DF0]  }
0x2fd: {  	[tilespmem:s5+$0x8D90] =	vst v9;
	v9 =	vmul.f32 v16, v14;
	v15 =	vld [tilespmem:s5+$0x8E00]  }
0x2fe: {  	[tilespmem:s5+$0x8DA0] =	vst v8;
	v8 =	vmul.f32 v11, v14;
	v11 =	vld [tilespmem:s5+$0x8E10]  }
0x2ff: {  	[tilespmem:s5+$0x8DB0] =	vst v9;
	v9 =	vmul.f32 v12, v14;
	v12 =	vld [tilespmem:s5+$0x8E20]  }
0x300: {  	[tilespmem:s5+$0x8DC0] =	vst v8;
	v8 =	vmul.f32 v13, v14;
	v13 =	vbroadcast v1, $0x3;
	v16 =	vld [tilespmem:s5+$0x8E30]  }
0x301: {  	[tilespmem:s5+$0x8DD0] =	vst v9;
	v9 =	vmul.f32 v10, v14;
	v10 =	vld [tilespmem:s5+$0x8E40]  }
0x302: {  	[tilespmem:s5+$0x8DE0] =	vst v8;
	v8 =	vmul.f32 v15, v13;
	v14 =	vld [tilespmem:s5+$0x8E50]  }
0x303: {  	[tilespmem:s5+$0x8DF0] =	vst v9;
	v9 =	vmul.f32 v11, v13;
	v11 =	vld [tilespmem:s5+$0x8E60]  }
0x304: {  	[tilespmem:s5+$0x8E00] =	vst v8;
	v8 =	vmul.f32 v12, v13;
	v12 =	vld [tilespmem:s5+$0x8E70]  }
0x305: {  	[tilespmem:s5+$0x8E10] =	vst v9;
	v9 =	vmul.f32 v16, v13;
	v15 =	vld [tilespmem:s5+$0x8E80]  }
0x306: {  	[tilespmem:s5+$0x8E20] =	vst v8;
	v8 =	vmul.f32 v10, v13;
	v10 =	vld [tilespmem:s5+$0x8E90]  }
0x307: {  	[tilespmem:s5+$0x8E30] =	vst v9;
	v9 =	vmul.f32 v14, v13;
	v14 =	vld [tilespmem:s5+$0x8EA0]  }
0x308: {  	[tilespmem:s5+$0x8E40] =	vst v8;
	v8 =	vmul.f32 v11, v13;
	v11 =	vld [tilespmem:s5+$0x8EB0]  }
0x309: {  	[tilespmem:s5+$0x8E50] =	vst v9;
	v9 =	vmul.f32 v12, v13;
	v12 =	vld [tilespmem:s5+$0x8EC0]  }
0x30a: {  	[tilespmem:s5+$0x8E60] =	vst v8;
	v8 =	vmul.f32 v15, v7;
	v13 =	vld [tilespmem:s5+$0x8ED0]  }
0x30b: {  	[tilespmem:s5+$0x8E70] =	vst v9;
	v9 =	vmul.f32 v10, v7;
	v10 =	vld [tilespmem:s5+$0x8EE0]  }
0x30c: {  	[tilespmem:s5+$0x8E80] =	vst v8;
	v8 =	vmul.f32 v14, v7;
	v14 =	vld [tilespmem:s5+$0x8EF0]  }
0x30d: {  	[tilespmem:s5+$0x8E90] =	vst v9;
	v9 =	vmul.f32 v11, v7;
	v11 =	vld [tilespmem:s5+$0x8F00]  }
0x30e: {  	[tilespmem:s5+$0x8EA0] =	vst v8;
	v8 =	vmul.f32 v12, v7;
	v12 =	vld [tilespmem:s5+$0x8F10]  }
0x30f: {  	[tilespmem:s5+$0x8EB0] =	vst v9;
	v9 =	vmul.f32 v13, v7;
	v13 =	vld [tilespmem:s5+$0x8F20]  }
0x310: {  	[tilespmem:s5+$0x8EC0] =	vst v8;
	v8 =	vmul.f32 v10, v7;
	v10 =	vbroadcast v1, $0x5;
	v15 =	vld [tilespmem:s5+$0x8F30]  }
0x311: {  	[tilespmem:s5+$0x8ED0] =	vst v9;
	v7 =	vmul.f32 v14, v7;
	v9 =	vld [tilespmem:s5+$0x8F40]  }
0x312: {  	[tilespmem:s5+$0x8EE0] =	vst v8;
	v8 =	vmul.f32 v11, v10;
	v11 =	vld [tilespmem:s5+$0x8F50]  }
0x313: {  	[tilespmem:s5+$0x8EF0] =	vst v7;
	v7 =	vmul.f32 v12, v10;
	v12 =	vld [tilespmem:s5+$0x8F60]  }
0x314: {  	[tilespmem:s5+$0x8F00] =	vst v8;
	v8 =	vmul.f32 v13, v10;
	v13 =	vld [tilespmem:s5+$0x8F70]  }
0x315: {  	[tilespmem:s5+$0x8F10] =	vst v7;
	v7 =	vmul.f32 v15, v10;
	v14 =	vld [tilespmem:s5+$0x8F80]  }
0x316: {  	[tilespmem:s5+$0x8F20] =	vst v8;
	v8 =	vmul.f32 v9, v10;
	v9 =	vld [tilespmem:s5+$0x8F90]  }
0x317: {  	[tilespmem:s5+$0x8F30] =	vst v7;
	v7 =	vmul.f32 v11, v10;
	v11 =	vld [tilespmem:s5+$0x8FA0]  }
0x318: {  	[tilespmem:s5+$0x8F40] =	vst v8;
	v8 =	vmul.f32 v12, v10;
	v12 =	vbroadcast v1, $0x6;
	v15 =	vld [tilespmem:s5+$0x8FB0]  }
0x319: {  	[tilespmem:s5+$0x8F50] =	vst v7;
	v7 =	vmul.f32 v13, v10;
	v10 =	vld [tilespmem:s5+$0x8FC0]  }
0x31a: {  	[tilespmem:s5+$0x8F60] =	vst v8;
	v8 =	vmul.f32 v14, v12;
	v13 =	vld [tilespmem:s5+$0x8FD0]  }
0x31b: {  	[tilespmem:s5+$0x8F70] =	vst v7;
	v7 =	vmul.f32 v9, v12;
	v9 =	vld [tilespmem:s5+$0x8FE0]  }
0x31c: {  	[tilespmem:s5+$0x8F80] =	vst v8;
	v8 =	vmul.f32 v11, v12;
	v11 =	vld [tilespmem:s5+$0x8FF0]  }
0x31d: {  	[tilespmem:s5+$0x8F90] =	vst v7;
	v7 =	vmul.f32 v15, v12;
	v14 =	vld [tilespmem:s5+$0x9000]  }
0x31e: {  	[tilespmem:s5+$0x8FA0] =	vst v8;
	v8 =	vmul.f32 v10, v12;
	v10 =	vld [tilespmem:s5+$0x9010]  }
0x31f: {  	[tilespmem:s5+$0x8FB0] =	vst v7;
	v7 =	vmul.f32 v13, v12;
	v13 =	vld [tilespmem:s5+$0x9020]  }
0x320: {  	[tilespmem:s5+$0x8FC0] =	vst v8;
	v8 =	vmul.f32 v9, v12;
	v9 =	vbroadcast v1, $0x7;
	v15 =	vld [tilespmem:s5+$0x9030]  }
0x321: {  	[tilespmem:s5+$0x8FD0] =	vst v7;
	v7 =	vmul.f32 v11, v12;
	v11 =	vld [tilespmem:s5+$0x9040]  }
0x322: {  	[tilespmem:s5+$0x8FE0] =	vst v8;
	v8 =	vmul.f32 v14, v9;
	v12 =	vld [tilespmem:s5+$0x9050]  }
0x323: {  	[tilespmem:s5+$0x8FF0] =	vst v7;
	v7 =	vmul.f32 v10, v9;
	v10 =	vld [tilespmem:s5+$0x9060]  }
0x324: {  	[tilespmem:s5+$0x9000] =	vst v8;
	v8 =	vmul.f32 v13, v9;
	v13 =	vld [tilespmem:s5+$0x9070]  }
0x325: {  	[tilespmem:s5+$0x9010] =	vst v7;
	v7 =	vmul.f32 v15, v9;
	v14 =	vld [tilespmem:s5+$0x9080]  }
0x326: {  	[tilespmem:s5+$0x9020] =	vst v8;
	v8 =	vmul.f32 v11, v9;
	v11 =	vld [tilespmem:s5+$0x9090]  }
0x327: {  	[tilespmem:s5+$0x9030] =	vst v7;
	v7 =	vmul.f32 v12, v9;
	v12 =	vld [tilespmem:s5+$0x90A0]  }
0x328: {  	[tilespmem:s5+$0x9040] =	vst v8;
	v8 =	vmul.f32 v10, v9;
	v10 =	vbroadcast v1, $0x8;
	v15 =	vld [tilespmem:s5+$0x90B0]  }
0x329: {  	[tilespmem:s5+$0x9050] =	vst v7;
	v7 =	vmul.f32 v13, v9;
	v9 =	vld [tilespmem:s5+$0x90C0]  }
0x32a: {  	[tilespmem:s5+$0x9060] =	vst v8;
	v8 =	vmul.f32 v14, v10;
	v13 =	vld [tilespmem:s5+$0x90D0]  }
0x32b: {  	[tilespmem:s5+$0x9070] =	vst v7;
	v7 =	vmul.f32 v11, v10;
	v11 =	vld [tilespmem:s5+$0x90E0]  }
0x32c: {  	[tilespmem:s5+$0x9080] =	vst v8;
	v8 =	vmul.f32 v12, v10;
	v12 =	vld [tilespmem:s5+$0x90F0]  }
0x32d: {  	[tilespmem:s5+$0x9090] =	vst v7;
	v7 =	vmul.f32 v15, v10;
	v14 =	vld [tilespmem:s5+$0x9100]  }
0x32e: {  	[tilespmem:s5+$0x90A0] =	vst v8;
	v8 =	vmul.f32 v9, v10;
	v9 =	vld [tilespmem:s5+$0x9110]  }
0x32f: {  	[tilespmem:s5+$0x90B0] =	vst v7;
	v7 =	vmul.f32 v13, v10;
	v13 =	vld [tilespmem:s5+$0x9120]  }
0x330: {  	[tilespmem:s5+$0x90C0] =	vst v8;
	v8 =	vmul.f32 v11, v10;
	v11 =	vbroadcast v1, $0x9;
	v15 =	vld [tilespmem:s5+$0x9130]  }
0x331: {  	[tilespmem:s5+$0x90D0] =	vst v7;
	v7 =	vmul.f32 v12, v10;
	v10 =	vld [tilespmem:s5+$0x9140]  }
0x332: {  	[tilespmem:s5+$0x90E0] =	vst v8;
	v8 =	vmul.f32 v14, v11;
	v12 =	vld [tilespmem:s5+$0x9150]  }
0x333: {  	[tilespmem:s5+$0x90F0] =	vst v7;
	v7 =	vmul.f32 v9, v11;
	v9 =	vld [tilespmem:s5+$0x9160]  }
0x334: {  	[tilespmem:s5+$0x9100] =	vst v8;
	v8 =	vmul.f32 v13, v11;
	v13 =	vld [tilespmem:s5+$0x9170]  }
0x335: {  	[tilespmem:s5+$0x9110] =	vst v7;
	v7 =	vmul.f32 v15, v11;
	v14 =	vld [tilespmem:s5+$0x9180]  }
0x336: {  	[tilespmem:s5+$0x9120] =	vst v8;
	v8 =	vmul.f32 v10, v11;
	v10 =	vld [tilespmem:s5+$0x9190]  }
0x337: {  	[tilespmem:s5+$0x9130] =	vst v7;
	v7 =	vmul.f32 v12, v11;
	v12 =	vld [tilespmem:s5+$0x91A0]  }
0x338: {  	[tilespmem:s5+$0x9140] =	vst v8;
	v8 =	vmul.f32 v9, v11;
	v9 =	vld [tilespmem:s5+$0x91B0]  }
0x339: {  	[tilespmem:s5+$0x9150] =	vst v7;
	v7 =	vmul.f32 v13, v11;
	v11 =	vld [tilespmem:s5+$0x91C0]  }
0x33a: {  	[tilespmem:s5+$0x9160] =	vst v8;
	v8 =	vmul.f32 v14, v4;
	v13 =	vld [tilespmem:s5+$0x91D0]  }
0x33b: {  	[tilespmem:s5+$0x9170] =	vst v7;
	v7 =	vmul.f32 v10, v4;
	v10 =	vld [tilespmem:s5+$0x91E0]  }
0x33c: {  	v14 =	vld [tilespmem:s5+$0x8C80];
	[tilespmem:s5+$0x9180] =	vst v8;
	v8 =	vmul.f32 v12, v4  }
0x33d: {  	v12 =	vld [tilespmem:s5+$0x8C90];
	[tilespmem:s5+$0x9190] =	vst v7;
	v7 =	vmul.f32 v9, v4  }
0x33e: {  	v9 =	vld [tilespmem:s5+$0x8CC0];
	[tilespmem:s5+$0x91A0] =	vst v8;
	v8 =	vmul.f32 v11, v4  }
0x33f: {  	v11 =	vld [tilespmem:s5+$0x8CD0];
	[tilespmem:s5+$0x91B0] =	vst v7;
	v7 =	vmul.f32 v13, v4  }
0x340: {  	[tilespmem:s5+$0x91C0] =	vst v8;
	v8 =	vmul.f32 v10, v4;
	v10 =	vbroadcast v1, $0xB;
	v13 =	vld [tilespmem:s5+$0x9220]  }
0x341: {  	v4 =	vbroadcast v1, $0xF;
	v14 =	vmul.f32 v2, v14;
	[tilespmem:s5+$0x91D0] =	vst v7;
	v7 =	vld [tilespmem:s5+$0x9230]  }
0x342: {  	v12 =	vmul.f32 v12, v2;
	[tilespmem:s5+$0x91E0] =	vst v8;
	v5 =	vmul.f32 v5, v10;
	v8 =	vld [tilespmem:s5+$0x9240]  }
0x343: {  	v6 =	vmul.f32 v6, v10;
	[tilespmem:s5+$0x8C80] =	vst v14;
	v9 =	vmul.f32 v9, v2;
	v14 =	vld [tilespmem:s5+$0x9250]  }
0x344: {  	v3 =	vmul.f32 v3, v4;
	v11 =	vmul.f32 v11, v2;
	[tilespmem:s5+$0x9200] =	vst v5;
	v2 =	vld [tilespmem:s5+$0x9260]  }
0x345: {  	[tilespmem:s5+$0x9210] =	vst v6;
	v5 =	vmul.f32 v13, v10;
	v6 =	vld [tilespmem:s5+$0x9270]  }
0x346: {  	v7 =	vmul.f32 v7, v10;
	v13 =	vld [tilespmem:s5+$0x9280];
	[tilespmem:s5+$0x9450] =	vst v3  }
0x347: {  	[tilespmem:s5+$0x8C90] =	vst v12;
	v3 =	vmul.f32 v8, v10;
	v8 =	vld [tilespmem:s5+$0x9290]  }
0x348: {  	[tilespmem:s5+$0x8CC0] =	vst v9;
	v9 =	vmul.f32 v14, v10;
	v12 =	vld [tilespmem:s5+$0x92A0]  }
0x349: {  	v14 =	vbroadcast v1, $0xC;
	[tilespmem:s5+$0x9220] =	vst v5;
	v5 =	vmul.f32 v2, v10;
	v15 =	vld [tilespmem:s5+$0x92B0]  }
0x34a: {  	[tilespmem:s5+$0x9250] =	vst v9;
	v6 =	vmul.f32 v6, v10;
	v9 =	vld [tilespmem:s5+$0x92C0]  }
0x34b: {  	[tilespmem:s5+$0x9230] =	vst v7;
	v2 =	vmul.f32 v13, v14;
	v7 =	vld [tilespmem:s5+$0x92D0]  }
0x34c: {  	[tilespmem:s5+$0x9240] =	vst v3;
	v3 =	vmul.f32 v8, v14;
	v8 =	vld [tilespmem:s5+$0x92E0]  }
0x34d: {  	[tilespmem:s5+$0x9280] =	vst v2;
	v2 =	vmul.f32 v12, v14;
	v10 =	vld [tilespmem:s5+$0x92F0]  }
0x34e: {  	[tilespmem:s5+$0x9290] =	vst v3;
	v3 =	vld [tilespmem:s5+$0x9300]  }
0x34f: {  	[tilespmem:s5+$0x8CD0] =	vst v11;
	v9 =	vmul.f32 v9, v14;
	v11 =	vld [tilespmem:s5+$0x9310]  }
0x350: {  	[tilespmem:s5+$0x9260] =	vst v5;
	v5 =	vmul.f32 v7, v14;
	v7 =	vld [tilespmem:s5+$0x9320]  }
0x351: {  	[tilespmem:s5+$0x92C0] =	vst v9;
	v8 =	vmul.f32 v8, v14;
	v9 =	vbroadcast v1, $0xD;
	v12 =	vld [tilespmem:s5+$0x9330]  }
0x352: {  	[tilespmem:s5+$0x92D0] =	vst v5;
	v5 =	vmul.f32 v10, v14;
	v10 =	vld [tilespmem:s5+$0x9340]  }
0x353: {  	[tilespmem:s5+$0x92E0] =	vst v8;
	v3 =	vmul.f32 v3, v9;
	v8 =	vld [tilespmem:s5+$0x9350]  }
0x354: {  	[tilespmem:s5+$0x92F0] =	vst v5;
	v5 =	vmul.f32 v11, v9;
	v11 =	vld [tilespmem:s5+$0x9360]  }
0x355: {  	[tilespmem:s5+$0x9300] =	vst v3;
	v3 =	vmul.f32 v7, v9;
	v7 =	vld [tilespmem:s5+$0x9370]  }
0x356: {  	[tilespmem:s5+$0x9310] =	vst v5;
	v5 =	vmul.f32 v12, v9;
	v12 =	vld [tilespmem:s5+$0x9380]  }
0x357: {  	[tilespmem:s5+$0x9320] =	vst v3;
	v3 =	vmul.f32 v10, v9;
	v10 =	vld [tilespmem:s5+$0x9390]  }
0x358: {  	[tilespmem:s5+$0x9330] =	vst v5;
	v5 =	vmul.f32 v8, v9;
	v8 =	vld [tilespmem:s5+$0x93A0]  }
0x359: {  	v1 =	vbroadcast v1, $0xE;
	[tilespmem:s5+$0x9270] =	vst v6;
	v6 =	vmul.f32 v11, v9;
	v11 =	vld [tilespmem:s5+$0x93B0]  }
0x35a: {  	[tilespmem:s5+$0x9350] =	vst v5;
	v5 =	vmul.f32 v7, v9;
	v7 =	vld [tilespmem:s5+$0x93C0]  }
0x35b: {  	[tilespmem:s5+$0x9360] =	vst v6;
	v6 =	vmul.f32 v12, v1;
	v9 =	vld [tilespmem:s5+$0x93D0]  }
0x35c: {  	[tilespmem:s5+$0x9370] =	vst v5;
	v5 =	vmul.f32 v10, v1;
	v10 =	vld [tilespmem:s5+$0x93E0]  }
0x35d: {  	[tilespmem:s5+$0x9380] =	vst v6;
	v6 =	vmul.f32 v8, v1;
	v8 =	vld [tilespmem:s5+$0x93F0]  }
0x35e: {  	[tilespmem:s5+$0x9390] =	vst v5;
	v5 =	vmul.f32 v11, v1;
	v11 =	vld [tilespmem:s5+$0x9400]  }
0x35f: {  	[tilespmem:s5+$0x93A0] =	vst v6;
	v6 =	vmul.f32 v7, v1;
	v7 =	vld [tilespmem:s5+$0x9410]  }
0x360: {  	[tilespmem:s5+$0x93B0] =	vst v5;
	v5 =	vmul.f32 v9, v1;
	v9 =	vld [tilespmem:s5+$0x9420]  }
0x361: {  	[tilespmem:s5+$0x93C0] =	vst v6;
	v6 =	vmul.f32 v10, v1;
	v10 =	vld [tilespmem:s5+$0x9430]  }
0x362: {  	[tilespmem:s5+$0x9340] =	vst v3;
	v1 =	vmul.f32 v8, v1;
	v3 =	vld [tilespmem:s5+$0x9440]  }
0x363: {  	[tilespmem:s5+$0x93E0] =	vst v6;
	v6 =	vmul.f32 v11, v4;
	v8 =	vld [tilespmem:s5+$0x9460]  }
0x364: {  	[tilespmem:s5+$0x93F0] =	vst v1;
	v1 =	vmul.f32 v7, v4;
	v7 =	vld [tilespmem:s5+$0x9470]  }
0x365: {  	[tilespmem:s5+$0x9400] =	vst v6;
	v6 =	vmul.f32 v9, v4  }
0x366: {  	[tilespmem:s5+$0x9410] =	vst v1;
	v1 =	vmul.f32 v10, v4  }
0x367: {  	v9 =	vmul.f32 v15, v14;
	[tilespmem:s5+$0x9420] =	vst v6  }
0x368: {  	[tilespmem:s5+$0x9430] =	vst v1;
	v1 =	vmul.f32 v3, v4  }
.Ltmp4:
0x369: {  	[tilespmem:s5+$0x92B0] =	vst v9;
	v3 =	vmul.f32 v7, v4;
	(pc) =	sbr.rel @p1 .LBB2_9-.Ltmp4, $4  }
0x36a: {  	[tilespmem:s5+$0x9440] =	vst v1  }
0x36b: {  	v1 =	vmul.f32 v8, v4;
	[tilespmem:s5+$0x9470] =	vst v3  }
0x36c: {  	[tilespmem:s5+$0x93D0] =	vst v5  }
0x36d: {  	[tilespmem:s5+$0x9460] =	vst v1  }
0x36e: {  	s22 =	sadd.s32 $0x1, s22  }
0x36f: {  	p1 =	sne.s32 s22, $0x2D  }
.Ltmp5:
0x370: {  	_ = 	snop;
	(pc) =	sbr.rel @p1 .LBB2_6-.Ltmp5, $3  }
0x371: {  	_ =	sdelay $0x1  }
0x372: {  	[tilespmem:s5+$0x92A0] =	vst v2  }
0x373: {  	[spmem:s3] =	stream.indirect.scatter.add.f32 [tilespmem:s26], [sflag:$0x4], $0x80, s30, s21, $0xb8;
	[tilespmem:$0x1FD00] =	vst v63  }
0x374: {  	_ =	swait.ge [sflag:s31], $0x3800  }
0x375: {  	[sflag:s31] =	ssyncset.done $0x0  }
0x376: {  	[sflag:s31] =	ssyncadd.s32 $0xFFFFC800  }
0x377: {  	s4 =	stileid.u32;
	_ =	swait.ge [sflag:s0], $0x3800  }
.Ltmp6:
0x378: {  	s5 =	sshrl.u32 s16, $0x3;
	[sflag:s0] =	ssyncset.done $0x0;
	(pc) =	sbr.rel @!p0 .LBB2_13-.Ltmp6, $4  }
0x379: {  	s6 =	sshrl.u32 s15, $0x3;
	s4 =	sshll.u32 s4, $0x6;
	[sflag:s0] =	ssyncadd.s32 $0xFFFFC800  }
0x37a: {  	s5 =	sadd.s32 s8, s5;
	s4 =	sor.u32 $0x1C07, s4;
	[bflag:$0x0] =	sbarrier.arrive $0xFFFF  }
0x37b: {  	[hbm:s5], [sflag:s4] =	dma.local [spmem:s6], $0x500  }
0x37c: {  	s22 =	sadd.s32 $0x2800, s16;
	s23 =	smov.u32 s15;
	s5 =	sadd.s32 $0xFFFFFFFF, s9  }
.LBB2_12:
0x37d: {  	_ =	swait.ge [sflag:s18], $0x500  }
0x37e: {  	s23 =	sadd.s32 $0x2800, s23;
	s6 =	sshrl.u32 s22, $0x3;
	p0 =	sne.s32 s5, $0x1  }
.Ltmp7:
0x37f: {  	s11 =	sshrl.u32 s23, $0x3;
	[sflag:s18] =	ssyncset.done $0x0;
	(pc) =	sbr.rel @p0 .LBB2_12-.Ltmp7, $4  }
0x380: {  	s6 =	sadd.s32 s8, s6;
	[sflag:s18] =	ssyncadd.s32 $0xFFFFFB00  }
0x381: {  	[hbm:s6], [sflag:s4] =	dma.local [spmem:s11], $0x500  }
0x382: {  	s5 =	sadd.s32 $0xFFFFFFFF, s5  }
0x383: {  	s22 =	sadd.s32 $0x2800, s22  }
.LBB2_13:
0x384: {  	s2 =	sadd.s32 $0x1, s2  }
0x385: {  	p0 =	sne.s32 s2, s14  }
.Ltmp8:
0x386: {  	_ = 	snop;
	(pc) =	sbr.rel @p0 .LBB2_1-.Ltmp8, $4  }
0x387: {  	_ = 	snop  }
0x388: {  	_ =	swait.ge [sflag:s18], $0x500  }
0x389: {  	[sflag:s18] =	ssyncset.done $0x0  }
0x38a: {  	[sflag:s18] =	ssyncadd.s32 $0xFFFFFB00  }
0x38b: {  	_ =	sfence.sel $0x180000  }
0x38c: {  	[bflag:$0x0] =	sbarrier.arrive $0xFFFF  }
0x38d: {  	_ =	strace $0x90000047  }
0x38e: {  	s0 =	stileid.u32;
	[bflag:$0x2] =	sbarrier.arrive $0xFFFF  }
0x38f: {  	p0 =	sne.s32 s0, $0x0;
	s0 =	rddreg [dreg:$0x4]  }
0x390: {  	s0 =	sadd.s32 @!p0 $0x100000, s0  }
0x391: {  	[sflag:s0] =	ssyncadd.tile.s32 @!p0 $0x1;
	_ =	shalt  }
.Lfunc_end2:
_tile_overlayer_lowered:
.L_overlay_start_2:
0x392: {  	(tag) =	ssettag $0x2  }
0x393: {  	s0 =	rddreg [dreg:$0x0];
	s2 =	stileid.u32  }
0x394: {  	s1 =	rddreg [dreg:$0x1];
	p0 =	sne.s32 s2, $0x0  }
0x395: {  	s3 =	rddreg [dreg:$0x2];
	[bflag:$0x3] =	sbarrier.arrive $0xFFFF;
	s2 =	simm.s32 @!p0 $0x1C07  }
0x396: {  	[timem:s3], [sflag:s2] =	dma.local @!p0 [hbm:s0], s1  }
0x397: {  	s0 =	simm.s32 @!p0 $0x7  }
0x398: {  	_ =	swait.ge @!p0 [sflag:s0], s1  }
0x399: {  	s1 =	ssub.s32 @!p0 $0x0, s1;
	[sflag:s0] =	ssyncset.done @!p0 $0x0  }
0x39a: {  	[sflag:s0] =	ssyncadd.s32 @!p0 s1  }
0x39b: {  	[bflag:$0x3] =	sbarrier.arrive $0xFFFF  }
0x39c: {  	_ =	shalt  }

</sc_bundles>
